<compile_context>
chip_gen: v7x
topology: tpu7x:2x2x1
jax: 0.10.2.dev20260603
libtpu: 0.0.44.dev20260713+nightly
codegen_flags: <defaults>
</compile_context>

<pallas_src>
import functools

import jax
import jax.numpy as jnp
from jax import lax
from jax.experimental import pallas as pl
from jax.experimental.pallas import tpu as pltpu
from jax.experimental.pallas import tpu_sc as plsc

N_BATCH = 16384
N_COLS = 200
LANES = 128
KB = N_BATCH // LANES
N_OUT = N_BATCH * N_COLS
N_IN = 2 * N_OUT
N_BLOCKS = N_COLS * KB

NC = 2
NS = 16
NW = NC * NS
PER_W_BLOCKS = N_BLOCKS // NW

C_BLOCKS = 160
C_IN = C_BLOCKS * 2 * LANES
C_OUT = C_BLOCKS * LANES
CHUNKS = (80, 160, 160, 160, 160, 80)
assert sum(CHUNKS) == PER_W_BLOCKS

LN2 = 0.6931471805599453


def _log16(p):
    xi = plsc.bitcast(p, jnp.int32)
    e = ((xi >> 23) & 0xFF) - 127
    mi = (xi & 0x007FFFFF) | 0x3F800000
    m = plsc.bitcast(mi, jnp.float32)
    big = m > 1.4142135623730951
    m = jnp.where(big, m * 0.5, m)
    e = e + jnp.where(big, 1, 0)
    t = m - 1.0
    s = t / (2.0 + t)
    u = s * s
    log1p = 2.0 * s * (1.0 + u * (1.0 / 3.0 + u * (0.2 + u * (1.0 / 7.0
                                                              + u / 9.0))))
    return e.astype(jnp.float32) * LN2 + log1p


def _sc_body(z_hbm, prob_hbm, out_hbm,
             zc0, zc1, oc0, oc1, lpv,
             isem0, isem1, osem0, osem1):
    zc = [zc0, zc1]
    oc = [oc0, oc1]
    isem = [isem0, isem1]
    osem = [osem0, osem1]

    wid = lax.axis_index("s") * NC + lax.axis_index("c")
    in_base = wid * (PER_W_BLOCKS * 2 * LANES)
    out_base = wid * (PER_W_BLOCKS * LANES)

    starts = [sum(CHUNKS[:g]) for g in range(len(CHUNKS))]
    cp_in = [None, None]
    cp_out = [None, None]
    cp_in[0] = pltpu.async_copy(
        z_hbm.at[pl.ds(in_base, CHUNKS[0] * 2 * LANES)],
        zc[0].at[pl.ds(0, CHUNKS[0] * 2 * LANES)], isem[0])

    pltpu.sync_copy(prob_hbm, lpv.at[pl.ds(0, 2)])
    vl = _log16(lpv[...])
    iota16 = lax.iota(jnp.int32, 16)
    l0 = jnp.sum(jnp.where(iota16 == 0, vl, 0.0))
    l1 = jnp.sum(jnp.where(iota16 == 1, vl, 0.0))
    v0 = jnp.zeros((16,), jnp.float32) + l0
    v1 = jnp.zeros((16,), jnp.float32) + l1

    for g, nblk in enumerate(CHUNKS):
        b = g % 2
        if g + 1 < len(CHUNKS):
            nb = (g + 1) % 2
            nnext = CHUNKS[g + 1] * 2 * LANES
            cp_in[nb] = pltpu.async_copy(
                z_hbm.at[pl.ds(in_base + starts[g + 1] * 2 * LANES, nnext)],
                zc[nb].at[pl.ds(0, nnext)], isem[nb])
        cp_in[b].wait()
        if cp_out[b] is not None:
            cp_out[b].wait()

        zcb = zc[b]
        ocb = oc[b]

        @plsc.parallel_loop(0, nblk, unroll=8)
        def block_body(r):
            bi = r * (2 * LANES)
            bo = r * LANES
            for i in range(LANES // 16):
                a = zcb[pl.ds(bi + 16 * i, 16)]
                bv = zcb[pl.ds(bi + LANES + 16 * i, 16)]
                ocb[pl.ds(bo + 16 * i, 16)] = jnp.where(a != bv, v1, v0)

        cp_out[b] = pltpu.async_copy(
            ocb.at[pl.ds(0, nblk * LANES)],
            out_hbm.at[pl.ds(out_base + starts[g] * LANES, nblk * LANES)],
            osem[b])

    cp_out[0].wait()
    cp_out[1].wait()


def _run(z_flat, prob):
    mesh = plsc.VectorSubcoreMesh(core_axis_name="c", subcore_axis_name="s")
    f = functools.partial(
        pl.kernel,
        mesh=mesh,
        out_type=jax.ShapeDtypeStruct((N_OUT,), jnp.float32),
        scratch_types=[
            pltpu.VMEM((C_IN,), jnp.int32),
            pltpu.VMEM((C_IN,), jnp.int32),
            pltpu.VMEM((C_OUT,), jnp.float32),
            pltpu.VMEM((C_OUT,), jnp.float32),
            pltpu.VMEM((16,), jnp.float32),
            pltpu.SemaphoreType.DMA,
            pltpu.SemaphoreType.DMA,
            pltpu.SemaphoreType.DMA,
            pltpu.SemaphoreType.DMA,
        ],
        compiler_params=pltpu.CompilerParams(needs_layout_passes=False),
    )(_sc_body)
    return f(z_flat, prob)


def kernel(z, prob):
    z_flat = (
        z.reshape(KB, LANES, N_COLS, 2)
        .transpose(2, 0, 3, 1)
        .reshape(N_IN)
    )
    out_flat = _run(z_flat, prob)
    out = (
        out_flat.reshape(N_COLS, KB, LANES)
        .transpose(1, 2, 0)
        .reshape(N_BATCH, N_COLS, 1)
    )
    return out

# --- scband reference (transcript-rebuilt; emitter-appended) ---
"""Pipeline reference for scband-grid-posterior-57775900066358 (READ-ONLY COPY).

The authoritative reference and input builder live on the scoring server;
editing this copy changes nothing except your own understanding.
"""

import jax, jax.numpy as jnp
import numpy as np

P = 0.3

def setup_inputs(seed: int = 0) -> dict:
    key = jax.random.key(seed)
    z = jax.random.randint(key, (16384, 200, 2), 0, 2, dtype=jnp.int32)
    prob = jnp.array([0.5 - P, P], dtype=jnp.float32)
    return {"z": z, "prob": prob}

def reference(z, prob):
    # torch.chunk(z, 2, dim=-1) -> a, b each [..., 1]
    a = z[..., 0:1]
    b = z[..., 1:2]
    index = (a + b - 2 * a * b).astype(jnp.int32)  # XOR of binary inputs
    return jnp.log(jnp.take(prob, index, axis=0).reshape(index.shape))

if __name__ == "__main__":
    import jax
    _d = setup_inputs()
    print(jax.jit(kernel)(*tuple(_d.values())))

</pallas_src>

<mosaic_0001>
#map = affine_map<(d0, d1) -> (0)>
module attributes {stable_mosaic.version = 14 : i64} {
  func.func @_sc_body(%arg0: i32, %arg1: i32, %arg2: memref<6553600xi32, #tpu.memory_space<hbm>>, %arg3: memref<2xf32, #tpu.memory_space<hbm>>, %arg4: memref<3276800xf32, #tpu.memory_space<hbm>>, %arg5: memref<40960xi32, #tpu.memory_space<vmem>>, %arg6: memref<40960xi32, #tpu.memory_space<vmem>>, %arg7: memref<20480xf32, #tpu.memory_space<vmem>>, %arg8: memref<20480xf32, #tpu.memory_space<vmem>>, %arg9: memref<16xf32, #tpu.memory_space<vmem>>, %arg10: memref<!tpu.dma_semaphore, #tpu.memory_space<semaphore_mem>>, %arg11: memref<!tpu.dma_semaphore, #tpu.memory_space<semaphore_mem>>, %arg12: memref<!tpu.dma_semaphore, #tpu.memory_space<semaphore_mem>>, %arg13: memref<!tpu.dma_semaphore, #tpu.memory_space<semaphore_mem>>) attributes {dimension_semantics = [#tpu.dimension_semantics<core_parallel>, #tpu.dimension_semantics<subcore_parallel>], iteration_bounds = array<i64: 2, 16>, scalar_prefetch = 0 : i64, scratch_operands = 9 : i64, tpu.core_type = #tpu.core_type<sc_vector_subcore>, window_params = [{transform_indices = #map}, {transform_indices = #map}, {transform_indices = #map}]} {
    %mul3A = arith.constant 2 : i32
    %mul3A_0 = arith.muli %arg1, %mul3A : i32
    %add3A = arith.addi %mul3A_0, %arg0 : i32
    %mul3A_1 = arith.constant 204800 : i32
    %mul3A_2 = arith.muli %add3A, %mul3A_1 : i32
    %mul3A_3 = arith.constant 102400 : i32
    %mul3A_4 = arith.muli %add3A, %mul3A_3 : i32
    %dma_start3A = arith.constant 0 : i32
    %dma_start3A_5 = tpu.memref_slice %arg5[%dma_start3A] : memref<40960xi32, #tpu.memory_space<vmem>> -> memref<20480xi32, #tpu.memory_space<vmem>>
    %dma_start3A_6 = tpu.memref_slice %arg2[%mul3A_2] : memref<6553600xi32, #tpu.memory_space<hbm>> -> memref<20480xi32, #tpu.memory_space<hbm>>
    %dma_start3A_7 = arith.constant 0 : i32
    %dma_start3A_8 = tpu.memref_slice %arg5[%dma_start3A_7] : memref<40960xi32, #tpu.memory_space<vmem>> -> memref<20480xi32, #tpu.memory_space<vmem>>
    %dma_start3A_9 = tpu.memref_slice %arg2[%mul3A_2] : memref<6553600xi32, #tpu.memory_space<hbm>> -> memref<20480xi32, #tpu.memory_space<hbm>>
    tpu.enqueue_dma source(%dma_start3A_9 : memref<20480xi32, #tpu.memory_space<hbm>>) target(%dma_start3A_8 : memref<20480xi32, #tpu.memory_space<vmem>>) target_semaphore(%arg10 : memref<!tpu.dma_semaphore, #tpu.memory_space<semaphore_mem>>)
    "tpu.region"() ({
      %run_scoped3A = tpu.sem_alloc : memref<!tpu.dma_semaphore, #tpu.memory_space<semaphore_mem>>
      %dma_start3A_267 = arith.constant 0 : i32
      %dma_start3A_268 = tpu.memref_slice %arg9[%dma_start3A_267] : memref<16xf32, #tpu.memory_space<vmem>> -> memref<2xf32, #tpu.memory_space<vmem>>
      %dma_start3A_269 = arith.constant 0 : i32
      %dma_start3A_270 = tpu.memref_slice %arg9[%dma_start3A_269] : memref<16xf32, #tpu.memory_space<vmem>> -> memref<2xf32, #tpu.memory_space<vmem>>
      tpu.enqueue_dma source(%arg3 : memref<2xf32, #tpu.memory_space<hbm>>) target(%dma_start3A_270 : memref<2xf32, #tpu.memory_space<vmem>>) target_semaphore(%run_scoped3A : memref<!tpu.dma_semaphore, #tpu.memory_space<semaphore_mem>>)
      %dma_wait3A_271 = arith.constant 0 : i32
      %dma_wait3A_272 = tpu.memref_slice %arg9[%dma_wait3A_271] : memref<16xf32, #tpu.memory_space<vmem>> -> memref<2xf32, #tpu.memory_space<vmem>>
      %dma_wait3A_273 = arith.constant 0 : i32
      %dma_wait3A_274 = tpu.memref_slice %arg9[%dma_wait3A_273] : memref<16xf32, #tpu.memory_space<vmem>> -> memref<2xf32, #tpu.memory_space<vmem>>
      tpu.wait_dma2 semaphore(%run_scoped3A : memref<!tpu.dma_semaphore, #tpu.memory_space<semaphore_mem>>) src(%arg3 : memref<2xf32, #tpu.memory_space<hbm>>) dst(%dma_wait3A_274 : memref<2xf32, #tpu.memory_space<vmem>>)
      tpu.yield
    }) : () -> ()
    %get3A = arith.constant 0 : index
    %get3A_10 = tpu.vector_load %arg9[%get3A] {strides = array<i32>} : memref<16xf32, #tpu.memory_space<vmem>>, vector<16xf32>,
    %bitcast3A = vector.bitcast %get3A_10 : vector<16xf32> to vector<16xi32>
    %shift_right_arithmetic3A = arith.constant 23 : i32
    %shift_right_arithmetic3A_11 = vector.broadcast %shift_right_arithmetic3A : i32 to vector<16xi32>
    %shift_right_arithmetic3A_12 = arith.shrsi %bitcast3A, %shift_right_arithmetic3A_11 : vector<16xi32>
    %and3A = arith.constant 255 : i32
    %and3A_13 = vector.broadcast %and3A : i32 to vector<16xi32>
    %and3A_14 = arith.andi %shift_right_arithmetic3A_12, %and3A_13 : vector<16xi32>
    %sub3A = arith.constant 127 : i32
    %sub3A_15 = vector.broadcast %sub3A : i32 to vector<16xi32>
    %sub3A_16 = arith.subi %and3A_14, %sub3A_15 : vector<16xi32>
    %and3A_17 = arith.constant 8388607 : i32
    %and3A_18 = vector.broadcast %and3A_17 : i32 to vector<16xi32>
    %and3A_19 = arith.andi %bitcast3A, %and3A_18 : vector<16xi32>
    %or3A = arith.constant 1065353216 : i32
    %or3A_20 = vector.broadcast %or3A : i32 to vector<16xi32>
    %or3A_21 = arith.ori %and3A_19, %or3A_20 : vector<16xi32>
    %bitcast3A_22 = vector.bitcast %or3A_21 : vector<16xi32> to vector<16xf32>
    %gt3A = arith.constant 1.41421354 : f32
    %gt3A_23 = vector.broadcast %gt3A : f32 to vector<16xf32>
    %gt3A_24 = arith.cmpf ogt, %bitcast3A_22, %gt3A_23 : vector<16xf32>
    %mul3A_25 = arith.constant 5.000000e-01 : f32
    %mul3A_26 = vector.broadcast %mul3A_25 : f32 to vector<16xf32>
    %mul3A_27 = arith.mulf %bitcast3A_22, %mul3A_26 : vector<16xf32>
    %select_n3A = arith.select %gt3A_24, %mul3A_27, %bitcast3A_22 : vector<16xi1>, vector<16xf32>
    %jit3A = arith.constant 1 : i32
    %jit3A_28 = arith.constant 0 : i32
    %broadcast_in_dim3A = vector.broadcast %jit3A : i32 to vector<16xi32>
    %broadcast_in_dim3A_29 = vector.broadcast %jit3A_28 : i32 to vector<16xi32>
    %select_n3A_30 = arith.select %gt3A_24, %broadcast_in_dim3A, %broadcast_in_dim3A_29 : vector<16xi1>, vector<16xi32>
    %add3A_31 = arith.addi %sub3A_16, %select_n3A_30 : vector<16xi32>
    %sub3A_32 = arith.constant 1.000000e+00 : f32
    %sub3A_33 = vector.broadcast %sub3A_32 : f32 to vector<16xf32>
    %sub3A_34 = arith.subf %select_n3A, %sub3A_33 : vector<16xf32>
    %add3A_35 = arith.constant 2.000000e+00 : f32
    %add3A_36 = vector.broadcast %add3A_35 : f32 to vector<16xf32>
    %add3A_37 = arith.addf %add3A_36, %sub3A_34 : vector<16xf32>
    %div3A = arith.divf %sub3A_34, %add3A_37 : vector<16xf32>
    %mul3A_38 = arith.mulf %div3A, %div3A : vector<16xf32>
    %mul3A_39 = arith.constant 2.000000e+00 : f32
    %mul3A_40 = vector.broadcast %mul3A_39 : f32 to vector<16xf32>
    %mul3A_41 = arith.mulf %mul3A_40, %div3A : vector<16xf32>
    %div3A_42 = arith.constant 9.000000e+00 : f32
    %div3A_43 = vector.broadcast %div3A_42 : f32 to vector<16xf32>
    %div3A_44 = arith.divf %mul3A_38, %div3A_43 : vector<16xf32>
    %add3A_45 = arith.constant 0.142857149 : f32
    %add3A_46 = vector.broadcast %add3A_45 : f32 to vector<16xf32>
    %add3A_47 = arith.addf %add3A_46, %div3A_44 : vector<16xf32>
    %mul3A_48 = arith.mulf %mul3A_38, %add3A_47 : vector<16xf32>
    %add3A_49 = arith.constant 2.000000e-01 : f32
    %add3A_50 = vector.broadcast %add3A_49 : f32 to vector<16xf32>
    %add3A_51 = arith.addf %add3A_50, %mul3A_48 : vector<16xf32>
    %mul3A_52 = arith.mulf %mul3A_38, %add3A_51 : vector<16xf32>
    %add3A_53 = arith.constant 0.333333343 : f32
    %add3A_54 = vector.broadcast %add3A_53 : f32 to vector<16xf32>
    %add3A_55 = arith.addf %add3A_54, %mul3A_52 : vector<16xf32>
    %mul3A_56 = arith.mulf %mul3A_38, %add3A_55 : vector<16xf32>
    %add3A_57 = arith.constant 1.000000e+00 : f32
    %add3A_58 = vector.broadcast %add3A_57 : f32 to vector<16xf32>
    %add3A_59 = arith.addf %add3A_58, %mul3A_56 : vector<16xf32>
    %mul3A_60 = arith.mulf %mul3A_41, %add3A_59 : vector<16xf32>
    %convert_element_type3A = arith.sitofp %add3A_31 : vector<16xi32> to vector<16xf32>
    %mul3A_61 = arith.constant 0.693147182 : f32
    %mul3A_62 = vector.broadcast %mul3A_61 : f32 to vector<16xf32>
    %mul3A_63 = arith.mulf %convert_element_type3A, %mul3A_62 : vector<16xf32>
    %add3A_64 = arith.addf %mul3A_63, %mul3A_60 : vector<16xf32>
    %iota3A = tpu.iota {dimensions = array<i32: 0>} : vector<16xi32>
    %eq3A = arith.constant 0 : i32
    %eq3A_65 = vector.broadcast %eq3A : i32 to vector<16xi32>
    %eq3A_66 = arith.cmpi eq, %iota3A, %eq3A_65 : vector<16xi32>
    %jit3A_67 = arith.constant 0.000000e+00 : f32
    %broadcast_in_dim3A_68 = vector.broadcast %jit3A_67 : f32 to vector<16xf32>
    %select_n3A_69 = arith.select %eq3A_66, %add3A_64, %broadcast_in_dim3A_68 : vector<16xi1>, vector<16xf32>
    %reduce_sum3A = arith.constant true
    %reduce_sum3A_70 = vector.broadcast %reduce_sum3A : i1 to vector<16xi1>
    %reduce_sum3A_71 = tpu.scan <sum>, %select_n3A_69 masked %reduce_sum3A_70 : vector<16xf32>, vector<16xi1> -> vector<16xf32>
    %reduce_sum3A_72 = vector.extract %reduce_sum3A_71[15] : f32 from vector<16xf32>
    %eq3A_73 = arith.constant 1 : i32
    %eq3A_74 = vector.broadcast %eq3A_73 : i32 to vector<16xi32>
    %eq3A_75 = arith.cmpi eq, %iota3A, %eq3A_74 : vector<16xi32>
    %jit3A_76 = arith.constant 0.000000e+00 : f32
    %broadcast_in_dim3A_77 = vector.broadcast %jit3A_76 : f32 to vector<16xf32>
    %select_n3A_78 = arith.select %eq3A_75, %add3A_64, %broadcast_in_dim3A_77 : vector<16xi1>, vector<16xf32>
    %reduce_sum3A_79 = arith.constant true
    %reduce_sum3A_80 = vector.broadcast %reduce_sum3A_79 : i1 to vector<16xi1>
    %reduce_sum3A_81 = tpu.scan <sum>, %select_n3A_78 masked %reduce_sum3A_80 : vector<16xf32>, vector<16xi1> -> vector<16xf32>
    %reduce_sum3A_82 = vector.extract %reduce_sum3A_81[15] : f32 from vector<16xf32>
    %broadcast_in_dim3A_83 = arith.constant 0.000000e+00 : f32
    %broadcast_in_dim3A_84 = vector.broadcast %broadcast_in_dim3A_83 : f32 to vector<16xf32>
    %add3A_85 = vector.broadcast %reduce_sum3A_72 : f32 to vector<16xf32>
    %add3A_86 = arith.addf %broadcast_in_dim3A_84, %add3A_85 : vector<16xf32>
    %broadcast_in_dim3A_87 = arith.constant 0.000000e+00 : f32
    %broadcast_in_dim3A_88 = vector.broadcast %broadcast_in_dim3A_87 : f32 to vector<16xf32>
    %add3A_89 = vector.broadcast %reduce_sum3A_82 : f32 to vector<16xf32>
    %add3A_90 = arith.addf %broadcast_in_dim3A_88, %add3A_89 : vector<16xf32>
    %add3A_91 = arith.constant 20480 : i32
    %add3A_92 = arith.addi %mul3A_2, %add3A_91 : i32
    %dma_start3A_93 = arith.constant 0 : i32
    %dma_start3A_94 = tpu.memref_slice %arg6[%dma_start3A_93] : memref<40960xi32, #tpu.memory_space<vmem>> -> memref<40960xi32, #tpu.memory_space<vmem>>
    %dma_start3A_95 = tpu.memref_slice %arg2[%add3A_92] : memref<6553600xi32, #tpu.memory_space<hbm>> -> memref<40960xi32, #tpu.memory_space<hbm>>
    %dma_start3A_96 = arith.constant 0 : i32
    %dma_start3A_97 = tpu.memref_slice %arg6[%dma_start3A_96] : memref<40960xi32, #tpu.memory_space<vmem>> -> memref<40960xi32, #tpu.memory_space<vmem>>
    %dma_start3A_98 = tpu.memref_slice %arg2[%add3A_92] : memref<6553600xi32, #tpu.memory_space<hbm>> -> memref<40960xi32, #tpu.memory_space<hbm>>
    tpu.enqueue_dma source(%dma_start3A_98 : memref<40960xi32, #tpu.memory_space<hbm>>) target(%dma_start3A_97 : memref<40960xi32, #tpu.memory_space<vmem>>) target_semaphore(%arg11 : memref<!tpu.dma_semaphore, #tpu.memory_space<semaphore_mem>>)
    %dma_wait3A = arith.constant 0 : i32
    %dma_wait3A_99 = tpu.memref_slice %arg5[%dma_wait3A] : memref<40960xi32, #tpu.memory_space<vmem>> -> memref<20480xi32, #tpu.memory_space<vmem>>
    %dma_wait3A_100 = tpu.memref_slice %arg2[%mul3A_2] : memref<6553600xi32, #tpu.memory_space<hbm>> -> memref<20480xi32, #tpu.memory_space<hbm>>
    %dma_wait3A_101 = arith.constant 0 : i32
    %dma_wait3A_102 = tpu.memref_slice %arg5[%dma_wait3A_101] : memref<40960xi32, #tpu.memory_space<vmem>> -> memref<20480xi32, #tpu.memory_space<vmem>>
    %dma_wait3A_103 = tpu.memref_slice %arg2[%mul3A_2] : memref<6553600xi32, #tpu.memory_space<hbm>> -> memref<20480xi32, #tpu.memory_space<hbm>>
    tpu.wait_dma2 semaphore(%arg10 : memref<!tpu.dma_semaphore, #tpu.memory_space<semaphore_mem>>) src(%dma_wait3A_103 : memref<20480xi32, #tpu.memory_space<hbm>>) dst(%dma_wait3A_102 : memref<20480xi32, #tpu.memory_space<vmem>>)
    %parallel_loop3A = arith.constant 0 : i32
    %parallel_loop3A_104 = arith.constant 80 : i32
    %parallel_loop3A_105 = arith.constant 1 : i32
    scf.for %parallel_loop3A_267 = %parallel_loop3A to %parallel_loop3A_104 step %parallel_loop3A_105  : i32 {
      %parallel_loop3A_268 = arith.constant 256 : i32
      %parallel_loop3A_269 = arith.muli %parallel_loop3A_267, %parallel_loop3A_268 : i32
      %parallel_loop3A_270 = arith.constant 128 : i32
      %parallel_loop3A_271 = arith.muli %parallel_loop3A_267, %parallel_loop3A_270 : i32
      %parallel_loop3A_272 = arith.constant 0 : i32
      %parallel_loop3A_273 = arith.addi %parallel_loop3A_269, %parallel_loop3A_272 : i32
      %parallel_loop3A_274 = arith.index_cast %parallel_loop3A_273 : i32 to index
      %parallel_loop3A_275 = tpu.vector_load %arg5[%parallel_loop3A_274] {strides = array<i32>} : memref<40960xi32, #tpu.memory_space<vmem>>, vector<16xi32>,
      %parallel_loop3A_276 = arith.constant 128 : i32
      %parallel_loop3A_277 = arith.addi %parallel_loop3A_269, %parallel_loop3A_276 : i32
      %parallel_loop3A_278 = arith.constant 0 : i32
      %parallel_loop3A_279 = arith.addi %parallel_loop3A_277, %parallel_loop3A_278 : i32
      %parallel_loop3A_280 = arith.index_cast %parallel_loop3A_279 : i32 to index
      %parallel_loop3A_281 = tpu.vector_load %arg5[%parallel_loop3A_280] {strides = array<i32>} : memref<40960xi32, #tpu.memory_space<vmem>>, vector<16xi32>,
      %parallel_loop3A_282 = arith.cmpi ne, %parallel_loop3A_275, %parallel_loop3A_281 : vector<16xi32>
      %parallel_loop3A_283 = arith.select %parallel_loop3A_282, %add3A_90, %add3A_86 : vector<16xi1>, vector<16xf32>
      %parallel_loop3A_284 = arith.constant 0 : i32
      %parallel_loop3A_285 = arith.addi %parallel_loop3A_271, %parallel_loop3A_284 : i32
      %parallel_loop3A_286 = arith.index_cast %parallel_loop3A_285 : i32 to index
      %parallel_loop3A_287 = tpu.vector_load %arg7[%parallel_loop3A_286] {strides = array<i32>} : memref<20480xf32, #tpu.memory_space<vmem>>, vector<16xf32>,
      tpu.vector_store %arg7[%parallel_loop3A_286], %parallel_loop3A_283 {strides = array<i32>} : memref<20480xf32, #tpu.memory_space<vmem>>, vector<16xf32>,
      %parallel_loop3A_288 = arith.constant 16 : i32
      %parallel_loop3A_289 = arith.addi %parallel_loop3A_269, %parallel_loop3A_288 : i32
      %parallel_loop3A_290 = arith.index_cast %parallel_loop3A_289 : i32 to index
      %parallel_loop3A_291 = tpu.vector_load %arg5[%parallel_loop3A_290] {strides = array<i32>} : memref<40960xi32, #tpu.memory_space<vmem>>, vector<16xi32>,
      %parallel_loop3A_292 = arith.constant 128 : i32
      %parallel_loop3A_293 = arith.addi %parallel_loop3A_269, %parallel_loop3A_292 : i32
      %parallel_loop3A_294 = arith.constant 16 : i32
      %parallel_loop3A_295 = arith.addi %parallel_loop3A_293, %parallel_loop3A_294 : i32
      %parallel_loop3A_296 = arith.index_cast %parallel_loop3A_295 : i32 to index
      %parallel_loop3A_297 = tpu.vector_load %arg5[%parallel_loop3A_296] {strides = array<i32>} : memref<40960xi32, #tpu.memory_space<vmem>>, vector<16xi32>,
      %parallel_loop3A_298 = arith.cmpi ne, %parallel_loop3A_291, %parallel_loop3A_297 : vector<16xi32>
      %parallel_loop3A_299 = arith.select %parallel_loop3A_298, %add3A_90, %add3A_86 : vector<16xi1>, vector<16xf32>
      %parallel_loop3A_300 = arith.constant 16 : i32
      %parallel_loop3A_301 = arith.addi %parallel_loop3A_271, %parallel_loop3A_300 : i32
      %parallel_loop3A_302 = arith.index_cast %parallel_loop3A_301 : i32 to index
      %parallel_loop3A_303 = tpu.vector_load %arg7[%parallel_loop3A_302] {strides = array<i32>} : memref<20480xf32, #tpu.memory_space<vmem>>, vector<16xf32>,
      tpu.vector_store %arg7[%parallel_loop3A_302], %parallel_loop3A_299 {strides = array<i32>} : memref<20480xf32, #tpu.memory_space<vmem>>, vector<16xf32>,
      %parallel_loop3A_304 = arith.constant 32 : i32
      %parallel_loop3A_305 = arith.addi %parallel_loop3A_269, %parallel_loop3A_304 : i32
      %parallel_loop3A_306 = arith.index_cast %parallel_loop3A_305 : i32 to index
      %parallel_loop3A_307 = tpu.vector_load %arg5[%parallel_loop3A_306] {strides = array<i32>} : memref<40960xi32, #tpu.memory_space<vmem>>, vector<16xi32>,
      %parallel_loop3A_308 = arith.constant 128 : i32
      %parallel_loop3A_309 = arith.addi %parallel_loop3A_269, %parallel_loop3A_308 : i32
      %parallel_loop3A_310 = arith.constant 32 : i32
      %parallel_loop3A_311 = arith.addi %parallel_loop3A_309, %parallel_loop3A_310 : i32
      %parallel_loop3A_312 = arith.index_cast %parallel_loop3A_311 : i32 to index
      %parallel_loop3A_313 = tpu.vector_load %arg5[%parallel_loop3A_312] {strides = array<i32>} : memref<40960xi32, #tpu.memory_space<vmem>>, vector<16xi32>,
      %parallel_loop3A_314 = arith.cmpi ne, %parallel_loop3A_307, %parallel_loop3A_313 : vector<16xi32>
      %parallel_loop3A_315 = arith.select %parallel_loop3A_314, %add3A_90, %add3A_86 : vector<16xi1>, vector<16xf32>
      %parallel_loop3A_316 = arith.constant 32 : i32
      %parallel_loop3A_317 = arith.addi %parallel_loop3A_271, %parallel_loop3A_316 : i32
      %parallel_loop3A_318 = arith.index_cast %parallel_loop3A_317 : i32 to index
      %parallel_loop3A_319 = tpu.vector_load %arg7[%parallel_loop3A_318] {strides = array<i32>} : memref<20480xf32, #tpu.memory_space<vmem>>, vector<16xf32>,
      tpu.vector_store %arg7[%parallel_loop3A_318], %parallel_loop3A_315 {strides = array<i32>} : memref<20480xf32, #tpu.memory_space<vmem>>, vector<16xf32>,
      %parallel_loop3A_320 = arith.constant 48 : i32
      %parallel_loop3A_321 = arith.addi %parallel_loop3A_269, %parallel_loop3A_320 : i32
      %parallel_loop3A_322 = arith.index_cast %parallel_loop3A_321 : i32 to index
      %parallel_loop3A_323 = tpu.vector_load %arg5[%parallel_loop3A_322] {strides = array<i32>} : memref<40960xi32, #tpu.memory_space<vmem>>, vector<16xi32>,
      %parallel_loop3A_324 = arith.constant 128 : i32
      %parallel_loop3A_325 = arith.addi %parallel_loop3A_269, %parallel_loop3A_324 : i32
      %parallel_loop3A_326 = arith.constant 48 : i32
      %parallel_loop3A_327 = arith.addi %parallel_loop3A_325, %parallel_loop3A_326 : i32
      %parallel_loop3A_328 = arith.index_cast %parallel_loop3A_327 : i32 to index
      %parallel_loop3A_329 = tpu.vector_load %arg5[%parallel_loop3A_328] {strides = array<i32>} : memref<40960xi32, #tpu.memory_space<vmem>>, vector<16xi32>,
      %parallel_loop3A_330 = arith.cmpi ne, %parallel_loop3A_323, %parallel_loop3A_329 : vector<16xi32>
      %parallel_loop3A_331 = arith.select %parallel_loop3A_330, %add3A_90, %add3A_86 : vector<16xi1>, vector<16xf32>
      %parallel_loop3A_332 = arith.constant 48 : i32
      %parallel_loop3A_333 = arith.addi %parallel_loop3A_271, %parallel_loop3A_332 : i32
      %parallel_loop3A_334 = arith.index_cast %parallel_loop3A_333 : i32 to index
      %parallel_loop3A_335 = tpu.vector_load %arg7[%parallel_loop3A_334] {strides = array<i32>} : memref<20480xf32, #tpu.memory_space<vmem>>, vector<16xf32>,
      tpu.vector_store %arg7[%parallel_loop3A_334], %parallel_loop3A_331 {strides = array<i32>} : memref<20480xf32, #tpu.memory_space<vmem>>, vector<16xf32>,
      %parallel_loop3A_336 = arith.constant 64 : i32
      %parallel_loop3A_337 = arith.addi %parallel_loop3A_269, %parallel_loop3A_336 : i32
      %parallel_loop3A_338 = arith.index_cast %parallel_loop3A_337 : i32 to index
      %parallel_loop3A_339 = tpu.vector_load %arg5[%parallel_loop3A_338] {strides = array<i32>} : memref<40960xi32, #tpu.memory_space<vmem>>, vector<16xi32>,
      %parallel_loop3A_340 = arith.constant 128 : i32
      %parallel_loop3A_341 = arith.addi %parallel_loop3A_269, %parallel_loop3A_340 : i32
      %parallel_loop3A_342 = arith.constant 64 : i32
      %parallel_loop3A_343 = arith.addi %parallel_loop3A_341, %parallel_loop3A_342 : i32
      %parallel_loop3A_344 = arith.index_cast %parallel_loop3A_343 : i32 to index
      %parallel_loop3A_345 = tpu.vector_load %arg5[%parallel_loop3A_344] {strides = array<i32>} : memref<40960xi32, #tpu.memory_space<vmem>>, vector<16xi32>,
      %parallel_loop3A_346 = arith.cmpi ne, %parallel_loop3A_339, %parallel_loop3A_345 : vector<16xi32>
      %parallel_loop3A_347 = arith.select %parallel_loop3A_346, %add3A_90, %add3A_86 : vector<16xi1>, vector<16xf32>
      %parallel_loop3A_348 = arith.constant 64 : i32
      %parallel_loop3A_349 = arith.addi %parallel_loop3A_271, %parallel_loop3A_348 : i32
      %parallel_loop3A_350 = arith.index_cast %parallel_loop3A_349 : i32 to index
      %parallel_loop3A_351 = tpu.vector_load %arg7[%parallel_loop3A_350] {strides = array<i32>} : memref<20480xf32, #tpu.memory_space<vmem>>, vector<16xf32>,
      tpu.vector_store %arg7[%parallel_loop3A_350], %parallel_loop3A_347 {strides = array<i32>} : memref<20480xf32, #tpu.memory_space<vmem>>, vector<16xf32>,
      %parallel_loop3A_352 = arith.constant 80 : i32
      %parallel_loop3A_353 = arith.addi %parallel_loop3A_269, %parallel_loop3A_352 : i32
      %parallel_loop3A_354 = arith.index_cast %parallel_loop3A_353 : i32 to index
      %parallel_loop3A_355 = tpu.vector_load %arg5[%parallel_loop3A_354] {strides = array<i32>} : memref<40960xi32, #tpu.memory_space<vmem>>, vector<16xi32>,
      %parallel_loop3A_356 = arith.constant 128 : i32
      %parallel_loop3A_357 = arith.addi %parallel_loop3A_269, %parallel_loop3A_356 : i32
      %parallel_loop3A_358 = arith.constant 80 : i32
      %parallel_loop3A_359 = arith.addi %parallel_loop3A_357, %parallel_loop3A_358 : i32
      %parallel_loop3A_360 = arith.index_cast %parallel_loop3A_359 : i32 to index
      %parallel_loop3A_361 = tpu.vector_load %arg5[%parallel_loop3A_360] {strides = array<i32>} : memref<40960xi32, #tpu.memory_space<vmem>>, vector<16xi32>,
      %parallel_loop3A_362 = arith.cmpi ne, %parallel_loop3A_355, %parallel_loop3A_361 : vector<16xi32>
      %parallel_loop3A_363 = arith.select %parallel_loop3A_362, %add3A_90, %add3A_86 : vector<16xi1>, vector<16xf32>
      %parallel_loop3A_364 = arith.constant 80 : i32
      %parallel_loop3A_365 = arith.addi %parallel_loop3A_271, %parallel_loop3A_364 : i32
      %parallel_loop3A_366 = arith.index_cast %parallel_loop3A_365 : i32 to index
      %parallel_loop3A_367 = tpu.vector_load %arg7[%parallel_loop3A_366] {strides = array<i32>} : memref<20480xf32, #tpu.memory_space<vmem>>, vector<16xf32>,
      tpu.vector_store %arg7[%parallel_loop3A_366], %parallel_loop3A_363 {strides = array<i32>} : memref<20480xf32, #tpu.memory_space<vmem>>, vector<16xf32>,
      %parallel_loop3A_368 = arith.constant 96 : i32
      %parallel_loop3A_369 = arith.addi %parallel_loop3A_269, %parallel_loop3A_368 : i32
      %parallel_loop3A_370 = arith.index_cast %parallel_loop3A_369 : i32 to index
      %parallel_loop3A_371 = tpu.vector_load %arg5[%parallel_loop3A_370] {strides = array<i32>} : memref<40960xi32, #tpu.memory_space<vmem>>, vector<16xi32>,
      %parallel_loop3A_372 = arith.constant 128 : i32
      %parallel_loop3A_373 = arith.addi %parallel_loop3A_269, %parallel_loop3A_372 : i32
      %parallel_loop3A_374 = arith.constant 96 : i32
      %parallel_loop3A_375 = arith.addi %parallel_loop3A_373, %parallel_loop3A_374 : i32
      %parallel_loop3A_376 = arith.index_cast %parallel_loop3A_375 : i32 to index
      %parallel_loop3A_377 = tpu.vector_load %arg5[%parallel_loop3A_376] {strides = array<i32>} : memref<40960xi32, #tpu.memory_space<vmem>>, vector<16xi32>,
      %parallel_loop3A_378 = arith.cmpi ne, %parallel_loop3A_371, %parallel_loop3A_377 : vector<16xi32>
      %parallel_loop3A_379 = arith.select %parallel_loop3A_378, %add3A_90, %add3A_86 : vector<16xi1>, vector<16xf32>
      %parallel_loop3A_380 = arith.constant 96 : i32
      %parallel_loop3A_381 = arith.addi %parallel_loop3A_271, %parallel_loop3A_380 : i32
      %parallel_loop3A_382 = arith.index_cast %parallel_loop3A_381 : i32 to index
      %parallel_loop3A_383 = tpu.vector_load %arg7[%parallel_loop3A_382] {strides = array<i32>} : memref<20480xf32, #tpu.memory_space<vmem>>, vector<16xf32>,
      tpu.vector_store %arg7[%parallel_loop3A_382], %parallel_loop3A_379 {strides = array<i32>} : memref<20480xf32, #tpu.memory_space<vmem>>, vector<16xf32>,
      %parallel_loop3A_384 = arith.constant 112 : i32
      %parallel_loop3A_385 = arith.addi %parallel_loop3A_269, %parallel_loop3A_384 : i32
      %parallel_loop3A_386 = arith.index_cast %parallel_loop3A_385 : i32 to index
      %parallel_loop3A_387 = tpu.vector_load %arg5[%parallel_loop3A_386] {strides = array<i32>} : memref<40960xi32, #tpu.memory_space<vmem>>, vector<16xi32>,
      %parallel_loop3A_388 = arith.constant 128 : i32
      %parallel_loop3A_389 = arith.addi %parallel_loop3A_269, %parallel_loop3A_388 : i32
      %parallel_loop3A_390 = arith.constant 112 : i32
      %parallel_loop3A_391 = arith.addi %parallel_loop3A_389, %parallel_loop3A_390 : i32
      %parallel_loop3A_392 = arith.index_cast %parallel_loop3A_391 : i32 to index
      %parallel_loop3A_393 = tpu.vector_load %arg5[%parallel_loop3A_392] {strides = array<i32>} : memref<40960xi32, #tpu.memory_space<vmem>>, vector<16xi32>,
      %parallel_loop3A_394 = arith.cmpi ne, %parallel_loop3A_387, %parallel_loop3A_393 : vector<16xi32>
      %parallel_loop3A_395 = arith.select %parallel_loop3A_394, %add3A_90, %add3A_86 : vector<16xi1>, vector<16xf32>
      %parallel_loop3A_396 = arith.constant 112 : i32
      %parallel_loop3A_397 = arith.addi %parallel_loop3A_271, %parallel_loop3A_396 : i32
      %parallel_loop3A_398 = arith.index_cast %parallel_loop3A_397 : i32 to index
      %parallel_loop3A_399 = tpu.vector_load %arg7[%parallel_loop3A_398] {strides = array<i32>} : memref<20480xf32, #tpu.memory_space<vmem>>, vector<16xf32>,
      tpu.vector_store %arg7[%parallel_loop3A_398], %parallel_loop3A_395 {strides = array<i32>} : memref<20480xf32, #tpu.memory_space<vmem>>, vector<16xf32>,
    } {sc.loop_unroll_factor = 8 : i64, sc.parallel_access}
    %add3A_106 = arith.constant 0 : i32
    %add3A_107 = arith.addi %mul3A_4, %add3A_106 : i32
    %dma_start3A_108 = arith.constant 0 : i32
    %dma_start3A_109 = tpu.memref_slice %arg7[%dma_start3A_108] : memref<20480xf32, #tpu.memory_space<vmem>> -> memref<10240xf32, #tpu.memory_space<vmem>>
    %dma_start3A_110 = tpu.memref_slice %arg4[%add3A_107] : memref<3276800xf32, #tpu.memory_space<hbm>> -> memref<10240xf32, #tpu.memory_space<hbm>>
    %dma_start3A_111 = tpu.memref_slice %arg4[%add3A_107] : memref<3276800xf32, #tpu.memory_space<hbm>> -> memref<10240xf32, #tpu.memory_space<hbm>>
    %dma_start3A_112 = arith.constant 0 : i32
    %dma_start3A_113 = tpu.memref_slice %arg7[%dma_start3A_112] : memref<20480xf32, #tpu.memory_space<vmem>> -> memref<10240xf32, #tpu.memory_space<vmem>>
    tpu.enqueue_dma source(%dma_start3A_113 : memref<10240xf32, #tpu.memory_space<vmem>>) target(%dma_start3A_111 : memref<10240xf32, #tpu.memory_space<hbm>>) target_semaphore(%arg12 : memref<!tpu.dma_semaphore, #tpu.memory_space<semaphore_mem>>)
    %add3A_114 = arith.constant 61440 : i32
    %add3A_115 = arith.addi %mul3A_2, %add3A_114 : i32
    %dma_start3A_116 = arith.constant 0 : i32
    %dma_start3A_117 = tpu.memref_slice %arg5[%dma_start3A_116] : memref<40960xi32, #tpu.memory_space<vmem>> -> memref<40960xi32, #tpu.memory_space<vmem>>
    %dma_start3A_118 = tpu.memref_slice %arg2[%add3A_115] : memref<6553600xi32, #tpu.memory_space<hbm>> -> memref<40960xi32, #tpu.memory_space<hbm>>
    %dma_start3A_119 = arith.constant 0 : i32
    %dma_start3A_120 = tpu.memref_slice %arg5[%dma_start3A_119] : memref<40960xi32, #tpu.memory_space<vmem>> -> memref<40960xi32, #tpu.memory_space<vmem>>
    %dma_start3A_121 = tpu.memref_slice %arg2[%add3A_115] : memref<6553600xi32, #tpu.memory_space<hbm>> -> memref<40960xi32, #tpu.memory_space<hbm>>
    tpu.enqueue_dma source(%dma_start3A_121 : memref<40960xi32, #tpu.memory_space<hbm>>) target(%dma_start3A_120 : memref<40960xi32, #tpu.memory_space<vmem>>) target_semaphore(%arg10 : memref<!tpu.dma_semaphore, #tpu.memory_space<semaphore_mem>>)
    %dma_wait3A_122 = arith.constant 0 : i32
    %dma_wait3A_123 = tpu.memref_slice %arg6[%dma_wait3A_122] : memref<40960xi32, #tpu.memory_space<vmem>> -> memref<40960xi32, #tpu.memory_space<vmem>>
    %dma_wait3A_124 = tpu.memref_slice %arg2[%add3A_92] : memref<6553600xi32, #tpu.memory_space<hbm>> -> memref<40960xi32, #tpu.memory_space<hbm>>
    %dma_wait3A_125 = arith.constant 0 : i32
    %dma_wait3A_126 = tpu.memref_slice %arg6[%dma_wait3A_125] : memref<40960xi32, #tpu.memory_space<vmem>> -> memref<40960xi32, #tpu.memory_space<vmem>>
    %dma_wait3A_127 = tpu.memref_slice %arg2[%add3A_92] : memref<6553600xi32, #tpu.memory_space<hbm>> -> memref<40960xi32, #tpu.memory_space<hbm>>
    tpu.wait_dma2 semaphore(%arg11 : memref<!tpu.dma_semaphore, #tpu.memory_space<semaphore_mem>>) src(%dma_wait3A_127 : memref<40960xi32, #tpu.memory_space<hbm>>) dst(%dma_wait3A_126 : memref<40960xi32, #tpu.memory_space<vmem>>)
    %parallel_loop3A_128 = arith.constant 0 : i32
    %parallel_loop3A_129 = arith.constant 160 : i32
    %parallel_loop3A_130 = arith.constant 1 : i32
    scf.for %parallel_loop3A_267 = %parallel_loop3A_128 to %parallel_loop3A_129 step %parallel_loop3A_130  : i32 {
      %parallel_loop3A_268 = arith.constant 256 : i32
      %parallel_loop3A_269 = arith.muli %parallel_loop3A_267, %parallel_loop3A_268 : i32
      %parallel_loop3A_270 = arith.constant 128 : i32
      %parallel_loop3A_271 = arith.muli %parallel_loop3A_267, %parallel_loop3A_270 : i32
      %parallel_loop3A_272 = arith.constant 0 : i32
      %parallel_loop3A_273 = arith.addi %parallel_loop3A_269, %parallel_loop3A_272 : i32
      %parallel_loop3A_274 = arith.index_cast %parallel_loop3A_273 : i32 to index
      %parallel_loop3A_275 = tpu.vector_load %arg6[%parallel_loop3A_274] {strides = array<i32>} : memref<40960xi32, #tpu.memory_space<vmem>>, vector<16xi32>,
      %parallel_loop3A_276 = arith.constant 128 : i32
      %parallel_loop3A_277 = arith.addi %parallel_loop3A_269, %parallel_loop3A_276 : i32
      %parallel_loop3A_278 = arith.constant 0 : i32
      %parallel_loop3A_279 = arith.addi %parallel_loop3A_277, %parallel_loop3A_278 : i32
      %parallel_loop3A_280 = arith.index_cast %parallel_loop3A_279 : i32 to index
      %parallel_loop3A_281 = tpu.vector_load %arg6[%parallel_loop3A_280] {strides = array<i32>} : memref<40960xi32, #tpu.memory_space<vmem>>, vector<16xi32>,
      %parallel_loop3A_282 = arith.cmpi ne, %parallel_loop3A_275, %parallel_loop3A_281 : vector<16xi32>
      %parallel_loop3A_283 = arith.select %parallel_loop3A_282, %add3A_90, %add3A_86 : vector<16xi1>, vector<16xf32>
      %parallel_loop3A_284 = arith.constant 0 : i32
      %parallel_loop3A_285 = arith.addi %parallel_loop3A_271, %parallel_loop3A_284 : i32
      %parallel_loop3A_286 = arith.index_cast %parallel_loop3A_285 : i32 to index
      %parallel_loop3A_287 = tpu.vector_load %arg8[%parallel_loop3A_286] {strides = array<i32>} : memref<20480xf32, #tpu.memory_space<vmem>>, vector<16xf32>,
      tpu.vector_store %arg8[%parallel_loop3A_286], %parallel_loop3A_283 {strides = array<i32>} : memref<20480xf32, #tpu.memory_space<vmem>>, vector<16xf32>,
      %parallel_loop3A_288 = arith.constant 16 : i32
      %parallel_loop3A_289 = arith.addi %parallel_loop3A_269, %parallel_loop3A_288 : i32
      %parallel_loop3A_290 = arith.index_cast %parallel_loop3A_289 : i32 to index
      %parallel_loop3A_291 = tpu.vector_load %arg6[%parallel_loop3A_290] {strides = array<i32>} : memref<40960xi32, #tpu.memory_space<vmem>>, vector<16xi32>,
      %parallel_loop3A_292 = arith.constant 128 : i32
      %parallel_loop3A_293 = arith.addi %parallel_loop3A_269, %parallel_loop3A_292 : i32
      %parallel_loop3A_294 = arith.constant 16 : i32
      %parallel_loop3A_295 = arith.addi %parallel_loop3A_293, %parallel_loop3A_294 : i32
      %parallel_loop3A_296 = arith.index_cast %parallel_loop3A_295 : i32 to index
      %parallel_loop3A_297 = tpu.vector_load %arg6[%parallel_loop3A_296] {strides = array<i32>} : memref<40960xi32, #tpu.memory_space<vmem>>, vector<16xi32>,
      %parallel_loop3A_298 = arith.cmpi ne, %parallel_loop3A_291, %parallel_loop3A_297 : vector<16xi32>
      %parallel_loop3A_299 = arith.select %parallel_loop3A_298, %add3A_90, %add3A_86 : vector<16xi1>, vector<16xf32>
      %parallel_loop3A_300 = arith.constant 16 : i32
      %parallel_loop3A_301 = arith.addi %parallel_loop3A_271, %parallel_loop3A_300 : i32
      %parallel_loop3A_302 = arith.index_cast %parallel_loop3A_301 : i32 to index
      %parallel_loop3A_303 = tpu.vector_load %arg8[%parallel_loop3A_302] {strides = array<i32>} : memref<20480xf32, #tpu.memory_space<vmem>>, vector<16xf32>,
      tpu.vector_store %arg8[%parallel_loop3A_302], %parallel_loop3A_299 {strides = array<i32>} : memref<20480xf32, #tpu.memory_space<vmem>>, vector<16xf32>,
      %parallel_loop3A_304 = arith.constant 32 : i32
      %parallel_loop3A_305 = arith.addi %parallel_loop3A_269, %parallel_loop3A_304 : i32
      %parallel_loop3A_306 = arith.index_cast %parallel_loop3A_305 : i32 to index
      %parallel_loop3A_307 = tpu.vector_load %arg6[%parallel_loop3A_306] {strides = array<i32>} : memref<40960xi32, #tpu.memory_space<vmem>>, vector<16xi32>,
      %parallel_loop3A_308 = arith.constant 128 : i32
      %parallel_loop3A_309 = arith.addi %parallel_loop3A_269, %parallel_loop3A_308 : i32
      %parallel_loop3A_310 = arith.constant 32 : i32
      %parallel_loop3A_311 = arith.addi %parallel_loop3A_309, %parallel_loop3A_310 : i32
      %parallel_loop3A_312 = arith.index_cast %parallel_loop3A_311 : i32 to index
      %parallel_loop3A_313 = tpu.vector_load %arg6[%parallel_loop3A_312] {strides = array<i32>} : memref<40960xi32, #tpu.memory_space<vmem>>, vector<16xi32>,
      %parallel_loop3A_314 = arith.cmpi ne, %parallel_loop3A_307, %parallel_loop3A_313 : vector<16xi32>
      %parallel_loop3A_315 = arith.select %parallel_loop3A_314, %add3A_90, %add3A_86 : vector<16xi1>, vector<16xf32>
      %parallel_loop3A_316 = arith.constant 32 : i32
      %parallel_loop3A_317 = arith.addi %parallel_loop3A_271, %parallel_loop3A_316 : i32
      %parallel_loop3A_318 = arith.index_cast %parallel_loop3A_317 : i32 to index
      %parallel_loop3A_319 = tpu.vector_load %arg8[%parallel_loop3A_318] {strides = array<i32>} : memref<20480xf32, #tpu.memory_space<vmem>>, vector<16xf32>,
      tpu.vector_store %arg8[%parallel_loop3A_318], %parallel_loop3A_315 {strides = array<i32>} : memref<20480xf32, #tpu.memory_space<vmem>>, vector<16xf32>,
      %parallel_loop3A_320 = arith.constant 48 : i32
      %parallel_loop3A_321 = arith.addi %parallel_loop3A_269, %parallel_loop3A_320 : i32
      %parallel_loop3A_322 = arith.index_cast %parallel_loop3A_321 : i32 to index
      %parallel_loop3A_323 = tpu.vector_load %arg6[%parallel_loop3A_322] {strides = array<i32>} : memref<40960xi32, #tpu.memory_space<vmem>>, vector<16xi32>,
      %parallel_loop3A_324 = arith.constant 128 : i32
      %parallel_loop3A_325 = arith.addi %parallel_loop3A_269, %parallel_loop3A_324 : i32
      %parallel_loop3A_326 = arith.constant 48 : i32
      %parallel_loop3A_327 = arith.addi %parallel_loop3A_325, %parallel_loop3A_326 : i32
      %parallel_loop3A_328 = arith.index_cast %parallel_loop3A_327 : i32 to index
      %parallel_loop3A_329 = tpu.vector_load %arg6[%parallel_loop3A_328] {strides = array<i32>} : memref<40960xi32, #tpu.memory_space<vmem>>, vector<16xi32>,
      %parallel_loop3A_330 = arith.cmpi ne, %parallel_loop3A_323, %parallel_loop3A_329 : vector<16xi32>
      %parallel_loop3A_331 = arith.select %parallel_loop3A_330, %add3A_90, %add3A_86 : vector<16xi1>, vector<16xf32>
      %parallel_loop3A_332 = arith.constant 48 : i32
      %parallel_loop3A_333 = arith.addi %parallel_loop3A_271, %parallel_loop3A_332 : i32
      %parallel_loop3A_334 = arith.index_cast %parallel_loop3A_333 : i32 to index
      %parallel_loop3A_335 = tpu.vector_load %arg8[%parallel_loop3A_334] {strides = array<i32>} : memref<20480xf32, #tpu.memory_space<vmem>>, vector<16xf32>,
      tpu.vector_store %arg8[%parallel_loop3A_334], %parallel_loop3A_331 {strides = array<i32>} : memref<20480xf32, #tpu.memory_space<vmem>>, vector<16xf32>,
      %parallel_loop3A_336 = arith.constant 64 : i32
      %parallel_loop3A_337 = arith.addi %parallel_loop3A_269, %parallel_loop3A_336 : i32
      %parallel_loop3A_338 = arith.index_cast %parallel_loop3A_337 : i32 to index
      %parallel_loop3A_339 = tpu.vector_load %arg6[%parallel_loop3A_338] {strides = array<i32>} : memref<40960xi32, #tpu.memory_space<vmem>>, vector<16xi32>,
      %parallel_loop3A_340 = arith.constant 128 : i32
      %parallel_loop3A_341 = arith.addi %parallel_loop3A_269, %parallel_loop3A_340 : i32
      %parallel_loop3A_342 = arith.constant 64 : i32
      %parallel_loop3A_343 = arith.addi %parallel_loop3A_341, %parallel_loop3A_342 : i32
      %parallel_loop3A_344 = arith.index_cast %parallel_loop3A_343 : i32 to index
      %parallel_loop3A_345 = tpu.vector_load %arg6[%parallel_loop3A_344] {strides = array<i32>} : memref<40960xi32, #tpu.memory_space<vmem>>, vector<16xi32>,
      %parallel_loop3A_346 = arith.cmpi ne, %parallel_loop3A_339, %parallel_loop3A_345 : vector<16xi32>
      %parallel_loop3A_347 = arith.select %parallel_loop3A_346, %add3A_90, %add3A_86 : vector<16xi1>, vector<16xf32>
      %parallel_loop3A_348 = arith.constant 64 : i32
      %parallel_loop3A_349 = arith.addi %parallel_loop3A_271, %parallel_loop3A_348 : i32
      %parallel_loop3A_350 = arith.index_cast %parallel_loop3A_349 : i32 to index
      %parallel_loop3A_351 = tpu.vector_load %arg8[%parallel_loop3A_350] {strides = array<i32>} : memref<20480xf32, #tpu.memory_space<vmem>>, vector<16xf32>,
      tpu.vector_store %arg8[%parallel_loop3A_350], %parallel_loop3A_347 {strides = array<i32>} : memref<20480xf32, #tpu.memory_space<vmem>>, vector<16xf32>,
      %parallel_loop3A_352 = arith.constant 80 : i32
      %parallel_loop3A_353 = arith.addi %parallel_loop3A_269, %parallel_loop3A_352 : i32
      %parallel_loop3A_354 = arith.index_cast %parallel_loop3A_353 : i32 to index
      %parallel_loop3A_355 = tpu.vector_load %arg6[%parallel_loop3A_354] {strides = array<i32>} : memref<40960xi32, #tpu.memory_space<vmem>>, vector<16xi32>,
      %parallel_loop3A_356 = arith.constant 128 : i32
      %parallel_loop3A_357 = arith.addi %parallel_loop3A_269, %parallel_loop3A_356 : i32
      %parallel_loop3A_358 = arith.constant 80 : i32
      %parallel_loop3A_359 = arith.addi %parallel_loop3A_357, %parallel_loop3A_358 : i32
      %parallel_loop3A_360 = arith.index_cast %parallel_loop3A_359 : i32 to index
      %parallel_loop3A_361 = tpu.vector_load %arg6[%parallel_loop3A_360] {strides = array<i32>} : memref<40960xi32, #tpu.memory_space<vmem>>, vector<16xi32>,
      %parallel_loop3A_362 = arith.cmpi ne, %parallel_loop3A_355, %parallel_loop3A_361 : vector<16xi32>
      %parallel_loop3A_363 = arith.select %parallel_loop3A_362, %add3A_90, %add3A_86 : vector<16xi1>, vector<16xf32>
      %parallel_loop3A_364 = arith.constant 80 : i32
      %parallel_loop3A_365 = arith.addi %parallel_loop3A_271, %parallel_loop3A_364 : i32
      %parallel_loop3A_366 = arith.index_cast %parallel_loop3A_365 : i32 to index
      %parallel_loop3A_367 = tpu.vector_load %arg8[%parallel_loop3A_366] {strides = array<i32>} : memref<20480xf32, #tpu.memory_space<vmem>>, vector<16xf32>,
      tpu.vector_store %arg8[%parallel_loop3A_366], %parallel_loop3A_363 {strides = array<i32>} : memref<20480xf32, #tpu.memory_space<vmem>>, vector<16xf32>,
      %parallel_loop3A_368 = arith.constant 96 : i32
      %parallel_loop3A_369 = arith.addi %parallel_loop3A_269, %parallel_loop3A_368 : i32
      %parallel_loop3A_370 = arith.index_cast %parallel_loop3A_369 : i32 to index
      %parallel_loop3A_371 = tpu.vector_load %arg6[%parallel_loop3A_370] {strides = array<i32>} : memref<40960xi32, #tpu.memory_space<vmem>>, vector<16xi32>,
      %parallel_loop3A_372 = arith.constant 128 : i32
      %parallel_loop3A_373 = arith.addi %parallel_loop3A_269, %parallel_loop3A_372 : i32
      %parallel_loop3A_374 = arith.constant 96 : i32
      %parallel_loop3A_375 = arith.addi %parallel_loop3A_373, %parallel_loop3A_374 : i32
      %parallel_loop3A_376 = arith.index_cast %parallel_loop3A_375 : i32 to index
      %parallel_loop3A_377 = tpu.vector_load %arg6[%parallel_loop3A_376] {strides = array<i32>} : memref<40960xi32, #tpu.memory_space<vmem>>, vector<16xi32>,
      %parallel_loop3A_378 = arith.cmpi ne, %parallel_loop3A_371, %parallel_loop3A_377 : vector<16xi32>
      %parallel_loop3A_379 = arith.select %parallel_loop3A_378, %add3A_90, %add3A_86 : vector<16xi1>, vector<16xf32>
      %parallel_loop3A_380 = arith.constant 96 : i32
      %parallel_loop3A_381 = arith.addi %parallel_loop3A_271, %parallel_loop3A_380 : i32
      %parallel_loop3A_382 = arith.index_cast %parallel_loop3A_381 : i32 to index
      %parallel_loop3A_383 = tpu.vector_load %arg8[%parallel_loop3A_382] {strides = array<i32>} : memref<20480xf32, #tpu.memory_space<vmem>>, vector<16xf32>,
      tpu.vector_store %arg8[%parallel_loop3A_382], %parallel_loop3A_379 {strides = array<i32>} : memref<20480xf32, #tpu.memory_space<vmem>>, vector<16xf32>,
      %parallel_loop3A_384 = arith.constant 112 : i32
      %parallel_loop3A_385 = arith.addi %parallel_loop3A_269, %parallel_loop3A_384 : i32
      %parallel_loop3A_386 = arith.index_cast %parallel_loop3A_385 : i32 to index
      %parallel_loop3A_387 = tpu.vector_load %arg6[%parallel_loop3A_386] {strides = array<i32>} : memref<40960xi32, #tpu.memory_space<vmem>>, vector<16xi32>,
      %parallel_loop3A_388 = arith.constant 128 : i32
      %parallel_loop3A_389 = arith.addi %parallel_loop3A_269, %parallel_loop3A_388 : i32
      %parallel_loop3A_390 = arith.constant 112 : i32
      %parallel_loop3A_391 = arith.addi %parallel_loop3A_389, %parallel_loop3A_390 : i32
      %parallel_loop3A_392 = arith.index_cast %parallel_loop3A_391 : i32 to index
      %parallel_loop3A_393 = tpu.vector_load %arg6[%parallel_loop3A_392] {strides = array<i32>} : memref<40960xi32, #tpu.memory_space<vmem>>, vector<16xi32>,
      %parallel_loop3A_394 = arith.cmpi ne, %parallel_loop3A_387, %parallel_loop3A_393 : vector<16xi32>
      %parallel_loop3A_395 = arith.select %parallel_loop3A_394, %add3A_90, %add3A_86 : vector<16xi1>, vector<16xf32>
      %parallel_loop3A_396 = arith.constant 112 : i32
      %parallel_loop3A_397 = arith.addi %parallel_loop3A_271, %parallel_loop3A_396 : i32
      %parallel_loop3A_398 = arith.index_cast %parallel_loop3A_397 : i32 to index
      %parallel_loop3A_399 = tpu.vector_load %arg8[%parallel_loop3A_398] {strides = array<i32>} : memref<20480xf32, #tpu.memory_space<vmem>>, vector<16xf32>,
      tpu.vector_store %arg8[%parallel_loop3A_398], %parallel_loop3A_395 {strides = array<i32>} : memref<20480xf32, #tpu.memory_space<vmem>>, vector<16xf32>,
    } {sc.loop_unroll_factor = 8 : i64, sc.parallel_access}
    %add3A_131 = arith.constant 10240 : i32
    %add3A_132 = arith.addi %mul3A_4, %add3A_131 : i32
    %dma_start3A_133 = arith.constant 0 : i32
    %dma_start3A_134 = tpu.memref_slice %arg8[%dma_start3A_133] : memref<20480xf32, #tpu.memory_space<vmem>> -> memref<20480xf32, #tpu.memory_space<vmem>>
    %dma_start3A_135 = tpu.memref_slice %arg4[%add3A_132] : memref<3276800xf32, #tpu.memory_space<hbm>> -> memref<20480xf32, #tpu.memory_space<hbm>>
    %dma_start3A_136 = tpu.memref_slice %arg4[%add3A_132] : memref<3276800xf32, #tpu.memory_space<hbm>> -> memref<20480xf32, #tpu.memory_space<hbm>>
    %dma_start3A_137 = arith.constant 0 : i32
    %dma_start3A_138 = tpu.memref_slice %arg8[%dma_start3A_137] : memref<20480xf32, #tpu.memory_space<vmem>> -> memref<20480xf32, #tpu.memory_space<vmem>>
    tpu.enqueue_dma source(%dma_start3A_138 : memref<20480xf32, #tpu.memory_space<vmem>>) target(%dma_start3A_136 : memref<20480xf32, #tpu.memory_space<hbm>>) target_semaphore(%arg13 : memref<!tpu.dma_semaphore, #tpu.memory_space<semaphore_mem>>)
    %add3A_139 = arith.constant 102400 : i32
    %add3A_140 = arith.addi %mul3A_2, %add3A_139 : i32
    %dma_start3A_141 = arith.constant 0 : i32
    %dma_start3A_142 = tpu.memref_slice %arg6[%dma_start3A_141] : memref<40960xi32, #tpu.memory_space<vmem>> -> memref<40960xi32, #tpu.memory_space<vmem>>
    %dma_start3A_143 = tpu.memref_slice %arg2[%add3A_140] : memref<6553600xi32, #tpu.memory_space<hbm>> -> memref<40960xi32, #tpu.memory_space<hbm>>
    %dma_start3A_144 = arith.constant 0 : i32
    %dma_start3A_145 = tpu.memref_slice %arg6[%dma_start3A_144] : memref<40960xi32, #tpu.memory_space<vmem>> -> memref<40960xi32, #tpu.memory_space<vmem>>
    %dma_start3A_146 = tpu.memref_slice %arg2[%add3A_140] : memref<6553600xi32, #tpu.memory_space<hbm>> -> memref<40960xi32, #tpu.memory_space<hbm>>
    tpu.enqueue_dma source(%dma_start3A_146 : memref<40960xi32, #tpu.memory_space<hbm>>) target(%dma_start3A_145 : memref<40960xi32, #tpu.memory_space<vmem>>) target_semaphore(%arg11 : memref<!tpu.dma_semaphore, #tpu.memory_space<semaphore_mem>>)
    %dma_wait3A_147 = arith.constant 0 : i32
    %dma_wait3A_148 = tpu.memref_slice %arg5[%dma_wait3A_147] : memref<40960xi32, #tpu.memory_space<vmem>> -> memref<40960xi32, #tpu.memory_space<vmem>>
    %dma_wait3A_149 = tpu.memref_slice %arg2[%add3A_115] : memref<6553600xi32, #tpu.memory_space<hbm>> -> memref<40960xi32, #tpu.memory_space<hbm>>
    %dma_wait3A_150 = arith.constant 0 : i32
    %dma_wait3A_151 = tpu.memref_slice %arg5[%dma_wait3A_150] : memref<40960xi32, #tpu.memory_space<vmem>> -> memref<40960xi32, #tpu.memory_space<vmem>>
    %dma_wait3A_152 = tpu.memref_slice %arg2[%add3A_115] : memref<6553600xi32, #tpu.memory_space<hbm>> -> memref<40960xi32, #tpu.memory_space<hbm>>
    tpu.wait_dma2 semaphore(%arg10 : memref<!tpu.dma_semaphore, #tpu.memory_space<semaphore_mem>>) src(%dma_wait3A_152 : memref<40960xi32, #tpu.memory_space<hbm>>) dst(%dma_wait3A_151 : memref<40960xi32, #tpu.memory_space<vmem>>)
    %dma_wait3A_153 = arith.constant 0 : i32
    %dma_wait3A_154 = tpu.memref_slice %arg7[%dma_wait3A_153] : memref<20480xf32, #tpu.memory_space<vmem>> -> memref<10240xf32, #tpu.memory_space<vmem>>
    %dma_wait3A_155 = tpu.memref_slice %arg4[%add3A_107] : memref<3276800xf32, #tpu.memory_space<hbm>> -> memref<10240xf32, #tpu.memory_space<hbm>>
    %dma_wait3A_156 = tpu.memref_slice %arg4[%add3A_107] : memref<3276800xf32, #tpu.memory_space<hbm>> -> memref<10240xf32, #tpu.memory_space<hbm>>
    %dma_wait3A_157 = arith.constant 0 : i32
    %dma_wait3A_158 = tpu.memref_slice %arg7[%dma_wait3A_157] : memref<20480xf32, #tpu.memory_space<vmem>> -> memref<10240xf32, #tpu.memory_space<vmem>>
    tpu.wait_dma2 semaphore(%arg12 : memref<!tpu.dma_semaphore, #tpu.memory_space<semaphore_mem>>) src(%dma_wait3A_158 : memref<10240xf32, #tpu.memory_space<vmem>>) dst(%dma_wait3A_156 : memref<10240xf32, #tpu.memory_space<hbm>>)
    %parallel_loop3A_159 = arith.constant 0 : i32
    %parallel_loop3A_160 = arith.constant 160 : i32
    %parallel_loop3A_161 = arith.constant 1 : i32
    scf.for %parallel_loop3A_267 = %parallel_loop3A_159 to %parallel_loop3A_160 step %parallel_loop3A_161  : i32 {
      %parallel_loop3A_268 = arith.constant 256 : i32
      %parallel_loop3A_269 = arith.muli %parallel_loop3A_267, %parallel_loop3A_268 : i32
      %parallel_loop3A_270 = arith.constant 128 : i32
      %parallel_loop3A_271 = arith.muli %parallel_loop3A_267, %parallel_loop3A_270 : i32
      %parallel_loop3A_272 = arith.constant 0 : i32
      %parallel_loop3A_273 = arith.addi %parallel_loop3A_269, %parallel_loop3A_272 : i32
      %parallel_loop3A_274 = arith.index_cast %parallel_loop3A_273 : i32 to index
      %parallel_loop3A_275 = tpu.vector_load %arg5[%parallel_loop3A_274] {strides = array<i32>} : memref<40960xi32, #tpu.memory_space<vmem>>, vector<16xi32>,
      %parallel_loop3A_276 = arith.constant 128 : i32
      %parallel_loop3A_277 = arith.addi %parallel_loop3A_269, %parallel_loop3A_276 : i32
      %parallel_loop3A_278 = arith.constant 0 : i32
      %parallel_loop3A_279 = arith.addi %parallel_loop3A_277, %parallel_loop3A_278 : i32
      %parallel_loop3A_280 = arith.index_cast %parallel_loop3A_279 : i32 to index
      %parallel_loop3A_281 = tpu.vector_load %arg5[%parallel_loop3A_280] {strides = array<i32>} : memref<40960xi32, #tpu.memory_space<vmem>>, vector<16xi32>,
      %parallel_loop3A_282 = arith.cmpi ne, %parallel_loop3A_275, %parallel_loop3A_281 : vector<16xi32>
      %parallel_loop3A_283 = arith.select %parallel_loop3A_282, %add3A_90, %add3A_86 : vector<16xi1>, vector<16xf32>
      %parallel_loop3A_284 = arith.constant 0 : i32
      %parallel_loop3A_285 = arith.addi %parallel_loop3A_271, %parallel_loop3A_284 : i32
      %parallel_loop3A_286 = arith.index_cast %parallel_loop3A_285 : i32 to index
      %parallel_loop3A_287 = tpu.vector_load %arg7[%parallel_loop3A_286] {strides = array<i32>} : memref<20480xf32, #tpu.memory_space<vmem>>, vector<16xf32>,
      tpu.vector_store %arg7[%parallel_loop3A_286], %parallel_loop3A_283 {strides = array<i32>} : memref<20480xf32, #tpu.memory_space<vmem>>, vector<16xf32>,
      %parallel_loop3A_288 = arith.constant 16 : i32
      %parallel_loop3A_289 = arith.addi %parallel_loop3A_269, %parallel_loop3A_288 : i32
      %parallel_loop3A_290 = arith.index_cast %parallel_loop3A_289 : i32 to index
      %parallel_loop3A_291 = tpu.vector_load %arg5[%parallel_loop3A_290] {strides = array<i32>} : memref<40960xi32, #tpu.memory_space<vmem>>, vector<16xi32>,
      %parallel_loop3A_292 = arith.constant 128 : i32
      %parallel_loop3A_293 = arith.addi %parallel_loop3A_269, %parallel_loop3A_292 : i32
      %parallel_loop3A_294 = arith.constant 16 : i32
      %parallel_loop3A_295 = arith.addi %parallel_loop3A_293, %parallel_loop3A_294 : i32
      %parallel_loop3A_296 = arith.index_cast %parallel_loop3A_295 : i32 to index
      %parallel_loop3A_297 = tpu.vector_load %arg5[%parallel_loop3A_296] {strides = array<i32>} : memref<40960xi32, #tpu.memory_space<vmem>>, vector<16xi32>,
      %parallel_loop3A_298 = arith.cmpi ne, %parallel_loop3A_291, %parallel_loop3A_297 : vector<16xi32>
      %parallel_loop3A_299 = arith.select %parallel_loop3A_298, %add3A_90, %add3A_86 : vector<16xi1>, vector<16xf32>
      %parallel_loop3A_300 = arith.constant 16 : i32
      %parallel_loop3A_301 = arith.addi %parallel_loop3A_271, %parallel_loop3A_300 : i32
      %parallel_loop3A_302 = arith.index_cast %parallel_loop3A_301 : i32 to index
      %parallel_loop3A_303 = tpu.vector_load %arg7[%parallel_loop3A_302] {strides = array<i32>} : memref<20480xf32, #tpu.memory_space<vmem>>, vector<16xf32>,
      tpu.vector_store %arg7[%parallel_loop3A_302], %parallel_loop3A_299 {strides = array<i32>} : memref<20480xf32, #tpu.memory_space<vmem>>, vector<16xf32>,
      %parallel_loop3A_304 = arith.constant 32 : i32
      %parallel_loop3A_305 = arith.addi %parallel_loop3A_269, %parallel_loop3A_304 : i32
      %parallel_loop3A_306 = arith.index_cast %parallel_loop3A_305 : i32 to index
      %parallel_loop3A_307 = tpu.vector_load %arg5[%parallel_loop3A_306] {strides = array<i32>} : memref<40960xi32, #tpu.memory_space<vmem>>, vector<16xi32>,
      %parallel_loop3A_308 = arith.constant 128 : i32
      %parallel_loop3A_309 = arith.addi %parallel_loop3A_269, %parallel_loop3A_308 : i32
      %parallel_loop3A_310 = arith.constant 32 : i32
      %parallel_loop3A_311 = arith.addi %parallel_loop3A_309, %parallel_loop3A_310 : i32
      %parallel_loop3A_312 = arith.index_cast %parallel_loop3A_311 : i32 to index
      %parallel_loop3A_313 = tpu.vector_load %arg5[%parallel_loop3A_312] {strides = array<i32>} : memref<40960xi32, #tpu.memory_space<vmem>>, vector<16xi32>,
      %parallel_loop3A_314 = arith.cmpi ne, %parallel_loop3A_307, %parallel_loop3A_313 : vector<16xi32>
      %parallel_loop3A_315 = arith.select %parallel_loop3A_314, %add3A_90, %add3A_86 : vector<16xi1>, vector<16xf32>
      %parallel_loop3A_316 = arith.constant 32 : i32
      %parallel_loop3A_317 = arith.addi %parallel_loop3A_271, %parallel_loop3A_316 : i32
      %parallel_loop3A_318 = arith.index_cast %parallel_loop3A_317 : i32 to index
      %parallel_loop3A_319 = tpu.vector_load %arg7[%parallel_loop3A_318] {strides = array<i32>} : memref<20480xf32, #tpu.memory_space<vmem>>, vector<16xf32>,
      tpu.vector_store %arg7[%parallel_loop3A_318], %parallel_loop3A_315 {strides = array<i32>} : memref<20480xf32, #tpu.memory_space<vmem>>, vector<16xf32>,
      %parallel_loop3A_320 = arith.constant 48 : i32
      %parallel_loop3A_321 = arith.addi %parallel_loop3A_269, %parallel_loop3A_320 : i32
      %parallel_loop3A_322 = arith.index_cast %parallel_loop3A_321 : i32 to index
      %parallel_loop3A_323 = tpu.vector_load %arg5[%parallel_loop3A_322] {strides = array<i32>} : memref<40960xi32, #tpu.memory_space<vmem>>, vector<16xi32>,
      %parallel_loop3A_324 = arith.constant 128 : i32
      %parallel_loop3A_325 = arith.addi %parallel_loop3A_269, %parallel_loop3A_324 : i32
      %parallel_loop3A_326 = arith.constant 48 : i32
      %parallel_loop3A_327 = arith.addi %parallel_loop3A_325, %parallel_loop3A_326 : i32
      %parallel_loop3A_328 = arith.index_cast %parallel_loop3A_327 : i32 to index
      %parallel_loop3A_329 = tpu.vector_load %arg5[%parallel_loop3A_328] {strides = array<i32>} : memref<40960xi32, #tpu.memory_space<vmem>>, vector<16xi32>,
      %parallel_loop3A_330 = arith.cmpi ne, %parallel_loop3A_323, %parallel_loop3A_329 : vector<16xi32>
      %parallel_loop3A_331 = arith.select %parallel_loop3A_330, %add3A_90, %add3A_86 : vector<16xi1>, vector<16xf32>
      %parallel_loop3A_332 = arith.constant 48 : i32
      %parallel_loop3A_333 = arith.addi %parallel_loop3A_271, %parallel_loop3A_332 : i32
      %parallel_loop3A_334 = arith.index_cast %parallel_loop3A_333 : i32 to index
      %parallel_loop3A_335 = tpu.vector_load %arg7[%parallel_loop3A_334] {strides = array<i32>} : memref<20480xf32, #tpu.memory_space<vmem>>, vector<16xf32>,
      tpu.vector_store %arg7[%parallel_loop3A_334], %parallel_loop3A_331 {strides = array<i32>} : memref<20480xf32, #tpu.memory_space<vmem>>, vector<16xf32>,
      %parallel_loop3A_336 = arith.constant 64 : i32
      %parallel_loop3A_337 = arith.addi %parallel_loop3A_269, %parallel_loop3A_336 : i32
      %parallel_loop3A_338 = arith.index_cast %parallel_loop3A_337 : i32 to index
      %parallel_loop3A_339 = tpu.vector_load %arg5[%parallel_loop3A_338] {strides = array<i32>} : memref<40960xi32, #tpu.memory_space<vmem>>, vector<16xi32>,
      %parallel_loop3A_340 = arith.constant 128 : i32
      %parallel_loop3A_341 = arith.addi %parallel_loop3A_269, %parallel_loop3A_340 : i32
      %parallel_loop3A_342 = arith.constant 64 : i32
      %parallel_loop3A_343 = arith.addi %parallel_loop3A_341, %parallel_loop3A_342 : i32
      %parallel_loop3A_344 = arith.index_cast %parallel_loop3A_343 : i32 to index
      %parallel_loop3A_345 = tpu.vector_load %arg5[%parallel_loop3A_344] {strides = array<i32>} : memref<40960xi32, #tpu.memory_space<vmem>>, vector<16xi32>,
      %parallel_loop3A_346 = arith.cmpi ne, %parallel_loop3A_339, %parallel_loop3A_345 : vector<16xi32>
      %parallel_loop3A_347 = arith.select %parallel_loop3A_346, %add3A_90, %add3A_86 : vector<16xi1>, vector<16xf32>
      %parallel_loop3A_348 = arith.constant 64 : i32
      %parallel_loop3A_349 = arith.addi %parallel_loop3A_271, %parallel_loop3A_348 : i32
      %parallel_loop3A_350 = arith.index_cast %parallel_loop3A_349 : i32 to index
      %parallel_loop3A_351 = tpu.vector_load %arg7[%parallel_loop3A_350] {strides = array<i32>} : memref<20480xf32, #tpu.memory_space<vmem>>, vector<16xf32>,
      tpu.vector_store %arg7[%parallel_loop3A_350], %parallel_loop3A_347 {strides = array<i32>} : memref<20480xf32, #tpu.memory_space<vmem>>, vector<16xf32>,
      %parallel_loop3A_352 = arith.constant 80 : i32
      %parallel_loop3A_353 = arith.addi %parallel_loop3A_269, %parallel_loop3A_352 : i32
      %parallel_loop3A_354 = arith.index_cast %parallel_loop3A_353 : i32 to index
      %parallel_loop3A_355 = tpu.vector_load %arg5[%parallel_loop3A_354] {strides = array<i32>} : memref<40960xi32, #tpu.memory_space<vmem>>, vector<16xi32>,
      %parallel_loop3A_356 = arith.constant 128 : i32
      %parallel_loop3A_357 = arith.addi %parallel_loop3A_269, %parallel_loop3A_356 : i32
      %parallel_loop3A_358 = arith.constant 80 : i32
      %parallel_loop3A_359 = arith.addi %parallel_loop3A_357, %parallel_loop3A_358 : i32
      %parallel_loop3A_360 = arith.index_cast %parallel_loop3A_359 : i32 to index
      %parallel_loop3A_361 = tpu.vector_load %arg5[%parallel_loop3A_360] {strides = array<i32>} : memref<40960xi32, #tpu.memory_space<vmem>>, vector<16xi32>,
      %parallel_loop3A_362 = arith.cmpi ne, %parallel_loop3A_355, %parallel_loop3A_361 : vector<16xi32>
      %parallel_loop3A_363 = arith.select %parallel_loop3A_362, %add3A_90, %add3A_86 : vector<16xi1>, vector<16xf32>
      %parallel_loop3A_364 = arith.constant 80 : i32
      %parallel_loop3A_365 = arith.addi %parallel_loop3A_271, %parallel_loop3A_364 : i32
      %parallel_loop3A_366 = arith.index_cast %parallel_loop3A_365 : i32 to index
      %parallel_loop3A_367 = tpu.vector_load %arg7[%parallel_loop3A_366] {strides = array<i32>} : memref<20480xf32, #tpu.memory_space<vmem>>, vector<16xf32>,
      tpu.vector_store %arg7[%parallel_loop3A_366], %parallel_loop3A_363 {strides = array<i32>} : memref<20480xf32, #tpu.memory_space<vmem>>, vector<16xf32>,
      %parallel_loop3A_368 = arith.constant 96 : i32
      %parallel_loop3A_369 = arith.addi %parallel_loop3A_269, %parallel_loop3A_368 : i32
      %parallel_loop3A_370 = arith.index_cast %parallel_loop3A_369 : i32 to index
      %parallel_loop3A_371 = tpu.vector_load %arg5[%parallel_loop3A_370] {strides = array<i32>} : memref<40960xi32, #tpu.memory_space<vmem>>, vector<16xi32>,
      %parallel_loop3A_372 = arith.constant 128 : i32
      %parallel_loop3A_373 = arith.addi %parallel_loop3A_269, %parallel_loop3A_372 : i32
      %parallel_loop3A_374 = arith.constant 96 : i32
      %parallel_loop3A_375 = arith.addi %parallel_loop3A_373, %parallel_loop3A_374 : i32
      %parallel_loop3A_376 = arith.index_cast %parallel_loop3A_375 : i32 to index
      %parallel_loop3A_377 = tpu.vector_load %arg5[%parallel_loop3A_376] {strides = array<i32>} : memref<40960xi32, #tpu.memory_space<vmem>>, vector<16xi32>,
      %parallel_loop3A_378 = arith.cmpi ne, %parallel_loop3A_371, %parallel_loop3A_377 : vector<16xi32>
      %parallel_loop3A_379 = arith.select %parallel_loop3A_378, %add3A_90, %add3A_86 : vector<16xi1>, vector<16xf32>
      %parallel_loop3A_380 = arith.constant 96 : i32
      %parallel_loop3A_381 = arith.addi %parallel_loop3A_271, %parallel_loop3A_380 : i32
      %parallel_loop3A_382 = arith.index_cast %parallel_loop3A_381 : i32 to index
      %parallel_loop3A_383 = tpu.vector_load %arg7[%parallel_loop3A_382] {strides = array<i32>} : memref<20480xf32, #tpu.memory_space<vmem>>, vector<16xf32>,
      tpu.vector_store %arg7[%parallel_loop3A_382], %parallel_loop3A_379 {strides = array<i32>} : memref<20480xf32, #tpu.memory_space<vmem>>, vector<16xf32>,
      %parallel_loop3A_384 = arith.constant 112 : i32
      %parallel_loop3A_385 = arith.addi %parallel_loop3A_269, %parallel_loop3A_384 : i32
      %parallel_loop3A_386 = arith.index_cast %parallel_loop3A_385 : i32 to index
      %parallel_loop3A_387 = tpu.vector_load %arg5[%parallel_loop3A_386] {strides = array<i32>} : memref<40960xi32, #tpu.memory_space<vmem>>, vector<16xi32>,
      %parallel_loop3A_388 = arith.constant 128 : i32
      %parallel_loop3A_389 = arith.addi %parallel_loop3A_269, %parallel_loop3A_388 : i32
      %parallel_loop3A_390 = arith.constant 112 : i32
      %parallel_loop3A_391 = arith.addi %parallel_loop3A_389, %parallel_loop3A_390 : i32
      %parallel_loop3A_392 = arith.index_cast %parallel_loop3A_391 : i32 to index
      %parallel_loop3A_393 = tpu.vector_load %arg5[%parallel_loop3A_392] {strides = array<i32>} : memref<40960xi32, #tpu.memory_space<vmem>>, vector<16xi32>,
      %parallel_loop3A_394 = arith.cmpi ne, %parallel_loop3A_387, %parallel_loop3A_393 : vector<16xi32>
      %parallel_loop3A_395 = arith.select %parallel_loop3A_394, %add3A_90, %add3A_86 : vector<16xi1>, vector<16xf32>
      %parallel_loop3A_396 = arith.constant 112 : i32
      %parallel_loop3A_397 = arith.addi %parallel_loop3A_271, %parallel_loop3A_396 : i32
      %parallel_loop3A_398 = arith.index_cast %parallel_loop3A_397 : i32 to index
      %parallel_loop3A_399 = tpu.vector_load %arg7[%parallel_loop3A_398] {strides = array<i32>} : memref<20480xf32, #tpu.memory_space<vmem>>, vector<16xf32>,
      tpu.vector_store %arg7[%parallel_loop3A_398], %parallel_loop3A_395 {strides = array<i32>} : memref<20480xf32, #tpu.memory_space<vmem>>, vector<16xf32>,
    } {sc.loop_unroll_factor = 8 : i64, sc.parallel_access}
    %add3A_162 = arith.constant 30720 : i32
    %add3A_163 = arith.addi %mul3A_4, %add3A_162 : i32
    %dma_start3A_164 = arith.constant 0 : i32
    %dma_start3A_165 = tpu.memref_slice %arg7[%dma_start3A_164] : memref<20480xf32, #tpu.memory_space<vmem>> -> memref<20480xf32, #tpu.memory_space<vmem>>
    %dma_start3A_166 = tpu.memref_slice %arg4[%add3A_163] : memref<3276800xf32, #tpu.memory_space<hbm>> -> memref<20480xf32, #tpu.memory_space<hbm>>
    %dma_start3A_167 = tpu.memref_slice %arg4[%add3A_163] : memref<3276800xf32, #tpu.memory_space<hbm>> -> memref<20480xf32, #tpu.memory_space<hbm>>
    %dma_start3A_168 = arith.constant 0 : i32
    %dma_start3A_169 = tpu.memref_slice %arg7[%dma_start3A_168] : memref<20480xf32, #tpu.memory_space<vmem>> -> memref<20480xf32, #tpu.memory_space<vmem>>
    tpu.enqueue_dma source(%dma_start3A_169 : memref<20480xf32, #tpu.memory_space<vmem>>) target(%dma_start3A_167 : memref<20480xf32, #tpu.memory_space<hbm>>) target_semaphore(%arg12 : memref<!tpu.dma_semaphore, #tpu.memory_space<semaphore_mem>>)
    %add3A_170 = arith.constant 143360 : i32
    %add3A_171 = arith.addi %mul3A_2, %add3A_170 : i32
    %dma_start3A_172 = arith.constant 0 : i32
    %dma_start3A_173 = tpu.memref_slice %arg5[%dma_start3A_172] : memref<40960xi32, #tpu.memory_space<vmem>> -> memref<40960xi32, #tpu.memory_space<vmem>>
    %dma_start3A_174 = tpu.memref_slice %arg2[%add3A_171] : memref<6553600xi32, #tpu.memory_space<hbm>> -> memref<40960xi32, #tpu.memory_space<hbm>>
    %dma_start3A_175 = arith.constant 0 : i32
    %dma_start3A_176 = tpu.memref_slice %arg5[%dma_start3A_175] : memref<40960xi32, #tpu.memory_space<vmem>> -> memref<40960xi32, #tpu.memory_space<vmem>>
    %dma_start3A_177 = tpu.memref_slice %arg2[%add3A_171] : memref<6553600xi32, #tpu.memory_space<hbm>> -> memref<40960xi32, #tpu.memory_space<hbm>>
    tpu.enqueue_dma source(%dma_start3A_177 : memref<40960xi32, #tpu.memory_space<hbm>>) target(%dma_start3A_176 : memref<40960xi32, #tpu.memory_space<vmem>>) target_semaphore(%arg10 : memref<!tpu.dma_semaphore, #tpu.memory_space<semaphore_mem>>)
    %dma_wait3A_178 = arith.constant 0 : i32
    %dma_wait3A_179 = tpu.memref_slice %arg6[%dma_wait3A_178] : memref<40960xi32, #tpu.memory_space<vmem>> -> memref<40960xi32, #tpu.memory_space<vmem>>
    %dma_wait3A_180 = tpu.memref_slice %arg2[%add3A_140] : memref<6553600xi32, #tpu.memory_space<hbm>> -> memref<40960xi32, #tpu.memory_space<hbm>>
    %dma_wait3A_181 = arith.constant 0 : i32
    %dma_wait3A_182 = tpu.memref_slice %arg6[%dma_wait3A_181] : memref<40960xi32, #tpu.memory_space<vmem>> -> memref<40960xi32, #tpu.memory_space<vmem>>
    %dma_wait3A_183 = tpu.memref_slice %arg2[%add3A_140] : memref<6553600xi32, #tpu.memory_space<hbm>> -> memref<40960xi32, #tpu.memory_space<hbm>>
    tpu.wait_dma2 semaphore(%arg11 : memref<!tpu.dma_semaphore, #tpu.memory_space<semaphore_mem>>) src(%dma_wait3A_183 : memref<40960xi32, #tpu.memory_space<hbm>>) dst(%dma_wait3A_182 : memref<40960xi32, #tpu.memory_space<vmem>>)
    %dma_wait3A_184 = arith.constant 0 : i32
    %dma_wait3A_185 = tpu.memref_slice %arg8[%dma_wait3A_184] : memref<20480xf32, #tpu.memory_space<vmem>> -> memref<20480xf32, #tpu.memory_space<vmem>>
    %dma_wait3A_186 = tpu.memref_slice %arg4[%add3A_132] : memref<3276800xf32, #tpu.memory_space<hbm>> -> memref<20480xf32, #tpu.memory_space<hbm>>
    %dma_wait3A_187 = tpu.memref_slice %arg4[%add3A_132] : memref<3276800xf32, #tpu.memory_space<hbm>> -> memref<20480xf32, #tpu.memory_space<hbm>>
    %dma_wait3A_188 = arith.constant 0 : i32
    %dma_wait3A_189 = tpu.memref_slice %arg8[%dma_wait3A_188] : memref<20480xf32, #tpu.memory_space<vmem>> -> memref<20480xf32, #tpu.memory_space<vmem>>
    tpu.wait_dma2 semaphore(%arg13 : memref<!tpu.dma_semaphore, #tpu.memory_space<semaphore_mem>>) src(%dma_wait3A_189 : memref<20480xf32, #tpu.memory_space<vmem>>) dst(%dma_wait3A_187 : memref<20480xf32, #tpu.memory_space<hbm>>)
    %parallel_loop3A_190 = arith.constant 0 : i32
    %parallel_loop3A_191 = arith.constant 160 : i32
    %parallel_loop3A_192 = arith.constant 1 : i32
    scf.for %parallel_loop3A_267 = %parallel_loop3A_190 to %parallel_loop3A_191 step %parallel_loop3A_192  : i32 {
      %parallel_loop3A_268 = arith.constant 256 : i32
      %parallel_loop3A_269 = arith.muli %parallel_loop3A_267, %parallel_loop3A_268 : i32
      %parallel_loop3A_270 = arith.constant 128 : i32
      %parallel_loop3A_271 = arith.muli %parallel_loop3A_267, %parallel_loop3A_270 : i32
      %parallel_loop3A_272 = arith.constant 0 : i32
      %parallel_loop3A_273 = arith.addi %parallel_loop3A_269, %parallel_loop3A_272 : i32
      %parallel_loop3A_274 = arith.index_cast %parallel_loop3A_273 : i32 to index
      %parallel_loop3A_275 = tpu.vector_load %arg6[%parallel_loop3A_274] {strides = array<i32>} : memref<40960xi32, #tpu.memory_space<vmem>>, vector<16xi32>,
      %parallel_loop3A_276 = arith.constant 128 : i32
      %parallel_loop3A_277 = arith.addi %parallel_loop3A_269, %parallel_loop3A_276 : i32
      %parallel_loop3A_278 = arith.constant 0 : i32
      %parallel_loop3A_279 = arith.addi %parallel_loop3A_277, %parallel_loop3A_278 : i32
      %parallel_loop3A_280 = arith.index_cast %parallel_loop3A_279 : i32 to index
      %parallel_loop3A_281 = tpu.vector_load %arg6[%parallel_loop3A_280] {strides = array<i32>} : memref<40960xi32, #tpu.memory_space<vmem>>, vector<16xi32>,
      %parallel_loop3A_282 = arith.cmpi ne, %parallel_loop3A_275, %parallel_loop3A_281 : vector<16xi32>
      %parallel_loop3A_283 = arith.select %parallel_loop3A_282, %add3A_90, %add3A_86 : vector<16xi1>, vector<16xf32>
      %parallel_loop3A_284 = arith.constant 0 : i32
      %parallel_loop3A_285 = arith.addi %parallel_loop3A_271, %parallel_loop3A_284 : i32
      %parallel_loop3A_286 = arith.index_cast %parallel_loop3A_285 : i32 to index
      %parallel_loop3A_287 = tpu.vector_load %arg8[%parallel_loop3A_286] {strides = array<i32>} : memref<20480xf32, #tpu.memory_space<vmem>>, vector<16xf32>,
      tpu.vector_store %arg8[%parallel_loop3A_286], %parallel_loop3A_283 {strides = array<i32>} : memref<20480xf32, #tpu.memory_space<vmem>>, vector<16xf32>,
      %parallel_loop3A_288 = arith.constant 16 : i32
      %parallel_loop3A_289 = arith.addi %parallel_loop3A_269, %parallel_loop3A_288 : i32
      %parallel_loop3A_290 = arith.index_cast %parallel_loop3A_289 : i32 to index
      %parallel_loop3A_291 = tpu.vector_load %arg6[%parallel_loop3A_290] {strides = array<i32>} : memref<40960xi32, #tpu.memory_space<vmem>>, vector<16xi32>,
      %parallel_loop3A_292 = arith.constant 128 : i32
      %parallel_loop3A_293 = arith.addi %parallel_loop3A_269, %parallel_loop3A_292 : i32
      %parallel_loop3A_294 = arith.constant 16 : i32
      %parallel_loop3A_295 = arith.addi %parallel_loop3A_293, %parallel_loop3A_294 : i32
      %parallel_loop3A_296 = arith.index_cast %parallel_loop3A_295 : i32 to index
      %parallel_loop3A_297 = tpu.vector_load %arg6[%parallel_loop3A_296] {strides = array<i32>} : memref<40960xi32, #tpu.memory_space<vmem>>, vector<16xi32>,
      %parallel_loop3A_298 = arith.cmpi ne, %parallel_loop3A_291, %parallel_loop3A_297 : vector<16xi32>
      %parallel_loop3A_299 = arith.select %parallel_loop3A_298, %add3A_90, %add3A_86 : vector<16xi1>, vector<16xf32>
      %parallel_loop3A_300 = arith.constant 16 : i32
      %parallel_loop3A_301 = arith.addi %parallel_loop3A_271, %parallel_loop3A_300 : i32
      %parallel_loop3A_302 = arith.index_cast %parallel_loop3A_301 : i32 to index
      %parallel_loop3A_303 = tpu.vector_load %arg8[%parallel_loop3A_302] {strides = array<i32>} : memref<20480xf32, #tpu.memory_space<vmem>>, vector<16xf32>,
      tpu.vector_store %arg8[%parallel_loop3A_302], %parallel_loop3A_299 {strides = array<i32>} : memref<20480xf32, #tpu.memory_space<vmem>>, vector<16xf32>,
      %parallel_loop3A_304 = arith.constant 32 : i32
      %parallel_loop3A_305 = arith.addi %parallel_loop3A_269, %parallel_loop3A_304 : i32
      %parallel_loop3A_306 = arith.index_cast %parallel_loop3A_305 : i32 to index
      %parallel_loop3A_307 = tpu.vector_load %arg6[%parallel_loop3A_306] {strides = array<i32>} : memref<40960xi32, #tpu.memory_space<vmem>>, vector<16xi32>,
      %parallel_loop3A_308 = arith.constant 128 : i32
      %parallel_loop3A_309 = arith.addi %parallel_loop3A_269, %parallel_loop3A_308 : i32
      %parallel_loop3A_310 = arith.constant 32 : i32
      %parallel_loop3A_311 = arith.addi %parallel_loop3A_309, %parallel_loop3A_310 : i32
      %parallel_loop3A_312 = arith.index_cast %parallel_loop3A_311 : i32 to index
      %parallel_loop3A_313 = tpu.vector_load %arg6[%parallel_loop3A_312] {strides = array<i32>} : memref<40960xi32, #tpu.memory_space<vmem>>, vector<16xi32>,
      %parallel_loop3A_314 = arith.cmpi ne, %parallel_loop3A_307, %parallel_loop3A_313 : vector<16xi32>
      %parallel_loop3A_315 = arith.select %parallel_loop3A_314, %add3A_90, %add3A_86 : vector<16xi1>, vector<16xf32>
      %parallel_loop3A_316 = arith.constant 32 : i32
      %parallel_loop3A_317 = arith.addi %parallel_loop3A_271, %parallel_loop3A_316 : i32
      %parallel_loop3A_318 = arith.index_cast %parallel_loop3A_317 : i32 to index
      %parallel_loop3A_319 = tpu.vector_load %arg8[%parallel_loop3A_318] {strides = array<i32>} : memref<20480xf32, #tpu.memory_space<vmem>>, vector<16xf32>,
      tpu.vector_store %arg8[%parallel_loop3A_318], %parallel_loop3A_315 {strides = array<i32>} : memref<20480xf32, #tpu.memory_space<vmem>>, vector<16xf32>,
      %parallel_loop3A_320 = arith.constant 48 : i32
      %parallel_loop3A_321 = arith.addi %parallel_loop3A_269, %parallel_loop3A_320 : i32
      %parallel_loop3A_322 = arith.index_cast %parallel_loop3A_321 : i32 to index
      %parallel_loop3A_323 = tpu.vector_load %arg6[%parallel_loop3A_322] {strides = array<i32>} : memref<40960xi32, #tpu.memory_space<vmem>>, vector<16xi32>,
      %parallel_loop3A_324 = arith.constant 128 : i32
      %parallel_loop3A_325 = arith.addi %parallel_loop3A_269, %parallel_loop3A_324 : i32
      %parallel_loop3A_326 = arith.constant 48 : i32
      %parallel_loop3A_327 = arith.addi %parallel_loop3A_325, %parallel_loop3A_326 : i32
      %parallel_loop3A_328 = arith.index_cast %parallel_loop3A_327 : i32 to index
      %parallel_loop3A_329 = tpu.vector_load %arg6[%parallel_loop3A_328] {strides = array<i32>} : memref<40960xi32, #tpu.memory_space<vmem>>, vector<16xi32>,
      %parallel_loop3A_330 = arith.cmpi ne, %parallel_loop3A_323, %parallel_loop3A_329 : vector<16xi32>
      %parallel_loop3A_331 = arith.select %parallel_loop3A_330, %add3A_90, %add3A_86 : vector<16xi1>, vector<16xf32>
      %parallel_loop3A_332 = arith.constant 48 : i32
      %parallel_loop3A_333 = arith.addi %parallel_loop3A_271, %parallel_loop3A_332 : i32
      %parallel_loop3A_334 = arith.index_cast %parallel_loop3A_333 : i32 to index
      %parallel_loop3A_335 = tpu.vector_load %arg8[%parallel_loop3A_334] {strides = array<i32>} : memref<20480xf32, #tpu.memory_space<vmem>>, vector<16xf32>,
      tpu.vector_store %arg8[%parallel_loop3A_334], %parallel_loop3A_331 {strides = array<i32>} : memref<20480xf32, #tpu.memory_space<vmem>>, vector<16xf32>,
      %parallel_loop3A_336 = arith.constant 64 : i32
      %parallel_loop3A_337 = arith.addi %parallel_loop3A_269, %parallel_loop3A_336 : i32
      %parallel_loop3A_338 = arith.index_cast %parallel_loop3A_337 : i32 to index
      %parallel_loop3A_339 = tpu.vector_load %arg6[%parallel_loop3A_338] {strides = array<i32>} : memref<40960xi32, #tpu.memory_space<vmem>>, vector<16xi32>,
      %parallel_loop3A_340 = arith.constant 128 : i32
      %parallel_loop3A_341 = arith.addi %parallel_loop3A_269, %parallel_loop3A_340 : i32
      %parallel_loop3A_342 = arith.constant 64 : i32
      %parallel_loop3A_343 = arith.addi %parallel_loop3A_341, %parallel_loop3A_342 : i32
      %parallel_loop3A_344 = arith.index_cast %parallel_loop3A_343 : i32 to index
      %parallel_loop3A_345 = tpu.vector_load %arg6[%parallel_loop3A_344] {strides = array<i32>} : memref<40960xi32, #tpu.memory_space<vmem>>, vector<16xi32>,
      %parallel_loop3A_346 = arith.cmpi ne, %parallel_loop3A_339, %parallel_loop3A_345 : vector<16xi32>
      %parallel_loop3A_347 = arith.select %parallel_loop3A_346, %add3A_90, %add3A_86 : vector<16xi1>, vector<16xf32>
      %parallel_loop3A_348 = arith.constant 64 : i32
      %parallel_loop3A_349 = arith.addi %parallel_loop3A_271, %parallel_loop3A_348 : i32
      %parallel_loop3A_350 = arith.index_cast %parallel_loop3A_349 : i32 to index
      %parallel_loop3A_351 = tpu.vector_load %arg8[%parallel_loop3A_350] {strides = array<i32>} : memref<20480xf32, #tpu.memory_space<vmem>>, vector<16xf32>,
      tpu.vector_store %arg8[%parallel_loop3A_350], %parallel_loop3A_347 {strides = array<i32>} : memref<20480xf32, #tpu.memory_space<vmem>>, vector<16xf32>,
      %parallel_loop3A_352 = arith.constant 80 : i32
      %parallel_loop3A_353 = arith.addi %parallel_loop3A_269, %parallel_loop3A_352 : i32
      %parallel_loop3A_354 = arith.index_cast %parallel_loop3A_353 : i32 to index
      %parallel_loop3A_355 = tpu.vector_load %arg6[%parallel_loop3A_354] {strides = array<i32>} : memref<40960xi32, #tpu.memory_space<vmem>>, vector<16xi32>,
      %parallel_loop3A_356 = arith.constant 128 : i32
      %parallel_loop3A_357 = arith.addi %parallel_loop3A_269, %parallel_loop3A_356 : i32
      %parallel_loop3A_358 = arith.constant 80 : i32
      %parallel_loop3A_359 = arith.addi %parallel_loop3A_357, %parallel_loop3A_358 : i32
      %parallel_loop3A_360 = arith.index_cast %parallel_loop3A_359 : i32 to index
      %parallel_loop3A_361 = tpu.vector_load %arg6[%parallel_loop3A_360] {strides = array<i32>} : memref<40960xi32, #tpu.memory_space<vmem>>, vector<16xi32>,
      %parallel_loop3A_362 = arith.cmpi ne, %parallel_loop3A_355, %parallel_loop3A_361 : vector<16xi32>
      %parallel_loop3A_363 = arith.select %parallel_loop3A_362, %add3A_90, %add3A_86 : vector<16xi1>, vector<16xf32>
      %parallel_loop3A_364 = arith.constant 80 : i32
      %parallel_loop3A_365 = arith.addi %parallel_loop3A_271, %parallel_loop3A_364 : i32
      %parallel_loop3A_366 = arith.index_cast %parallel_loop3A_365 : i32 to index
      %parallel_loop3A_367 = tpu.vector_load %arg8[%parallel_loop3A_366] {strides = array<i32>} : memref<20480xf32, #tpu.memory_space<vmem>>, vector<16xf32>,
      tpu.vector_store %arg8[%parallel_loop3A_366], %parallel_loop3A_363 {strides = array<i32>} : memref<20480xf32, #tpu.memory_space<vmem>>, vector<16xf32>,
      %parallel_loop3A_368 = arith.constant 96 : i32
      %parallel_loop3A_369 = arith.addi %parallel_loop3A_269, %parallel_loop3A_368 : i32
      %parallel_loop3A_370 = arith.index_cast %parallel_loop3A_369 : i32 to index
      %parallel_loop3A_371 = tpu.vector_load %arg6[%parallel_loop3A_370] {strides = array<i32>} : memref<40960xi32, #tpu.memory_space<vmem>>, vector<16xi32>,
      %parallel_loop3A_372 = arith.constant 128 : i32
      %parallel_loop3A_373 = arith.addi %parallel_loop3A_269, %parallel_loop3A_372 : i32
      %parallel_loop3A_374 = arith.constant 96 : i32
      %parallel_loop3A_375 = arith.addi %parallel_loop3A_373, %parallel_loop3A_374 : i32
      %parallel_loop3A_376 = arith.index_cast %parallel_loop3A_375 : i32 to index
      %parallel_loop3A_377 = tpu.vector_load %arg6[%parallel_loop3A_376] {strides = array<i32>} : memref<40960xi32, #tpu.memory_space<vmem>>, vector<16xi32>,
      %parallel_loop3A_378 = arith.cmpi ne, %parallel_loop3A_371, %parallel_loop3A_377 : vector<16xi32>
      %parallel_loop3A_379 = arith.select %parallel_loop3A_378, %add3A_90, %add3A_86 : vector<16xi1>, vector<16xf32>
      %parallel_loop3A_380 = arith.constant 96 : i32
      %parallel_loop3A_381 = arith.addi %parallel_loop3A_271, %parallel_loop3A_380 : i32
      %parallel_loop3A_382 = arith.index_cast %parallel_loop3A_381 : i32 to index
      %parallel_loop3A_383 = tpu.vector_load %arg8[%parallel_loop3A_382] {strides = array<i32>} : memref<20480xf32, #tpu.memory_space<vmem>>, vector<16xf32>,
      tpu.vector_store %arg8[%parallel_loop3A_382], %parallel_loop3A_379 {strides = array<i32>} : memref<20480xf32, #tpu.memory_space<vmem>>, vector<16xf32>,
      %parallel_loop3A_384 = arith.constant 112 : i32
      %parallel_loop3A_385 = arith.addi %parallel_loop3A_269, %parallel_loop3A_384 : i32
      %parallel_loop3A_386 = arith.index_cast %parallel_loop3A_385 : i32 to index
      %parallel_loop3A_387 = tpu.vector_load %arg6[%parallel_loop3A_386] {strides = array<i32>} : memref<40960xi32, #tpu.memory_space<vmem>>, vector<16xi32>,
      %parallel_loop3A_388 = arith.constant 128 : i32
      %parallel_loop3A_389 = arith.addi %parallel_loop3A_269, %parallel_loop3A_388 : i32
      %parallel_loop3A_390 = arith.constant 112 : i32
      %parallel_loop3A_391 = arith.addi %parallel_loop3A_389, %parallel_loop3A_390 : i32
      %parallel_loop3A_392 = arith.index_cast %parallel_loop3A_391 : i32 to index
      %parallel_loop3A_393 = tpu.vector_load %arg6[%parallel_loop3A_392] {strides = array<i32>} : memref<40960xi32, #tpu.memory_space<vmem>>, vector<16xi32>,
      %parallel_loop3A_394 = arith.cmpi ne, %parallel_loop3A_387, %parallel_loop3A_393 : vector<16xi32>
      %parallel_loop3A_395 = arith.select %parallel_loop3A_394, %add3A_90, %add3A_86 : vector<16xi1>, vector<16xf32>
      %parallel_loop3A_396 = arith.constant 112 : i32
      %parallel_loop3A_397 = arith.addi %parallel_loop3A_271, %parallel_loop3A_396 : i32
      %parallel_loop3A_398 = arith.index_cast %parallel_loop3A_397 : i32 to index
      %parallel_loop3A_399 = tpu.vector_load %arg8[%parallel_loop3A_398] {strides = array<i32>} : memref<20480xf32, #tpu.memory_space<vmem>>, vector<16xf32>,
      tpu.vector_store %arg8[%parallel_loop3A_398], %parallel_loop3A_395 {strides = array<i32>} : memref<20480xf32, #tpu.memory_space<vmem>>, vector<16xf32>,
    } {sc.loop_unroll_factor = 8 : i64, sc.parallel_access}
    %add3A_193 = arith.constant 51200 : i32
    %add3A_194 = arith.addi %mul3A_4, %add3A_193 : i32
    %dma_start3A_195 = arith.constant 0 : i32
    %dma_start3A_196 = tpu.memref_slice %arg8[%dma_start3A_195] : memref<20480xf32, #tpu.memory_space<vmem>> -> memref<20480xf32, #tpu.memory_space<vmem>>
    %dma_start3A_197 = tpu.memref_slice %arg4[%add3A_194] : memref<3276800xf32, #tpu.memory_space<hbm>> -> memref<20480xf32, #tpu.memory_space<hbm>>
    %dma_start3A_198 = tpu.memref_slice %arg4[%add3A_194] : memref<3276800xf32, #tpu.memory_space<hbm>> -> memref<20480xf32, #tpu.memory_space<hbm>>
    %dma_start3A_199 = arith.constant 0 : i32
    %dma_start3A_200 = tpu.memref_slice %arg8[%dma_start3A_199] : memref<20480xf32, #tpu.memory_space<vmem>> -> memref<20480xf32, #tpu.memory_space<vmem>>
    tpu.enqueue_dma source(%dma_start3A_200 : memref<20480xf32, #tpu.memory_space<vmem>>) target(%dma_start3A_198 : memref<20480xf32, #tpu.memory_space<hbm>>) target_semaphore(%arg13 : memref<!tpu.dma_semaphore, #tpu.memory_space<semaphore_mem>>)
    %add3A_201 = arith.constant 184320 : i32
    %add3A_202 = arith.addi %mul3A_2, %add3A_201 : i32
    %dma_start3A_203 = arith.constant 0 : i32
    %dma_start3A_204 = tpu.memref_slice %arg6[%dma_start3A_203] : memref<40960xi32, #tpu.memory_space<vmem>> -> memref<20480xi32, #tpu.memory_space<vmem>>
    %dma_start3A_205 = tpu.memref_slice %arg2[%add3A_202] : memref<6553600xi32, #tpu.memory_space<hbm>> -> memref<20480xi32, #tpu.memory_space<hbm>>
    %dma_start3A_206 = arith.constant 0 : i32
    %dma_start3A_207 = tpu.memref_slice %arg6[%dma_start3A_206] : memref<40960xi32, #tpu.memory_space<vmem>> -> memref<20480xi32, #tpu.memory_space<vmem>>
    %dma_start3A_208 = tpu.memref_slice %arg2[%add3A_202] : memref<6553600xi32, #tpu.memory_space<hbm>> -> memref<20480xi32, #tpu.memory_space<hbm>>
    tpu.enqueue_dma source(%dma_start3A_208 : memref<20480xi32, #tpu.memory_space<hbm>>) target(%dma_start3A_207 : memref<20480xi32, #tpu.memory_space<vmem>>) target_semaphore(%arg11 : memref<!tpu.dma_semaphore, #tpu.memory_space<semaphore_mem>>)
    %dma_wait3A_209 = arith.constant 0 : i32
    %dma_wait3A_210 = tpu.memref_slice %arg5[%dma_wait3A_209] : memref<40960xi32, #tpu.memory_space<vmem>> -> memref<40960xi32, #tpu.memory_space<vmem>>
    %dma_wait3A_211 = tpu.memref_slice %arg2[%add3A_171] : memref<6553600xi32, #tpu.memory_space<hbm>> -> memref<40960xi32, #tpu.memory_space<hbm>>
    %dma_wait3A_212 = arith.constant 0 : i32
    %dma_wait3A_213 = tpu.memref_slice %arg5[%dma_wait3A_212] : memref<40960xi32, #tpu.memory_space<vmem>> -> memref<40960xi32, #tpu.memory_space<vmem>>
    %dma_wait3A_214 = tpu.memref_slice %arg2[%add3A_171] : memref<6553600xi32, #tpu.memory_space<hbm>> -> memref<40960xi32, #tpu.memory_space<hbm>>
    tpu.wait_dma2 semaphore(%arg10 : memref<!tpu.dma_semaphore, #tpu.memory_space<semaphore_mem>>) src(%dma_wait3A_214 : memref<40960xi32, #tpu.memory_space<hbm>>) dst(%dma_wait3A_213 : memref<40960xi32, #tpu.memory_space<vmem>>)
    %dma_wait3A_215 = arith.constant 0 : i32
    %dma_wait3A_216 = tpu.memref_slice %arg7[%dma_wait3A_215] : memref<20480xf32, #tpu.memory_space<vmem>> -> memref<20480xf32, #tpu.memory_space<vmem>>
    %dma_wait3A_217 = tpu.memref_slice %arg4[%add3A_163] : memref<3276800xf32, #tpu.memory_space<hbm>> -> memref<20480xf32, #tpu.memory_space<hbm>>
    %dma_wait3A_218 = tpu.memref_slice %arg4[%add3A_163] : memref<3276800xf32, #tpu.memory_space<hbm>> -> memref<20480xf32, #tpu.memory_space<hbm>>
    %dma_wait3A_219 = arith.constant 0 : i32
    %dma_wait3A_220 = tpu.memref_slice %arg7[%dma_wait3A_219] : memref<20480xf32, #tpu.memory_space<vmem>> -> memref<20480xf32, #tpu.memory_space<vmem>>
    tpu.wait_dma2 semaphore(%arg12 : memref<!tpu.dma_semaphore, #tpu.memory_space<semaphore_mem>>) src(%dma_wait3A_220 : memref<20480xf32, #tpu.memory_space<vmem>>) dst(%dma_wait3A_218 : memref<20480xf32, #tpu.memory_space<hbm>>)
    %parallel_loop3A_221 = arith.constant 0 : i32
    %parallel_loop3A_222 = arith.constant 160 : i32
    %parallel_loop3A_223 = arith.constant 1 : i32
    scf.for %parallel_loop3A_267 = %parallel_loop3A_221 to %parallel_loop3A_222 step %parallel_loop3A_223  : i32 {
      %parallel_loop3A_268 = arith.constant 256 : i32
      %parallel_loop3A_269 = arith.muli %parallel_loop3A_267, %parallel_loop3A_268 : i32
      %parallel_loop3A_270 = arith.constant 128 : i32
      %parallel_loop3A_271 = arith.muli %parallel_loop3A_267, %parallel_loop3A_270 : i32
      %parallel_loop3A_272 = arith.constant 0 : i32
      %parallel_loop3A_273 = arith.addi %parallel_loop3A_269, %parallel_loop3A_272 : i32
      %parallel_loop3A_274 = arith.index_cast %parallel_loop3A_273 : i32 to index
      %parallel_loop3A_275 = tpu.vector_load %arg5[%parallel_loop3A_274] {strides = array<i32>} : memref<40960xi32, #tpu.memory_space<vmem>>, vector<16xi32>,
      %parallel_loop3A_276 = arith.constant 128 : i32
      %parallel_loop3A_277 = arith.addi %parallel_loop3A_269, %parallel_loop3A_276 : i32
      %parallel_loop3A_278 = arith.constant 0 : i32
      %parallel_loop3A_279 = arith.addi %parallel_loop3A_277, %parallel_loop3A_278 : i32
      %parallel_loop3A_280 = arith.index_cast %parallel_loop3A_279 : i32 to index
      %parallel_loop3A_281 = tpu.vector_load %arg5[%parallel_loop3A_280] {strides = array<i32>} : memref<40960xi32, #tpu.memory_space<vmem>>, vector<16xi32>,
      %parallel_loop3A_282 = arith.cmpi ne, %parallel_loop3A_275, %parallel_loop3A_281 : vector<16xi32>
      %parallel_loop3A_283 = arith.select %parallel_loop3A_282, %add3A_90, %add3A_86 : vector<16xi1>, vector<16xf32>
      %parallel_loop3A_284 = arith.constant 0 : i32
      %parallel_loop3A_285 = arith.addi %parallel_loop3A_271, %parallel_loop3A_284 : i32
      %parallel_loop3A_286 = arith.index_cast %parallel_loop3A_285 : i32 to index
      %parallel_loop3A_287 = tpu.vector_load %arg7[%parallel_loop3A_286] {strides = array<i32>} : memref<20480xf32, #tpu.memory_space<vmem>>, vector<16xf32>,
      tpu.vector_store %arg7[%parallel_loop3A_286], %parallel_loop3A_283 {strides = array<i32>} : memref<20480xf32, #tpu.memory_space<vmem>>, vector<16xf32>,
      %parallel_loop3A_288 = arith.constant 16 : i32
      %parallel_loop3A_289 = arith.addi %parallel_loop3A_269, %parallel_loop3A_288 : i32
      %parallel_loop3A_290 = arith.index_cast %parallel_loop3A_289 : i32 to index
      %parallel_loop3A_291 = tpu.vector_load %arg5[%parallel_loop3A_290] {strides = array<i32>} : memref<40960xi32, #tpu.memory_space<vmem>>, vector<16xi32>,
      %parallel_loop3A_292 = arith.constant 128 : i32
      %parallel_loop3A_293 = arith.addi %parallel_loop3A_269, %parallel_loop3A_292 : i32
      %parallel_loop3A_294 = arith.constant 16 : i32
      %parallel_loop3A_295 = arith.addi %parallel_loop3A_293, %parallel_loop3A_294 : i32
      %parallel_loop3A_296 = arith.index_cast %parallel_loop3A_295 : i32 to index
      %parallel_loop3A_297 = tpu.vector_load %arg5[%parallel_loop3A_296] {strides = array<i32>} : memref<40960xi32, #tpu.memory_space<vmem>>, vector<16xi32>,
      %parallel_loop3A_298 = arith.cmpi ne, %parallel_loop3A_291, %parallel_loop3A_297 : vector<16xi32>
      %parallel_loop3A_299 = arith.select %parallel_loop3A_298, %add3A_90, %add3A_86 : vector<16xi1>, vector<16xf32>
      %parallel_loop3A_300 = arith.constant 16 : i32
      %parallel_loop3A_301 = arith.addi %parallel_loop3A_271, %parallel_loop3A_300 : i32
      %parallel_loop3A_302 = arith.index_cast %parallel_loop3A_301 : i32 to index
      %parallel_loop3A_303 = tpu.vector_load %arg7[%parallel_loop3A_302] {strides = array<i32>} : memref<20480xf32, #tpu.memory_space<vmem>>, vector<16xf32>,
      tpu.vector_store %arg7[%parallel_loop3A_302], %parallel_loop3A_299 {strides = array<i32>} : memref<20480xf32, #tpu.memory_space<vmem>>, vector<16xf32>,
      %parallel_loop3A_304 = arith.constant 32 : i32
      %parallel_loop3A_305 = arith.addi %parallel_loop3A_269, %parallel_loop3A_304 : i32
      %parallel_loop3A_306 = arith.index_cast %parallel_loop3A_305 : i32 to index
      %parallel_loop3A_307 = tpu.vector_load %arg5[%parallel_loop3A_306] {strides = array<i32>} : memref<40960xi32, #tpu.memory_space<vmem>>, vector<16xi32>,
      %parallel_loop3A_308 = arith.constant 128 : i32
      %parallel_loop3A_309 = arith.addi %parallel_loop3A_269, %parallel_loop3A_308 : i32
      %parallel_loop3A_310 = arith.constant 32 : i32
      %parallel_loop3A_311 = arith.addi %parallel_loop3A_309, %parallel_loop3A_310 : i32
      %parallel_loop3A_312 = arith.index_cast %parallel_loop3A_311 : i32 to index
      %parallel_loop3A_313 = tpu.vector_load %arg5[%parallel_loop3A_312] {strides = array<i32>} : memref<40960xi32, #tpu.memory_space<vmem>>, vector<16xi32>,
      %parallel_loop3A_314 = arith.cmpi ne, %parallel_loop3A_307, %parallel_loop3A_313 : vector<16xi32>
      %parallel_loop3A_315 = arith.select %parallel_loop3A_314, %add3A_90, %add3A_86 : vector<16xi1>, vector<16xf32>
      %parallel_loop3A_316 = arith.constant 32 : i32
      %parallel_loop3A_317 = arith.addi %parallel_loop3A_271, %parallel_loop3A_316 : i32
      %parallel_loop3A_318 = arith.index_cast %parallel_loop3A_317 : i32 to index
      %parallel_loop3A_319 = tpu.vector_load %arg7[%parallel_loop3A_318] {strides = array<i32>} : memref<20480xf32, #tpu.memory_space<vmem>>, vector<16xf32>,
      tpu.vector_store %arg7[%parallel_loop3A_318], %parallel_loop3A_315 {strides = array<i32>} : memref<20480xf32, #tpu.memory_space<vmem>>, vector<16xf32>,
      %parallel_loop3A_320 = arith.constant 48 : i32
      %parallel_loop3A_321 = arith.addi %parallel_loop3A_269, %parallel_loop3A_320 : i32
      %parallel_loop3A_322 = arith.index_cast %parallel_loop3A_321 : i32 to index
      %parallel_loop3A_323 = tpu.vector_load %arg5[%parallel_loop3A_322] {strides = array<i32>} : memref<40960xi32, #tpu.memory_space<vmem>>, vector<16xi32>,
      %parallel_loop3A_324 = arith.constant 128 : i32
      %parallel_loop3A_325 = arith.addi %parallel_loop3A_269, %parallel_loop3A_324 : i32
      %parallel_loop3A_326 = arith.constant 48 : i32
      %parallel_loop3A_327 = arith.addi %parallel_loop3A_325, %parallel_loop3A_326 : i32
      %parallel_loop3A_328 = arith.index_cast %parallel_loop3A_327 : i32 to index
      %parallel_loop3A_329 = tpu.vector_load %arg5[%parallel_loop3A_328] {strides = array<i32>} : memref<40960xi32, #tpu.memory_space<vmem>>, vector<16xi32>,
      %parallel_loop3A_330 = arith.cmpi ne, %parallel_loop3A_323, %parallel_loop3A_329 : vector<16xi32>
      %parallel_loop3A_331 = arith.select %parallel_loop3A_330, %add3A_90, %add3A_86 : vector<16xi1>, vector<16xf32>
      %parallel_loop3A_332 = arith.constant 48 : i32
      %parallel_loop3A_333 = arith.addi %parallel_loop3A_271, %parallel_loop3A_332 : i32
      %parallel_loop3A_334 = arith.index_cast %parallel_loop3A_333 : i32 to index
      %parallel_loop3A_335 = tpu.vector_load %arg7[%parallel_loop3A_334] {strides = array<i32>} : memref<20480xf32, #tpu.memory_space<vmem>>, vector<16xf32>,
      tpu.vector_store %arg7[%parallel_loop3A_334], %parallel_loop3A_331 {strides = array<i32>} : memref<20480xf32, #tpu.memory_space<vmem>>, vector<16xf32>,
      %parallel_loop3A_336 = arith.constant 64 : i32
      %parallel_loop3A_337 = arith.addi %parallel_loop3A_269, %parallel_loop3A_336 : i32
      %parallel_loop3A_338 = arith.index_cast %parallel_loop3A_337 : i32 to index
      %parallel_loop3A_339 = tpu.vector_load %arg5[%parallel_loop3A_338] {strides = array<i32>} : memref<40960xi32, #tpu.memory_space<vmem>>, vector<16xi32>,
      %parallel_loop3A_340 = arith.constant 128 : i32
      %parallel_loop3A_341 = arith.addi %parallel_loop3A_269, %parallel_loop3A_340 : i32
      %parallel_loop3A_342 = arith.constant 64 : i32
      %parallel_loop3A_343 = arith.addi %parallel_loop3A_341, %parallel_loop3A_342 : i32
      %parallel_loop3A_344 = arith.index_cast %parallel_loop3A_343 : i32 to index
      %parallel_loop3A_345 = tpu.vector_load %arg5[%parallel_loop3A_344] {strides = array<i32>} : memref<40960xi32, #tpu.memory_space<vmem>>, vector<16xi32>,
      %parallel_loop3A_346 = arith.cmpi ne, %parallel_loop3A_339, %parallel_loop3A_345 : vector<16xi32>
      %parallel_loop3A_347 = arith.select %parallel_loop3A_346, %add3A_90, %add3A_86 : vector<16xi1>, vector<16xf32>
      %parallel_loop3A_348 = arith.constant 64 : i32
      %parallel_loop3A_349 = arith.addi %parallel_loop3A_271, %parallel_loop3A_348 : i32
      %parallel_loop3A_350 = arith.index_cast %parallel_loop3A_349 : i32 to index
      %parallel_loop3A_351 = tpu.vector_load %arg7[%parallel_loop3A_350] {strides = array<i32>} : memref<20480xf32, #tpu.memory_space<vmem>>, vector<16xf32>,
      tpu.vector_store %arg7[%parallel_loop3A_350], %parallel_loop3A_347 {strides = array<i32>} : memref<20480xf32, #tpu.memory_space<vmem>>, vector<16xf32>,
      %parallel_loop3A_352 = arith.constant 80 : i32
      %parallel_loop3A_353 = arith.addi %parallel_loop3A_269, %parallel_loop3A_352 : i32
      %parallel_loop3A_354 = arith.index_cast %parallel_loop3A_353 : i32 to index
      %parallel_loop3A_355 = tpu.vector_load %arg5[%parallel_loop3A_354] {strides = array<i32>} : memref<40960xi32, #tpu.memory_space<vmem>>, vector<16xi32>,
      %parallel_loop3A_356 = arith.constant 128 : i32
      %parallel_loop3A_357 = arith.addi %parallel_loop3A_269, %parallel_loop3A_356 : i32
      %parallel_loop3A_358 = arith.constant 80 : i32
      %parallel_loop3A_359 = arith.addi %parallel_loop3A_357, %parallel_loop3A_358 : i32
      %parallel_loop3A_360 = arith.index_cast %parallel_loop3A_359 : i32 to index
      %parallel_loop3A_361 = tpu.vector_load %arg5[%parallel_loop3A_360] {strides = array<i32>} : memref<40960xi32, #tpu.memory_space<vmem>>, vector<16xi32>,
      %parallel_loop3A_362 = arith.cmpi ne, %parallel_loop3A_355, %parallel_loop3A_361 : vector<16xi32>
      %parallel_loop3A_363 = arith.select %parallel_loop3A_362, %add3A_90, %add3A_86 : vector<16xi1>, vector<16xf32>
      %parallel_loop3A_364 = arith.constant 80 : i32
      %parallel_loop3A_365 = arith.addi %parallel_loop3A_271, %parallel_loop3A_364 : i32
      %parallel_loop3A_366 = arith.index_cast %parallel_loop3A_365 : i32 to index
      %parallel_loop3A_367 = tpu.vector_load %arg7[%parallel_loop3A_366] {strides = array<i32>} : memref<20480xf32, #tpu.memory_space<vmem>>, vector<16xf32>,
      tpu.vector_store %arg7[%parallel_loop3A_366], %parallel_loop3A_363 {strides = array<i32>} : memref<20480xf32, #tpu.memory_space<vmem>>, vector<16xf32>,
      %parallel_loop3A_368 = arith.constant 96 : i32
      %parallel_loop3A_369 = arith.addi %parallel_loop3A_269, %parallel_loop3A_368 : i32
      %parallel_loop3A_370 = arith.index_cast %parallel_loop3A_369 : i32 to index
      %parallel_loop3A_371 = tpu.vector_load %arg5[%parallel_loop3A_370] {strides = array<i32>} : memref<40960xi32, #tpu.memory_space<vmem>>, vector<16xi32>,
      %parallel_loop3A_372 = arith.constant 128 : i32
      %parallel_loop3A_373 = arith.addi %parallel_loop3A_269, %parallel_loop3A_372 : i32
      %parallel_loop3A_374 = arith.constant 96 : i32
      %parallel_loop3A_375 = arith.addi %parallel_loop3A_373, %parallel_loop3A_374 : i32
      %parallel_loop3A_376 = arith.index_cast %parallel_loop3A_375 : i32 to index
      %parallel_loop3A_377 = tpu.vector_load %arg5[%parallel_loop3A_376] {strides = array<i32>} : memref<40960xi32, #tpu.memory_space<vmem>>, vector<16xi32>,
      %parallel_loop3A_378 = arith.cmpi ne, %parallel_loop3A_371, %parallel_loop3A_377 : vector<16xi32>
      %parallel_loop3A_379 = arith.select %parallel_loop3A_378, %add3A_90, %add3A_86 : vector<16xi1>, vector<16xf32>
      %parallel_loop3A_380 = arith.constant 96 : i32
      %parallel_loop3A_381 = arith.addi %parallel_loop3A_271, %parallel_loop3A_380 : i32
      %parallel_loop3A_382 = arith.index_cast %parallel_loop3A_381 : i32 to index
      %parallel_loop3A_383 = tpu.vector_load %arg7[%parallel_loop3A_382] {strides = array<i32>} : memref<20480xf32, #tpu.memory_space<vmem>>, vector<16xf32>,
      tpu.vector_store %arg7[%parallel_loop3A_382], %parallel_loop3A_379 {strides = array<i32>} : memref<20480xf32, #tpu.memory_space<vmem>>, vector<16xf32>,
      %parallel_loop3A_384 = arith.constant 112 : i32
      %parallel_loop3A_385 = arith.addi %parallel_loop3A_269, %parallel_loop3A_384 : i32
      %parallel_loop3A_386 = arith.index_cast %parallel_loop3A_385 : i32 to index
      %parallel_loop3A_387 = tpu.vector_load %arg5[%parallel_loop3A_386] {strides = array<i32>} : memref<40960xi32, #tpu.memory_space<vmem>>, vector<16xi32>,
      %parallel_loop3A_388 = arith.constant 128 : i32
      %parallel_loop3A_389 = arith.addi %parallel_loop3A_269, %parallel_loop3A_388 : i32
      %parallel_loop3A_390 = arith.constant 112 : i32
      %parallel_loop3A_391 = arith.addi %parallel_loop3A_389, %parallel_loop3A_390 : i32
      %parallel_loop3A_392 = arith.index_cast %parallel_loop3A_391 : i32 to index
      %parallel_loop3A_393 = tpu.vector_load %arg5[%parallel_loop3A_392] {strides = array<i32>} : memref<40960xi32, #tpu.memory_space<vmem>>, vector<16xi32>,
      %parallel_loop3A_394 = arith.cmpi ne, %parallel_loop3A_387, %parallel_loop3A_393 : vector<16xi32>
      %parallel_loop3A_395 = arith.select %parallel_loop3A_394, %add3A_90, %add3A_86 : vector<16xi1>, vector<16xf32>
      %parallel_loop3A_396 = arith.constant 112 : i32
      %parallel_loop3A_397 = arith.addi %parallel_loop3A_271, %parallel_loop3A_396 : i32
      %parallel_loop3A_398 = arith.index_cast %parallel_loop3A_397 : i32 to index
      %parallel_loop3A_399 = tpu.vector_load %arg7[%parallel_loop3A_398] {strides = array<i32>} : memref<20480xf32, #tpu.memory_space<vmem>>, vector<16xf32>,
      tpu.vector_store %arg7[%parallel_loop3A_398], %parallel_loop3A_395 {strides = array<i32>} : memref<20480xf32, #tpu.memory_space<vmem>>, vector<16xf32>,
    } {sc.loop_unroll_factor = 8 : i64, sc.parallel_access}
    %add3A_224 = arith.constant 71680 : i32
    %add3A_225 = arith.addi %mul3A_4, %add3A_224 : i32
    %dma_start3A_226 = arith.constant 0 : i32
    %dma_start3A_227 = tpu.memref_slice %arg7[%dma_start3A_226] : memref<20480xf32, #tpu.memory_space<vmem>> -> memref<20480xf32, #tpu.memory_space<vmem>>
    %dma_start3A_228 = tpu.memref_slice %arg4[%add3A_225] : memref<3276800xf32, #tpu.memory_space<hbm>> -> memref<20480xf32, #tpu.memory_space<hbm>>
    %dma_start3A_229 = tpu.memref_slice %arg4[%add3A_225] : memref<3276800xf32, #tpu.memory_space<hbm>> -> memref<20480xf32, #tpu.memory_space<hbm>>
    %dma_start3A_230 = arith.constant 0 : i32
    %dma_start3A_231 = tpu.memref_slice %arg7[%dma_start3A_230] : memref<20480xf32, #tpu.memory_space<vmem>> -> memref<20480xf32, #tpu.memory_space<vmem>>
    tpu.enqueue_dma source(%dma_start3A_231 : memref<20480xf32, #tpu.memory_space<vmem>>) target(%dma_start3A_229 : memref<20480xf32, #tpu.memory_space<hbm>>) target_semaphore(%arg12 : memref<!tpu.dma_semaphore, #tpu.memory_space<semaphore_mem>>)
    %dma_wait3A_232 = arith.constant 0 : i32
    %dma_wait3A_233 = tpu.memref_slice %arg6[%dma_wait3A_232] : memref<40960xi32, #tpu.memory_space<vmem>> -> memref<20480xi32, #tpu.memory_space<vmem>>
    %dma_wait3A_234 = tpu.memref_slice %arg2[%add3A_202] : memref<6553600xi32, #tpu.memory_space<hbm>> -> memref<20480xi32, #tpu.memory_space<hbm>>
    %dma_wait3A_235 = arith.constant 0 : i32
    %dma_wait3A_236 = tpu.memref_slice %arg6[%dma_wait3A_235] : memref<40960xi32, #tpu.memory_space<vmem>> -> memref<20480xi32, #tpu.memory_space<vmem>>
    %dma_wait3A_237 = tpu.memref_slice %arg2[%add3A_202] : memref<6553600xi32, #tpu.memory_space<hbm>> -> memref<20480xi32, #tpu.memory_space<hbm>>
    tpu.wait_dma2 semaphore(%arg11 : memref<!tpu.dma_semaphore, #tpu.memory_space<semaphore_mem>>) src(%dma_wait3A_237 : memref<20480xi32, #tpu.memory_space<hbm>>) dst(%dma_wait3A_236 : memref<20480xi32, #tpu.memory_space<vmem>>)
    %dma_wait3A_238 = arith.constant 0 : i32
    %dma_wait3A_239 = tpu.memref_slice %arg8[%dma_wait3A_238] : memref<20480xf32, #tpu.memory_space<vmem>> -> memref<20480xf32, #tpu.memory_space<vmem>>
    %dma_wait3A_240 = tpu.memref_slice %arg4[%add3A_194] : memref<3276800xf32, #tpu.memory_space<hbm>> -> memref<20480xf32, #tpu.memory_space<hbm>>
    %dma_wait3A_241 = tpu.memref_slice %arg4[%add3A_194] : memref<3276800xf32, #tpu.memory_space<hbm>> -> memref<20480xf32, #tpu.memory_space<hbm>>
    %dma_wait3A_242 = arith.constant 0 : i32
    %dma_wait3A_243 = tpu.memref_slice %arg8[%dma_wait3A_242] : memref<20480xf32, #tpu.memory_space<vmem>> -> memref<20480xf32, #tpu.memory_space<vmem>>
    tpu.wait_dma2 semaphore(%arg13 : memref<!tpu.dma_semaphore, #tpu.memory_space<semaphore_mem>>) src(%dma_wait3A_243 : memref<20480xf32, #tpu.memory_space<vmem>>) dst(%dma_wait3A_241 : memref<20480xf32, #tpu.memory_space<hbm>>)
    %parallel_loop3A_244 = arith.constant 0 : i32
    %parallel_loop3A_245 = arith.constant 80 : i32
    %parallel_loop3A_246 = arith.constant 1 : i32
    scf.for %parallel_loop3A_267 = %parallel_loop3A_244 to %parallel_loop3A_245 step %parallel_loop3A_246  : i32 {
      %parallel_loop3A_268 = arith.constant 256 : i32
      %parallel_loop3A_269 = arith.muli %parallel_loop3A_267, %parallel_loop3A_268 : i32
      %parallel_loop3A_270 = arith.constant 128 : i32
      %parallel_loop3A_271 = arith.muli %parallel_loop3A_267, %parallel_loop3A_270 : i32
      %parallel_loop3A_272 = arith.constant 0 : i32
      %parallel_loop3A_273 = arith.addi %parallel_loop3A_269, %parallel_loop3A_272 : i32
      %parallel_loop3A_274 = arith.index_cast %parallel_loop3A_273 : i32 to index
      %parallel_loop3A_275 = tpu.vector_load %arg6[%parallel_loop3A_274] {strides = array<i32>} : memref<40960xi32, #tpu.memory_space<vmem>>, vector<16xi32>,
      %parallel_loop3A_276 = arith.constant 128 : i32
      %parallel_loop3A_277 = arith.addi %parallel_loop3A_269, %parallel_loop3A_276 : i32
      %parallel_loop3A_278 = arith.constant 0 : i32
      %parallel_loop3A_279 = arith.addi %parallel_loop3A_277, %parallel_loop3A_278 : i32
      %parallel_loop3A_280 = arith.index_cast %parallel_loop3A_279 : i32 to index
      %parallel_loop3A_281 = tpu.vector_load %arg6[%parallel_loop3A_280] {strides = array<i32>} : memref<40960xi32, #tpu.memory_space<vmem>>, vector<16xi32>,
      %parallel_loop3A_282 = arith.cmpi ne, %parallel_loop3A_275, %parallel_loop3A_281 : vector<16xi32>
      %parallel_loop3A_283 = arith.select %parallel_loop3A_282, %add3A_90, %add3A_86 : vector<16xi1>, vector<16xf32>
      %parallel_loop3A_284 = arith.constant 0 : i32
      %parallel_loop3A_285 = arith.addi %parallel_loop3A_271, %parallel_loop3A_284 : i32
      %parallel_loop3A_286 = arith.index_cast %parallel_loop3A_285 : i32 to index
      %parallel_loop3A_287 = tpu.vector_load %arg8[%parallel_loop3A_286] {strides = array<i32>} : memref<20480xf32, #tpu.memory_space<vmem>>, vector<16xf32>,
      tpu.vector_store %arg8[%parallel_loop3A_286], %parallel_loop3A_283 {strides = array<i32>} : memref<20480xf32, #tpu.memory_space<vmem>>, vector<16xf32>,
      %parallel_loop3A_288 = arith.constant 16 : i32
      %parallel_loop3A_289 = arith.addi %parallel_loop3A_269, %parallel_loop3A_288 : i32
      %parallel_loop3A_290 = arith.index_cast %parallel_loop3A_289 : i32 to index
      %parallel_loop3A_291 = tpu.vector_load %arg6[%parallel_loop3A_290] {strides = array<i32>} : memref<40960xi32, #tpu.memory_space<vmem>>, vector<16xi32>,
      %parallel_loop3A_292 = arith.constant 128 : i32
      %parallel_loop3A_293 = arith.addi %parallel_loop3A_269, %parallel_loop3A_292 : i32
      %parallel_loop3A_294 = arith.constant 16 : i32
      %parallel_loop3A_295 = arith.addi %parallel_loop3A_293, %parallel_loop3A_294 : i32
      %parallel_loop3A_296 = arith.index_cast %parallel_loop3A_295 : i32 to index
      %parallel_loop3A_297 = tpu.vector_load %arg6[%parallel_loop3A_296] {strides = array<i32>} : memref<40960xi32, #tpu.memory_space<vmem>>, vector<16xi32>,
      %parallel_loop3A_298 = arith.cmpi ne, %parallel_loop3A_291, %parallel_loop3A_297 : vector<16xi32>
      %parallel_loop3A_299 = arith.select %parallel_loop3A_298, %add3A_90, %add3A_86 : vector<16xi1>, vector<16xf32>
      %parallel_loop3A_300 = arith.constant 16 : i32
      %parallel_loop3A_301 = arith.addi %parallel_loop3A_271, %parallel_loop3A_300 : i32
      %parallel_loop3A_302 = arith.index_cast %parallel_loop3A_301 : i32 to index
      %parallel_loop3A_303 = tpu.vector_load %arg8[%parallel_loop3A_302] {strides = array<i32>} : memref<20480xf32, #tpu.memory_space<vmem>>, vector<16xf32>,
      tpu.vector_store %arg8[%parallel_loop3A_302], %parallel_loop3A_299 {strides = array<i32>} : memref<20480xf32, #tpu.memory_space<vmem>>, vector<16xf32>,
      %parallel_loop3A_304 = arith.constant 32 : i32
      %parallel_loop3A_305 = arith.addi %parallel_loop3A_269, %parallel_loop3A_304 : i32
      %parallel_loop3A_306 = arith.index_cast %parallel_loop3A_305 : i32 to index
      %parallel_loop3A_307 = tpu.vector_load %arg6[%parallel_loop3A_306] {strides = array<i32>} : memref<40960xi32, #tpu.memory_space<vmem>>, vector<16xi32>,
      %parallel_loop3A_308 = arith.constant 128 : i32
      %parallel_loop3A_309 = arith.addi %parallel_loop3A_269, %parallel_loop3A_308 : i32
      %parallel_loop3A_310 = arith.constant 32 : i32
      %parallel_loop3A_311 = arith.addi %parallel_loop3A_309, %parallel_loop3A_310 : i32
      %parallel_loop3A_312 = arith.index_cast %parallel_loop3A_311 : i32 to index
      %parallel_loop3A_313 = tpu.vector_load %arg6[%parallel_loop3A_312] {strides = array<i32>} : memref<40960xi32, #tpu.memory_space<vmem>>, vector<16xi32>,
      %parallel_loop3A_314 = arith.cmpi ne, %parallel_loop3A_307, %parallel_loop3A_313 : vector<16xi32>
      %parallel_loop3A_315 = arith.select %parallel_loop3A_314, %add3A_90, %add3A_86 : vector<16xi1>, vector<16xf32>
      %parallel_loop3A_316 = arith.constant 32 : i32
      %parallel_loop3A_317 = arith.addi %parallel_loop3A_271, %parallel_loop3A_316 : i32
      %parallel_loop3A_318 = arith.index_cast %parallel_loop3A_317 : i32 to index
      %parallel_loop3A_319 = tpu.vector_load %arg8[%parallel_loop3A_318] {strides = array<i32>} : memref<20480xf32, #tpu.memory_space<vmem>>, vector<16xf32>,
      tpu.vector_store %arg8[%parallel_loop3A_318], %parallel_loop3A_315 {strides = array<i32>} : memref<20480xf32, #tpu.memory_space<vmem>>, vector<16xf32>,
      %parallel_loop3A_320 = arith.constant 48 : i32
      %parallel_loop3A_321 = arith.addi %parallel_loop3A_269, %parallel_loop3A_320 : i32
      %parallel_loop3A_322 = arith.index_cast %parallel_loop3A_321 : i32 to index
      %parallel_loop3A_323 = tpu.vector_load %arg6[%parallel_loop3A_322] {strides = array<i32>} : memref<40960xi32, #tpu.memory_space<vmem>>, vector<16xi32>,
      %parallel_loop3A_324 = arith.constant 128 : i32
      %parallel_loop3A_325 = arith.addi %parallel_loop3A_269, %parallel_loop3A_324 : i32
      %parallel_loop3A_326 = arith.constant 48 : i32
      %parallel_loop3A_327 = arith.addi %parallel_loop3A_325, %parallel_loop3A_326 : i32
      %parallel_loop3A_328 = arith.index_cast %parallel_loop3A_327 : i32 to index
      %parallel_loop3A_329 = tpu.vector_load %arg6[%parallel_loop3A_328] {strides = array<i32>} : memref<40960xi32, #tpu.memory_space<vmem>>, vector<16xi32>,
      %parallel_loop3A_330 = arith.cmpi ne, %parallel_loop3A_323, %parallel_loop3A_329 : vector<16xi32>
      %parallel_loop3A_331 = arith.select %parallel_loop3A_330, %add3A_90, %add3A_86 : vector<16xi1>, vector<16xf32>
      %parallel_loop3A_332 = arith.constant 48 : i32
      %parallel_loop3A_333 = arith.addi %parallel_loop3A_271, %parallel_loop3A_332 : i32
      %parallel_loop3A_334 = arith.index_cast %parallel_loop3A_333 : i32 to index
      %parallel_loop3A_335 = tpu.vector_load %arg8[%parallel_loop3A_334] {strides = array<i32>} : memref<20480xf32, #tpu.memory_space<vmem>>, vector<16xf32>,
      tpu.vector_store %arg8[%parallel_loop3A_334], %parallel_loop3A_331 {strides = array<i32>} : memref<20480xf32, #tpu.memory_space<vmem>>, vector<16xf32>,
      %parallel_loop3A_336 = arith.constant 64 : i32
      %parallel_loop3A_337 = arith.addi %parallel_loop3A_269, %parallel_loop3A_336 : i32
      %parallel_loop3A_338 = arith.index_cast %parallel_loop3A_337 : i32 to index
      %parallel_loop3A_339 = tpu.vector_load %arg6[%parallel_loop3A_338] {strides = array<i32>} : memref<40960xi32, #tpu.memory_space<vmem>>, vector<16xi32>,
      %parallel_loop3A_340 = arith.constant 128 : i32
      %parallel_loop3A_341 = arith.addi %parallel_loop3A_269, %parallel_loop3A_340 : i32
      %parallel_loop3A_342 = arith.constant 64 : i32
      %parallel_loop3A_343 = arith.addi %parallel_loop3A_341, %parallel_loop3A_342 : i32
      %parallel_loop3A_344 = arith.index_cast %parallel_loop3A_343 : i32 to index
      %parallel_loop3A_345 = tpu.vector_load %arg6[%parallel_loop3A_344] {strides = array<i32>} : memref<40960xi32, #tpu.memory_space<vmem>>, vector<16xi32>,
      %parallel_loop3A_346 = arith.cmpi ne, %parallel_loop3A_339, %parallel_loop3A_345 : vector<16xi32>
      %parallel_loop3A_347 = arith.select %parallel_loop3A_346, %add3A_90, %add3A_86 : vector<16xi1>, vector<16xf32>
      %parallel_loop3A_348 = arith.constant 64 : i32
      %parallel_loop3A_349 = arith.addi %parallel_loop3A_271, %parallel_loop3A_348 : i32
      %parallel_loop3A_350 = arith.index_cast %parallel_loop3A_349 : i32 to index
      %parallel_loop3A_351 = tpu.vector_load %arg8[%parallel_loop3A_350] {strides = array<i32>} : memref<20480xf32, #tpu.memory_space<vmem>>, vector<16xf32>,
      tpu.vector_store %arg8[%parallel_loop3A_350], %parallel_loop3A_347 {strides = array<i32>} : memref<20480xf32, #tpu.memory_space<vmem>>, vector<16xf32>,
      %parallel_loop3A_352 = arith.constant 80 : i32
      %parallel_loop3A_353 = arith.addi %parallel_loop3A_269, %parallel_loop3A_352 : i32
      %parallel_loop3A_354 = arith.index_cast %parallel_loop3A_353 : i32 to index
      %parallel_loop3A_355 = tpu.vector_load %arg6[%parallel_loop3A_354] {strides = array<i32>} : memref<40960xi32, #tpu.memory_space<vmem>>, vector<16xi32>,
      %parallel_loop3A_356 = arith.constant 128 : i32
      %parallel_loop3A_357 = arith.addi %parallel_loop3A_269, %parallel_loop3A_356 : i32
      %parallel_loop3A_358 = arith.constant 80 : i32
      %parallel_loop3A_359 = arith.addi %parallel_loop3A_357, %parallel_loop3A_358 : i32
      %parallel_loop3A_360 = arith.index_cast %parallel_loop3A_359 : i32 to index
      %parallel_loop3A_361 = tpu.vector_load %arg6[%parallel_loop3A_360] {strides = array<i32>} : memref<40960xi32, #tpu.memory_space<vmem>>, vector<16xi32>,
      %parallel_loop3A_362 = arith.cmpi ne, %parallel_loop3A_355, %parallel_loop3A_361 : vector<16xi32>
      %parallel_loop3A_363 = arith.select %parallel_loop3A_362, %add3A_90, %add3A_86 : vector<16xi1>, vector<16xf32>
      %parallel_loop3A_364 = arith.constant 80 : i32
      %parallel_loop3A_365 = arith.addi %parallel_loop3A_271, %parallel_loop3A_364 : i32
      %parallel_loop3A_366 = arith.index_cast %parallel_loop3A_365 : i32 to index
      %parallel_loop3A_367 = tpu.vector_load %arg8[%parallel_loop3A_366] {strides = array<i32>} : memref<20480xf32, #tpu.memory_space<vmem>>, vector<16xf32>,
      tpu.vector_store %arg8[%parallel_loop3A_366], %parallel_loop3A_363 {strides = array<i32>} : memref<20480xf32, #tpu.memory_space<vmem>>, vector<16xf32>,
      %parallel_loop3A_368 = arith.constant 96 : i32
      %parallel_loop3A_369 = arith.addi %parallel_loop3A_269, %parallel_loop3A_368 : i32
      %parallel_loop3A_370 = arith.index_cast %parallel_loop3A_369 : i32 to index
      %parallel_loop3A_371 = tpu.vector_load %arg6[%parallel_loop3A_370] {strides = array<i32>} : memref<40960xi32, #tpu.memory_space<vmem>>, vector<16xi32>,
      %parallel_loop3A_372 = arith.constant 128 : i32
      %parallel_loop3A_373 = arith.addi %parallel_loop3A_269, %parallel_loop3A_372 : i32
      %parallel_loop3A_374 = arith.constant 96 : i32
      %parallel_loop3A_375 = arith.addi %parallel_loop3A_373, %parallel_loop3A_374 : i32
      %parallel_loop3A_376 = arith.index_cast %parallel_loop3A_375 : i32 to index
      %parallel_loop3A_377 = tpu.vector_load %arg6[%parallel_loop3A_376] {strides = array<i32>} : memref<40960xi32, #tpu.memory_space<vmem>>, vector<16xi32>,
      %parallel_loop3A_378 = arith.cmpi ne, %parallel_loop3A_371, %parallel_loop3A_377 : vector<16xi32>
      %parallel_loop3A_379 = arith.select %parallel_loop3A_378, %add3A_90, %add3A_86 : vector<16xi1>, vector<16xf32>
      %parallel_loop3A_380 = arith.constant 96 : i32
      %parallel_loop3A_381 = arith.addi %parallel_loop3A_271, %parallel_loop3A_380 : i32
      %parallel_loop3A_382 = arith.index_cast %parallel_loop3A_381 : i32 to index
      %parallel_loop3A_383 = tpu.vector_load %arg8[%parallel_loop3A_382] {strides = array<i32>} : memref<20480xf32, #tpu.memory_space<vmem>>, vector<16xf32>,
      tpu.vector_store %arg8[%parallel_loop3A_382], %parallel_loop3A_379 {strides = array<i32>} : memref<20480xf32, #tpu.memory_space<vmem>>, vector<16xf32>,
      %parallel_loop3A_384 = arith.constant 112 : i32
      %parallel_loop3A_385 = arith.addi %parallel_loop3A_269, %parallel_loop3A_384 : i32
      %parallel_loop3A_386 = arith.index_cast %parallel_loop3A_385 : i32 to index
      %parallel_loop3A_387 = tpu.vector_load %arg6[%parallel_loop3A_386] {strides = array<i32>} : memref<40960xi32, #tpu.memory_space<vmem>>, vector<16xi32>,
      %parallel_loop3A_388 = arith.constant 128 : i32
      %parallel_loop3A_389 = arith.addi %parallel_loop3A_269, %parallel_loop3A_388 : i32
      %parallel_loop3A_390 = arith.constant 112 : i32
      %parallel_loop3A_391 = arith.addi %parallel_loop3A_389, %parallel_loop3A_390 : i32
      %parallel_loop3A_392 = arith.index_cast %parallel_loop3A_391 : i32 to index
      %parallel_loop3A_393 = tpu.vector_load %arg6[%parallel_loop3A_392] {strides = array<i32>} : memref<40960xi32, #tpu.memory_space<vmem>>, vector<16xi32>,
      %parallel_loop3A_394 = arith.cmpi ne, %parallel_loop3A_387, %parallel_loop3A_393 : vector<16xi32>
      %parallel_loop3A_395 = arith.select %parallel_loop3A_394, %add3A_90, %add3A_86 : vector<16xi1>, vector<16xf32>
      %parallel_loop3A_396 = arith.constant 112 : i32
      %parallel_loop3A_397 = arith.addi %parallel_loop3A_271, %parallel_loop3A_396 : i32
      %parallel_loop3A_398 = arith.index_cast %parallel_loop3A_397 : i32 to index
      %parallel_loop3A_399 = tpu.vector_load %arg8[%parallel_loop3A_398] {strides = array<i32>} : memref<20480xf32, #tpu.memory_space<vmem>>, vector<16xf32>,
      tpu.vector_store %arg8[%parallel_loop3A_398], %parallel_loop3A_395 {strides = array<i32>} : memref<20480xf32, #tpu.memory_space<vmem>>, vector<16xf32>,
    } {sc.loop_unroll_factor = 8 : i64, sc.parallel_access}
    %add3A_247 = arith.constant 92160 : i32
    %add3A_248 = arith.addi %mul3A_4, %add3A_247 : i32
    %dma_start3A_249 = arith.constant 0 : i32
    %dma_start3A_250 = tpu.memref_slice %arg8[%dma_start3A_249] : memref<20480xf32, #tpu.memory_space<vmem>> -> memref<10240xf32, #tpu.memory_space<vmem>>
    %dma_start3A_251 = tpu.memref_slice %arg4[%add3A_248] : memref<3276800xf32, #tpu.memory_space<hbm>> -> memref<10240xf32, #tpu.memory_space<hbm>>
    %dma_start3A_252 = tpu.memref_slice %arg4[%add3A_248] : memref<3276800xf32, #tpu.memory_space<hbm>> -> memref<10240xf32, #tpu.memory_space<hbm>>
    %dma_start3A_253 = arith.constant 0 : i32
    %dma_start3A_254 = tpu.memref_slice %arg8[%dma_start3A_253] : memref<20480xf32, #tpu.memory_space<vmem>> -> memref<10240xf32, #tpu.memory_space<vmem>>
    tpu.enqueue_dma source(%dma_start3A_254 : memref<10240xf32, #tpu.memory_space<vmem>>) target(%dma_start3A_252 : memref<10240xf32, #tpu.memory_space<hbm>>) target_semaphore(%arg13 : memref<!tpu.dma_semaphore, #tpu.memory_space<semaphore_mem>>)
    %dma_wait3A_255 = arith.constant 0 : i32
    %dma_wait3A_256 = tpu.memref_slice %arg7[%dma_wait3A_255] : memref<20480xf32, #tpu.memory_space<vmem>> -> memref<20480xf32, #tpu.memory_space<vmem>>
    %dma_wait3A_257 = tpu.memref_slice %arg4[%add3A_225] : memref<3276800xf32, #tpu.memory_space<hbm>> -> memref<20480xf32, #tpu.memory_space<hbm>>
    %dma_wait3A_258 = tpu.memref_slice %arg4[%add3A_225] : memref<3276800xf32, #tpu.memory_space<hbm>> -> memref<20480xf32, #tpu.memory_space<hbm>>
    %dma_wait3A_259 = arith.constant 0 : i32
    %dma_wait3A_260 = tpu.memref_slice %arg7[%dma_wait3A_259] : memref<20480xf32, #tpu.memory_space<vmem>> -> memref<20480xf32, #tpu.memory_space<vmem>>
    tpu.wait_dma2 semaphore(%arg12 : memref<!tpu.dma_semaphore, #tpu.memory_space<semaphore_mem>>) src(%dma_wait3A_260 : memref<20480xf32, #tpu.memory_space<vmem>>) dst(%dma_wait3A_258 : memref<20480xf32, #tpu.memory_space<hbm>>)
    %dma_wait3A_261 = arith.constant 0 : i32
    %dma_wait3A_262 = tpu.memref_slice %arg8[%dma_wait3A_261] : memref<20480xf32, #tpu.memory_space<vmem>> -> memref<10240xf32, #tpu.memory_space<vmem>>
    %dma_wait3A_263 = tpu.memref_slice %arg4[%add3A_248] : memref<3276800xf32, #tpu.memory_space<hbm>> -> memref<10240xf32, #tpu.memory_space<hbm>>
    %dma_wait3A_264 = tpu.memref_slice %arg4[%add3A_248] : memref<3276800xf32, #tpu.memory_space<hbm>> -> memref<10240xf32, #tpu.memory_space<hbm>>
    %dma_wait3A_265 = arith.constant 0 : i32
    %dma_wait3A_266 = tpu.memref_slice %arg8[%dma_wait3A_265] : memref<20480xf32, #tpu.memory_space<vmem>> -> memref<10240xf32, #tpu.memory_space<vmem>>
    tpu.wait_dma2 semaphore(%arg13 : memref<!tpu.dma_semaphore, #tpu.memory_space<semaphore_mem>>) src(%dma_wait3A_266 : memref<10240xf32, #tpu.memory_space<vmem>>) dst(%dma_wait3A_264 : memref<10240xf32, #tpu.memory_space<hbm>>)
    return
  }
}

</mosaic_0001>

<sc_bundles>
// kernel: kernel.3.cloned.1.call-start
scs
__scs_entry_jumppad:
0x0: {  	(pc) =	sbr.rel $0x88, $3  }
0x1: {  	(tag) =	ssettag $0x0;
	lr =	simm.s32 $0x1  }
0x2: {  	[smem:$0x3F9F] =	sst lr;
	_ =	strace $0xD0000000  }
0x3: {  	_ = 	snop  }
0x4: {  	_ = 	snop  }
0x5: {  	_ = 	snop  }
0x6: {  	_ = 	snop  }
0x7: {  	_ = 	snop  }
__scs_overlays_trampoline_lowered:
0x8: {  	[smem:$0x3FAE] =	sst s0  }
0x9: {  	[smem:$0x3FAF] =	sst s1  }
0xa: {  	[smem:$0x3FB0] =	sst s2  }
0xb: {  	[smem:$0x3FB1] =	sst s3  }
0xc: {  	[smem:$0x3FB2] =	sst s4  }
0xd: {  	[smem:$0x3FB3] =	sst s5  }
0xe: {  	[smem:$0x3FB4] =	sst s6  }
0xf: {  	[smem:$0x3FB5] =	sst s7  }
0x10: {  	[smem:$0x3FB6] =	sst s8  }
0x11: {  	[smem:$0x3FB7] =	sst s9;
	s0 =	simm.s32 @!p0 $0x0  }
0x12: {  	s1 =	sld [smem:$0x3F9D];
	s0 =	simm.s32 @p0 $0x1  }
0x13: {  	[smem:$0x3FB8] =	sst s0;
	s0 =	simm.s32 @!p1 $0x0  }
0x14: {  	s2 =	sld [smem:$0x3F9C];
	s0 =	simm.s32 @p1 $0x1  }
0x15: {  	[smem:$0x3FB9] =	sst s0;
	s0 =	simm.s32 @!p2 $0x0  }
0x16: {  	s3 =	sld [smem:$0x3FDB];
	s0 =	simm.s32 @p2 $0x1  }
0x17: {  	s4 =	simm.s32 $0x1BF5;
	[smem:$0x3FBB] =	sst s0  }
0x18: {  	s0 =	sld [smem:$0x3F9E];
	_ =	swait.ge [sflag:s4], $0x0  }
0x19: {  	s7 =	sld [smem:$0x3F9F]  }
0x1a: {  	s8 =	sadd.s32 $0xFFFFE003, lr  }
0x1b: {  	s9 =	sadd.s32 $0xFFFFFEF7, lr;
	s5 =	simm.s32 $0xFFFFFFFF;
	p2 =	slt.u32 s8, $0xFFFFF086  }
0x1c: {  	p1 =	slt.u32 s9, $0xF7A;
	s5 =	simm.s32 @!p2 $0x0  }
0x1d: {  	s5 =	simm.s32 @p1 $0x1;
	p0 =	seq.s32 s7, s2  }
0x1e: {  	s7 =	smul.u32 @!p0 $0xF7A, s2;
	p2 =	seq.s32 @!p0 s5, $0x0  }
0x1f: {  	s9 =	smul.u32 $0xF7A, s1;
	s8 =	simm.s32 @!p0 $0x1BF5;
	p2 =	por !p2, p0  }
0x20: {  	[sflag:s8] =	ssyncset.s32 @!p0 $0xFFFFF086;
	s6 =	sadd.s32 @!p0 s3, s7;
	s7 =	simm.s32 @!p0 $0x108  }
0x21: {  	s3 =	sadd.s32 s3, s9;
	s6 =	sadd.s32 @!p0 $0x88, s6;
	s7 =	simm.s32 @p2 $0x1082  }
0x22: {  	[simem:s7], [sflag:s8] =	dma.local @!p0 [hbm:s6], $0xF7A  }
0x23: {  	s9 =	sor.u32 $0xD0000000, s2;
	s6 =	simm.s32 $0x108;
	_ =	swait.ge @!p0 [sflag:s8], $0x0  }
0x24: {  	s3 =	sadd.s32 $0x88, s3;
	s6 =	simm.s32 @!p1 $0x1082;
	[sflag:s4] =	ssyncset.s32 $0xFFFFF086  }
0x25: {  	[simem:s6], [sflag:s4] =	dma.local [hbm:s3], $0xF7A  }
0x26: {  	[smem:$0x3F9F] =	sst s1;
	(tag) =	ssettag s2;
	_ =	strace s9  }
0x27: {  	s1 =	sld [smem:$0x3FAF]  }
0x28: {  	s2 =	sld [smem:$0x3FB0]  }
0x29: {  	s4 =	sld [smem:$0x3FB2]  }
0x2a: {  	p0 =	seq.s32 s5, $0x0;
	s5 =	sld [smem:$0x3FB3]  }
0x2b: {  	s6 =	sld [smem:$0x3FB4]  }
0x2c: {  	s7 =	sld [smem:$0x3FB5]  }
0x2d: {  	s3 =	simm.s32 $0x108;
	s8 =	sld [smem:$0x3FB6]  }
0x2e: {  	s3 =	simm.s32 @!p0 $0x1082;
	s9 =	sld [smem:$0x3FB7]  }
0x2f: {  	lr =	sadd.s32 s0, s3;
	s0 =	sld [smem:$0x3FAE]  }
0x30: {  	s3 =	sld [smem:$0x3FB1]  }
0x31: {  	[smem:$0x3FBA] =	sst s10  }
0x32: {  	s10 =	sld [smem:$0x3FB8];
	_ =	sdelay $0x3  }
0x33: {  	p0 =	seq.s32 s10, $0x1;
	s10 =	sld [smem:$0x3FBA];
	_ =	sdelay $0x3  }
0x34: {  	[smem:$0x3FBA] =	sst s10  }
0x35: {  	s10 =	sld [smem:$0x3FB9];
	_ =	sdelay $0x3  }
0x36: {  	p1 =	seq.s32 s10, $0x1;
	s10 =	sld [smem:$0x3FBA];
	_ =	sdelay $0x3  }
0x37: {  	[smem:$0x3FBA] =	sst s10  }
0x38: {  	s10 =	sld [smem:$0x3FBB]  }
0x39: {  	_ = 	snop;
	(pc) =	sbr.ind lr, $3  }
0x3a: {  	_ = 	snop  }
0x3b: {  	_ = 	snop  }
0x3c: {  	p2 =	seq.s32 s10, $0x1;
	s10 =	sld [smem:$0x3FBA]  }
0x3d: {  	_ =	shalt  }
0x3e: {  	_ =	shalt  }
0x3f: {  	_ =	shalt  }
0x40: {  	_ =	shalt  }
0x41: {  	_ =	shalt  }
0x42: {  	_ =	shalt  }
0x43: {  	_ =	shalt  }
0x44: {  	_ =	shalt  }
0x45: {  	_ =	shalt  }
0x46: {  	_ =	shalt  }
0x47: {  	_ =	shalt  }
0x48: {  	_ =	shalt  }
0x49: {  	_ =	shalt  }
0x4a: {  	_ =	shalt  }
0x4b: {  	_ =	shalt  }
0x4c: {  	_ =	shalt  }
0x4d: {  	_ =	shalt  }
0x4e: {  	_ =	shalt  }
0x4f: {  	_ =	shalt  }
0x50: {  	_ =	shalt  }
0x51: {  	_ =	shalt  }
0x52: {  	_ =	shalt  }
0x53: {  	_ =	shalt  }
0x54: {  	_ =	shalt  }
0x55: {  	_ =	shalt  }
0x56: {  	_ =	shalt  }
0x57: {  	_ =	shalt  }
0x58: {  	_ =	shalt  }
0x59: {  	_ =	shalt  }
0x5a: {  	_ =	shalt  }
0x5b: {  	_ =	shalt  }
0x5c: {  	_ =	shalt  }
0x5d: {  	_ =	shalt  }
0x5e: {  	_ =	shalt  }
0x5f: {  	_ =	shalt  }
0x60: {  	_ =	shalt  }
0x61: {  	_ =	shalt  }
0x62: {  	_ =	shalt  }
0x63: {  	_ =	shalt  }
0x64: {  	_ =	shalt  }
0x65: {  	_ =	shalt  }
0x66: {  	_ =	shalt  }
0x67: {  	_ =	shalt  }
0x68: {  	_ =	shalt  }
0x69: {  	_ =	shalt  }
0x6a: {  	_ =	shalt  }
0x6b: {  	_ =	shalt  }
0x6c: {  	_ =	shalt  }
0x6d: {  	_ =	shalt  }
0x6e: {  	_ =	shalt  }
0x6f: {  	_ =	shalt  }
0x70: {  	_ =	shalt  }
0x71: {  	_ =	shalt  }
0x72: {  	_ =	shalt  }
0x73: {  	_ =	shalt  }
0x74: {  	_ =	shalt  }
0x75: {  	_ =	shalt  }
0x76: {  	_ =	shalt  }
0x77: {  	_ =	shalt  }
0x78: {  	_ =	shalt  }
0x79: {  	_ =	shalt  }
0x7a: {  	_ =	shalt  }
0x7b: {  	_ =	shalt  }
0x7c: {  	_ =	shalt  }
0x7d: {  	_ =	shalt  }
0x7e: {  	_ =	shalt  }
0x7f: {  	_ =	shalt  }
0x80: {  	_ =	shalt  }
0x81: {  	_ =	shalt  }
0x82: {  	_ =	shalt  }
0x83: {  	_ =	shalt  }
0x84: {  	_ =	shalt  }
0x85: {  	_ =	shalt  }
0x86: {  	_ =	shalt  }
0x87: {  	_ =	shalt  }
.Lfunc_end0:
.L_simem_size_0:
called_computation_lowered:
.L_overlay_start_0:
0x88: {  	s2 =	sld [smem:$0x3FD9]  }
0x89: {  	s3 =	sld [smem:$0x3FFE];
	_ =	sdelay $0x1  }
0x8a: {  	s1 =	srdreg.scid  }
0x8b: {  	s0 =	sand.u32 $0x1, s1  }
0x8c: {  	s18 =	sshll.u32 s0, $0xA;
	s2 =	sadd.s32 s3, s2  }
0x8d: {  	s2 =	sadd.s32 s2, s18  }
0x8e: {  	[smem:$0x3FC6] =	sst s2  }
0x8f: {  	_ = 	snop  }
0x90: {  	s2 =	sld [smem:$0x3FC9]  }
0x91: {  	s19 =	sld [smem:$0x3FC8]  }
0x92: {  	s4 =	sld [smem:$0x3FD0];
	(tm) =	ssettm $0x1  }
0x93: {  	s5 =	sld [smem:$0x3FFB];
	_ =	sdelay $0x3  }
0x94: {  	_ =	strace s5  }
0x95: {  	s5 =	sld [smem:$0x3FFC];
	_ =	sdelay $0x3  }
0x96: {  	_ =	strace s5  }
0x97: {  	s5 =	sld [smem:$0x3FFD];
	_ =	sdelay $0x3  }
0x98: {  	_ =	strace s5  }
0x99: {  	_ =	strace $0x8FFFFFFF  }
0x9a: {  	s20 =	sld [smem:$0x3FDB];
	_ =	sdelay $0x1  }
0x9b: {  	s6 =	simm.s32 $_scs_section_size  }
0x9c: {  	s7 =	simm.s32 $_size__tile_overlayer_lowered;
	s8 =	simm.s32 $_tile_overlayer_lowered  }
0x9d: {  	s23 =	simm.s32 $0x1BFF;
	s22 =	sshll.u32 s8, $0x1;
	s5 =	sadd.s32 s6, s20  }
0x9e: {  	s9 =	simm.s32 $0x0;
	s21 =	sshll.u32 s7, $0x1;
	s7 =	sadd.s32 s22, s5  }
0x9f: {  	[timem:s9], [sflag:s23] =	dma.local [hbm:s7], s21  }
0xa0: {  	_ =	swait.ge [sflag:s23], s21  }
0xa1: {  	s6 =	ssub.s32 $0x0, s21;
	[sflag:s23] =	ssyncset.done $0x0  }
0xa2: {  	[sflag:s23] =	ssyncadd.s32 s6;
	_ =	sdelay $0x1  }
0xa3: {  	s24 =	simm.s32 $0x1B8B  }
0xa4: {  	_ =	swait.ge [sflag:s24], $0x1  }
0xa5: {  	[sflag:s24] =	ssyncset.done $0x0  }
0xa6: {  	s25 =	simm.s32 $0x1B8E;
	[sflag:s24] =	ssyncadd.s32 $0xFFFFFFFF  }
0xa7: {  	s26 =	simm.s32 $execute0_lowered;
	[smem:$0x3FD2] =	sst s25  }
0xa8: {  	s6 =	sshll.u32 s26, $0x1;
	_ =	strace $0x80000046;
	[dreg:$0x1] =	wrdreg $0xFFFFFFFF  }
0xa9: {  	s28 =	simm.s32 $_size_execute0_lowered;
	s5 =	sadd.s32 s5, s6;
	[dreg:$0x0] =	wrdreg $0x0  }
0xaa: {  	s6 =	sshll.u32 s28, $0x1;
	[dreg:$0x2] =	wrdreg s5  }
0xab: {  	[dreg:$0x3] =	wrdreg s6  }
0xac: {  	[dreg:$0x4] =	wrdreg $0xC0  }
0xad: {  	_ =	task [dreg:s9], $0x5FFFF  }
0xae: {  	[dreg:$0x1] =	wrdreg $0xFFFFFFFF  }
0xaf: {  	[dreg:$0x0] =	wrdreg $0x60  }
0xb0: {  	[dreg:$0x2] =	wrdreg s2  }
0xb1: {  	[dreg:$0x3] =	wrdreg s19  }
0xb2: {  	[dreg:$0x4] =	wrdreg s4  }
0xb3: {  	[dreg:$0x5] =	wrdreg $0x9  }
0xb4: {  	_ =	task.clear_ibuf [dreg:s9], $0x6FFFF;
	_ =	strace $0x90000046  }
0xb5: {  	s29 =	simm.s32 $0x9;
	_ =	strace $0x80000048  }
0xb6: {  	_ =	swait.ge [sflag:s29], $0x1  }
0xb7: {  	[sflag:s29] =	ssyncadd.s32 $0xFFFFFFFF  }
0xb8: {  	_ =	strace $0x90000048  }
0xb9: {  	_ =	sfence  }
0xba: {  	s30 =	sld [smem:$0x0];
	_ =	sdelay $0x2  }
0xbb: {  	s31 =	sshll.u32 s1, $0xD;
	s1 =	sshrl.u32 s1, $0x2  }
0xbc: {  	s3 =	sand.u32 $0x4000, s31;
	s1 =	sadd.s32 s1, s30  }
0xbd: {  	s0 =	sor.u32 s3, s0;
	s1 =	sshll.u32 s1, $0x11  }
0xbe: {  	s0 =	sor.u32 s1, s0  }
0xbf: {  	s0 =	sadd.s32 $0x8F2B, s0  }
0xc0: {  	[sflag:s0] =	ssyncadd.remote.s32 $0x1  }
0xc1: {  	_ =	sfence.sel $0xFFFF  }
0xc2: {  	[dreg:$0x0] =	wrdreg $0xFFFFFFFF;
	(pc) =	sbr.abs _section_cstart, $3  }
0xc3: {  	[dreg:$0x1] =	wrdreg $0xFFFFFFFF  }
0xc4: {  	_ =	task.clear_ibuf [dreg:s9], $0x2FFFF;
	_ =	strace $0x9FFFFFFF  }
0xc5: {  	(tm) =	ssettm $0x7FFFFFFF  }
tec
execute0_lowered:
.L_overlay_start_1:
0x0: {  	(tag) =	ssettag $0x1  }
0x1: {  	s4 =	rddreg [dreg:$0x0]  }
0x2: {  	s2 =	rddreg [dreg:$0x1];
	s1 =	srdreg.scid  }
0x3: {  	s0 =	stileid.u32;
	s5 =	rddreg [dreg:$0x2];
	s3 =	simm.s32 $0x0  }
0x4: {  	s17 =	simm.s32 $0x1E000;
	s18 =	simm.s32 $0x5;
	[smem:$0x7FF] =	sst s3  }
0x5: {  	v0 =	vimm.f32 $9.000000000e+00;
	s6 =	sand.u32 $0x1, s1;
	s1 =	rddreg [dreg:$0x3];
	_ =	strace $0x80000047  }
0x6: {  	s19 =	simm.s32 $0xA000;
	s20 =	simm.s32 $0x1;
	s7 =	sshll.u32 s0, $0x1;
	(erf) = vrcp.f32 v0  }
0x7: {  	s21 =	simm.s32 $0x14000;
	s22 =	simm.s32 $0x2;
	s7 =	sor.u32 s6, s7  }
0x8: {  	s23 =	simm.s32 $0x19000;
	s24 =	simm.s32 $0x3;
	s8 =	smul.u32 $0x32000, s7  }
0x9: {  	s25 =	simm.s32 $0x4;
	s6 =	ssub.s32 $0x2, s6;
	s7 =	smul.u32 $0x19000, s7  }
0xa: {  	s26 =	simm.s32 $0x0;
	s9 =	sshrl.u32 s6, $0x1;
	s8 =	sshrl.u32 s8, $0x3  }
0xb: {  	s16 =	ssub.s32 s6, s9;
	s7 =	sshrl.u32 s7, $0x3;
	s4 =	sadd.s32 s4, s8  }
0xc: {  	s16 =	smax.u32 s16, $0x1;
	s5 =	sadd.s32 s5, s7;
	s6 =	sadd.s32 $0xA00, s4  }
0xd: {  	s7 =	sadd.s32 $0x1E00, s4;
	s8 =	sadd.s32 $0x500, s5;
	s9 =	sadd.s32 $0x3200, s4  }
0xe: {  	s10 =	sadd.s32 $0xF00, s5;
	s11 =	sadd.s32 $0x4600, s4;
	s12 =	sadd.s32 $0x1900, s5  }
0xf: {  	v1 =	vimm.s32 $0x0;
	vm0 =	vmmov $0x1;
	vm1 =	vcmask $0x308;
	s13 =	sadd.s32 $0x5A00, s4;
	s14 =	sadd.s32 $0x2300, s5;
	s15 =	sadd.s32 $0x2D00, s5;
	v0 =	vpop (erf)  }
.LBB2_1:
0x10: {  	[tilespmem:s3], [sflag:$0x1] =	stream.linear.gather [hbm4b:s4+s3], $0x5000, $0x38;
	[tilespmem:$0x1E080] =	vst v63  }
0x11: {  	_ = 	snop  }
0x12: {  	[tilespmem:s17], [sflag:$0x5] =	stream.linear.gather [hbm4b:s2+s3], $0x2, $0x38;
	[tilespmem:$0x1E080] =	vst v63  }
0x13: {  	_ =	swait.ge [sflag:s18], $0x2  }
0x14: {  	[sflag:s18] =	ssyncset.done $0x0  }
0x15: {  	[sflag:s18] =	ssyncadd.s32 $0xFFFFFFFE  }
0x16: {  	v2 =	vld [tilespmem:$0x1E000];
	_ =	sdelay $0x4  }
0x17: {  	v3 =	vand.u32 $0x7FFFFF, v2  }
0x18: {  	v3 =	vor.u32 $0x3F800000, v3  }
0x19: {  	v4 =	vmul.f32 $5.000000000e-01, v3  }
0x1a: {  	vm2 =	vgt.f32 v3, $1.414213540e+00  }
0x1b: {  	v3 =	vsel vm2, v4, v3  }
0x1c: {  	v3 =	vadd.f32 $-1.000000000e+00, v3;
	_ =	sdelay $0x1  }
0x1d: {  	v4 =	vadd.f32 $2.000000000e+00, v3;
	_ =	sdelay $0x1  }
0x1e: {  	(erf) = vrcp.f32 v4;
	_ =	sdelay $0x8  }
0x1f: {  	v4 =	vpop (erf)  }
0x20: {  	v3 =	vmul.f32 v4, v3;
	_ =	sdelay $0x1  }
0x21: {  	v4 =	vmul.f32 v3, v3;
	_ =	sdelay $0x1  }
0x22: {  	v5 =	vmul.f32 v4, v0;
	_ =	sdelay $0x1  }
0x23: {  	v5 =	vadd.f32 $1.428571490e-01, v5;
	_ =	sdelay $0x1  }
0x24: {  	v5 =	vmul.f32 v5, v4;
	_ =	sdelay $0x1  }
0x25: {  	v5 =	vadd.f32 $2.000000030e-01, v5;
	_ =	sdelay $0x1  }
0x26: {  	v5 =	vmul.f32 v5, v4;
	_ =	sdelay $0x1  }
0x27: {  	v2 =	vshrl.u32 v2, $0x17;
	v5 =	vadd.f32 $3.333333430e-01, v5  }
0x28: {  	v2 =	vand.u32 $0xFF, v2;
	v6 =	vsel vm2, $0x1, v1  }
0x29: {  	v2 =	vadd.s32 v6, v2;
	v4 =	vmul.f32 v5, v4  }
0x2a: {  	v2 =	vadd.s32 $0xFFFFFF81, v2  }
0x2b: {  	v2 =	vcvt.s32.f32 v2;
	v3 =	vadd.f32 v3, v3;
	v4 =	vadd.f32 $1.000000000e+00, v4;
	_ =	sdelay $0x1  }
0x2c: {  	v2 =	vmul.f32 $6.931471820e-01, v2;
	v3 =	vmul.f32 v4, v3;
	_ =	sdelay $0x1  }
0x2d: {  	v2 =	vadd.f32 v3, v2;
	_ =	sdelay $0x1  }
0x2e: {  	v3 =	vnsel vm0, $0x0, v2  }
0x2f: {  	v2 =	vsel vm1, $0x0, v2;
	(xrf2) =	vadd.scan.msk.f32 $0xffff, v3  }
0x30: {  	(xrf2) =	vadd.scan.msk.f32 $0xffff, v2;
	_ =	sdelay $0x8  }
0x31: {  	v2, _, _ =	vpop (xrf2)  }
0x32: {  	[tilespmem:s19], [sflag:$0x2] =	stream.linear.gather [hbm4b:s6+s3], $0xA000, $0x38;
	v3, _, _ =	vpop (xrf2);
	[tilespmem:$0x1E080] =	vst v63  }
0x33: {  	_ =	swait.ge [sflag:s20], $0x5000  }
0x34: {  	[sflag:s20] =	ssyncset.done $0x0  }
0x35: {  	s30 =	simm.s32 $0x400;
	[sflag:s20] =	ssyncadd.s32 $0xFFFFB000  }
0x36: {  	v4 =	vld [tilespmem:s30+$0x300]  }
0x37: {  	v5 =	vld [tilespmem:s30+$0x380]  }
0x38: {  	v6 =	vld [tilespmem:s30+$0xFFFFFC80]  }
0x39: {  	v2 =	vadd.f32 $0.0e+00, v2;
	v3 =	vadd.f32 $0.0e+00, v3;
	v7 =	vld [tilespmem:s30+$0xFFFFFD00]  }
0x3a: {  	v8 =	vld [tilespmem:s30+$0xFFFFFD80]  }
0x3b: {  	v2 =	vbroadcast v2, $0xF;
	v3 =	vbroadcast v3, $0xF;
	v9 =	vld [tilespmem:s30+$0xFFFFFE00]  }
0x3c: {  	v10 =	vld [tilespmem:s30+$0xFFFFFE80];
	vm2 =	veq.s32 v4, v5  }
0x3d: {  	s28 =	simm.s32 $0x14200;
	v11 =	vld [tilespmem:s30+$0xFFFFFF80];
	v5 =	vsel vm2, v2, v3  }
0x3e: {  	v13 =	vld [tilespmem:s30+$0x0];
	[tilespmem:s28+$0x180] =	vst v5  }
0x3f: {  	v5 =	vld [tilespmem:s30+$0x310]  }
0x40: {  	v12 =	vld [tilespmem:s30+$0x390]  }
0x41: {  	v14 =	vld [tilespmem:s30+$0x80]  }
0x42: {  	v15 =	vld [tilespmem:s30+$0x100]  }
0x43: {  	v16 =	vld [tilespmem:s30+$0x180]  }
0x44: {  	v17 =	vld [tilespmem:s30+$0x200]  }
0x45: {  	v4 =	vld [tilespmem:s30+$0xFFFFFF00];
	vm2 =	veq.s32 v5, v12  }
0x46: {  	v5 =	vld [tilespmem:s30+$0x280];
	v12 =	vsel vm2, v2, v3  }
0x47: {  	vm2 =	veq.s32 v7, v8;
	v7 =	vld [tilespmem:s30+$0xFFFFFC00];
	[tilespmem:s28+$0x190] =	vst v12  }
0x48: {  	v8 =	vsel vm2, v2, v3;
	v12 =	vld [tilespmem:s30+$0x320]  }
0x49: {  	vm2 =	veq.s32 v9, v10;
	[tilespmem:s28+$0xFFFFFE80] =	vst v8;
	v8 =	vld [tilespmem:s30+$0x3A0]  }
0x4a: {  	v9 =	vsel vm2, v2, v3;
	vm2 =	veq.s32 v4, v11;
	v10 =	vld [tilespmem:s30+$0xFFFFFD10]  }
0x4b: {  	[tilespmem:s28+$0xFFFFFF00] =	vst v9;
	v4 =	vld [tilespmem:s30+$0xFFFFFD90];
	v9 =	vsel vm2, v2, v3  }
0x4c: {  	[tilespmem:s28+$0xFFFFFF80] =	vst v9;
	v9 =	vld [tilespmem:s30+$0xFFFFFE90]  }
0x4d: {  	vm2 =	veq.s32 v7, v6;
	v6 =	vld [tilespmem:s30+$0xFFFFFE10]  }
0x4e: {  	v21 =	vld [tilespmem:s30+$0xFFFFFF90];
	v7 =	vsel vm2, v2, v3;
	vm2 =	veq.s32 v12, v8  }
0x4f: {  	[tilespmem:s28+$0xFFFFFE00] =	vst v7;
	v7 =	vld [tilespmem:s30+$0xFFFFFF10];
	v11 =	vsel vm2, v2, v3  }
0x50: {  	v8 =	vld [tilespmem:s30+$0xFFFFFC10];
	[tilespmem:s28+$0x1A0] =	vst v11  }
0x51: {  	vm2 =	veq.s32 v13, v14;
	v11 =	vld [tilespmem:s30+$0x330]  }
0x52: {  	v13 =	vsel vm2, v2, v3;
	v20 =	vld [tilespmem:s30+$0x3B0]  }
0x53: {  	v63 =	vld [tilespmem:s30+$0xFFFFFC90];
	vm2 =	veq.s32 v15, v16;
	[tilespmem:s28+$0x0] =	vst v13  }
0x54: {  	v15 =	vsel vm2, v2, v3;
	v22 =	vld [tilespmem:s30+$0x10]  }
0x55: {  	vm2 =	veq.s32 v17, v5;
	[tilespmem:s28+$0x80] =	vst v15;
	v5 =	vld [tilespmem:s30+$0x90]  }
0x56: {  	v23 =	vsel vm2, v2, v3;
	v24 =	vld [tilespmem:s30+$0x110]  }
0x57: {  	[tilespmem:s28+$0x100] =	vst v23;
	v25 =	vld [tilespmem:s30+$0x190];
	vm2 =	veq.s32 v11, v20  }
0x58: {  	v11 =	vld [tilespmem:s30+$0x210];
	v14 =	vsel vm2, v2, v3  }
0x59: {  	vm2 =	veq.s32 v8, v63;
	v8 =	vld [tilespmem:s30+$0x290];
	[tilespmem:s28+$0x1B0] =	vst v14  }
0x5a: {  	v12 =	vsel vm2, v2, v3;
	v14 =	vld [tilespmem:s30+$0x340]  }
0x5b: {  	vm2 =	veq.s32 v10, v4;
	[tilespmem:s28+$0xFFFFFE10] =	vst v12;
	v4 =	vld [tilespmem:s30+$0x3C0]  }
0x5c: {  	v10 =	vsel vm2, v2, v3;
	v12 =	vld [tilespmem:s30+$0xFFFFFC20]  }
0x5d: {  	vm2 =	veq.s32 v6, v9;
	[tilespmem:s28+$0xFFFFFE90] =	vst v10;
	v6 =	vld [tilespmem:s30+$0xFFFFFCA0]  }
0x5e: {  	v9 =	vsel vm2, v2, v3;
	vm2 =	veq.s32 v7, v21;
	v10 =	vld [tilespmem:s30+$0xFFFFFD20]  }
0x5f: {  	[tilespmem:s28+$0xFFFFFF10] =	vst v9;
	v7 =	vld [tilespmem:s30+$0xFFFFFDA0];
	v9 =	vsel vm2, v2, v3  }
0x60: {  	v26 =	vld [tilespmem:s30+$0xFFFFFE20];
	[tilespmem:s28+$0xFFFFFF90] =	vst v9;
	vm2 =	veq.s32 v14, v4  }
0x61: {  	v27 =	vld [tilespmem:s30+$0xFFFFFF20];
	v9 =	vsel vm2, v2, v3  }
0x62: {  	v4 =	vld [tilespmem:s30+$0xFFFFFEA0];
	[tilespmem:s28+$0x1C0] =	vst v9  }
0x63: {  	vm2 =	veq.s32 v22, v5;
	v5 =	vld [tilespmem:s30+$0x350]  }
0x64: {  	v9 =	vsel vm2, v2, v3;
	v28 =	vld [tilespmem:s30+$0x3D0]  }
0x65: {  	vm2 =	veq.s32 v24, v25;
	[tilespmem:s28+$0x10] =	vst v9;
	v9 =	vld [tilespmem:s30+$0xFFFFFFA0]  }
0x66: {  	v15 =	vsel vm2, v2, v3;
	v29 =	vld [tilespmem:s30+$0x20]  }
0x67: {  	vm2 =	veq.s32 v11, v8;
	[tilespmem:s28+$0x90] =	vst v15;
	v8 =	vld [tilespmem:s30+$0xA0]  }
0x68: {  	v11 =	vsel vm2, v2, v3;
	v15 =	vld [tilespmem:s30+$0x120]  }
0x69: {  	[tilespmem:s28+$0x110] =	vst v11;
	v11 =	vld [tilespmem:s30+$0x1A0];
	vm2 =	veq.s32 v5, v28  }
0x6a: {  	v30 =	vld [tilespmem:s30+$0x220];
	v5 =	vsel vm2, v2, v3  }
0x6b: {  	vm2 =	veq.s32 v12, v6;
	v6 =	vld [tilespmem:s30+$0x2A0];
	[tilespmem:s28+$0x1D0] =	vst v5  }
0x6c: {  	v5 =	vsel vm2, v2, v3;
	v31 =	vld [tilespmem:s30+$0x360]  }
0x6d: {  	vm2 =	veq.s32 v10, v7;
	[tilespmem:s28+$0xFFFFFE20] =	vst v5;
	v5 =	vld [tilespmem:s30+$0x3E0]  }
0x6e: {  	v7 =	vsel vm2, v2, v3;
	v10 =	vld [tilespmem:s30+$0xFFFFFC30]  }
0x6f: {  	vm2 =	veq.s32 v26, v4;
	[tilespmem:s28+$0xFFFFFEA0] =	vst v7;
	v7 =	vld [tilespmem:s30+$0xFFFFFCB0]  }
0x70: {  	v4 =	vsel vm2, v2, v3;
	v32 =	vld [tilespmem:s30+$0xFFFFFD30]  }
0x71: {  	vm2 =	veq.s32 v27, v9;
	[tilespmem:s28+$0xFFFFFF20] =	vst v4;
	v9 =	vld [tilespmem:s30+$0xFFFFFDB0]  }
0x72: {  	v4 =	vsel vm2, v2, v3;
	v33 =	vld [tilespmem:s30+$0xFFFFFE30];
	vm2 =	veq.s32 v31, v5  }
0x73: {  	[tilespmem:s28+$0xFFFFFFA0] =	vst v4;
	v34 =	vld [tilespmem:s30+$0xFFFFFEB0];
	v4 =	vsel vm2, v2, v3  }
0x74: {  	v18 =	vld [tilespmem:s30+$0xFFFFFF30];
	[tilespmem:s28+$0x1E0] =	vst v4  }
0x75: {  	vm2 =	veq.s32 v29, v8;
	v4 =	vld [tilespmem:s30+$0x370]  }
0x76: {  	v8 =	vsel vm2, v2, v3;
	v5 =	vld [tilespmem:s30+$0x3F0]  }
0x77: {  	vm2 =	veq.s32 v15, v11;
	[tilespmem:s28+$0x20] =	vst v8;
	v8 =	vld [tilespmem:s30+$0xFFFFFFB0]  }
0x78: {  	v11 =	vsel vm2, v2, v3;
	v35 =	vld [tilespmem:s30+$0x30]  }
0x79: {  	vm2 =	veq.s32 v30, v6;
	[tilespmem:s28+$0xA0] =	vst v11;
	v6 =	vld [tilespmem:s30+$0xB0]  }
0x7a: {  	v11 =	vsel vm2, v2, v3;
	v36 =	vld [tilespmem:s30+$0x130]  }
0x7b: {  	vm2 =	veq.s32 v10, v7;
	[tilespmem:s28+$0x120] =	vst v11;
	v7 =	vld [tilespmem:s30+$0x1B0]  }
0x7c: {  	v10 =	vsel vm2, v2, v3;
	v11 =	vld [tilespmem:s30+$0x230]  }
0x7d: {  	vm2 =	veq.s32 v32, v9;
	[tilespmem:s28+$0xFFFFFE30] =	vst v10;
	v9 =	vld [tilespmem:s30+$0x2B0]  }
0x7e: {  	v10 =	vsel vm2, v2, v3;
	v37 =	vld [tilespmem:s30+$0xFFFFFC40]  }
0x7f: {  	vm2 =	veq.s32 v33, v34;
	[tilespmem:s28+$0xFFFFFEB0] =	vst v10;
	v10 =	vld [tilespmem:s30+$0xFFFFFCC0]  }
0x80: {  	v12 =	vsel vm2, v2, v3;
	v38 =	vld [tilespmem:s30+$0xFFFFFD40]  }
0x81: {  	[tilespmem:s28+$0xFFFFFF30] =	vst v12;
	vm2 =	veq.s32 v18, v8;
	v8 =	vld [tilespmem:s30+$0xFFFFFDC0]  }
0x82: {  	v39 =	vsel vm2, v2, v3;
	v40 =	vld [tilespmem:s30+$0xFFFFFE40]  }
0x83: {  	vm2 =	veq.s32 v35, v6;
	v6 =	vld [tilespmem:s30+$0xFFFFFEC0];
	[tilespmem:s28+$0xFFFFFFB0] =	vst v39  }
0x84: {  	v41 =	vsel vm2, v2, v3;
	v42 =	vld [tilespmem:s30+$0xFFFFFF40]  }
0x85: {  	vm2 =	veq.s32 v36, v7;
	[tilespmem:s28+$0x30] =	vst v41;
	v7 =	vld [tilespmem:s30+$0xFFFFFFC0]  }
0x86: {  	v43 =	vsel vm2, v2, v3;
	v44 =	vld [tilespmem:s30+$0x40]  }
0x87: {  	vm2 =	veq.s32 v11, v9;
	[tilespmem:s28+$0xB0] =	vst v43;
	v9 =	vld [tilespmem:s30+$0xC0]  }
0x88: {  	v11 =	vsel vm2, v2, v3;
	v12 =	vld [tilespmem:s30+$0x140]  }
0x89: {  	vm2 =	veq.s32 v37, v10;
	[tilespmem:s28+$0x130] =	vst v11;
	v10 =	vld [tilespmem:s30+$0x1C0]  }
0x8a: {  	v11 =	vsel vm2, v2, v3;
	v45 =	vld [tilespmem:s30+$0x240]  }
0x8b: {  	vm2 =	veq.s32 v38, v8;
	[tilespmem:s28+$0xFFFFFE40] =	vst v11;
	v8 =	vld [tilespmem:s30+$0x2C0]  }
0x8c: {  	v11 =	vsel vm2, v2, v3;
	v46 =	vld [tilespmem:s30+$0xFFFFFC50]  }
0x8d: {  	vm2 =	veq.s32 v40, v6;
	[tilespmem:s28+$0xFFFFFEC0] =	vst v11;
	v6 =	vld [tilespmem:s30+$0xFFFFFCD0]  }
0x8e: {  	v11 =	vsel vm2, v2, v3;
	v47 =	vld [tilespmem:s30+$0xFFFFFD50]  }
0x8f: {  	[tilespmem:s28+$0xFFFFFF40] =	vst v11;
	vm2 =	veq.s32 v42, v7;
	v7 =	vld [tilespmem:s30+$0xFFFFFDD0]  }
0x90: {  	v11 =	vsel vm2, v2, v3;
	v48 =	vld [tilespmem:s30+$0xFFFFFE50]  }
0x91: {  	vm2 =	veq.s32 v44, v9;
	v9 =	vld [tilespmem:s30+$0xFFFFFED0];
	[tilespmem:s28+$0xFFFFFFC0] =	vst v11  }
0x92: {  	v11 =	vsel vm2, v2, v3;
	v49 =	vld [tilespmem:s30+$0xFFFFFF50]  }
0x93: {  	vm2 =	veq.s32 v12, v10;
	[tilespmem:s28+$0x40] =	vst v11;
	v10 =	vld [tilespmem:s30+$0xFFFFFFD0]  }
0x94: {  	v11 =	vsel vm2, v2, v3;
	v50 =	vld [tilespmem:s30+$0x50]  }
0x95: {  	vm2 =	veq.s32 v45, v8;
	[tilespmem:s28+$0xC0] =	vst v11;
	v8 =	vld [tilespmem:s30+$0xD0]  }
0x96: {  	v11 =	vsel vm2, v2, v3;
	v51 =	vld [tilespmem:s30+$0x150]  }
0x97: {  	vm2 =	veq.s32 v46, v6;
	[tilespmem:s28+$0x140] =	vst v11;
	v6 =	vld [tilespmem:s30+$0x1D0]  }
0x98: {  	v11 =	vsel vm2, v2, v3;
	v52 =	vld [tilespmem:s30+$0x250]  }
0x99: {  	vm2 =	veq.s32 v47, v7;
	[tilespmem:s28+$0xFFFFFE50] =	vst v11;
	v7 =	vld [tilespmem:s30+$0x2D0]  }
0x9a: {  	v11 =	vsel vm2, v2, v3;
	v53 =	vld [tilespmem:s30+$0xFFFFFC60]  }
0x9b: {  	vm2 =	veq.s32 v48, v9;
	[tilespmem:s28+$0xFFFFFED0] =	vst v11;
	v9 =	vld [tilespmem:s30+$0xFFFFFCE0]  }
0x9c: {  	v11 =	vsel vm2, v2, v3;
	v54 =	vld [tilespmem:s30+$0xFFFFFD60]  }
0x9d: {  	[tilespmem:s28+$0xFFFFFF50] =	vst v11;
	vm2 =	veq.s32 v49, v10;
	v10 =	vld [tilespmem:s30+$0xFFFFFDE0]  }
0x9e: {  	v11 =	vsel vm2, v2, v3;
	v55 =	vld [tilespmem:s30+$0xFFFFFE60]  }
0x9f: {  	vm2 =	veq.s32 v50, v8;
	v8 =	vld [tilespmem:s30+$0xFFFFFEE0];
	[tilespmem:s28+$0xFFFFFFD0] =	vst v11  }
0xa0: {  	v11 =	vsel vm2, v2, v3;
	v56 =	vld [tilespmem:s30+$0xFFFFFF60]  }
0xa1: {  	vm2 =	veq.s32 v51, v6;
	[tilespmem:s28+$0x50] =	vst v11;
	v6 =	vld [tilespmem:s30+$0xFFFFFFE0]  }
0xa2: {  	v11 =	vsel vm2, v2, v3;
	v57 =	vld [tilespmem:s30+$0x60]  }
0xa3: {  	vm2 =	veq.s32 v52, v7;
	[tilespmem:s28+$0xD0] =	vst v11;
	v7 =	vld [tilespmem:s30+$0xE0]  }
0xa4: {  	v11 =	vsel vm2, v2, v3;
	v58 =	vld [tilespmem:s30+$0x160]  }
0xa5: {  	vm2 =	veq.s32 v53, v9;
	[tilespmem:s28+$0x150] =	vst v11;
	v9 =	vld [tilespmem:s30+$0x1E0]  }
0xa6: {  	v11 =	vsel vm2, v2, v3;
	v59 =	vld [tilespmem:s30+$0x260]  }
0xa7: {  	vm2 =	veq.s32 v54, v10;
	[tilespmem:s28+$0xFFFFFE60] =	vst v11;
	v10 =	vld [tilespmem:s30+$0x2E0]  }
0xa8: {  	v11 =	vsel vm2, v2, v3;
	v60 =	vld [tilespmem:s30+$0xFFFFFC70]  }
0xa9: {  	vm2 =	veq.s32 v55, v8;
	[tilespmem:s28+$0xFFFFFEE0] =	vst v11;
	v8 =	vld [tilespmem:s30+$0xFFFFFCF0]  }
0xaa: {  	v11 =	vsel vm2, v2, v3;
	v61 =	vld [tilespmem:s30+$0xFFFFFD70]  }
0xab: {  	[tilespmem:s28+$0xFFFFFF60] =	vst v11;
	vm2 =	veq.s32 v56, v6;
	v11 =	vld [tilespmem:s30+$0xFFFFFDF0]  }
0xac: {  	v6 =	vsel vm2, v2, v3;
	v62 =	vld [tilespmem:s30+$0xFFFFFE70]  }
0xad: {  	vm2 =	veq.s32 v57, v7;
	v7 =	vld [tilespmem:s30+$0xFFFFFEF0];
	[tilespmem:s28+$0xFFFFFFE0] =	vst v6  }
0xae: {  	vm3 =	veq.s32 v4, v5;
	v4 =	vsel vm2, v2, v3;
	v63 =	vld [tilespmem:s30+$0xFFFFFF70]  }
0xaf: {  	v5 =	vsel vm3, v2, v3;
	vm2 =	veq.s32 v58, v9;
	[tilespmem:s28+$0x60] =	vst v4;
	v9 =	vld [tilespmem:s30+$0xFFFFFFF0]  }
0xb0: {  	[tilespmem:s28+$0x1F0] =	vst v5;
	vm3 =	veq.s32 v59, v10;
	v5 =	vsel vm2, v2, v3;
	v4 =	vld [tilespmem:s30+$0x70]  }
0xb1: {  	[tilespmem:s28+$0xE0] =	vst v5;
	vm2 =	veq.s32 v60, v8;
	v5 =	vsel vm3, v2, v3;
	v6 =	vld [tilespmem:s30+$0xF0]  }
0xb2: {  	[tilespmem:s28+$0x160] =	vst v5;
	v8 =	vsel vm2, v2, v3;
	vm2 =	veq.s32 v61, v11;
	v5 =	vld [tilespmem:s30+$0x170]  }
0xb3: {  	[tilespmem:s28+$0xFFFFFE70] =	vst v8;
	v10 =	vsel vm2, v2, v3;
	vm2 =	veq.s32 v62, v7;
	v8 =	vld [tilespmem:s30+$0x1F0]  }
0xb4: {  	v7 =	vld [tilespmem:s30+$0x270];
	[tilespmem:s28+$0xFFFFFEF0] =	vst v10;
	v10 =	vsel vm2, v2, v3;
	vm2 =	veq.s32 v63, v9  }
0xb5: {  	s29 =	simm.s32 $0x0;
	[tilespmem:s28+$0xFFFFFF70] =	vst v10;
	v9 =	vld [tilespmem:s30+$0x2F0];
	s30 =	simm.s32 $0xC00;
	v10 =	vsel vm2, v2, v3  }
.LBB2_2:
0xb6: {  	v11 =	vld [tilespmem:s30+$0x300];
	[tilespmem:s28+$0xFFFFFFF0] =	vst v10;
	vm2 =	veq.s32 v4, v6  }
0xb7: {  	v4 =	vld [tilespmem:s30+$0x380];
	v6 =	vsel vm2, v2, v3  }
0xb8: {  	v10 =	vld [tilespmem:s30+$0xFFFFFC80];
	[tilespmem:s28+$0x70] =	vst v6;
	vm2 =	veq.s32 v5, v8  }
0xb9: {  	v5 =	vld [tilespmem:s30+$0xFFFFFD00];
	v6 =	vsel vm2, v2, v3  }
0xba: {  	v8 =	vld [tilespmem:s30+$0xFFFFFD80];
	[tilespmem:s28+$0xF0] =	vst v6;
	vm2 =	veq.s32 v7, v9  }
0xbb: {  	v6 =	vld [tilespmem:s30+$0xFFFFFE00];
	v7 =	vsel vm2, v2, v3  }
0xbc: {  	v9 =	vld [tilespmem:s30+$0xFFFFFE80];
	vm2 =	veq.s32 v11, v4;
	[tilespmem:s28+$0x170] =	vst v7  }
0xbd: {  	s28 =	sadd.s32 $0x400, s28;
	v4 =	vld [tilespmem:s30+$0xFFFFFF00];
	v7 =	vsel vm2, v2, v3  }
0xbe: {  	s29 =	sadd.s32 $0x8, s29;
	v11 =	vld [tilespmem:s30+$0xFFFFFF80];
	[tilespmem:s28+$0x180] =	vst v7  }
0xbf: {  	p0 =	slt.u32 s29, $0x48;
	vm2 =	veq.s32 v5, v8;
	v5 =	vld [tilespmem:s30+$0x310]  }
0xc0: {  	v7 =	vsel vm2, v2, v3;
	v8 =	vld [tilespmem:s30+$0x390]  }
0xc1: {  	[tilespmem:s28+$0xFFFFFE80] =	vst v7;
	vm2 =	veq.s32 v6, v9;
	v6 =	vld [tilespmem:s30+$0x0]  }
0xc2: {  	v7 =	vsel vm2, v2, v3;
	v9 =	vld [tilespmem:s30+$0x80]  }
0xc3: {  	[tilespmem:s28+$0xFFFFFF00] =	vst v7;
	vm2 =	veq.s32 v4, v11;
	v4 =	vld [tilespmem:s30+$0x100]  }
0xc4: {  	v7 =	vsel vm2, v2, v3;
	v11 =	vld [tilespmem:s30+$0x180]  }
0xc5: {  	[tilespmem:s28+$0xFFFFFF80] =	vst v7;
	v7 =	vld [tilespmem:s30+$0x200];
	vm2 =	veq.s32 v5, v8  }
0xc6: {  	v5 =	vld [tilespmem:s30+$0x280];
	v8 =	vsel vm2, v2, v3  }
0xc7: {  	v12 =	vld [tilespmem:s30+$0xFFFFFC00];
	vm2 =	veq.s32 v6, v9;
	[tilespmem:s28+$0x190] =	vst v8  }
0xc8: {  	v6 =	vsel vm2, v2, v3;
	v8 =	vld [tilespmem:s30+$0x320]  }
0xc9: {  	[tilespmem:s28+$0x0] =	vst v6;
	vm2 =	veq.s32 v4, v11;
	v4 =	vld [tilespmem:s30+$0x3A0]  }
0xca: {  	v6 =	vld [tilespmem:s30+$0xFFFFFD10];
	v9 =	vsel vm2, v2, v3  }
0xcb: {  	v11 =	vld [tilespmem:s30+$0xFFFFFD90];
	[tilespmem:s28+$0x80] =	vst v9;
	vm2 =	veq.s32 v7, v5  }
0xcc: {  	vm3 =	veq.s32 v12, v10;
	v5 =	vld [tilespmem:s30+$0xFFFFFE10];
	v7 =	vsel vm2, v2, v3  }
0xcd: {  	v9 =	vsel vm3, v2, v3;
	v10 =	vld [tilespmem:s30+$0xFFFFFE90];
	[tilespmem:s28+$0x100] =	vst v7  }
0xce: {  	[tilespmem:s28+$0xFFFFFE00] =	vst v9;
	v7 =	vld [tilespmem:s30+$0xFFFFFF10];
	vm2 =	veq.s32 v8, v4  }
0xcf: {  	v4 =	vld [tilespmem:s30+$0xFFFFFC10];
	v8 =	vsel vm2, v2, v3  }
0xd0: {  	v9 =	vld [tilespmem:s30+$0xFFFFFC90];
	vm2 =	veq.s32 v6, v11;
	[tilespmem:s28+$0x1A0] =	vst v8  }
0xd1: {  	v6 =	vsel vm2, v2, v3;
	v8 =	vld [tilespmem:s30+$0x330]  }
0xd2: {  	[tilespmem:s28+$0xFFFFFE90] =	vst v6;
	vm2 =	veq.s32 v5, v10;
	v5 =	vld [tilespmem:s30+$0x3B0]  }
0xd3: {  	v6 =	vsel vm2, v2, v3;
	v10 =	vld [tilespmem:s30+$0xFFFFFF90]  }
0xd4: {  	[tilespmem:s28+$0xFFFFFF10] =	vst v6;
	v6 =	vld [tilespmem:s30+$0x10]  }
0xd5: {  	vm2 =	veq.s32 v4, v9;
	v4 =	vld [tilespmem:s30+$0x90]  }
0xd6: {  	v9 =	vsel vm2, v2, v3;
	v11 =	vld [tilespmem:s30+$0x110]  }
0xd7: {  	[tilespmem:s28+$0xFFFFFE10] =	vst v9;
	v9 =	vld [tilespmem:s30+$0x190];
	vm2 =	veq.s32 v8, v5  }
0xd8: {  	vm3 =	veq.s32 v7, v10;
	v5 =	vld [tilespmem:s30+$0x210];
	v7 =	vsel vm2, v2, v3  }
0xd9: {  	v8 =	vsel vm3, v2, v3;
	v10 =	vld [tilespmem:s30+$0x290];
	[tilespmem:s28+$0x1B0] =	vst v7  }
0xda: {  	[tilespmem:s28+$0xFFFFFF90] =	vst v8;
	vm2 =	veq.s32 v6, v4;
	v4 =	vld [tilespmem:s30+$0x340]  }
0xdb: {  	v6 =	vsel vm2, v2, v3;
	v7 =	vld [tilespmem:s30+$0x3C0]  }
0xdc: {  	v8 =	vld [tilespmem:s30+$0xFFFFFC20];
	[tilespmem:s28+$0x10] =	vst v6;
	vm2 =	veq.s32 v11, v9  }
0xdd: {  	v6 =	vld [tilespmem:s30+$0xFFFFFCA0];
	v9 =	vsel vm2, v2, v3  }
0xde: {  	v11 =	vld [tilespmem:s30+$0xFFFFFD20];
	[tilespmem:s28+$0x90] =	vst v9;
	vm2 =	veq.s32 v5, v10  }
0xdf: {  	v5 =	vld [tilespmem:s30+$0xFFFFFDA0];
	v9 =	vsel vm2, v2, v3  }
0xe0: {  	v10 =	vld [tilespmem:s30+$0xFFFFFE20];
	[tilespmem:s28+$0x110] =	vst v9;
	vm2 =	veq.s32 v4, v7  }
0xe1: {  	v4 =	vld [tilespmem:s30+$0xFFFFFEA0];
	v7 =	vsel vm2, v2, v3  }
0xe2: {  	vm2 =	veq.s32 v8, v6;
	v6 =	vld [tilespmem:s30+$0xFFFFFF20];
	[tilespmem:s28+$0x1C0] =	vst v7  }
0xe3: {  	v7 =	vsel vm2, v2, v3;
	v8 =	vld [tilespmem:s30+$0x350]  }
0xe4: {  	[tilespmem:s28+$0xFFFFFE20] =	vst v7;
	vm2 =	veq.s32 v11, v5;
	v5 =	vld [tilespmem:s30+$0x3D0]  }
0xe5: {  	v7 =	vsel vm2, v2, v3;
	v9 =	vld [tilespmem:s30+$0xFFFFFFA0]  }
0xe6: {  	[tilespmem:s28+$0xFFFFFEA0] =	vst v7;
	vm2 =	veq.s32 v10, v4;
	v4 =	vld [tilespmem:s30+$0x20]  }
0xe7: {  	v7 =	vsel vm2, v2, v3;
	v10 =	vld [tilespmem:s30+$0xA0]  }
0xe8: {  	[tilespmem:s28+$0xFFFFFF20] =	vst v7;
	v7 =	vld [tilespmem:s30+$0x120]  }
0xe9: {  	v11 =	vld [tilespmem:s30+$0x1A0];
	vm2 =	veq.s32 v8, v5  }
0xea: {  	vm3 =	veq.s32 v6, v9;
	v5 =	vld [tilespmem:s30+$0x220];
	v6 =	vsel vm2, v2, v3  }
0xeb: {  	v8 =	vsel vm3, v2, v3;
	v9 =	vld [tilespmem:s30+$0x2A0];
	[tilespmem:s28+$0x1D0] =	vst v6  }
0xec: {  	[tilespmem:s28+$0xFFFFFFA0] =	vst v8;
	vm2 =	veq.s32 v4, v10;
	v4 =	vld [tilespmem:s30+$0x360]  }
0xed: {  	v6 =	vsel vm2, v2, v3;
	v8 =	vld [tilespmem:s30+$0x3E0]  }
0xee: {  	v10 =	vld [tilespmem:s30+$0xFFFFFC30];
	[tilespmem:s28+$0x20] =	vst v6;
	vm2 =	veq.s32 v7, v11  }
0xef: {  	v6 =	vld [tilespmem:s30+$0xFFFFFCB0];
	v7 =	vsel vm2, v2, v3  }
0xf0: {  	v11 =	vld [tilespmem:s30+$0xFFFFFD30];
	[tilespmem:s28+$0xA0] =	vst v7;
	vm2 =	veq.s32 v5, v9  }
0xf1: {  	v5 =	vld [tilespmem:s30+$0xFFFFFDB0];
	v7 =	vsel vm2, v2, v3  }
0xf2: {  	v9 =	vld [tilespmem:s30+$0xFFFFFE30];
	[tilespmem:s28+$0x120] =	vst v7;
	vm2 =	veq.s32 v4, v8  }
0xf3: {  	v4 =	vld [tilespmem:s30+$0xFFFFFEB0];
	v7 =	vsel vm2, v2, v3  }
0xf4: {  	vm2 =	veq.s32 v10, v6;
	v6 =	vld [tilespmem:s30+$0xFFFFFF30];
	[tilespmem:s28+$0x1E0] =	vst v7  }
0xf5: {  	v7 =	vsel vm2, v2, v3;
	v8 =	vld [tilespmem:s30+$0x370]  }
0xf6: {  	[tilespmem:s28+$0xFFFFFE30] =	vst v7;
	vm2 =	veq.s32 v11, v5;
	v5 =	vld [tilespmem:s30+$0x3F0]  }
0xf7: {  	v7 =	vsel vm2, v2, v3;
	v10 =	vld [tilespmem:s30+$0xFFFFFFB0]  }
0xf8: {  	[tilespmem:s28+$0xFFFFFEB0] =	vst v7;
	vm2 =	veq.s32 v9, v4;
	v4 =	vld [tilespmem:s30+$0x30]  }
0xf9: {  	v7 =	vsel vm2, v2, v3;
	v9 =	vld [tilespmem:s30+$0xB0]  }
0xfa: {  	[tilespmem:s28+$0xFFFFFF30] =	vst v7;
	v7 =	vld [tilespmem:s30+$0x130]  }
0xfb: {  	v11 =	vld [tilespmem:s30+$0x1B0];
	vm2 =	veq.s32 v8, v5  }
0xfc: {  	vm3 =	veq.s32 v6, v10;
	v5 =	vld [tilespmem:s30+$0x230];
	v6 =	vsel vm2, v2, v3  }
0xfd: {  	v8 =	vsel vm3, v2, v3;
	v10 =	vld [tilespmem:s30+$0x2B0];
	[tilespmem:s28+$0x1F0] =	vst v6  }
0xfe: {  	v6 =	vld [tilespmem:s30+$0xFFFFFC40];
	[tilespmem:s28+$0xFFFFFFB0] =	vst v8;
	vm2 =	veq.s32 v4, v9  }
0xff: {  	v4 =	vld [tilespmem:s30+$0xFFFFFCC0];
	v8 =	vsel vm2, v2, v3  }
0x100: {  	v9 =	vld [tilespmem:s30+$0xFFFFFD40];
	[tilespmem:s28+$0x30] =	vst v8;
	vm2 =	veq.s32 v7, v11  }
0x101: {  	v7 =	vld [tilespmem:s30+$0xFFFFFDC0];
	v8 =	vsel vm2, v2, v3  }
0x102: {  	v11 =	vld [tilespmem:s30+$0xFFFFFE40];
	[tilespmem:s28+$0xB0] =	vst v8;
	vm2 =	veq.s32 v5, v10  }
0x103: {  	v5 =	vld [tilespmem:s30+$0xFFFFFEC0];
	v8 =	vsel vm2, v2, v3  }
0x104: {  	vm2 =	veq.s32 v6, v4;
	v4 =	vld [tilespmem:s30+$0xFFFFFF40];
	[tilespmem:s28+$0x130] =	vst v8  }
0x105: {  	v6 =	vsel vm2, v2, v3;
	v8 =	vld [tilespmem:s30+$0xFFFFFFC0]  }
0x106: {  	[tilespmem:s28+$0xFFFFFE40] =	vst v6;
	vm2 =	veq.s32 v9, v7;
	v6 =	vld [tilespmem:s30+$0x40]  }
0x107: {  	v7 =	vsel vm2, v2, v3;
	v9 =	vld [tilespmem:s30+$0xC0]  }
0x108: {  	[tilespmem:s28+$0xFFFFFEC0] =	vst v7;
	vm2 =	veq.s32 v11, v5;
	v5 =	vld [tilespmem:s30+$0x140]  }
0x109: {  	v7 =	vsel vm2, v2, v3;
	v10 =	vld [tilespmem:s30+$0x1C0]  }
0x10a: {  	[tilespmem:s28+$0xFFFFFF40] =	vst v7;
	vm2 =	veq.s32 v4, v8;
	v4 =	vld [tilespmem:s30+$0x240]  }
0x10b: {  	v7 =	vsel vm2, v2, v3;
	v8 =	vld [tilespmem:s30+$0x2C0]  }
0x10c: {  	v11 =	vld [tilespmem:s30+$0xFFFFFC50];
	[tilespmem:s28+$0xFFFFFFC0] =	vst v7;
	vm2 =	veq.s32 v6, v9  }
0x10d: {  	v6 =	vld [tilespmem:s30+$0xFFFFFCD0];
	v7 =	vsel vm2, v2, v3  }
0x10e: {  	v9 =	vld [tilespmem:s30+$0xFFFFFD50];
	[tilespmem:s28+$0x40] =	vst v7;
	vm2 =	veq.s32 v5, v10  }
0x10f: {  	v5 =	vld [tilespmem:s30+$0xFFFFFDD0];
	v7 =	vsel vm2, v2, v3  }
0x110: {  	v10 =	vld [tilespmem:s30+$0xFFFFFE50];
	[tilespmem:s28+$0xC0] =	vst v7;
	vm2 =	veq.s32 v4, v8  }
0x111: {  	v4 =	vld [tilespmem:s30+$0xFFFFFED0];
	v7 =	vsel vm2, v2, v3  }
0x112: {  	vm2 =	veq.s32 v11, v6;
	v6 =	vld [tilespmem:s30+$0xFFFFFF50];
	[tilespmem:s28+$0x140] =	vst v7  }
0x113: {  	v7 =	vsel vm2, v2, v3;
	v8 =	vld [tilespmem:s30+$0xFFFFFFD0]  }
0x114: {  	[tilespmem:s28+$0xFFFFFE50] =	vst v7;
	vm2 =	veq.s32 v9, v5;
	v5 =	vld [tilespmem:s30+$0x50]  }
0x115: {  	v7 =	vsel vm2, v2, v3;
	v9 =	vld [tilespmem:s30+$0xD0]  }
0x116: {  	[tilespmem:s28+$0xFFFFFED0] =	vst v7;
	vm2 =	veq.s32 v10, v4;
	v4 =	vld [tilespmem:s30+$0x150]  }
0x117: {  	v7 =	vsel vm2, v2, v3;
	v10 =	vld [tilespmem:s30+$0x1D0]  }
0x118: {  	[tilespmem:s28+$0xFFFFFF50] =	vst v7;
	vm2 =	veq.s32 v6, v8;
	v6 =	vld [tilespmem:s30+$0x250]  }
0x119: {  	v7 =	vsel vm2, v2, v3;
	v8 =	vld [tilespmem:s30+$0x2D0]  }
0x11a: {  	v11 =	vld [tilespmem:s30+$0xFFFFFC60];
	[tilespmem:s28+$0xFFFFFFD0] =	vst v7;
	vm2 =	veq.s32 v5, v9  }
0x11b: {  	v5 =	vld [tilespmem:s30+$0xFFFFFCE0];
	v7 =	vsel vm2, v2, v3  }
0x11c: {  	v9 =	vld [tilespmem:s30+$0xFFFFFD60];
	[tilespmem:s28+$0x50] =	vst v7;
	vm2 =	veq.s32 v4, v10  }
0x11d: {  	v4 =	vld [tilespmem:s30+$0xFFFFFDE0];
	v7 =	vsel vm2, v2, v3  }
0x11e: {  	v10 =	vld [tilespmem:s30+$0xFFFFFE60];
	[tilespmem:s28+$0xD0] =	vst v7;
	vm2 =	veq.s32 v6, v8  }
0x11f: {  	v6 =	vld [tilespmem:s30+$0xFFFFFEE0];
	v7 =	vsel vm2, v2, v3  }
0x120: {  	vm2 =	veq.s32 v11, v5;
	v5 =	vld [tilespmem:s30+$0xFFFFFF60];
	[tilespmem:s28+$0x150] =	vst v7  }
0x121: {  	v7 =	vsel vm2, v2, v3;
	v8 =	vld [tilespmem:s30+$0xFFFFFFE0]  }
0x122: {  	[tilespmem:s28+$0xFFFFFE60] =	vst v7;
	vm2 =	veq.s32 v9, v4;
	v4 =	vld [tilespmem:s30+$0x60]  }
0x123: {  	v7 =	vsel vm2, v2, v3;
	v9 =	vld [tilespmem:s30+$0xE0]  }
0x124: {  	[tilespmem:s28+$0xFFFFFEE0] =	vst v7;
	vm2 =	veq.s32 v10, v6;
	v6 =	vld [tilespmem:s30+$0x160]  }
0x125: {  	v7 =	vsel vm2, v2, v3;
	v10 =	vld [tilespmem:s30+$0x1E0]  }
0x126: {  	[tilespmem:s28+$0xFFFFFF60] =	vst v7;
	vm2 =	veq.s32 v5, v8;
	v5 =	vld [tilespmem:s30+$0x260]  }
0x127: {  	v7 =	vsel vm2, v2, v3;
	v8 =	vld [tilespmem:s30+$0x2E0]  }
0x128: {  	v11 =	vld [tilespmem:s30+$0xFFFFFC70];
	[tilespmem:s28+$0xFFFFFFE0] =	vst v7;
	vm2 =	veq.s32 v4, v9  }
0x129: {  	v4 =	vld [tilespmem:s30+$0xFFFFFCF0];
	v7 =	vsel vm2, v2, v3  }
0x12a: {  	v9 =	vld [tilespmem:s30+$0xFFFFFD70];
	[tilespmem:s28+$0x60] =	vst v7;
	vm2 =	veq.s32 v6, v10  }
0x12b: {  	v6 =	vld [tilespmem:s30+$0xFFFFFDF0];
	v7 =	vsel vm2, v2, v3  }
0x12c: {  	v10 =	vld [tilespmem:s30+$0xFFFFFE70];
	[tilespmem:s28+$0xE0] =	vst v7;
	vm2 =	veq.s32 v5, v8  }
0x12d: {  	v5 =	vld [tilespmem:s30+$0xFFFFFEF0];
	v7 =	vsel vm2, v2, v3  }
0x12e: {  	vm2 =	veq.s32 v11, v4;
	v11 =	vld [tilespmem:s30+$0xFFFFFF70];
	[tilespmem:s28+$0x160] =	vst v7  }
0x12f: {  	v4 =	vsel vm2, v2, v3;
	v7 =	vld [tilespmem:s30+$0xFFFFFFF0]  }
0x130: {  	[tilespmem:s28+$0xFFFFFE70] =	vst v4;
	vm2 =	veq.s32 v9, v6;
	v4 =	vld [tilespmem:s30+$0x70]  }
.Ltmp0:
0x131: {  	v8 =	vsel vm2, v2, v3;
	v6 =	vld [tilespmem:s30+$0xF0];
	(pc) =	sbr.rel @p0 .LBB2_2-.Ltmp0, $4  }
0x132: {  	[tilespmem:s28+$0xFFFFFEF0] =	vst v8;
	vm2 =	veq.s32 v10, v5;
	v5 =	vld [tilespmem:s30+$0x170]  }
0x133: {  	v9 =	vsel vm2, v2, v3;
	v8 =	vld [tilespmem:s30+$0x1F0]  }
0x134: {  	[tilespmem:s28+$0xFFFFFF70] =	vst v9;
	vm2 =	veq.s32 v11, v7;
	v7 =	vld [tilespmem:s30+$0x270]  }
0x135: {  	v10 =	vsel vm2, v2, v3;
	v9 =	vld [tilespmem:s30+$0x2F0];
	s30 =	sadd.s32 $0x800, s30  }
0x136: {  	_ =	sdelay $0x1  }
0x137: {  	vm2 =	veq.s32 v4, v6  }
0x138: {  	[tilespmem:s28+$0xFFFFFFF0] =	vst v10;
	v4 =	vsel vm2, v2, v3;
	vm2 =	veq.s32 v5, v8  }
0x139: {  	[tilespmem:s28+$0x70] =	vst v4;
	v4 =	vsel vm2, v2, v3;
	vm2 =	veq.s32 v7, v9  }
0x13a: {  	[tilespmem:s28+$0xF0] =	vst v4;
	v4 =	vsel vm2, v2, v3  }
0x13b: {  	[tilespmem:s28+$0x170] =	vst v4  }
0x13c: {  	[hbm4b:s5+s3] =	stream.linear.scatter [tilespmem:s21], [sflag:$0x3], $0x2800, $0x38;
	[tilespmem:$0x1E080] =	vst v63  }
0x13d: {  	_ = 	snop  }
0x13e: {  	[tilespmem:s3], [sflag:$0x1] =	stream.linear.gather [hbm4b:s7+s3], $0xA000, $0x38;
	[tilespmem:$0x1E080] =	vst v63  }
0x13f: {  	_ =	swait.ge [sflag:s22], $0xA000  }
0x140: {  	[sflag:s22] =	ssyncset.done $0x0  }
0x141: {  	s30 =	simm.s32 $0xA400;
	[sflag:s22] =	ssyncadd.s32 $0xFFFF6000  }
0x142: {  	v4 =	vld [tilespmem:s30+$0x300]  }
0x143: {  	v5 =	vld [tilespmem:s30+$0x380]  }
0x144: {  	v6 =	vld [tilespmem:s30+$0xFFFFFC80]  }
0x145: {  	v7 =	vld [tilespmem:s30+$0xFFFFFD00]  }
0x146: {  	v8 =	vld [tilespmem:s30+$0xFFFFFD80]  }
0x147: {  	v9 =	vld [tilespmem:s30+$0xFFFFFE00]  }
0x148: {  	v10 =	vld [tilespmem:s30+$0xFFFFFE80];
	vm2 =	veq.s32 v4, v5  }
0x149: {  	s28 =	simm.s32 $0x19200;
	v11 =	vld [tilespmem:s30+$0xFFFFFF80];
	v5 =	vsel vm2, v2, v3  }
0x14a: {  	v13 =	vld [tilespmem:s30+$0x0];
	[tilespmem:s28+$0x180] =	vst v5  }
0x14b: {  	v5 =	vld [tilespmem:s30+$0x310]  }
0x14c: {  	v12 =	vld [tilespmem:s30+$0x390]  }
0x14d: {  	v14 =	vld [tilespmem:s30+$0x80]  }
0x14e: {  	v15 =	vld [tilespmem:s30+$0x100]  }
0x14f: {  	v16 =	vld [tilespmem:s30+$0x180]  }
0x150: {  	v17 =	vld [tilespmem:s30+$0x200]  }
0x151: {  	v4 =	vld [tilespmem:s30+$0xFFFFFF00];
	vm2 =	veq.s32 v5, v12  }
0x152: {  	v5 =	vld [tilespmem:s30+$0x280];
	v12 =	vsel vm2, v2, v3  }
0x153: {  	vm2 =	veq.s32 v7, v8;
	v7 =	vld [tilespmem:s30+$0xFFFFFC00];
	[tilespmem:s28+$0x190] =	vst v12  }
0x154: {  	v8 =	vsel vm2, v2, v3;
	v12 =	vld [tilespmem:s30+$0x320]  }
0x155: {  	vm2 =	veq.s32 v9, v10;
	[tilespmem:s28+$0xFFFFFE80] =	vst v8;
	v8 =	vld [tilespmem:s30+$0x3A0]  }
0x156: {  	v9 =	vsel vm2, v2, v3;
	vm2 =	veq.s32 v4, v11;
	v10 =	vld [tilespmem:s30+$0xFFFFFD10]  }
0x157: {  	[tilespmem:s28+$0xFFFFFF00] =	vst v9;
	v4 =	vld [tilespmem:s30+$0xFFFFFD90];
	v9 =	vsel vm2, v2, v3  }
0x158: {  	[tilespmem:s28+$0xFFFFFF80] =	vst v9;
	v9 =	vld [tilespmem:s30+$0xFFFFFE90]  }
0x159: {  	vm2 =	veq.s32 v7, v6;
	v6 =	vld [tilespmem:s30+$0xFFFFFE10]  }
0x15a: {  	v21 =	vld [tilespmem:s30+$0xFFFFFF90];
	v7 =	vsel vm2, v2, v3;
	vm2 =	veq.s32 v12, v8  }
0x15b: {  	[tilespmem:s28+$0xFFFFFE00] =	vst v7;
	v7 =	vld [tilespmem:s30+$0xFFFFFF10];
	v11 =	vsel vm2, v2, v3  }
0x15c: {  	v8 =	vld [tilespmem:s30+$0xFFFFFC10];
	[tilespmem:s28+$0x1A0] =	vst v11  }
0x15d: {  	vm2 =	veq.s32 v13, v14;
	v11 =	vld [tilespmem:s30+$0x330]  }
0x15e: {  	v13 =	vsel vm2, v2, v3;
	v20 =	vld [tilespmem:s30+$0x3B0]  }
0x15f: {  	v63 =	vld [tilespmem:s30+$0xFFFFFC90];
	vm2 =	veq.s32 v15, v16;
	[tilespmem:s28+$0x0] =	vst v13  }
0x160: {  	v15 =	vsel vm2, v2, v3;
	v22 =	vld [tilespmem:s30+$0x10]  }
0x161: {  	vm2 =	veq.s32 v17, v5;
	[tilespmem:s28+$0x80] =	vst v15;
	v5 =	vld [tilespmem:s30+$0x90]  }
0x162: {  	v23 =	vsel vm2, v2, v3;
	v24 =	vld [tilespmem:s30+$0x110]  }
0x163: {  	[tilespmem:s28+$0x100] =	vst v23;
	v25 =	vld [tilespmem:s30+$0x190];
	vm2 =	veq.s32 v11, v20  }
0x164: {  	v11 =	vld [tilespmem:s30+$0x210];
	v14 =	vsel vm2, v2, v3  }
0x165: {  	vm2 =	veq.s32 v8, v63;
	v8 =	vld [tilespmem:s30+$0x290];
	[tilespmem:s28+$0x1B0] =	vst v14  }
0x166: {  	v12 =	vsel vm2, v2, v3;
	v14 =	vld [tilespmem:s30+$0x340]  }
0x167: {  	vm2 =	veq.s32 v10, v4;
	[tilespmem:s28+$0xFFFFFE10] =	vst v12;
	v4 =	vld [tilespmem:s30+$0x3C0]  }
0x168: {  	v10 =	vsel vm2, v2, v3;
	v12 =	vld [tilespmem:s30+$0xFFFFFC20]  }
0x169: {  	vm2 =	veq.s32 v6, v9;
	[tilespmem:s28+$0xFFFFFE90] =	vst v10;
	v6 =	vld [tilespmem:s30+$0xFFFFFCA0]  }
0x16a: {  	v9 =	vsel vm2, v2, v3;
	vm2 =	veq.s32 v7, v21;
	v10 =	vld [tilespmem:s30+$0xFFFFFD20]  }
0x16b: {  	[tilespmem:s28+$0xFFFFFF10] =	vst v9;
	v7 =	vld [tilespmem:s30+$0xFFFFFDA0];
	v9 =	vsel vm2, v2, v3  }
0x16c: {  	v26 =	vld [tilespmem:s30+$0xFFFFFE20];
	[tilespmem:s28+$0xFFFFFF90] =	vst v9;
	vm2 =	veq.s32 v14, v4  }
0x16d: {  	v27 =	vld [tilespmem:s30+$0xFFFFFF20];
	v9 =	vsel vm2, v2, v3  }
0x16e: {  	v4 =	vld [tilespmem:s30+$0xFFFFFEA0];
	[tilespmem:s28+$0x1C0] =	vst v9  }
0x16f: {  	vm2 =	veq.s32 v22, v5;
	v5 =	vld [tilespmem:s30+$0x350]  }
0x170: {  	v9 =	vsel vm2, v2, v3;
	v28 =	vld [tilespmem:s30+$0x3D0]  }
0x171: {  	vm2 =	veq.s32 v24, v25;
	[tilespmem:s28+$0x10] =	vst v9;
	v9 =	vld [tilespmem:s30+$0xFFFFFFA0]  }
0x172: {  	v15 =	vsel vm2, v2, v3;
	v29 =	vld [tilespmem:s30+$0x20]  }
0x173: {  	vm2 =	veq.s32 v11, v8;
	[tilespmem:s28+$0x90] =	vst v15;
	v8 =	vld [tilespmem:s30+$0xA0]  }
0x174: {  	v11 =	vsel vm2, v2, v3;
	v15 =	vld [tilespmem:s30+$0x120]  }
0x175: {  	[tilespmem:s28+$0x110] =	vst v11;
	v11 =	vld [tilespmem:s30+$0x1A0];
	vm2 =	veq.s32 v5, v28  }
0x176: {  	v30 =	vld [tilespmem:s30+$0x220];
	v5 =	vsel vm2, v2, v3  }
0x177: {  	vm2 =	veq.s32 v12, v6;
	v6 =	vld [tilespmem:s30+$0x2A0];
	[tilespmem:s28+$0x1D0] =	vst v5  }
0x178: {  	v5 =	vsel vm2, v2, v3;
	v31 =	vld [tilespmem:s30+$0x360]  }
0x179: {  	vm2 =	veq.s32 v10, v7;
	[tilespmem:s28+$0xFFFFFE20] =	vst v5;
	v5 =	vld [tilespmem:s30+$0x3E0]  }
0x17a: {  	v7 =	vsel vm2, v2, v3;
	v10 =	vld [tilespmem:s30+$0xFFFFFC30]  }
0x17b: {  	vm2 =	veq.s32 v26, v4;
	[tilespmem:s28+$0xFFFFFEA0] =	vst v7;
	v7 =	vld [tilespmem:s30+$0xFFFFFCB0]  }
0x17c: {  	v4 =	vsel vm2, v2, v3;
	v32 =	vld [tilespmem:s30+$0xFFFFFD30]  }
0x17d: {  	vm2 =	veq.s32 v27, v9;
	[tilespmem:s28+$0xFFFFFF20] =	vst v4;
	v9 =	vld [tilespmem:s30+$0xFFFFFDB0]  }
0x17e: {  	v4 =	vsel vm2, v2, v3;
	v33 =	vld [tilespmem:s30+$0xFFFFFE30];
	vm2 =	veq.s32 v31, v5  }
0x17f: {  	[tilespmem:s28+$0xFFFFFFA0] =	vst v4;
	v34 =	vld [tilespmem:s30+$0xFFFFFEB0];
	v4 =	vsel vm2, v2, v3  }
0x180: {  	v18 =	vld [tilespmem:s30+$0xFFFFFF30];
	[tilespmem:s28+$0x1E0] =	vst v4  }
0x181: {  	vm2 =	veq.s32 v29, v8;
	v4 =	vld [tilespmem:s30+$0x370]  }
0x182: {  	v8 =	vsel vm2, v2, v3;
	v5 =	vld [tilespmem:s30+$0x3F0]  }
0x183: {  	vm2 =	veq.s32 v15, v11;
	[tilespmem:s28+$0x20] =	vst v8;
	v8 =	vld [tilespmem:s30+$0xFFFFFFB0]  }
0x184: {  	v11 =	vsel vm2, v2, v3;
	v35 =	vld [tilespmem:s30+$0x30]  }
0x185: {  	vm2 =	veq.s32 v30, v6;
	[tilespmem:s28+$0xA0] =	vst v11;
	v6 =	vld [tilespmem:s30+$0xB0]  }
0x186: {  	v11 =	vsel vm2, v2, v3;
	v36 =	vld [tilespmem:s30+$0x130]  }
0x187: {  	vm2 =	veq.s32 v10, v7;
	[tilespmem:s28+$0x120] =	vst v11;
	v7 =	vld [tilespmem:s30+$0x1B0]  }
0x188: {  	v10 =	vsel vm2, v2, v3;
	v11 =	vld [tilespmem:s30+$0x230]  }
0x189: {  	vm2 =	veq.s32 v32, v9;
	[tilespmem:s28+$0xFFFFFE30] =	vst v10;
	v9 =	vld [tilespmem:s30+$0x2B0]  }
0x18a: {  	v10 =	vsel vm2, v2, v3;
	v37 =	vld [tilespmem:s30+$0xFFFFFC40]  }
0x18b: {  	vm2 =	veq.s32 v33, v34;
	[tilespmem:s28+$0xFFFFFEB0] =	vst v10;
	v10 =	vld [tilespmem:s30+$0xFFFFFCC0]  }
0x18c: {  	v12 =	vsel vm2, v2, v3;
	v38 =	vld [tilespmem:s30+$0xFFFFFD40]  }
0x18d: {  	[tilespmem:s28+$0xFFFFFF30] =	vst v12;
	vm2 =	veq.s32 v18, v8;
	v8 =	vld [tilespmem:s30+$0xFFFFFDC0]  }
0x18e: {  	v39 =	vsel vm2, v2, v3;
	v40 =	vld [tilespmem:s30+$0xFFFFFE40]  }
0x18f: {  	vm2 =	veq.s32 v35, v6;
	v6 =	vld [tilespmem:s30+$0xFFFFFEC0];
	[tilespmem:s28+$0xFFFFFFB0] =	vst v39  }
0x190: {  	v41 =	vsel vm2, v2, v3;
	v42 =	vld [tilespmem:s30+$0xFFFFFF40]  }
0x191: {  	vm2 =	veq.s32 v36, v7;
	[tilespmem:s28+$0x30] =	vst v41;
	v7 =	vld [tilespmem:s30+$0xFFFFFFC0]  }
0x192: {  	v43 =	vsel vm2, v2, v3;
	v44 =	vld [tilespmem:s30+$0x40]  }
0x193: {  	vm2 =	veq.s32 v11, v9;
	[tilespmem:s28+$0xB0] =	vst v43;
	v9 =	vld [tilespmem:s30+$0xC0]  }
0x194: {  	v11 =	vsel vm2, v2, v3;
	v12 =	vld [tilespmem:s30+$0x140]  }
0x195: {  	vm2 =	veq.s32 v37, v10;
	[tilespmem:s28+$0x130] =	vst v11;
	v10 =	vld [tilespmem:s30+$0x1C0]  }
0x196: {  	v11 =	vsel vm2, v2, v3;
	v45 =	vld [tilespmem:s30+$0x240]  }
0x197: {  	vm2 =	veq.s32 v38, v8;
	[tilespmem:s28+$0xFFFFFE40] =	vst v11;
	v8 =	vld [tilespmem:s30+$0x2C0]  }
0x198: {  	v11 =	vsel vm2, v2, v3;
	v46 =	vld [tilespmem:s30+$0xFFFFFC50]  }
0x199: {  	vm2 =	veq.s32 v40, v6;
	[tilespmem:s28+$0xFFFFFEC0] =	vst v11;
	v6 =	vld [tilespmem:s30+$0xFFFFFCD0]  }
0x19a: {  	v11 =	vsel vm2, v2, v3;
	v47 =	vld [tilespmem:s30+$0xFFFFFD50]  }
0x19b: {  	[tilespmem:s28+$0xFFFFFF40] =	vst v11;
	vm2 =	veq.s32 v42, v7;
	v7 =	vld [tilespmem:s30+$0xFFFFFDD0]  }
0x19c: {  	v11 =	vsel vm2, v2, v3;
	v48 =	vld [tilespmem:s30+$0xFFFFFE50]  }
0x19d: {  	vm2 =	veq.s32 v44, v9;
	v9 =	vld [tilespmem:s30+$0xFFFFFED0];
	[tilespmem:s28+$0xFFFFFFC0] =	vst v11  }
0x19e: {  	v11 =	vsel vm2, v2, v3;
	v49 =	vld [tilespmem:s30+$0xFFFFFF50]  }
0x19f: {  	vm2 =	veq.s32 v12, v10;
	[tilespmem:s28+$0x40] =	vst v11;
	v10 =	vld [tilespmem:s30+$0xFFFFFFD0]  }
0x1a0: {  	v11 =	vsel vm2, v2, v3;
	v50 =	vld [tilespmem:s30+$0x50]  }
0x1a1: {  	vm2 =	veq.s32 v45, v8;
	[tilespmem:s28+$0xC0] =	vst v11;
	v8 =	vld [tilespmem:s30+$0xD0]  }
0x1a2: {  	v11 =	vsel vm2, v2, v3;
	v51 =	vld [tilespmem:s30+$0x150]  }
0x1a3: {  	vm2 =	veq.s32 v46, v6;
	[tilespmem:s28+$0x140] =	vst v11;
	v6 =	vld [tilespmem:s30+$0x1D0]  }
0x1a4: {  	v11 =	vsel vm2, v2, v3;
	v52 =	vld [tilespmem:s30+$0x250]  }
0x1a5: {  	vm2 =	veq.s32 v47, v7;
	[tilespmem:s28+$0xFFFFFE50] =	vst v11;
	v7 =	vld [tilespmem:s30+$0x2D0]  }
0x1a6: {  	v11 =	vsel vm2, v2, v3;
	v53 =	vld [tilespmem:s30+$0xFFFFFC60]  }
0x1a7: {  	vm2 =	veq.s32 v48, v9;
	[tilespmem:s28+$0xFFFFFED0] =	vst v11;
	v9 =	vld [tilespmem:s30+$0xFFFFFCE0]  }
0x1a8: {  	v11 =	vsel vm2, v2, v3;
	v54 =	vld [tilespmem:s30+$0xFFFFFD60]  }
0x1a9: {  	[tilespmem:s28+$0xFFFFFF50] =	vst v11;
	vm2 =	veq.s32 v49, v10;
	v10 =	vld [tilespmem:s30+$0xFFFFFDE0]  }
0x1aa: {  	v11 =	vsel vm2, v2, v3;
	v55 =	vld [tilespmem:s30+$0xFFFFFE60]  }
0x1ab: {  	vm2 =	veq.s32 v50, v8;
	v8 =	vld [tilespmem:s30+$0xFFFFFEE0];
	[tilespmem:s28+$0xFFFFFFD0] =	vst v11  }
0x1ac: {  	v11 =	vsel vm2, v2, v3;
	v56 =	vld [tilespmem:s30+$0xFFFFFF60]  }
0x1ad: {  	vm2 =	veq.s32 v51, v6;
	[tilespmem:s28+$0x50] =	vst v11;
	v6 =	vld [tilespmem:s30+$0xFFFFFFE0]  }
0x1ae: {  	v11 =	vsel vm2, v2, v3;
	v57 =	vld [tilespmem:s30+$0x60]  }
0x1af: {  	vm2 =	veq.s32 v52, v7;
	[tilespmem:s28+$0xD0] =	vst v11;
	v7 =	vld [tilespmem:s30+$0xE0]  }
0x1b0: {  	v11 =	vsel vm2, v2, v3;
	v58 =	vld [tilespmem:s30+$0x160]  }
0x1b1: {  	vm2 =	veq.s32 v53, v9;
	[tilespmem:s28+$0x150] =	vst v11;
	v9 =	vld [tilespmem:s30+$0x1E0]  }
0x1b2: {  	v11 =	vsel vm2, v2, v3;
	v59 =	vld [tilespmem:s30+$0x260]  }
0x1b3: {  	vm2 =	veq.s32 v54, v10;
	[tilespmem:s28+$0xFFFFFE60] =	vst v11;
	v10 =	vld [tilespmem:s30+$0x2E0]  }
0x1b4: {  	v11 =	vsel vm2, v2, v3;
	v60 =	vld [tilespmem:s30+$0xFFFFFC70]  }
0x1b5: {  	vm2 =	veq.s32 v55, v8;
	[tilespmem:s28+$0xFFFFFEE0] =	vst v11;
	v8 =	vld [tilespmem:s30+$0xFFFFFCF0]  }
0x1b6: {  	v11 =	vsel vm2, v2, v3;
	v61 =	vld [tilespmem:s30+$0xFFFFFD70]  }
0x1b7: {  	[tilespmem:s28+$0xFFFFFF60] =	vst v11;
	vm2 =	veq.s32 v56, v6;
	v11 =	vld [tilespmem:s30+$0xFFFFFDF0]  }
0x1b8: {  	v6 =	vsel vm2, v2, v3;
	v62 =	vld [tilespmem:s30+$0xFFFFFE70]  }
0x1b9: {  	vm2 =	veq.s32 v57, v7;
	v7 =	vld [tilespmem:s30+$0xFFFFFEF0];
	[tilespmem:s28+$0xFFFFFFE0] =	vst v6  }
0x1ba: {  	vm3 =	veq.s32 v4, v5;
	v4 =	vsel vm2, v2, v3;
	v63 =	vld [tilespmem:s30+$0xFFFFFF70]  }
0x1bb: {  	v5 =	vsel vm3, v2, v3;
	vm2 =	veq.s32 v58, v9;
	[tilespmem:s28+$0x60] =	vst v4;
	v9 =	vld [tilespmem:s30+$0xFFFFFFF0]  }
0x1bc: {  	[tilespmem:s28+$0x1F0] =	vst v5;
	vm3 =	veq.s32 v59, v10;
	v5 =	vsel vm2, v2, v3;
	v4 =	vld [tilespmem:s30+$0x70]  }
0x1bd: {  	[tilespmem:s28+$0xE0] =	vst v5;
	vm2 =	veq.s32 v60, v8;
	v5 =	vsel vm3, v2, v3;
	v6 =	vld [tilespmem:s30+$0xF0]  }
0x1be: {  	[tilespmem:s28+$0x160] =	vst v5;
	v8 =	vsel vm2, v2, v3;
	vm2 =	veq.s32 v61, v11;
	v5 =	vld [tilespmem:s30+$0x170]  }
0x1bf: {  	[tilespmem:s28+$0xFFFFFE70] =	vst v8;
	v10 =	vsel vm2, v2, v3;
	vm2 =	veq.s32 v62, v7;
	v8 =	vld [tilespmem:s30+$0x1F0]  }
0x1c0: {  	v7 =	vld [tilespmem:s30+$0x270];
	[tilespmem:s28+$0xFFFFFEF0] =	vst v10;
	v10 =	vsel vm2, v2, v3;
	vm2 =	veq.s32 v63, v9  }
0x1c1: {  	s29 =	simm.s32 $0x0;
	[tilespmem:s28+$0xFFFFFF70] =	vst v10;
	v9 =	vld [tilespmem:s30+$0x2F0];
	s30 =	simm.s32 $0xAC00;
	v10 =	vsel vm2, v2, v3  }
.LBB2_4:
0x1c2: {  	v11 =	vld [tilespmem:s30+$0x300];
	[tilespmem:s28+$0xFFFFFFF0] =	vst v10;
	vm2 =	veq.s32 v4, v6  }
0x1c3: {  	v4 =	vld [tilespmem:s30+$0x380];
	v6 =	vsel vm2, v2, v3  }
0x1c4: {  	v10 =	vld [tilespmem:s30+$0xFFFFFC80];
	[tilespmem:s28+$0x70] =	vst v6;
	vm2 =	veq.s32 v5, v8  }
0x1c5: {  	v5 =	vld [tilespmem:s30+$0xFFFFFD00];
	v6 =	vsel vm2, v2, v3  }
0x1c6: {  	v8 =	vld [tilespmem:s30+$0xFFFFFD80];
	[tilespmem:s28+$0xF0] =	vst v6;
	vm2 =	veq.s32 v7, v9  }
0x1c7: {  	v6 =	vld [tilespmem:s30+$0xFFFFFE00];
	v7 =	vsel vm2, v2, v3  }
0x1c8: {  	v9 =	vld [tilespmem:s30+$0xFFFFFE80];
	vm2 =	veq.s32 v11, v4;
	[tilespmem:s28+$0x170] =	vst v7  }
0x1c9: {  	s28 =	sadd.s32 $0x400, s28;
	v4 =	vld [tilespmem:s30+$0xFFFFFF00];
	v7 =	vsel vm2, v2, v3  }
0x1ca: {  	s29 =	sadd.s32 $0x8, s29;
	v11 =	vld [tilespmem:s30+$0xFFFFFF80];
	[tilespmem:s28+$0x180] =	vst v7  }
0x1cb: {  	p0 =	slt.u32 s29, $0x98;
	vm2 =	veq.s32 v5, v8;
	v5 =	vld [tilespmem:s30+$0x310]  }
0x1cc: {  	v7 =	vsel vm2, v2, v3;
	v8 =	vld [tilespmem:s30+$0x390]  }
0x1cd: {  	[tilespmem:s28+$0xFFFFFE80] =	vst v7;
	vm2 =	veq.s32 v6, v9;
	v6 =	vld [tilespmem:s30+$0x0]  }
0x1ce: {  	v7 =	vsel vm2, v2, v3;
	v9 =	vld [tilespmem:s30+$0x80]  }
0x1cf: {  	[tilespmem:s28+$0xFFFFFF00] =	vst v7;
	vm2 =	veq.s32 v4, v11;
	v4 =	vld [tilespmem:s30+$0x100]  }
0x1d0: {  	v7 =	vsel vm2, v2, v3;
	v11 =	vld [tilespmem:s30+$0x180]  }
0x1d1: {  	[tilespmem:s28+$0xFFFFFF80] =	vst v7;
	v7 =	vld [tilespmem:s30+$0x200];
	vm2 =	veq.s32 v5, v8  }
0x1d2: {  	v5 =	vld [tilespmem:s30+$0x280];
	v8 =	vsel vm2, v2, v3  }
0x1d3: {  	v12 =	vld [tilespmem:s30+$0xFFFFFC00];
	vm2 =	veq.s32 v6, v9;
	[tilespmem:s28+$0x190] =	vst v8  }
0x1d4: {  	v6 =	vsel vm2, v2, v3;
	v8 =	vld [tilespmem:s30+$0x320]  }
0x1d5: {  	[tilespmem:s28+$0x0] =	vst v6;
	vm2 =	veq.s32 v4, v11;
	v4 =	vld [tilespmem:s30+$0x3A0]  }
0x1d6: {  	v6 =	vld [tilespmem:s30+$0xFFFFFD10];
	v9 =	vsel vm2, v2, v3  }
0x1d7: {  	v11 =	vld [tilespmem:s30+$0xFFFFFD90];
	[tilespmem:s28+$0x80] =	vst v9;
	vm2 =	veq.s32 v7, v5  }
0x1d8: {  	vm3 =	veq.s32 v12, v10;
	v5 =	vld [tilespmem:s30+$0xFFFFFE10];
	v7 =	vsel vm2, v2, v3  }
0x1d9: {  	v9 =	vsel vm3, v2, v3;
	v10 =	vld [tilespmem:s30+$0xFFFFFE90];
	[tilespmem:s28+$0x100] =	vst v7  }
0x1da: {  	[tilespmem:s28+$0xFFFFFE00] =	vst v9;
	v7 =	vld [tilespmem:s30+$0xFFFFFF10];
	vm2 =	veq.s32 v8, v4  }
0x1db: {  	v4 =	vld [tilespmem:s30+$0xFFFFFC10];
	v8 =	vsel vm2, v2, v3  }
0x1dc: {  	v9 =	vld [tilespmem:s30+$0xFFFFFC90];
	vm2 =	veq.s32 v6, v11;
	[tilespmem:s28+$0x1A0] =	vst v8  }
0x1dd: {  	v6 =	vsel vm2, v2, v3;
	v8 =	vld [tilespmem:s30+$0x330]  }
0x1de: {  	[tilespmem:s28+$0xFFFFFE90] =	vst v6;
	vm2 =	veq.s32 v5, v10;
	v5 =	vld [tilespmem:s30+$0x3B0]  }
0x1df: {  	v6 =	vsel vm2, v2, v3;
	v10 =	vld [tilespmem:s30+$0xFFFFFF90]  }
0x1e0: {  	[tilespmem:s28+$0xFFFFFF10] =	vst v6;
	v6 =	vld [tilespmem:s30+$0x10]  }
0x1e1: {  	vm2 =	veq.s32 v4, v9;
	v4 =	vld [tilespmem:s30+$0x90]  }
0x1e2: {  	v9 =	vsel vm2, v2, v3;
	v11 =	vld [tilespmem:s30+$0x110]  }
0x1e3: {  	[tilespmem:s28+$0xFFFFFE10] =	vst v9;
	v9 =	vld [tilespmem:s30+$0x190];
	vm2 =	veq.s32 v8, v5  }
0x1e4: {  	vm3 =	veq.s32 v7, v10;
	v5 =	vld [tilespmem:s30+$0x210];
	v7 =	vsel vm2, v2, v3  }
0x1e5: {  	v8 =	vsel vm3, v2, v3;
	v10 =	vld [tilespmem:s30+$0x290];
	[tilespmem:s28+$0x1B0] =	vst v7  }
0x1e6: {  	[tilespmem:s28+$0xFFFFFF90] =	vst v8;
	vm2 =	veq.s32 v6, v4;
	v4 =	vld [tilespmem:s30+$0x340]  }
0x1e7: {  	v6 =	vsel vm2, v2, v3;
	v7 =	vld [tilespmem:s30+$0x3C0]  }
0x1e8: {  	v8 =	vld [tilespmem:s30+$0xFFFFFC20];
	[tilespmem:s28+$0x10] =	vst v6;
	vm2 =	veq.s32 v11, v9  }
0x1e9: {  	v6 =	vld [tilespmem:s30+$0xFFFFFCA0];
	v9 =	vsel vm2, v2, v3  }
0x1ea: {  	v11 =	vld [tilespmem:s30+$0xFFFFFD20];
	[tilespmem:s28+$0x90] =	vst v9;
	vm2 =	veq.s32 v5, v10  }
0x1eb: {  	v5 =	vld [tilespmem:s30+$0xFFFFFDA0];
	v9 =	vsel vm2, v2, v3  }
0x1ec: {  	v10 =	vld [tilespmem:s30+$0xFFFFFE20];
	[tilespmem:s28+$0x110] =	vst v9;
	vm2 =	veq.s32 v4, v7  }
0x1ed: {  	v4 =	vld [tilespmem:s30+$0xFFFFFEA0];
	v7 =	vsel vm2, v2, v3  }
0x1ee: {  	vm2 =	veq.s32 v8, v6;
	v6 =	vld [tilespmem:s30+$0xFFFFFF20];
	[tilespmem:s28+$0x1C0] =	vst v7  }
0x1ef: {  	v7 =	vsel vm2, v2, v3;
	v8 =	vld [tilespmem:s30+$0x350]  }
0x1f0: {  	[tilespmem:s28+$0xFFFFFE20] =	vst v7;
	vm2 =	veq.s32 v11, v5;
	v5 =	vld [tilespmem:s30+$0x3D0]  }
0x1f1: {  	v7 =	vsel vm2, v2, v3;
	v9 =	vld [tilespmem:s30+$0xFFFFFFA0]  }
0x1f2: {  	[tilespmem:s28+$0xFFFFFEA0] =	vst v7;
	vm2 =	veq.s32 v10, v4;
	v4 =	vld [tilespmem:s30+$0x20]  }
0x1f3: {  	v7 =	vsel vm2, v2, v3;
	v10 =	vld [tilespmem:s30+$0xA0]  }
0x1f4: {  	[tilespmem:s28+$0xFFFFFF20] =	vst v7;
	v7 =	vld [tilespmem:s30+$0x120]  }
0x1f5: {  	v11 =	vld [tilespmem:s30+$0x1A0];
	vm2 =	veq.s32 v8, v5  }
0x1f6: {  	vm3 =	veq.s32 v6, v9;
	v5 =	vld [tilespmem:s30+$0x220];
	v6 =	vsel vm2, v2, v3  }
0x1f7: {  	v8 =	vsel vm3, v2, v3;
	v9 =	vld [tilespmem:s30+$0x2A0];
	[tilespmem:s28+$0x1D0] =	vst v6  }
0x1f8: {  	[tilespmem:s28+$0xFFFFFFA0] =	vst v8;
	vm2 =	veq.s32 v4, v10;
	v4 =	vld [tilespmem:s30+$0x360]  }
0x1f9: {  	v6 =	vsel vm2, v2, v3;
	v8 =	vld [tilespmem:s30+$0x3E0]  }
0x1fa: {  	v10 =	vld [tilespmem:s30+$0xFFFFFC30];
	[tilespmem:s28+$0x20] =	vst v6;
	vm2 =	veq.s32 v7, v11  }
0x1fb: {  	v6 =	vld [tilespmem:s30+$0xFFFFFCB0];
	v7 =	vsel vm2, v2, v3  }
0x1fc: {  	v11 =	vld [tilespmem:s30+$0xFFFFFD30];
	[tilespmem:s28+$0xA0] =	vst v7;
	vm2 =	veq.s32 v5, v9  }
0x1fd: {  	v5 =	vld [tilespmem:s30+$0xFFFFFDB0];
	v7 =	vsel vm2, v2, v3  }
0x1fe: {  	v9 =	vld [tilespmem:s30+$0xFFFFFE30];
	[tilespmem:s28+$0x120] =	vst v7;
	vm2 =	veq.s32 v4, v8  }
0x1ff: {  	v4 =	vld [tilespmem:s30+$0xFFFFFEB0];
	v7 =	vsel vm2, v2, v3  }
0x200: {  	vm2 =	veq.s32 v10, v6;
	v6 =	vld [tilespmem:s30+$0xFFFFFF30];
	[tilespmem:s28+$0x1E0] =	vst v7  }
0x201: {  	v7 =	vsel vm2, v2, v3;
	v8 =	vld [tilespmem:s30+$0x370]  }
0x202: {  	[tilespmem:s28+$0xFFFFFE30] =	vst v7;
	vm2 =	veq.s32 v11, v5;
	v5 =	vld [tilespmem:s30+$0x3F0]  }
0x203: {  	v7 =	vsel vm2, v2, v3;
	v10 =	vld [tilespmem:s30+$0xFFFFFFB0]  }
0x204: {  	[tilespmem:s28+$0xFFFFFEB0] =	vst v7;
	vm2 =	veq.s32 v9, v4;
	v4 =	vld [tilespmem:s30+$0x30]  }
0x205: {  	v7 =	vsel vm2, v2, v3;
	v9 =	vld [tilespmem:s30+$0xB0]  }
0x206: {  	[tilespmem:s28+$0xFFFFFF30] =	vst v7;
	v7 =	vld [tilespmem:s30+$0x130]  }
0x207: {  	v11 =	vld [tilespmem:s30+$0x1B0];
	vm2 =	veq.s32 v8, v5  }
0x208: {  	vm3 =	veq.s32 v6, v10;
	v5 =	vld [tilespmem:s30+$0x230];
	v6 =	vsel vm2, v2, v3  }
0x209: {  	v8 =	vsel vm3, v2, v3;
	v10 =	vld [tilespmem:s30+$0x2B0];
	[tilespmem:s28+$0x1F0] =	vst v6  }
0x20a: {  	v6 =	vld [tilespmem:s30+$0xFFFFFC40];
	[tilespmem:s28+$0xFFFFFFB0] =	vst v8;
	vm2 =	veq.s32 v4, v9  }
0x20b: {  	v4 =	vld [tilespmem:s30+$0xFFFFFCC0];
	v8 =	vsel vm2, v2, v3  }
0x20c: {  	v9 =	vld [tilespmem:s30+$0xFFFFFD40];
	[tilespmem:s28+$0x30] =	vst v8;
	vm2 =	veq.s32 v7, v11  }
0x20d: {  	v7 =	vld [tilespmem:s30+$0xFFFFFDC0];
	v8 =	vsel vm2, v2, v3  }
0x20e: {  	v11 =	vld [tilespmem:s30+$0xFFFFFE40];
	[tilespmem:s28+$0xB0] =	vst v8;
	vm2 =	veq.s32 v5, v10  }
0x20f: {  	v5 =	vld [tilespmem:s30+$0xFFFFFEC0];
	v8 =	vsel vm2, v2, v3  }
0x210: {  	vm2 =	veq.s32 v6, v4;
	v4 =	vld [tilespmem:s30+$0xFFFFFF40];
	[tilespmem:s28+$0x130] =	vst v8  }
0x211: {  	v6 =	vsel vm2, v2, v3;
	v8 =	vld [tilespmem:s30+$0xFFFFFFC0]  }
0x212: {  	[tilespmem:s28+$0xFFFFFE40] =	vst v6;
	vm2 =	veq.s32 v9, v7;
	v6 =	vld [tilespmem:s30+$0x40]  }
0x213: {  	v7 =	vsel vm2, v2, v3;
	v9 =	vld [tilespmem:s30+$0xC0]  }
0x214: {  	[tilespmem:s28+$0xFFFFFEC0] =	vst v7;
	vm2 =	veq.s32 v11, v5;
	v5 =	vld [tilespmem:s30+$0x140]  }
0x215: {  	v7 =	vsel vm2, v2, v3;
	v10 =	vld [tilespmem:s30+$0x1C0]  }
0x216: {  	[tilespmem:s28+$0xFFFFFF40] =	vst v7;
	vm2 =	veq.s32 v4, v8;
	v4 =	vld [tilespmem:s30+$0x240]  }
0x217: {  	v7 =	vsel vm2, v2, v3;
	v8 =	vld [tilespmem:s30+$0x2C0]  }
0x218: {  	v11 =	vld [tilespmem:s30+$0xFFFFFC50];
	[tilespmem:s28+$0xFFFFFFC0] =	vst v7;
	vm2 =	veq.s32 v6, v9  }
0x219: {  	v6 =	vld [tilespmem:s30+$0xFFFFFCD0];
	v7 =	vsel vm2, v2, v3  }
0x21a: {  	v9 =	vld [tilespmem:s30+$0xFFFFFD50];
	[tilespmem:s28+$0x40] =	vst v7;
	vm2 =	veq.s32 v5, v10  }
0x21b: {  	v5 =	vld [tilespmem:s30+$0xFFFFFDD0];
	v7 =	vsel vm2, v2, v3  }
0x21c: {  	v10 =	vld [tilespmem:s30+$0xFFFFFE50];
	[tilespmem:s28+$0xC0] =	vst v7;
	vm2 =	veq.s32 v4, v8  }
0x21d: {  	v4 =	vld [tilespmem:s30+$0xFFFFFED0];
	v7 =	vsel vm2, v2, v3  }
0x21e: {  	vm2 =	veq.s32 v11, v6;
	v6 =	vld [tilespmem:s30+$0xFFFFFF50];
	[tilespmem:s28+$0x140] =	vst v7  }
0x21f: {  	v7 =	vsel vm2, v2, v3;
	v8 =	vld [tilespmem:s30+$0xFFFFFFD0]  }
0x220: {  	[tilespmem:s28+$0xFFFFFE50] =	vst v7;
	vm2 =	veq.s32 v9, v5;
	v5 =	vld [tilespmem:s30+$0x50]  }
0x221: {  	v7 =	vsel vm2, v2, v3;
	v9 =	vld [tilespmem:s30+$0xD0]  }
0x222: {  	[tilespmem:s28+$0xFFFFFED0] =	vst v7;
	vm2 =	veq.s32 v10, v4;
	v4 =	vld [tilespmem:s30+$0x150]  }
0x223: {  	v7 =	vsel vm2, v2, v3;
	v10 =	vld [tilespmem:s30+$0x1D0]  }
0x224: {  	[tilespmem:s28+$0xFFFFFF50] =	vst v7;
	vm2 =	veq.s32 v6, v8;
	v6 =	vld [tilespmem:s30+$0x250]  }
0x225: {  	v7 =	vsel vm2, v2, v3;
	v8 =	vld [tilespmem:s30+$0x2D0]  }
0x226: {  	v11 =	vld [tilespmem:s30+$0xFFFFFC60];
	[tilespmem:s28+$0xFFFFFFD0] =	vst v7;
	vm2 =	veq.s32 v5, v9  }
0x227: {  	v5 =	vld [tilespmem:s30+$0xFFFFFCE0];
	v7 =	vsel vm2, v2, v3  }
0x228: {  	v9 =	vld [tilespmem:s30+$0xFFFFFD60];
	[tilespmem:s28+$0x50] =	vst v7;
	vm2 =	veq.s32 v4, v10  }
0x229: {  	v4 =	vld [tilespmem:s30+$0xFFFFFDE0];
	v7 =	vsel vm2, v2, v3  }
0x22a: {  	v10 =	vld [tilespmem:s30+$0xFFFFFE60];
	[tilespmem:s28+$0xD0] =	vst v7;
	vm2 =	veq.s32 v6, v8  }
0x22b: {  	v6 =	vld [tilespmem:s30+$0xFFFFFEE0];
	v7 =	vsel vm2, v2, v3  }
0x22c: {  	vm2 =	veq.s32 v11, v5;
	v5 =	vld [tilespmem:s30+$0xFFFFFF60];
	[tilespmem:s28+$0x150] =	vst v7  }
0x22d: {  	v7 =	vsel vm2, v2, v3;
	v8 =	vld [tilespmem:s30+$0xFFFFFFE0]  }
0x22e: {  	[tilespmem:s28+$0xFFFFFE60] =	vst v7;
	vm2 =	veq.s32 v9, v4;
	v4 =	vld [tilespmem:s30+$0x60]  }
0x22f: {  	v7 =	vsel vm2, v2, v3;
	v9 =	vld [tilespmem:s30+$0xE0]  }
0x230: {  	[tilespmem:s28+$0xFFFFFEE0] =	vst v7;
	vm2 =	veq.s32 v10, v6;
	v6 =	vld [tilespmem:s30+$0x160]  }
0x231: {  	v7 =	vsel vm2, v2, v3;
	v10 =	vld [tilespmem:s30+$0x1E0]  }
0x232: {  	[tilespmem:s28+$0xFFFFFF60] =	vst v7;
	vm2 =	veq.s32 v5, v8;
	v5 =	vld [tilespmem:s30+$0x260]  }
0x233: {  	v7 =	vsel vm2, v2, v3;
	v8 =	vld [tilespmem:s30+$0x2E0]  }
0x234: {  	v11 =	vld [tilespmem:s30+$0xFFFFFC70];
	[tilespmem:s28+$0xFFFFFFE0] =	vst v7;
	vm2 =	veq.s32 v4, v9  }
0x235: {  	v4 =	vld [tilespmem:s30+$0xFFFFFCF0];
	v7 =	vsel vm2, v2, v3  }
0x236: {  	v9 =	vld [tilespmem:s30+$0xFFFFFD70];
	[tilespmem:s28+$0x60] =	vst v7;
	vm2 =	veq.s32 v6, v10  }
0x237: {  	v6 =	vld [tilespmem:s30+$0xFFFFFDF0];
	v7 =	vsel vm2, v2, v3  }
0x238: {  	v10 =	vld [tilespmem:s30+$0xFFFFFE70];
	[tilespmem:s28+$0xE0] =	vst v7;
	vm2 =	veq.s32 v5, v8  }
0x239: {  	v5 =	vld [tilespmem:s30+$0xFFFFFEF0];
	v7 =	vsel vm2, v2, v3  }
0x23a: {  	vm2 =	veq.s32 v11, v4;
	v11 =	vld [tilespmem:s30+$0xFFFFFF70];
	[tilespmem:s28+$0x160] =	vst v7  }
0x23b: {  	v4 =	vsel vm2, v2, v3;
	v7 =	vld [tilespmem:s30+$0xFFFFFFF0]  }
0x23c: {  	[tilespmem:s28+$0xFFFFFE70] =	vst v4;
	vm2 =	veq.s32 v9, v6;
	v4 =	vld [tilespmem:s30+$0x70]  }
.Ltmp1:
0x23d: {  	v8 =	vsel vm2, v2, v3;
	v6 =	vld [tilespmem:s30+$0xF0];
	(pc) =	sbr.rel @p0 .LBB2_4-.Ltmp1, $4  }
0x23e: {  	[tilespmem:s28+$0xFFFFFEF0] =	vst v8;
	vm2 =	veq.s32 v10, v5;
	v5 =	vld [tilespmem:s30+$0x170]  }
0x23f: {  	v9 =	vsel vm2, v2, v3;
	v8 =	vld [tilespmem:s30+$0x1F0]  }
0x240: {  	[tilespmem:s28+$0xFFFFFF70] =	vst v9;
	vm2 =	veq.s32 v11, v7;
	v7 =	vld [tilespmem:s30+$0x270]  }
0x241: {  	v10 =	vsel vm2, v2, v3;
	v9 =	vld [tilespmem:s30+$0x2F0];
	s30 =	sadd.s32 $0x800, s30  }
0x242: {  	_ =	sdelay $0x1  }
0x243: {  	vm2 =	veq.s32 v4, v6  }
0x244: {  	[tilespmem:s28+$0xFFFFFFF0] =	vst v10;
	v4 =	vsel vm2, v2, v3;
	vm2 =	veq.s32 v5, v8  }
0x245: {  	[tilespmem:s28+$0x70] =	vst v4;
	v4 =	vsel vm2, v2, v3;
	vm2 =	veq.s32 v7, v9  }
0x246: {  	[tilespmem:s28+$0xF0] =	vst v4;
	v4 =	vsel vm2, v2, v3  }
0x247: {  	[tilespmem:s28+$0x170] =	vst v4  }
0x248: {  	[hbm4b:s8+s3] =	stream.linear.scatter [tilespmem:s23], [sflag:$0x4], $0x5000, $0x38;
	[tilespmem:$0x1E080] =	vst v63  }
0x249: {  	_ = 	snop  }
0x24a: {  	[tilespmem:s19], [sflag:$0x2] =	stream.linear.gather [hbm4b:s9+s3], $0xA000, $0x38;
	[tilespmem:$0x1E080] =	vst v63  }
0x24b: {  	_ =	swait.ge [sflag:s20], $0xA000  }
0x24c: {  	[sflag:s20] =	ssyncset.done $0x0  }
0x24d: {  	[sflag:s20] =	ssyncadd.s32 $0xFFFF6000  }
0x24e: {  	_ =	swait.ge [sflag:s24], $0x2800  }
0x24f: {  	[sflag:s24] =	ssyncset.done $0x0  }
0x250: {  	s30 =	simm.s32 $0x400;
	[sflag:s24] =	ssyncadd.s32 $0xFFFFD800  }
0x251: {  	v4 =	vld [tilespmem:s30+$0x300]  }
0x252: {  	v5 =	vld [tilespmem:s30+$0x380]  }
0x253: {  	v6 =	vld [tilespmem:s30+$0xFFFFFC80]  }
0x254: {  	v7 =	vld [tilespmem:s30+$0xFFFFFD00]  }
0x255: {  	v8 =	vld [tilespmem:s30+$0xFFFFFD80]  }
0x256: {  	v9 =	vld [tilespmem:s30+$0xFFFFFE00]  }
0x257: {  	v10 =	vld [tilespmem:s30+$0xFFFFFE80];
	vm2 =	veq.s32 v4, v5  }
0x258: {  	s28 =	simm.s32 $0x14200;
	v11 =	vld [tilespmem:s30+$0xFFFFFF80];
	v5 =	vsel vm2, v2, v3  }
0x259: {  	v13 =	vld [tilespmem:s30+$0x0];
	[tilespmem:s28+$0x180] =	vst v5  }
0x25a: {  	v5 =	vld [tilespmem:s30+$0x310]  }
0x25b: {  	v12 =	vld [tilespmem:s30+$0x390]  }
0x25c: {  	v14 =	vld [tilespmem:s30+$0x80]  }
0x25d: {  	v15 =	vld [tilespmem:s30+$0x100]  }
0x25e: {  	v16 =	vld [tilespmem:s30+$0x180]  }
0x25f: {  	v17 =	vld [tilespmem:s30+$0x200]  }
0x260: {  	v4 =	vld [tilespmem:s30+$0xFFFFFF00];
	vm2 =	veq.s32 v5, v12  }
0x261: {  	v5 =	vld [tilespmem:s30+$0x280];
	v12 =	vsel vm2, v2, v3  }
0x262: {  	vm2 =	veq.s32 v7, v8;
	v7 =	vld [tilespmem:s30+$0xFFFFFC00];
	[tilespmem:s28+$0x190] =	vst v12  }
0x263: {  	v8 =	vsel vm2, v2, v3;
	v12 =	vld [tilespmem:s30+$0x320]  }
0x264: {  	vm2 =	veq.s32 v9, v10;
	[tilespmem:s28+$0xFFFFFE80] =	vst v8;
	v8 =	vld [tilespmem:s30+$0x3A0]  }
0x265: {  	v9 =	vsel vm2, v2, v3;
	vm2 =	veq.s32 v4, v11;
	v10 =	vld [tilespmem:s30+$0xFFFFFD10]  }
0x266: {  	[tilespmem:s28+$0xFFFFFF00] =	vst v9;
	v4 =	vld [tilespmem:s30+$0xFFFFFD90];
	v9 =	vsel vm2, v2, v3  }
0x267: {  	[tilespmem:s28+$0xFFFFFF80] =	vst v9;
	v9 =	vld [tilespmem:s30+$0xFFFFFE90]  }
0x268: {  	vm2 =	veq.s32 v7, v6;
	v6 =	vld [tilespmem:s30+$0xFFFFFE10]  }
0x269: {  	v21 =	vld [tilespmem:s30+$0xFFFFFF90];
	v7 =	vsel vm2, v2, v3;
	vm2 =	veq.s32 v12, v8  }
0x26a: {  	[tilespmem:s28+$0xFFFFFE00] =	vst v7;
	v7 =	vld [tilespmem:s30+$0xFFFFFF10];
	v11 =	vsel vm2, v2, v3  }
0x26b: {  	v8 =	vld [tilespmem:s30+$0xFFFFFC10];
	[tilespmem:s28+$0x1A0] =	vst v11  }
0x26c: {  	vm2 =	veq.s32 v13, v14;
	v11 =	vld [tilespmem:s30+$0x330]  }
0x26d: {  	v13 =	vsel vm2, v2, v3;
	v20 =	vld [tilespmem:s30+$0x3B0]  }
0x26e: {  	v63 =	vld [tilespmem:s30+$0xFFFFFC90];
	vm2 =	veq.s32 v15, v16;
	[tilespmem:s28+$0x0] =	vst v13  }
0x26f: {  	v15 =	vsel vm2, v2, v3;
	v22 =	vld [tilespmem:s30+$0x10]  }
0x270: {  	vm2 =	veq.s32 v17, v5;
	[tilespmem:s28+$0x80] =	vst v15;
	v5 =	vld [tilespmem:s30+$0x90]  }
0x271: {  	v23 =	vsel vm2, v2, v3;
	v24 =	vld [tilespmem:s30+$0x110]  }
0x272: {  	[tilespmem:s28+$0x100] =	vst v23;
	v25 =	vld [tilespmem:s30+$0x190];
	vm2 =	veq.s32 v11, v20  }
0x273: {  	v11 =	vld [tilespmem:s30+$0x210];
	v14 =	vsel vm2, v2, v3  }
0x274: {  	vm2 =	veq.s32 v8, v63;
	v8 =	vld [tilespmem:s30+$0x290];
	[tilespmem:s28+$0x1B0] =	vst v14  }
0x275: {  	v12 =	vsel vm2, v2, v3;
	v14 =	vld [tilespmem:s30+$0x340]  }
0x276: {  	vm2 =	veq.s32 v10, v4;
	[tilespmem:s28+$0xFFFFFE10] =	vst v12;
	v4 =	vld [tilespmem:s30+$0x3C0]  }
0x277: {  	v10 =	vsel vm2, v2, v3;
	v12 =	vld [tilespmem:s30+$0xFFFFFC20]  }
0x278: {  	vm2 =	veq.s32 v6, v9;
	[tilespmem:s28+$0xFFFFFE90] =	vst v10;
	v6 =	vld [tilespmem:s30+$0xFFFFFCA0]  }
0x279: {  	v9 =	vsel vm2, v2, v3;
	vm2 =	veq.s32 v7, v21;
	v10 =	vld [tilespmem:s30+$0xFFFFFD20]  }
0x27a: {  	[tilespmem:s28+$0xFFFFFF10] =	vst v9;
	v7 =	vld [tilespmem:s30+$0xFFFFFDA0];
	v9 =	vsel vm2, v2, v3  }
0x27b: {  	v26 =	vld [tilespmem:s30+$0xFFFFFE20];
	[tilespmem:s28+$0xFFFFFF90] =	vst v9;
	vm2 =	veq.s32 v14, v4  }
0x27c: {  	v27 =	vld [tilespmem:s30+$0xFFFFFF20];
	v9 =	vsel vm2, v2, v3  }
0x27d: {  	v4 =	vld [tilespmem:s30+$0xFFFFFEA0];
	[tilespmem:s28+$0x1C0] =	vst v9  }
0x27e: {  	vm2 =	veq.s32 v22, v5;
	v5 =	vld [tilespmem:s30+$0x350]  }
0x27f: {  	v9 =	vsel vm2, v2, v3;
	v28 =	vld [tilespmem:s30+$0x3D0]  }
0x280: {  	vm2 =	veq.s32 v24, v25;
	[tilespmem:s28+$0x10] =	vst v9;
	v9 =	vld [tilespmem:s30+$0xFFFFFFA0]  }
0x281: {  	v15 =	vsel vm2, v2, v3;
	v29 =	vld [tilespmem:s30+$0x20]  }
0x282: {  	vm2 =	veq.s32 v11, v8;
	[tilespmem:s28+$0x90] =	vst v15;
	v8 =	vld [tilespmem:s30+$0xA0]  }
0x283: {  	v11 =	vsel vm2, v2, v3;
	v15 =	vld [tilespmem:s30+$0x120]  }
0x284: {  	[tilespmem:s28+$0x110] =	vst v11;
	v11 =	vld [tilespmem:s30+$0x1A0];
	vm2 =	veq.s32 v5, v28  }
0x285: {  	v30 =	vld [tilespmem:s30+$0x220];
	v5 =	vsel vm2, v2, v3  }
0x286: {  	vm2 =	veq.s32 v12, v6;
	v6 =	vld [tilespmem:s30+$0x2A0];
	[tilespmem:s28+$0x1D0] =	vst v5  }
0x287: {  	v5 =	vsel vm2, v2, v3;
	v31 =	vld [tilespmem:s30+$0x360]  }
0x288: {  	vm2 =	veq.s32 v10, v7;
	[tilespmem:s28+$0xFFFFFE20] =	vst v5;
	v5 =	vld [tilespmem:s30+$0x3E0]  }
0x289: {  	v7 =	vsel vm2, v2, v3;
	v10 =	vld [tilespmem:s30+$0xFFFFFC30]  }
0x28a: {  	vm2 =	veq.s32 v26, v4;
	[tilespmem:s28+$0xFFFFFEA0] =	vst v7;
	v7 =	vld [tilespmem:s30+$0xFFFFFCB0]  }
0x28b: {  	v4 =	vsel vm2, v2, v3;
	v32 =	vld [tilespmem:s30+$0xFFFFFD30]  }
0x28c: {  	vm2 =	veq.s32 v27, v9;
	[tilespmem:s28+$0xFFFFFF20] =	vst v4;
	v9 =	vld [tilespmem:s30+$0xFFFFFDB0]  }
0x28d: {  	v4 =	vsel vm2, v2, v3;
	v33 =	vld [tilespmem:s30+$0xFFFFFE30];
	vm2 =	veq.s32 v31, v5  }
0x28e: {  	[tilespmem:s28+$0xFFFFFFA0] =	vst v4;
	v34 =	vld [tilespmem:s30+$0xFFFFFEB0];
	v4 =	vsel vm2, v2, v3  }
0x28f: {  	v18 =	vld [tilespmem:s30+$0xFFFFFF30];
	[tilespmem:s28+$0x1E0] =	vst v4  }
0x290: {  	vm2 =	veq.s32 v29, v8;
	v4 =	vld [tilespmem:s30+$0x370]  }
0x291: {  	v8 =	vsel vm2, v2, v3;
	v5 =	vld [tilespmem:s30+$0x3F0]  }
0x292: {  	vm2 =	veq.s32 v15, v11;
	[tilespmem:s28+$0x20] =	vst v8;
	v8 =	vld [tilespmem:s30+$0xFFFFFFB0]  }
0x293: {  	v11 =	vsel vm2, v2, v3;
	v35 =	vld [tilespmem:s30+$0x30]  }
0x294: {  	vm2 =	veq.s32 v30, v6;
	[tilespmem:s28+$0xA0] =	vst v11;
	v6 =	vld [tilespmem:s30+$0xB0]  }
0x295: {  	v11 =	vsel vm2, v2, v3;
	v36 =	vld [tilespmem:s30+$0x130]  }
0x296: {  	vm2 =	veq.s32 v10, v7;
	[tilespmem:s28+$0x120] =	vst v11;
	v7 =	vld [tilespmem:s30+$0x1B0]  }
0x297: {  	v10 =	vsel vm2, v2, v3;
	v11 =	vld [tilespmem:s30+$0x230]  }
0x298: {  	vm2 =	veq.s32 v32, v9;
	[tilespmem:s28+$0xFFFFFE30] =	vst v10;
	v9 =	vld [tilespmem:s30+$0x2B0]  }
0x299: {  	v10 =	vsel vm2, v2, v3;
	v37 =	vld [tilespmem:s30+$0xFFFFFC40]  }
0x29a: {  	vm2 =	veq.s32 v33, v34;
	[tilespmem:s28+$0xFFFFFEB0] =	vst v10;
	v10 =	vld [tilespmem:s30+$0xFFFFFCC0]  }
0x29b: {  	v12 =	vsel vm2, v2, v3;
	v38 =	vld [tilespmem:s30+$0xFFFFFD40]  }
0x29c: {  	[tilespmem:s28+$0xFFFFFF30] =	vst v12;
	vm2 =	veq.s32 v18, v8;
	v8 =	vld [tilespmem:s30+$0xFFFFFDC0]  }
0x29d: {  	v39 =	vsel vm2, v2, v3;
	v40 =	vld [tilespmem:s30+$0xFFFFFE40]  }
0x29e: {  	vm2 =	veq.s32 v35, v6;
	v6 =	vld [tilespmem:s30+$0xFFFFFEC0];
	[tilespmem:s28+$0xFFFFFFB0] =	vst v39  }
0x29f: {  	v41 =	vsel vm2, v2, v3;
	v42 =	vld [tilespmem:s30+$0xFFFFFF40]  }
0x2a0: {  	vm2 =	veq.s32 v36, v7;
	[tilespmem:s28+$0x30] =	vst v41;
	v7 =	vld [tilespmem:s30+$0xFFFFFFC0]  }
0x2a1: {  	v43 =	vsel vm2, v2, v3;
	v44 =	vld [tilespmem:s30+$0x40]  }
0x2a2: {  	vm2 =	veq.s32 v11, v9;
	[tilespmem:s28+$0xB0] =	vst v43;
	v9 =	vld [tilespmem:s30+$0xC0]  }
0x2a3: {  	v11 =	vsel vm2, v2, v3;
	v12 =	vld [tilespmem:s30+$0x140]  }
0x2a4: {  	vm2 =	veq.s32 v37, v10;
	[tilespmem:s28+$0x130] =	vst v11;
	v10 =	vld [tilespmem:s30+$0x1C0]  }
0x2a5: {  	v11 =	vsel vm2, v2, v3;
	v45 =	vld [tilespmem:s30+$0x240]  }
0x2a6: {  	vm2 =	veq.s32 v38, v8;
	[tilespmem:s28+$0xFFFFFE40] =	vst v11;
	v8 =	vld [tilespmem:s30+$0x2C0]  }
0x2a7: {  	v11 =	vsel vm2, v2, v3;
	v46 =	vld [tilespmem:s30+$0xFFFFFC50]  }
0x2a8: {  	vm2 =	veq.s32 v40, v6;
	[tilespmem:s28+$0xFFFFFEC0] =	vst v11;
	v6 =	vld [tilespmem:s30+$0xFFFFFCD0]  }
0x2a9: {  	v11 =	vsel vm2, v2, v3;
	v47 =	vld [tilespmem:s30+$0xFFFFFD50]  }
0x2aa: {  	[tilespmem:s28+$0xFFFFFF40] =	vst v11;
	vm2 =	veq.s32 v42, v7;
	v7 =	vld [tilespmem:s30+$0xFFFFFDD0]  }
0x2ab: {  	v11 =	vsel vm2, v2, v3;
	v48 =	vld [tilespmem:s30+$0xFFFFFE50]  }
0x2ac: {  	vm2 =	veq.s32 v44, v9;
	v9 =	vld [tilespmem:s30+$0xFFFFFED0];
	[tilespmem:s28+$0xFFFFFFC0] =	vst v11  }
0x2ad: {  	v11 =	vsel vm2, v2, v3;
	v49 =	vld [tilespmem:s30+$0xFFFFFF50]  }
0x2ae: {  	vm2 =	veq.s32 v12, v10;
	[tilespmem:s28+$0x40] =	vst v11;
	v10 =	vld [tilespmem:s30+$0xFFFFFFD0]  }
0x2af: {  	v11 =	vsel vm2, v2, v3;
	v50 =	vld [tilespmem:s30+$0x50]  }
0x2b0: {  	vm2 =	veq.s32 v45, v8;
	[tilespmem:s28+$0xC0] =	vst v11;
	v8 =	vld [tilespmem:s30+$0xD0]  }
0x2b1: {  	v11 =	vsel vm2, v2, v3;
	v51 =	vld [tilespmem:s30+$0x150]  }
0x2b2: {  	vm2 =	veq.s32 v46, v6;
	[tilespmem:s28+$0x140] =	vst v11;
	v6 =	vld [tilespmem:s30+$0x1D0]  }
0x2b3: {  	v11 =	vsel vm2, v2, v3;
	v52 =	vld [tilespmem:s30+$0x250]  }
0x2b4: {  	vm2 =	veq.s32 v47, v7;
	[tilespmem:s28+$0xFFFFFE50] =	vst v11;
	v7 =	vld [tilespmem:s30+$0x2D0]  }
0x2b5: {  	v11 =	vsel vm2, v2, v3;
	v53 =	vld [tilespmem:s30+$0xFFFFFC60]  }
0x2b6: {  	vm2 =	veq.s32 v48, v9;
	[tilespmem:s28+$0xFFFFFED0] =	vst v11;
	v9 =	vld [tilespmem:s30+$0xFFFFFCE0]  }
0x2b7: {  	v11 =	vsel vm2, v2, v3;
	v54 =	vld [tilespmem:s30+$0xFFFFFD60]  }
0x2b8: {  	[tilespmem:s28+$0xFFFFFF50] =	vst v11;
	vm2 =	veq.s32 v49, v10;
	v10 =	vld [tilespmem:s30+$0xFFFFFDE0]  }
0x2b9: {  	v11 =	vsel vm2, v2, v3;
	v55 =	vld [tilespmem:s30+$0xFFFFFE60]  }
0x2ba: {  	vm2 =	veq.s32 v50, v8;
	v8 =	vld [tilespmem:s30+$0xFFFFFEE0];
	[tilespmem:s28+$0xFFFFFFD0] =	vst v11  }
0x2bb: {  	v11 =	vsel vm2, v2, v3;
	v56 =	vld [tilespmem:s30+$0xFFFFFF60]  }
0x2bc: {  	vm2 =	veq.s32 v51, v6;
	[tilespmem:s28+$0x50] =	vst v11;
	v6 =	vld [tilespmem:s30+$0xFFFFFFE0]  }
0x2bd: {  	v11 =	vsel vm2, v2, v3;
	v57 =	vld [tilespmem:s30+$0x60]  }
0x2be: {  	vm2 =	veq.s32 v52, v7;
	[tilespmem:s28+$0xD0] =	vst v11;
	v7 =	vld [tilespmem:s30+$0xE0]  }
0x2bf: {  	v11 =	vsel vm2, v2, v3;
	v58 =	vld [tilespmem:s30+$0x160]  }
0x2c0: {  	vm2 =	veq.s32 v53, v9;
	[tilespmem:s28+$0x150] =	vst v11;
	v9 =	vld [tilespmem:s30+$0x1E0]  }
0x2c1: {  	v11 =	vsel vm2, v2, v3;
	v59 =	vld [tilespmem:s30+$0x260]  }
0x2c2: {  	vm2 =	veq.s32 v54, v10;
	[tilespmem:s28+$0xFFFFFE60] =	vst v11;
	v10 =	vld [tilespmem:s30+$0x2E0]  }
0x2c3: {  	v11 =	vsel vm2, v2, v3;
	v60 =	vld [tilespmem:s30+$0xFFFFFC70]  }
0x2c4: {  	vm2 =	veq.s32 v55, v8;
	[tilespmem:s28+$0xFFFFFEE0] =	vst v11;
	v8 =	vld [tilespmem:s30+$0xFFFFFCF0]  }
0x2c5: {  	v11 =	vsel vm2, v2, v3;
	v61 =	vld [tilespmem:s30+$0xFFFFFD70]  }
0x2c6: {  	[tilespmem:s28+$0xFFFFFF60] =	vst v11;
	vm2 =	veq.s32 v56, v6;
	v11 =	vld [tilespmem:s30+$0xFFFFFDF0]  }
0x2c7: {  	v6 =	vsel vm2, v2, v3;
	v62 =	vld [tilespmem:s30+$0xFFFFFE70]  }
0x2c8: {  	vm2 =	veq.s32 v57, v7;
	v7 =	vld [tilespmem:s30+$0xFFFFFEF0];
	[tilespmem:s28+$0xFFFFFFE0] =	vst v6  }
0x2c9: {  	vm3 =	veq.s32 v4, v5;
	v4 =	vsel vm2, v2, v3;
	v63 =	vld [tilespmem:s30+$0xFFFFFF70]  }
0x2ca: {  	v5 =	vsel vm3, v2, v3;
	vm2 =	veq.s32 v58, v9;
	[tilespmem:s28+$0x60] =	vst v4;
	v9 =	vld [tilespmem:s30+$0xFFFFFFF0]  }
0x2cb: {  	[tilespmem:s28+$0x1F0] =	vst v5;
	vm3 =	veq.s32 v59, v10;
	v5 =	vsel vm2, v2, v3;
	v4 =	vld [tilespmem:s30+$0x70]  }
0x2cc: {  	[tilespmem:s28+$0xE0] =	vst v5;
	vm2 =	veq.s32 v60, v8;
	v5 =	vsel vm3, v2, v3;
	v6 =	vld [tilespmem:s30+$0xF0]  }
0x2cd: {  	[tilespmem:s28+$0x160] =	vst v5;
	v8 =	vsel vm2, v2, v3;
	vm2 =	veq.s32 v61, v11;
	v5 =	vld [tilespmem:s30+$0x170]  }
0x2ce: {  	[tilespmem:s28+$0xFFFFFE70] =	vst v8;
	v10 =	vsel vm2, v2, v3;
	vm2 =	veq.s32 v62, v7;
	v8 =	vld [tilespmem:s30+$0x1F0]  }
0x2cf: {  	v7 =	vld [tilespmem:s30+$0x270];
	[tilespmem:s28+$0xFFFFFEF0] =	vst v10;
	v10 =	vsel vm2, v2, v3;
	vm2 =	veq.s32 v63, v9  }
0x2d0: {  	s29 =	simm.s32 $0x0;
	[tilespmem:s28+$0xFFFFFF70] =	vst v10;
	v9 =	vld [tilespmem:s30+$0x2F0];
	s30 =	simm.s32 $0xC00;
	v10 =	vsel vm2, v2, v3  }
.LBB2_6:
0x2d1: {  	v11 =	vld [tilespmem:s30+$0x300];
	[tilespmem:s28+$0xFFFFFFF0] =	vst v10;
	vm2 =	veq.s32 v4, v6  }
0x2d2: {  	v4 =	vld [tilespmem:s30+$0x380];
	v6 =	vsel vm2, v2, v3  }
0x2d3: {  	v10 =	vld [tilespmem:s30+$0xFFFFFC80];
	[tilespmem:s28+$0x70] =	vst v6;
	vm2 =	veq.s32 v5, v8  }
0x2d4: {  	v5 =	vld [tilespmem:s30+$0xFFFFFD00];
	v6 =	vsel vm2, v2, v3  }
0x2d5: {  	v8 =	vld [tilespmem:s30+$0xFFFFFD80];
	[tilespmem:s28+$0xF0] =	vst v6;
	vm2 =	veq.s32 v7, v9  }
0x2d6: {  	v6 =	vld [tilespmem:s30+$0xFFFFFE00];
	v7 =	vsel vm2, v2, v3  }
0x2d7: {  	v9 =	vld [tilespmem:s30+$0xFFFFFE80];
	vm2 =	veq.s32 v11, v4;
	[tilespmem:s28+$0x170] =	vst v7  }
0x2d8: {  	s28 =	sadd.s32 $0x400, s28;
	v4 =	vld [tilespmem:s30+$0xFFFFFF00];
	v7 =	vsel vm2, v2, v3  }
0x2d9: {  	s29 =	sadd.s32 $0x8, s29;
	v11 =	vld [tilespmem:s30+$0xFFFFFF80];
	[tilespmem:s28+$0x180] =	vst v7  }
0x2da: {  	p0 =	slt.u32 s29, $0x98;
	vm2 =	veq.s32 v5, v8;
	v5 =	vld [tilespmem:s30+$0x310]  }
0x2db: {  	v7 =	vsel vm2, v2, v3;
	v8 =	vld [tilespmem:s30+$0x390]  }
0x2dc: {  	[tilespmem:s28+$0xFFFFFE80] =	vst v7;
	vm2 =	veq.s32 v6, v9;
	v6 =	vld [tilespmem:s30+$0x0]  }
0x2dd: {  	v7 =	vsel vm2, v2, v3;
	v9 =	vld [tilespmem:s30+$0x80]  }
0x2de: {  	[tilespmem:s28+$0xFFFFFF00] =	vst v7;
	vm2 =	veq.s32 v4, v11;
	v4 =	vld [tilespmem:s30+$0x100]  }
0x2df: {  	v7 =	vsel vm2, v2, v3;
	v11 =	vld [tilespmem:s30+$0x180]  }
0x2e0: {  	[tilespmem:s28+$0xFFFFFF80] =	vst v7;
	v7 =	vld [tilespmem:s30+$0x200];
	vm2 =	veq.s32 v5, v8  }
0x2e1: {  	v5 =	vld [tilespmem:s30+$0x280];
	v8 =	vsel vm2, v2, v3  }
0x2e2: {  	v12 =	vld [tilespmem:s30+$0xFFFFFC00];
	vm2 =	veq.s32 v6, v9;
	[tilespmem:s28+$0x190] =	vst v8  }
0x2e3: {  	v6 =	vsel vm2, v2, v3;
	v8 =	vld [tilespmem:s30+$0x320]  }
0x2e4: {  	[tilespmem:s28+$0x0] =	vst v6;
	vm2 =	veq.s32 v4, v11;
	v4 =	vld [tilespmem:s30+$0x3A0]  }
0x2e5: {  	v6 =	vld [tilespmem:s30+$0xFFFFFD10];
	v9 =	vsel vm2, v2, v3  }
0x2e6: {  	v11 =	vld [tilespmem:s30+$0xFFFFFD90];
	[tilespmem:s28+$0x80] =	vst v9;
	vm2 =	veq.s32 v7, v5  }
0x2e7: {  	vm3 =	veq.s32 v12, v10;
	v5 =	vld [tilespmem:s30+$0xFFFFFE10];
	v7 =	vsel vm2, v2, v3  }
0x2e8: {  	v9 =	vsel vm3, v2, v3;
	v10 =	vld [tilespmem:s30+$0xFFFFFE90];
	[tilespmem:s28+$0x100] =	vst v7  }
0x2e9: {  	[tilespmem:s28+$0xFFFFFE00] =	vst v9;
	v7 =	vld [tilespmem:s30+$0xFFFFFF10];
	vm2 =	veq.s32 v8, v4  }
0x2ea: {  	v4 =	vld [tilespmem:s30+$0xFFFFFC10];
	v8 =	vsel vm2, v2, v3  }
0x2eb: {  	v9 =	vld [tilespmem:s30+$0xFFFFFC90];
	vm2 =	veq.s32 v6, v11;
	[tilespmem:s28+$0x1A0] =	vst v8  }
0x2ec: {  	v6 =	vsel vm2, v2, v3;
	v8 =	vld [tilespmem:s30+$0x330]  }
0x2ed: {  	[tilespmem:s28+$0xFFFFFE90] =	vst v6;
	vm2 =	veq.s32 v5, v10;
	v5 =	vld [tilespmem:s30+$0x3B0]  }
0x2ee: {  	v6 =	vsel vm2, v2, v3;
	v10 =	vld [tilespmem:s30+$0xFFFFFF90]  }
0x2ef: {  	[tilespmem:s28+$0xFFFFFF10] =	vst v6;
	v6 =	vld [tilespmem:s30+$0x10]  }
0x2f0: {  	vm2 =	veq.s32 v4, v9;
	v4 =	vld [tilespmem:s30+$0x90]  }
0x2f1: {  	v9 =	vsel vm2, v2, v3;
	v11 =	vld [tilespmem:s30+$0x110]  }
0x2f2: {  	[tilespmem:s28+$0xFFFFFE10] =	vst v9;
	v9 =	vld [tilespmem:s30+$0x190];
	vm2 =	veq.s32 v8, v5  }
0x2f3: {  	vm3 =	veq.s32 v7, v10;
	v5 =	vld [tilespmem:s30+$0x210];
	v7 =	vsel vm2, v2, v3  }
0x2f4: {  	v8 =	vsel vm3, v2, v3;
	v10 =	vld [tilespmem:s30+$0x290];
	[tilespmem:s28+$0x1B0] =	vst v7  }
0x2f5: {  	[tilespmem:s28+$0xFFFFFF90] =	vst v8;
	vm2 =	veq.s32 v6, v4;
	v4 =	vld [tilespmem:s30+$0x340]  }
0x2f6: {  	v6 =	vsel vm2, v2, v3;
	v7 =	vld [tilespmem:s30+$0x3C0]  }
0x2f7: {  	v8 =	vld [tilespmem:s30+$0xFFFFFC20];
	[tilespmem:s28+$0x10] =	vst v6;
	vm2 =	veq.s32 v11, v9  }
0x2f8: {  	v6 =	vld [tilespmem:s30+$0xFFFFFCA0];
	v9 =	vsel vm2, v2, v3  }
0x2f9: {  	v11 =	vld [tilespmem:s30+$0xFFFFFD20];
	[tilespmem:s28+$0x90] =	vst v9;
	vm2 =	veq.s32 v5, v10  }
0x2fa: {  	v5 =	vld [tilespmem:s30+$0xFFFFFDA0];
	v9 =	vsel vm2, v2, v3  }
0x2fb: {  	v10 =	vld [tilespmem:s30+$0xFFFFFE20];
	[tilespmem:s28+$0x110] =	vst v9;
	vm2 =	veq.s32 v4, v7  }
0x2fc: {  	v4 =	vld [tilespmem:s30+$0xFFFFFEA0];
	v7 =	vsel vm2, v2, v3  }
0x2fd: {  	vm2 =	veq.s32 v8, v6;
	v6 =	vld [tilespmem:s30+$0xFFFFFF20];
	[tilespmem:s28+$0x1C0] =	vst v7  }
0x2fe: {  	v7 =	vsel vm2, v2, v3;
	v8 =	vld [tilespmem:s30+$0x350]  }
0x2ff: {  	[tilespmem:s28+$0xFFFFFE20] =	vst v7;
	vm2 =	veq.s32 v11, v5;
	v5 =	vld [tilespmem:s30+$0x3D0]  }
0x300: {  	v7 =	vsel vm2, v2, v3;
	v9 =	vld [tilespmem:s30+$0xFFFFFFA0]  }
0x301: {  	[tilespmem:s28+$0xFFFFFEA0] =	vst v7;
	vm2 =	veq.s32 v10, v4;
	v4 =	vld [tilespmem:s30+$0x20]  }
0x302: {  	v7 =	vsel vm2, v2, v3;
	v10 =	vld [tilespmem:s30+$0xA0]  }
0x303: {  	[tilespmem:s28+$0xFFFFFF20] =	vst v7;
	v7 =	vld [tilespmem:s30+$0x120]  }
0x304: {  	v11 =	vld [tilespmem:s30+$0x1A0];
	vm2 =	veq.s32 v8, v5  }
0x305: {  	vm3 =	veq.s32 v6, v9;
	v5 =	vld [tilespmem:s30+$0x220];
	v6 =	vsel vm2, v2, v3  }
0x306: {  	v8 =	vsel vm3, v2, v3;
	v9 =	vld [tilespmem:s30+$0x2A0];
	[tilespmem:s28+$0x1D0] =	vst v6  }
0x307: {  	[tilespmem:s28+$0xFFFFFFA0] =	vst v8;
	vm2 =	veq.s32 v4, v10;
	v4 =	vld [tilespmem:s30+$0x360]  }
0x308: {  	v6 =	vsel vm2, v2, v3;
	v8 =	vld [tilespmem:s30+$0x3E0]  }
0x309: {  	v10 =	vld [tilespmem:s30+$0xFFFFFC30];
	[tilespmem:s28+$0x20] =	vst v6;
	vm2 =	veq.s32 v7, v11  }
0x30a: {  	v6 =	vld [tilespmem:s30+$0xFFFFFCB0];
	v7 =	vsel vm2, v2, v3  }
0x30b: {  	v11 =	vld [tilespmem:s30+$0xFFFFFD30];
	[tilespmem:s28+$0xA0] =	vst v7;
	vm2 =	veq.s32 v5, v9  }
0x30c: {  	v5 =	vld [tilespmem:s30+$0xFFFFFDB0];
	v7 =	vsel vm2, v2, v3  }
0x30d: {  	v9 =	vld [tilespmem:s30+$0xFFFFFE30];
	[tilespmem:s28+$0x120] =	vst v7;
	vm2 =	veq.s32 v4, v8  }
0x30e: {  	v4 =	vld [tilespmem:s30+$0xFFFFFEB0];
	v7 =	vsel vm2, v2, v3  }
0x30f: {  	vm2 =	veq.s32 v10, v6;
	v6 =	vld [tilespmem:s30+$0xFFFFFF30];
	[tilespmem:s28+$0x1E0] =	vst v7  }
0x310: {  	v7 =	vsel vm2, v2, v3;
	v8 =	vld [tilespmem:s30+$0x370]  }
0x311: {  	[tilespmem:s28+$0xFFFFFE30] =	vst v7;
	vm2 =	veq.s32 v11, v5;
	v5 =	vld [tilespmem:s30+$0x3F0]  }
0x312: {  	v7 =	vsel vm2, v2, v3;
	v10 =	vld [tilespmem:s30+$0xFFFFFFB0]  }
0x313: {  	[tilespmem:s28+$0xFFFFFEB0] =	vst v7;
	vm2 =	veq.s32 v9, v4;
	v4 =	vld [tilespmem:s30+$0x30]  }
0x314: {  	v7 =	vsel vm2, v2, v3;
	v9 =	vld [tilespmem:s30+$0xB0]  }
0x315: {  	[tilespmem:s28+$0xFFFFFF30] =	vst v7;
	v7 =	vld [tilespmem:s30+$0x130]  }
0x316: {  	v11 =	vld [tilespmem:s30+$0x1B0];
	vm2 =	veq.s32 v8, v5  }
0x317: {  	vm3 =	veq.s32 v6, v10;
	v5 =	vld [tilespmem:s30+$0x230];
	v6 =	vsel vm2, v2, v3  }
0x318: {  	v8 =	vsel vm3, v2, v3;
	v10 =	vld [tilespmem:s30+$0x2B0];
	[tilespmem:s28+$0x1F0] =	vst v6  }
0x319: {  	v6 =	vld [tilespmem:s30+$0xFFFFFC40];
	[tilespmem:s28+$0xFFFFFFB0] =	vst v8;
	vm2 =	veq.s32 v4, v9  }
0x31a: {  	v4 =	vld [tilespmem:s30+$0xFFFFFCC0];
	v8 =	vsel vm2, v2, v3  }
0x31b: {  	v9 =	vld [tilespmem:s30+$0xFFFFFD40];
	[tilespmem:s28+$0x30] =	vst v8;
	vm2 =	veq.s32 v7, v11  }
0x31c: {  	v7 =	vld [tilespmem:s30+$0xFFFFFDC0];
	v8 =	vsel vm2, v2, v3  }
0x31d: {  	v11 =	vld [tilespmem:s30+$0xFFFFFE40];
	[tilespmem:s28+$0xB0] =	vst v8;
	vm2 =	veq.s32 v5, v10  }
0x31e: {  	v5 =	vld [tilespmem:s30+$0xFFFFFEC0];
	v8 =	vsel vm2, v2, v3  }
0x31f: {  	vm2 =	veq.s32 v6, v4;
	v4 =	vld [tilespmem:s30+$0xFFFFFF40];
	[tilespmem:s28+$0x130] =	vst v8  }
0x320: {  	v6 =	vsel vm2, v2, v3;
	v8 =	vld [tilespmem:s30+$0xFFFFFFC0]  }
0x321: {  	[tilespmem:s28+$0xFFFFFE40] =	vst v6;
	vm2 =	veq.s32 v9, v7;
	v6 =	vld [tilespmem:s30+$0x40]  }
0x322: {  	v7 =	vsel vm2, v2, v3;
	v9 =	vld [tilespmem:s30+$0xC0]  }
0x323: {  	[tilespmem:s28+$0xFFFFFEC0] =	vst v7;
	vm2 =	veq.s32 v11, v5;
	v5 =	vld [tilespmem:s30+$0x140]  }
0x324: {  	v7 =	vsel vm2, v2, v3;
	v10 =	vld [tilespmem:s30+$0x1C0]  }
0x325: {  	[tilespmem:s28+$0xFFFFFF40] =	vst v7;
	vm2 =	veq.s32 v4, v8;
	v4 =	vld [tilespmem:s30+$0x240]  }
0x326: {  	v7 =	vsel vm2, v2, v3;
	v8 =	vld [tilespmem:s30+$0x2C0]  }
0x327: {  	v11 =	vld [tilespmem:s30+$0xFFFFFC50];
	[tilespmem:s28+$0xFFFFFFC0] =	vst v7;
	vm2 =	veq.s32 v6, v9  }
0x328: {  	v6 =	vld [tilespmem:s30+$0xFFFFFCD0];
	v7 =	vsel vm2, v2, v3  }
0x329: {  	v9 =	vld [tilespmem:s30+$0xFFFFFD50];
	[tilespmem:s28+$0x40] =	vst v7;
	vm2 =	veq.s32 v5, v10  }
0x32a: {  	v5 =	vld [tilespmem:s30+$0xFFFFFDD0];
	v7 =	vsel vm2, v2, v3  }
0x32b: {  	v10 =	vld [tilespmem:s30+$0xFFFFFE50];
	[tilespmem:s28+$0xC0] =	vst v7;
	vm2 =	veq.s32 v4, v8  }
0x32c: {  	v4 =	vld [tilespmem:s30+$0xFFFFFED0];
	v7 =	vsel vm2, v2, v3  }
0x32d: {  	vm2 =	veq.s32 v11, v6;
	v6 =	vld [tilespmem:s30+$0xFFFFFF50];
	[tilespmem:s28+$0x140] =	vst v7  }
0x32e: {  	v7 =	vsel vm2, v2, v3;
	v8 =	vld [tilespmem:s30+$0xFFFFFFD0]  }
0x32f: {  	[tilespmem:s28+$0xFFFFFE50] =	vst v7;
	vm2 =	veq.s32 v9, v5;
	v5 =	vld [tilespmem:s30+$0x50]  }
0x330: {  	v7 =	vsel vm2, v2, v3;
	v9 =	vld [tilespmem:s30+$0xD0]  }
0x331: {  	[tilespmem:s28+$0xFFFFFED0] =	vst v7;
	vm2 =	veq.s32 v10, v4;
	v4 =	vld [tilespmem:s30+$0x150]  }
0x332: {  	v7 =	vsel vm2, v2, v3;
	v10 =	vld [tilespmem:s30+$0x1D0]  }
0x333: {  	[tilespmem:s28+$0xFFFFFF50] =	vst v7;
	vm2 =	veq.s32 v6, v8;
	v6 =	vld [tilespmem:s30+$0x250]  }
0x334: {  	v7 =	vsel vm2, v2, v3;
	v8 =	vld [tilespmem:s30+$0x2D0]  }
0x335: {  	v11 =	vld [tilespmem:s30+$0xFFFFFC60];
	[tilespmem:s28+$0xFFFFFFD0] =	vst v7;
	vm2 =	veq.s32 v5, v9  }
0x336: {  	v5 =	vld [tilespmem:s30+$0xFFFFFCE0];
	v7 =	vsel vm2, v2, v3  }
0x337: {  	v9 =	vld [tilespmem:s30+$0xFFFFFD60];
	[tilespmem:s28+$0x50] =	vst v7;
	vm2 =	veq.s32 v4, v10  }
0x338: {  	v4 =	vld [tilespmem:s30+$0xFFFFFDE0];
	v7 =	vsel vm2, v2, v3  }
0x339: {  	v10 =	vld [tilespmem:s30+$0xFFFFFE60];
	[tilespmem:s28+$0xD0] =	vst v7;
	vm2 =	veq.s32 v6, v8  }
0x33a: {  	v6 =	vld [tilespmem:s30+$0xFFFFFEE0];
	v7 =	vsel vm2, v2, v3  }
0x33b: {  	vm2 =	veq.s32 v11, v5;
	v5 =	vld [tilespmem:s30+$0xFFFFFF60];
	[tilespmem:s28+$0x150] =	vst v7  }
0x33c: {  	v7 =	vsel vm2, v2, v3;
	v8 =	vld [tilespmem:s30+$0xFFFFFFE0]  }
0x33d: {  	[tilespmem:s28+$0xFFFFFE60] =	vst v7;
	vm2 =	veq.s32 v9, v4;
	v4 =	vld [tilespmem:s30+$0x60]  }
0x33e: {  	v7 =	vsel vm2, v2, v3;
	v9 =	vld [tilespmem:s30+$0xE0]  }
0x33f: {  	[tilespmem:s28+$0xFFFFFEE0] =	vst v7;
	vm2 =	veq.s32 v10, v6;
	v6 =	vld [tilespmem:s30+$0x160]  }
0x340: {  	v7 =	vsel vm2, v2, v3;
	v10 =	vld [tilespmem:s30+$0x1E0]  }
0x341: {  	[tilespmem:s28+$0xFFFFFF60] =	vst v7;
	vm2 =	veq.s32 v5, v8;
	v5 =	vld [tilespmem:s30+$0x260]  }
0x342: {  	v7 =	vsel vm2, v2, v3;
	v8 =	vld [tilespmem:s30+$0x2E0]  }
0x343: {  	v11 =	vld [tilespmem:s30+$0xFFFFFC70];
	[tilespmem:s28+$0xFFFFFFE0] =	vst v7;
	vm2 =	veq.s32 v4, v9  }
0x344: {  	v4 =	vld [tilespmem:s30+$0xFFFFFCF0];
	v7 =	vsel vm2, v2, v3  }
0x345: {  	v9 =	vld [tilespmem:s30+$0xFFFFFD70];
	[tilespmem:s28+$0x60] =	vst v7;
	vm2 =	veq.s32 v6, v10  }
0x346: {  	v6 =	vld [tilespmem:s30+$0xFFFFFDF0];
	v7 =	vsel vm2, v2, v3  }
0x347: {  	v10 =	vld [tilespmem:s30+$0xFFFFFE70];
	[tilespmem:s28+$0xE0] =	vst v7;
	vm2 =	veq.s32 v5, v8  }
0x348: {  	v5 =	vld [tilespmem:s30+$0xFFFFFEF0];
	v7 =	vsel vm2, v2, v3  }
0x349: {  	vm2 =	veq.s32 v11, v4;
	v11 =	vld [tilespmem:s30+$0xFFFFFF70];
	[tilespmem:s28+$0x160] =	vst v7  }
0x34a: {  	v4 =	vsel vm2, v2, v3;
	v7 =	vld [tilespmem:s30+$0xFFFFFFF0]  }
0x34b: {  	[tilespmem:s28+$0xFFFFFE70] =	vst v4;
	vm2 =	veq.s32 v9, v6;
	v4 =	vld [tilespmem:s30+$0x70]  }
.Ltmp2:
0x34c: {  	v8 =	vsel vm2, v2, v3;
	v6 =	vld [tilespmem:s30+$0xF0];
	(pc) =	sbr.rel @p0 .LBB2_6-.Ltmp2, $4  }
0x34d: {  	[tilespmem:s28+$0xFFFFFEF0] =	vst v8;
	vm2 =	veq.s32 v10, v5;
	v5 =	vld [tilespmem:s30+$0x170]  }
0x34e: {  	v9 =	vsel vm2, v2, v3;
	v8 =	vld [tilespmem:s30+$0x1F0]  }
0x34f: {  	[tilespmem:s28+$0xFFFFFF70] =	vst v9;
	vm2 =	veq.s32 v11, v7;
	v7 =	vld [tilespmem:s30+$0x270]  }
0x350: {  	v10 =	vsel vm2, v2, v3;
	v9 =	vld [tilespmem:s30+$0x2F0];
	s30 =	sadd.s32 $0x800, s30  }
0x351: {  	_ =	sdelay $0x1  }
0x352: {  	vm2 =	veq.s32 v4, v6  }
0x353: {  	[tilespmem:s28+$0xFFFFFFF0] =	vst v10;
	v4 =	vsel vm2, v2, v3;
	vm2 =	veq.s32 v5, v8  }
0x354: {  	[tilespmem:s28+$0x70] =	vst v4;
	v4 =	vsel vm2, v2, v3;
	vm2 =	veq.s32 v7, v9  }
0x355: {  	[tilespmem:s28+$0xF0] =	vst v4;
	v4 =	vsel vm2, v2, v3  }
0x356: {  	[tilespmem:s28+$0x170] =	vst v4  }
0x357: {  	[hbm4b:s10+s3] =	stream.linear.scatter [tilespmem:s21], [sflag:$0x3], $0x5000, $0x38;
	[tilespmem:$0x1E080] =	vst v63  }
0x358: {  	_ = 	snop  }
0x359: {  	[tilespmem:s3], [sflag:$0x1] =	stream.linear.gather [hbm4b:s11+s3], $0xA000, $0x38;
	[tilespmem:$0x1E080] =	vst v63  }
0x35a: {  	_ =	swait.ge [sflag:s22], $0xA000  }
0x35b: {  	[sflag:s22] =	ssyncset.done $0x0  }
0x35c: {  	[sflag:s22] =	ssyncadd.s32 $0xFFFF6000  }
0x35d: {  	_ =	swait.ge [sflag:s25], $0x5000  }
0x35e: {  	[sflag:s25] =	ssyncset.done $0x0  }
0x35f: {  	s30 =	simm.s32 $0xA400;
	[sflag:s25] =	ssyncadd.s32 $0xFFFFB000  }
0x360: {  	v4 =	vld [tilespmem:s30+$0x300]  }
0x361: {  	v5 =	vld [tilespmem:s30+$0x380]  }
0x362: {  	v6 =	vld [tilespmem:s30+$0xFFFFFC80]  }
0x363: {  	v7 =	vld [tilespmem:s30+$0xFFFFFD00]  }
0x364: {  	v8 =	vld [tilespmem:s30+$0xFFFFFD80]  }
0x365: {  	v9 =	vld [tilespmem:s30+$0xFFFFFE00]  }
0x366: {  	v10 =	vld [tilespmem:s30+$0xFFFFFE80];
	vm2 =	veq.s32 v4, v5  }
0x367: {  	s28 =	simm.s32 $0x19200;
	v11 =	vld [tilespmem:s30+$0xFFFFFF80];
	v5 =	vsel vm2, v2, v3  }
0x368: {  	v13 =	vld [tilespmem:s30+$0x0];
	[tilespmem:s28+$0x180] =	vst v5  }
0x369: {  	v5 =	vld [tilespmem:s30+$0x310]  }
0x36a: {  	v12 =	vld [tilespmem:s30+$0x390]  }
0x36b: {  	v14 =	vld [tilespmem:s30+$0x80]  }
0x36c: {  	v15 =	vld [tilespmem:s30+$0x100]  }
0x36d: {  	v16 =	vld [tilespmem:s30+$0x180]  }
0x36e: {  	v17 =	vld [tilespmem:s30+$0x200]  }
0x36f: {  	v4 =	vld [tilespmem:s30+$0xFFFFFF00];
	vm2 =	veq.s32 v5, v12  }
0x370: {  	v5 =	vld [tilespmem:s30+$0x280];
	v12 =	vsel vm2, v2, v3  }
0x371: {  	vm2 =	veq.s32 v7, v8;
	v7 =	vld [tilespmem:s30+$0xFFFFFC00];
	[tilespmem:s28+$0x190] =	vst v12  }
0x372: {  	v8 =	vsel vm2, v2, v3;
	v12 =	vld [tilespmem:s30+$0x320]  }
0x373: {  	vm2 =	veq.s32 v9, v10;
	[tilespmem:s28+$0xFFFFFE80] =	vst v8;
	v8 =	vld [tilespmem:s30+$0x3A0]  }
0x374: {  	v9 =	vsel vm2, v2, v3;
	vm2 =	veq.s32 v4, v11;
	v10 =	vld [tilespmem:s30+$0xFFFFFD10]  }
0x375: {  	[tilespmem:s28+$0xFFFFFF00] =	vst v9;
	v4 =	vld [tilespmem:s30+$0xFFFFFD90];
	v9 =	vsel vm2, v2, v3  }
0x376: {  	[tilespmem:s28+$0xFFFFFF80] =	vst v9;
	v9 =	vld [tilespmem:s30+$0xFFFFFE90]  }
0x377: {  	vm2 =	veq.s32 v7, v6;
	v6 =	vld [tilespmem:s30+$0xFFFFFE10]  }
0x378: {  	v21 =	vld [tilespmem:s30+$0xFFFFFF90];
	v7 =	vsel vm2, v2, v3;
	vm2 =	veq.s32 v12, v8  }
0x379: {  	[tilespmem:s28+$0xFFFFFE00] =	vst v7;
	v7 =	vld [tilespmem:s30+$0xFFFFFF10];
	v11 =	vsel vm2, v2, v3  }
0x37a: {  	v8 =	vld [tilespmem:s30+$0xFFFFFC10];
	[tilespmem:s28+$0x1A0] =	vst v11  }
0x37b: {  	vm2 =	veq.s32 v13, v14;
	v11 =	vld [tilespmem:s30+$0x330]  }
0x37c: {  	v13 =	vsel vm2, v2, v3;
	v20 =	vld [tilespmem:s30+$0x3B0]  }
0x37d: {  	v63 =	vld [tilespmem:s30+$0xFFFFFC90];
	vm2 =	veq.s32 v15, v16;
	[tilespmem:s28+$0x0] =	vst v13  }
0x37e: {  	v15 =	vsel vm2, v2, v3;
	v22 =	vld [tilespmem:s30+$0x10]  }
0x37f: {  	vm2 =	veq.s32 v17, v5;
	[tilespmem:s28+$0x80] =	vst v15;
	v5 =	vld [tilespmem:s30+$0x90]  }
0x380: {  	v23 =	vsel vm2, v2, v3;
	v24 =	vld [tilespmem:s30+$0x110]  }
0x381: {  	[tilespmem:s28+$0x100] =	vst v23;
	v25 =	vld [tilespmem:s30+$0x190];
	vm2 =	veq.s32 v11, v20  }
0x382: {  	v11 =	vld [tilespmem:s30+$0x210];
	v14 =	vsel vm2, v2, v3  }
0x383: {  	vm2 =	veq.s32 v8, v63;
	v8 =	vld [tilespmem:s30+$0x290];
	[tilespmem:s28+$0x1B0] =	vst v14  }
0x384: {  	v12 =	vsel vm2, v2, v3;
	v14 =	vld [tilespmem:s30+$0x340]  }
0x385: {  	vm2 =	veq.s32 v10, v4;
	[tilespmem:s28+$0xFFFFFE10] =	vst v12;
	v4 =	vld [tilespmem:s30+$0x3C0]  }
0x386: {  	v10 =	vsel vm2, v2, v3;
	v12 =	vld [tilespmem:s30+$0xFFFFFC20]  }
0x387: {  	vm2 =	veq.s32 v6, v9;
	[tilespmem:s28+$0xFFFFFE90] =	vst v10;
	v6 =	vld [tilespmem:s30+$0xFFFFFCA0]  }
0x388: {  	v9 =	vsel vm2, v2, v3;
	vm2 =	veq.s32 v7, v21;
	v10 =	vld [tilespmem:s30+$0xFFFFFD20]  }
0x389: {  	[tilespmem:s28+$0xFFFFFF10] =	vst v9;
	v7 =	vld [tilespmem:s30+$0xFFFFFDA0];
	v9 =	vsel vm2, v2, v3  }
0x38a: {  	v26 =	vld [tilespmem:s30+$0xFFFFFE20];
	[tilespmem:s28+$0xFFFFFF90] =	vst v9;
	vm2 =	veq.s32 v14, v4  }
0x38b: {  	v27 =	vld [tilespmem:s30+$0xFFFFFF20];
	v9 =	vsel vm2, v2, v3  }
0x38c: {  	v4 =	vld [tilespmem:s30+$0xFFFFFEA0];
	[tilespmem:s28+$0x1C0] =	vst v9  }
0x38d: {  	vm2 =	veq.s32 v22, v5;
	v5 =	vld [tilespmem:s30+$0x350]  }
0x38e: {  	v9 =	vsel vm2, v2, v3;
	v28 =	vld [tilespmem:s30+$0x3D0]  }
0x38f: {  	vm2 =	veq.s32 v24, v25;
	[tilespmem:s28+$0x10] =	vst v9;
	v9 =	vld [tilespmem:s30+$0xFFFFFFA0]  }
0x390: {  	v15 =	vsel vm2, v2, v3;
	v29 =	vld [tilespmem:s30+$0x20]  }
0x391: {  	vm2 =	veq.s32 v11, v8;
	[tilespmem:s28+$0x90] =	vst v15;
	v8 =	vld [tilespmem:s30+$0xA0]  }
0x392: {  	v11 =	vsel vm2, v2, v3;
	v15 =	vld [tilespmem:s30+$0x120]  }
0x393: {  	[tilespmem:s28+$0x110] =	vst v11;
	v11 =	vld [tilespmem:s30+$0x1A0];
	vm2 =	veq.s32 v5, v28  }
0x394: {  	v30 =	vld [tilespmem:s30+$0x220];
	v5 =	vsel vm2, v2, v3  }
0x395: {  	vm2 =	veq.s32 v12, v6;
	v6 =	vld [tilespmem:s30+$0x2A0];
	[tilespmem:s28+$0x1D0] =	vst v5  }
0x396: {  	v5 =	vsel vm2, v2, v3;
	v31 =	vld [tilespmem:s30+$0x360]  }
0x397: {  	vm2 =	veq.s32 v10, v7;
	[tilespmem:s28+$0xFFFFFE20] =	vst v5;
	v5 =	vld [tilespmem:s30+$0x3E0]  }
0x398: {  	v7 =	vsel vm2, v2, v3;
	v10 =	vld [tilespmem:s30+$0xFFFFFC30]  }
0x399: {  	vm2 =	veq.s32 v26, v4;
	[tilespmem:s28+$0xFFFFFEA0] =	vst v7;
	v7 =	vld [tilespmem:s30+$0xFFFFFCB0]  }
0x39a: {  	v4 =	vsel vm2, v2, v3;
	v32 =	vld [tilespmem:s30+$0xFFFFFD30]  }
0x39b: {  	vm2 =	veq.s32 v27, v9;
	[tilespmem:s28+$0xFFFFFF20] =	vst v4;
	v9 =	vld [tilespmem:s30+$0xFFFFFDB0]  }
0x39c: {  	v4 =	vsel vm2, v2, v3;
	v33 =	vld [tilespmem:s30+$0xFFFFFE30];
	vm2 =	veq.s32 v31, v5  }
0x39d: {  	[tilespmem:s28+$0xFFFFFFA0] =	vst v4;
	v34 =	vld [tilespmem:s30+$0xFFFFFEB0];
	v4 =	vsel vm2, v2, v3  }
0x39e: {  	v18 =	vld [tilespmem:s30+$0xFFFFFF30];
	[tilespmem:s28+$0x1E0] =	vst v4  }
0x39f: {  	vm2 =	veq.s32 v29, v8;
	v4 =	vld [tilespmem:s30+$0x370]  }
0x3a0: {  	v8 =	vsel vm2, v2, v3;
	v5 =	vld [tilespmem:s30+$0x3F0]  }
0x3a1: {  	vm2 =	veq.s32 v15, v11;
	[tilespmem:s28+$0x20] =	vst v8;
	v8 =	vld [tilespmem:s30+$0xFFFFFFB0]  }
0x3a2: {  	v11 =	vsel vm2, v2, v3;
	v35 =	vld [tilespmem:s30+$0x30]  }
0x3a3: {  	vm2 =	veq.s32 v30, v6;
	[tilespmem:s28+$0xA0] =	vst v11;
	v6 =	vld [tilespmem:s30+$0xB0]  }
0x3a4: {  	v11 =	vsel vm2, v2, v3;
	v36 =	vld [tilespmem:s30+$0x130]  }
0x3a5: {  	vm2 =	veq.s32 v10, v7;
	[tilespmem:s28+$0x120] =	vst v11;
	v7 =	vld [tilespmem:s30+$0x1B0]  }
0x3a6: {  	v10 =	vsel vm2, v2, v3;
	v11 =	vld [tilespmem:s30+$0x230]  }
0x3a7: {  	vm2 =	veq.s32 v32, v9;
	[tilespmem:s28+$0xFFFFFE30] =	vst v10;
	v9 =	vld [tilespmem:s30+$0x2B0]  }
0x3a8: {  	v10 =	vsel vm2, v2, v3;
	v37 =	vld [tilespmem:s30+$0xFFFFFC40]  }
0x3a9: {  	vm2 =	veq.s32 v33, v34;
	[tilespmem:s28+$0xFFFFFEB0] =	vst v10;
	v10 =	vld [tilespmem:s30+$0xFFFFFCC0]  }
0x3aa: {  	v12 =	vsel vm2, v2, v3;
	v38 =	vld [tilespmem:s30+$0xFFFFFD40]  }
0x3ab: {  	[tilespmem:s28+$0xFFFFFF30] =	vst v12;
	vm2 =	veq.s32 v18, v8;
	v8 =	vld [tilespmem:s30+$0xFFFFFDC0]  }
0x3ac: {  	v39 =	vsel vm2, v2, v3;
	v40 =	vld [tilespmem:s30+$0xFFFFFE40]  }
0x3ad: {  	vm2 =	veq.s32 v35, v6;
	v6 =	vld [tilespmem:s30+$0xFFFFFEC0];
	[tilespmem:s28+$0xFFFFFFB0] =	vst v39  }
0x3ae: {  	v41 =	vsel vm2, v2, v3;
	v42 =	vld [tilespmem:s30+$0xFFFFFF40]  }
0x3af: {  	vm2 =	veq.s32 v36, v7;
	[tilespmem:s28+$0x30] =	vst v41;
	v7 =	vld [tilespmem:s30+$0xFFFFFFC0]  }
0x3b0: {  	v43 =	vsel vm2, v2, v3;
	v44 =	vld [tilespmem:s30+$0x40]  }
0x3b1: {  	vm2 =	veq.s32 v11, v9;
	[tilespmem:s28+$0xB0] =	vst v43;
	v9 =	vld [tilespmem:s30+$0xC0]  }
0x3b2: {  	v11 =	vsel vm2, v2, v3;
	v12 =	vld [tilespmem:s30+$0x140]  }
0x3b3: {  	vm2 =	veq.s32 v37, v10;
	[tilespmem:s28+$0x130] =	vst v11;
	v10 =	vld [tilespmem:s30+$0x1C0]  }
0x3b4: {  	v11 =	vsel vm2, v2, v3;
	v45 =	vld [tilespmem:s30+$0x240]  }
0x3b5: {  	vm2 =	veq.s32 v38, v8;
	[tilespmem:s28+$0xFFFFFE40] =	vst v11;
	v8 =	vld [tilespmem:s30+$0x2C0]  }
0x3b6: {  	v11 =	vsel vm2, v2, v3;
	v46 =	vld [tilespmem:s30+$0xFFFFFC50]  }
0x3b7: {  	vm2 =	veq.s32 v40, v6;
	[tilespmem:s28+$0xFFFFFEC0] =	vst v11;
	v6 =	vld [tilespmem:s30+$0xFFFFFCD0]  }
0x3b8: {  	v11 =	vsel vm2, v2, v3;
	v47 =	vld [tilespmem:s30+$0xFFFFFD50]  }
0x3b9: {  	[tilespmem:s28+$0xFFFFFF40] =	vst v11;
	vm2 =	veq.s32 v42, v7;
	v7 =	vld [tilespmem:s30+$0xFFFFFDD0]  }
0x3ba: {  	v11 =	vsel vm2, v2, v3;
	v48 =	vld [tilespmem:s30+$0xFFFFFE50]  }
0x3bb: {  	vm2 =	veq.s32 v44, v9;
	v9 =	vld [tilespmem:s30+$0xFFFFFED0];
	[tilespmem:s28+$0xFFFFFFC0] =	vst v11  }
0x3bc: {  	v11 =	vsel vm2, v2, v3;
	v49 =	vld [tilespmem:s30+$0xFFFFFF50]  }
0x3bd: {  	vm2 =	veq.s32 v12, v10;
	[tilespmem:s28+$0x40] =	vst v11;
	v10 =	vld [tilespmem:s30+$0xFFFFFFD0]  }
0x3be: {  	v11 =	vsel vm2, v2, v3;
	v50 =	vld [tilespmem:s30+$0x50]  }
0x3bf: {  	vm2 =	veq.s32 v45, v8;
	[tilespmem:s28+$0xC0] =	vst v11;
	v8 =	vld [tilespmem:s30+$0xD0]  }
0x3c0: {  	v11 =	vsel vm2, v2, v3;
	v51 =	vld [tilespmem:s30+$0x150]  }
0x3c1: {  	vm2 =	veq.s32 v46, v6;
	[tilespmem:s28+$0x140] =	vst v11;
	v6 =	vld [tilespmem:s30+$0x1D0]  }
0x3c2: {  	v11 =	vsel vm2, v2, v3;
	v52 =	vld [tilespmem:s30+$0x250]  }
0x3c3: {  	vm2 =	veq.s32 v47, v7;
	[tilespmem:s28+$0xFFFFFE50] =	vst v11;
	v7 =	vld [tilespmem:s30+$0x2D0]  }
0x3c4: {  	v11 =	vsel vm2, v2, v3;
	v53 =	vld [tilespmem:s30+$0xFFFFFC60]  }
0x3c5: {  	vm2 =	veq.s32 v48, v9;
	[tilespmem:s28+$0xFFFFFED0] =	vst v11;
	v9 =	vld [tilespmem:s30+$0xFFFFFCE0]  }
0x3c6: {  	v11 =	vsel vm2, v2, v3;
	v54 =	vld [tilespmem:s30+$0xFFFFFD60]  }
0x3c7: {  	[tilespmem:s28+$0xFFFFFF50] =	vst v11;
	vm2 =	veq.s32 v49, v10;
	v10 =	vld [tilespmem:s30+$0xFFFFFDE0]  }
0x3c8: {  	v11 =	vsel vm2, v2, v3;
	v55 =	vld [tilespmem:s30+$0xFFFFFE60]  }
0x3c9: {  	vm2 =	veq.s32 v50, v8;
	v8 =	vld [tilespmem:s30+$0xFFFFFEE0];
	[tilespmem:s28+$0xFFFFFFD0] =	vst v11  }
0x3ca: {  	v11 =	vsel vm2, v2, v3;
	v56 =	vld [tilespmem:s30+$0xFFFFFF60]  }
0x3cb: {  	vm2 =	veq.s32 v51, v6;
	[tilespmem:s28+$0x50] =	vst v11;
	v6 =	vld [tilespmem:s30+$0xFFFFFFE0]  }
0x3cc: {  	v11 =	vsel vm2, v2, v3;
	v57 =	vld [tilespmem:s30+$0x60]  }
0x3cd: {  	vm2 =	veq.s32 v52, v7;
	[tilespmem:s28+$0xD0] =	vst v11;
	v7 =	vld [tilespmem:s30+$0xE0]  }
0x3ce: {  	v11 =	vsel vm2, v2, v3;
	v58 =	vld [tilespmem:s30+$0x160]  }
0x3cf: {  	vm2 =	veq.s32 v53, v9;
	[tilespmem:s28+$0x150] =	vst v11;
	v9 =	vld [tilespmem:s30+$0x1E0]  }
0x3d0: {  	v11 =	vsel vm2, v2, v3;
	v59 =	vld [tilespmem:s30+$0x260]  }
0x3d1: {  	vm2 =	veq.s32 v54, v10;
	[tilespmem:s28+$0xFFFFFE60] =	vst v11;
	v10 =	vld [tilespmem:s30+$0x2E0]  }
0x3d2: {  	v11 =	vsel vm2, v2, v3;
	v60 =	vld [tilespmem:s30+$0xFFFFFC70]  }
0x3d3: {  	vm2 =	veq.s32 v55, v8;
	[tilespmem:s28+$0xFFFFFEE0] =	vst v11;
	v8 =	vld [tilespmem:s30+$0xFFFFFCF0]  }
0x3d4: {  	v11 =	vsel vm2, v2, v3;
	v61 =	vld [tilespmem:s30+$0xFFFFFD70]  }
0x3d5: {  	[tilespmem:s28+$0xFFFFFF60] =	vst v11;
	vm2 =	veq.s32 v56, v6;
	v11 =	vld [tilespmem:s30+$0xFFFFFDF0]  }
0x3d6: {  	v6 =	vsel vm2, v2, v3;
	v62 =	vld [tilespmem:s30+$0xFFFFFE70]  }
0x3d7: {  	vm2 =	veq.s32 v57, v7;
	v7 =	vld [tilespmem:s30+$0xFFFFFEF0];
	[tilespmem:s28+$0xFFFFFFE0] =	vst v6  }
0x3d8: {  	vm3 =	veq.s32 v4, v5;
	v4 =	vsel vm2, v2, v3;
	v63 =	vld [tilespmem:s30+$0xFFFFFF70]  }
0x3d9: {  	v5 =	vsel vm3, v2, v3;
	vm2 =	veq.s32 v58, v9;
	[tilespmem:s28+$0x60] =	vst v4;
	v9 =	vld [tilespmem:s30+$0xFFFFFFF0]  }
0x3da: {  	[tilespmem:s28+$0x1F0] =	vst v5;
	vm3 =	veq.s32 v59, v10;
	v5 =	vsel vm2, v2, v3;
	v4 =	vld [tilespmem:s30+$0x70]  }
0x3db: {  	[tilespmem:s28+$0xE0] =	vst v5;
	vm2 =	veq.s32 v60, v8;
	v5 =	vsel vm3, v2, v3;
	v6 =	vld [tilespmem:s30+$0xF0]  }
0x3dc: {  	[tilespmem:s28+$0x160] =	vst v5;
	v8 =	vsel vm2, v2, v3;
	vm2 =	veq.s32 v61, v11;
	v5 =	vld [tilespmem:s30+$0x170]  }
0x3dd: {  	[tilespmem:s28+$0xFFFFFE70] =	vst v8;
	v10 =	vsel vm2, v2, v3;
	vm2 =	veq.s32 v62, v7;
	v8 =	vld [tilespmem:s30+$0x1F0]  }
0x3de: {  	v7 =	vld [tilespmem:s30+$0x270];
	[tilespmem:s28+$0xFFFFFEF0] =	vst v10;
	v10 =	vsel vm2, v2, v3;
	vm2 =	veq.s32 v63, v9  }
0x3df: {  	s29 =	simm.s32 $0x0;
	[tilespmem:s28+$0xFFFFFF70] =	vst v10;
	v9 =	vld [tilespmem:s30+$0x2F0];
	s30 =	simm.s32 $0xAC00;
	v10 =	vsel vm2, v2, v3  }
.LBB2_8:
0x3e0: {  	v11 =	vld [tilespmem:s30+$0x300];
	[tilespmem:s28+$0xFFFFFFF0] =	vst v10;
	vm2 =	veq.s32 v4, v6  }
0x3e1: {  	v4 =	vld [tilespmem:s30+$0x380];
	v6 =	vsel vm2, v2, v3  }
0x3e2: {  	v10 =	vld [tilespmem:s30+$0xFFFFFC80];
	[tilespmem:s28+$0x70] =	vst v6;
	vm2 =	veq.s32 v5, v8  }
0x3e3: {  	v5 =	vld [tilespmem:s30+$0xFFFFFD00];
	v6 =	vsel vm2, v2, v3  }
0x3e4: {  	v8 =	vld [tilespmem:s30+$0xFFFFFD80];
	[tilespmem:s28+$0xF0] =	vst v6;
	vm2 =	veq.s32 v7, v9  }
0x3e5: {  	v6 =	vld [tilespmem:s30+$0xFFFFFE00];
	v7 =	vsel vm2, v2, v3  }
0x3e6: {  	v9 =	vld [tilespmem:s30+$0xFFFFFE80];
	vm2 =	veq.s32 v11, v4;
	[tilespmem:s28+$0x170] =	vst v7  }
0x3e7: {  	s28 =	sadd.s32 $0x400, s28;
	v4 =	vld [tilespmem:s30+$0xFFFFFF00];
	v7 =	vsel vm2, v2, v3  }
0x3e8: {  	s29 =	sadd.s32 $0x8, s29;
	v11 =	vld [tilespmem:s30+$0xFFFFFF80];
	[tilespmem:s28+$0x180] =	vst v7  }
0x3e9: {  	p0 =	slt.u32 s29, $0x98;
	vm2 =	veq.s32 v5, v8;
	v5 =	vld [tilespmem:s30+$0x310]  }
0x3ea: {  	v7 =	vsel vm2, v2, v3;
	v8 =	vld [tilespmem:s30+$0x390]  }
0x3eb: {  	[tilespmem:s28+$0xFFFFFE80] =	vst v7;
	vm2 =	veq.s32 v6, v9;
	v6 =	vld [tilespmem:s30+$0x0]  }
0x3ec: {  	v7 =	vsel vm2, v2, v3;
	v9 =	vld [tilespmem:s30+$0x80]  }
0x3ed: {  	[tilespmem:s28+$0xFFFFFF00] =	vst v7;
	vm2 =	veq.s32 v4, v11;
	v4 =	vld [tilespmem:s30+$0x100]  }
0x3ee: {  	v7 =	vsel vm2, v2, v3;
	v11 =	vld [tilespmem:s30+$0x180]  }
0x3ef: {  	[tilespmem:s28+$0xFFFFFF80] =	vst v7;
	v7 =	vld [tilespmem:s30+$0x200];
	vm2 =	veq.s32 v5, v8  }
0x3f0: {  	v5 =	vld [tilespmem:s30+$0x280];
	v8 =	vsel vm2, v2, v3  }
0x3f1: {  	v12 =	vld [tilespmem:s30+$0xFFFFFC00];
	vm2 =	veq.s32 v6, v9;
	[tilespmem:s28+$0x190] =	vst v8  }
0x3f2: {  	v6 =	vsel vm2, v2, v3;
	v8 =	vld [tilespmem:s30+$0x320]  }
0x3f3: {  	[tilespmem:s28+$0x0] =	vst v6;
	vm2 =	veq.s32 v4, v11;
	v4 =	vld [tilespmem:s30+$0x3A0]  }
0x3f4: {  	v6 =	vld [tilespmem:s30+$0xFFFFFD10];
	v9 =	vsel vm2, v2, v3  }
0x3f5: {  	v11 =	vld [tilespmem:s30+$0xFFFFFD90];
	[tilespmem:s28+$0x80] =	vst v9;
	vm2 =	veq.s32 v7, v5  }
0x3f6: {  	vm3 =	veq.s32 v12, v10;
	v5 =	vld [tilespmem:s30+$0xFFFFFE10];
	v7 =	vsel vm2, v2, v3  }
0x3f7: {  	v9 =	vsel vm3, v2, v3;
	v10 =	vld [tilespmem:s30+$0xFFFFFE90];
	[tilespmem:s28+$0x100] =	vst v7  }
0x3f8: {  	[tilespmem:s28+$0xFFFFFE00] =	vst v9;
	v7 =	vld [tilespmem:s30+$0xFFFFFF10];
	vm2 =	veq.s32 v8, v4  }
0x3f9: {  	v4 =	vld [tilespmem:s30+$0xFFFFFC10];
	v8 =	vsel vm2, v2, v3  }
0x3fa: {  	v9 =	vld [tilespmem:s30+$0xFFFFFC90];
	vm2 =	veq.s32 v6, v11;
	[tilespmem:s28+$0x1A0] =	vst v8  }
0x3fb: {  	v6 =	vsel vm2, v2, v3;
	v8 =	vld [tilespmem:s30+$0x330]  }
0x3fc: {  	[tilespmem:s28+$0xFFFFFE90] =	vst v6;
	vm2 =	veq.s32 v5, v10;
	v5 =	vld [tilespmem:s30+$0x3B0]  }
0x3fd: {  	v6 =	vsel vm2, v2, v3;
	v10 =	vld [tilespmem:s30+$0xFFFFFF90]  }
0x3fe: {  	[tilespmem:s28+$0xFFFFFF10] =	vst v6;
	v6 =	vld [tilespmem:s30+$0x10]  }
0x3ff: {  	vm2 =	veq.s32 v4, v9;
	v4 =	vld [tilespmem:s30+$0x90]  }
0x400: {  	v9 =	vsel vm2, v2, v3;
	v11 =	vld [tilespmem:s30+$0x110]  }
0x401: {  	[tilespmem:s28+$0xFFFFFE10] =	vst v9;
	v9 =	vld [tilespmem:s30+$0x190];
	vm2 =	veq.s32 v8, v5  }
0x402: {  	vm3 =	veq.s32 v7, v10;
	v5 =	vld [tilespmem:s30+$0x210];
	v7 =	vsel vm2, v2, v3  }
0x403: {  	v8 =	vsel vm3, v2, v3;
	v10 =	vld [tilespmem:s30+$0x290];
	[tilespmem:s28+$0x1B0] =	vst v7  }
0x404: {  	[tilespmem:s28+$0xFFFFFF90] =	vst v8;
	vm2 =	veq.s32 v6, v4;
	v4 =	vld [tilespmem:s30+$0x340]  }
0x405: {  	v6 =	vsel vm2, v2, v3;
	v7 =	vld [tilespmem:s30+$0x3C0]  }
0x406: {  	v8 =	vld [tilespmem:s30+$0xFFFFFC20];
	[tilespmem:s28+$0x10] =	vst v6;
	vm2 =	veq.s32 v11, v9  }
0x407: {  	v6 =	vld [tilespmem:s30+$0xFFFFFCA0];
	v9 =	vsel vm2, v2, v3  }
0x408: {  	v11 =	vld [tilespmem:s30+$0xFFFFFD20];
	[tilespmem:s28+$0x90] =	vst v9;
	vm2 =	veq.s32 v5, v10  }
0x409: {  	v5 =	vld [tilespmem:s30+$0xFFFFFDA0];
	v9 =	vsel vm2, v2, v3  }
0x40a: {  	v10 =	vld [tilespmem:s30+$0xFFFFFE20];
	[tilespmem:s28+$0x110] =	vst v9;
	vm2 =	veq.s32 v4, v7  }
0x40b: {  	v4 =	vld [tilespmem:s30+$0xFFFFFEA0];
	v7 =	vsel vm2, v2, v3  }
0x40c: {  	vm2 =	veq.s32 v8, v6;
	v6 =	vld [tilespmem:s30+$0xFFFFFF20];
	[tilespmem:s28+$0x1C0] =	vst v7  }
0x40d: {  	v7 =	vsel vm2, v2, v3;
	v8 =	vld [tilespmem:s30+$0x350]  }
0x40e: {  	[tilespmem:s28+$0xFFFFFE20] =	vst v7;
	vm2 =	veq.s32 v11, v5;
	v5 =	vld [tilespmem:s30+$0x3D0]  }
0x40f: {  	v7 =	vsel vm2, v2, v3;
	v9 =	vld [tilespmem:s30+$0xFFFFFFA0]  }
0x410: {  	[tilespmem:s28+$0xFFFFFEA0] =	vst v7;
	vm2 =	veq.s32 v10, v4;
	v4 =	vld [tilespmem:s30+$0x20]  }
0x411: {  	v7 =	vsel vm2, v2, v3;
	v10 =	vld [tilespmem:s30+$0xA0]  }
0x412: {  	[tilespmem:s28+$0xFFFFFF20] =	vst v7;
	v7 =	vld [tilespmem:s30+$0x120]  }
0x413: {  	v11 =	vld [tilespmem:s30+$0x1A0];
	vm2 =	veq.s32 v8, v5  }
0x414: {  	vm3 =	veq.s32 v6, v9;
	v5 =	vld [tilespmem:s30+$0x220];
	v6 =	vsel vm2, v2, v3  }
0x415: {  	v8 =	vsel vm3, v2, v3;
	v9 =	vld [tilespmem:s30+$0x2A0];
	[tilespmem:s28+$0x1D0] =	vst v6  }
0x416: {  	[tilespmem:s28+$0xFFFFFFA0] =	vst v8;
	vm2 =	veq.s32 v4, v10;
	v4 =	vld [tilespmem:s30+$0x360]  }
0x417: {  	v6 =	vsel vm2, v2, v3;
	v8 =	vld [tilespmem:s30+$0x3E0]  }
0x418: {  	v10 =	vld [tilespmem:s30+$0xFFFFFC30];
	[tilespmem:s28+$0x20] =	vst v6;
	vm2 =	veq.s32 v7, v11  }
0x419: {  	v6 =	vld [tilespmem:s30+$0xFFFFFCB0];
	v7 =	vsel vm2, v2, v3  }
0x41a: {  	v11 =	vld [tilespmem:s30+$0xFFFFFD30];
	[tilespmem:s28+$0xA0] =	vst v7;
	vm2 =	veq.s32 v5, v9  }
0x41b: {  	v5 =	vld [tilespmem:s30+$0xFFFFFDB0];
	v7 =	vsel vm2, v2, v3  }
0x41c: {  	v9 =	vld [tilespmem:s30+$0xFFFFFE30];
	[tilespmem:s28+$0x120] =	vst v7;
	vm2 =	veq.s32 v4, v8  }
0x41d: {  	v4 =	vld [tilespmem:s30+$0xFFFFFEB0];
	v7 =	vsel vm2, v2, v3  }
0x41e: {  	vm2 =	veq.s32 v10, v6;
	v6 =	vld [tilespmem:s30+$0xFFFFFF30];
	[tilespmem:s28+$0x1E0] =	vst v7  }
0x41f: {  	v7 =	vsel vm2, v2, v3;
	v8 =	vld [tilespmem:s30+$0x370]  }
0x420: {  	[tilespmem:s28+$0xFFFFFE30] =	vst v7;
	vm2 =	veq.s32 v11, v5;
	v5 =	vld [tilespmem:s30+$0x3F0]  }
0x421: {  	v7 =	vsel vm2, v2, v3;
	v10 =	vld [tilespmem:s30+$0xFFFFFFB0]  }
0x422: {  	[tilespmem:s28+$0xFFFFFEB0] =	vst v7;
	vm2 =	veq.s32 v9, v4;
	v4 =	vld [tilespmem:s30+$0x30]  }
0x423: {  	v7 =	vsel vm2, v2, v3;
	v9 =	vld [tilespmem:s30+$0xB0]  }
0x424: {  	[tilespmem:s28+$0xFFFFFF30] =	vst v7;
	v7 =	vld [tilespmem:s30+$0x130]  }
0x425: {  	v11 =	vld [tilespmem:s30+$0x1B0];
	vm2 =	veq.s32 v8, v5  }
0x426: {  	vm3 =	veq.s32 v6, v10;
	v5 =	vld [tilespmem:s30+$0x230];
	v6 =	vsel vm2, v2, v3  }
0x427: {  	v8 =	vsel vm3, v2, v3;
	v10 =	vld [tilespmem:s30+$0x2B0];
	[tilespmem:s28+$0x1F0] =	vst v6  }
0x428: {  	v6 =	vld [tilespmem:s30+$0xFFFFFC40];
	[tilespmem:s28+$0xFFFFFFB0] =	vst v8;
	vm2 =	veq.s32 v4, v9  }
0x429: {  	v4 =	vld [tilespmem:s30+$0xFFFFFCC0];
	v8 =	vsel vm2, v2, v3  }
0x42a: {  	v9 =	vld [tilespmem:s30+$0xFFFFFD40];
	[tilespmem:s28+$0x30] =	vst v8;
	vm2 =	veq.s32 v7, v11  }
0x42b: {  	v7 =	vld [tilespmem:s30+$0xFFFFFDC0];
	v8 =	vsel vm2, v2, v3  }
0x42c: {  	v11 =	vld [tilespmem:s30+$0xFFFFFE40];
	[tilespmem:s28+$0xB0] =	vst v8;
	vm2 =	veq.s32 v5, v10  }
0x42d: {  	v5 =	vld [tilespmem:s30+$0xFFFFFEC0];
	v8 =	vsel vm2, v2, v3  }
0x42e: {  	vm2 =	veq.s32 v6, v4;
	v4 =	vld [tilespmem:s30+$0xFFFFFF40];
	[tilespmem:s28+$0x130] =	vst v8  }
0x42f: {  	v6 =	vsel vm2, v2, v3;
	v8 =	vld [tilespmem:s30+$0xFFFFFFC0]  }
0x430: {  	[tilespmem:s28+$0xFFFFFE40] =	vst v6;
	vm2 =	veq.s32 v9, v7;
	v6 =	vld [tilespmem:s30+$0x40]  }
0x431: {  	v7 =	vsel vm2, v2, v3;
	v9 =	vld [tilespmem:s30+$0xC0]  }
0x432: {  	[tilespmem:s28+$0xFFFFFEC0] =	vst v7;
	vm2 =	veq.s32 v11, v5;
	v5 =	vld [tilespmem:s30+$0x140]  }
0x433: {  	v7 =	vsel vm2, v2, v3;
	v10 =	vld [tilespmem:s30+$0x1C0]  }
0x434: {  	[tilespmem:s28+$0xFFFFFF40] =	vst v7;
	vm2 =	veq.s32 v4, v8;
	v4 =	vld [tilespmem:s30+$0x240]  }
0x435: {  	v7 =	vsel vm2, v2, v3;
	v8 =	vld [tilespmem:s30+$0x2C0]  }
0x436: {  	v11 =	vld [tilespmem:s30+$0xFFFFFC50];
	[tilespmem:s28+$0xFFFFFFC0] =	vst v7;
	vm2 =	veq.s32 v6, v9  }
0x437: {  	v6 =	vld [tilespmem:s30+$0xFFFFFCD0];
	v7 =	vsel vm2, v2, v3  }
0x438: {  	v9 =	vld [tilespmem:s30+$0xFFFFFD50];
	[tilespmem:s28+$0x40] =	vst v7;
	vm2 =	veq.s32 v5, v10  }
0x439: {  	v5 =	vld [tilespmem:s30+$0xFFFFFDD0];
	v7 =	vsel vm2, v2, v3  }
0x43a: {  	v10 =	vld [tilespmem:s30+$0xFFFFFE50];
	[tilespmem:s28+$0xC0] =	vst v7;
	vm2 =	veq.s32 v4, v8  }
0x43b: {  	v4 =	vld [tilespmem:s30+$0xFFFFFED0];
	v7 =	vsel vm2, v2, v3  }
0x43c: {  	vm2 =	veq.s32 v11, v6;
	v6 =	vld [tilespmem:s30+$0xFFFFFF50];
	[tilespmem:s28+$0x140] =	vst v7  }
0x43d: {  	v7 =	vsel vm2, v2, v3;
	v8 =	vld [tilespmem:s30+$0xFFFFFFD0]  }
0x43e: {  	[tilespmem:s28+$0xFFFFFE50] =	vst v7;
	vm2 =	veq.s32 v9, v5;
	v5 =	vld [tilespmem:s30+$0x50]  }
0x43f: {  	v7 =	vsel vm2, v2, v3;
	v9 =	vld [tilespmem:s30+$0xD0]  }
0x440: {  	[tilespmem:s28+$0xFFFFFED0] =	vst v7;
	vm2 =	veq.s32 v10, v4;
	v4 =	vld [tilespmem:s30+$0x150]  }
0x441: {  	v7 =	vsel vm2, v2, v3;
	v10 =	vld [tilespmem:s30+$0x1D0]  }
0x442: {  	[tilespmem:s28+$0xFFFFFF50] =	vst v7;
	vm2 =	veq.s32 v6, v8;
	v6 =	vld [tilespmem:s30+$0x250]  }
0x443: {  	v7 =	vsel vm2, v2, v3;
	v8 =	vld [tilespmem:s30+$0x2D0]  }
0x444: {  	v11 =	vld [tilespmem:s30+$0xFFFFFC60];
	[tilespmem:s28+$0xFFFFFFD0] =	vst v7;
	vm2 =	veq.s32 v5, v9  }
0x445: {  	v5 =	vld [tilespmem:s30+$0xFFFFFCE0];
	v7 =	vsel vm2, v2, v3  }
0x446: {  	v9 =	vld [tilespmem:s30+$0xFFFFFD60];
	[tilespmem:s28+$0x50] =	vst v7;
	vm2 =	veq.s32 v4, v10  }
0x447: {  	v4 =	vld [tilespmem:s30+$0xFFFFFDE0];
	v7 =	vsel vm2, v2, v3  }
0x448: {  	v10 =	vld [tilespmem:s30+$0xFFFFFE60];
	[tilespmem:s28+$0xD0] =	vst v7;
	vm2 =	veq.s32 v6, v8  }
0x449: {  	v6 =	vld [tilespmem:s30+$0xFFFFFEE0];
	v7 =	vsel vm2, v2, v3  }
0x44a: {  	vm2 =	veq.s32 v11, v5;
	v5 =	vld [tilespmem:s30+$0xFFFFFF60];
	[tilespmem:s28+$0x150] =	vst v7  }
0x44b: {  	v7 =	vsel vm2, v2, v3;
	v8 =	vld [tilespmem:s30+$0xFFFFFFE0]  }
0x44c: {  	[tilespmem:s28+$0xFFFFFE60] =	vst v7;
	vm2 =	veq.s32 v9, v4;
	v4 =	vld [tilespmem:s30+$0x60]  }
0x44d: {  	v7 =	vsel vm2, v2, v3;
	v9 =	vld [tilespmem:s30+$0xE0]  }
0x44e: {  	[tilespmem:s28+$0xFFFFFEE0] =	vst v7;
	vm2 =	veq.s32 v10, v6;
	v6 =	vld [tilespmem:s30+$0x160]  }
0x44f: {  	v7 =	vsel vm2, v2, v3;
	v10 =	vld [tilespmem:s30+$0x1E0]  }
0x450: {  	[tilespmem:s28+$0xFFFFFF60] =	vst v7;
	vm2 =	veq.s32 v5, v8;
	v5 =	vld [tilespmem:s30+$0x260]  }
0x451: {  	v7 =	vsel vm2, v2, v3;
	v8 =	vld [tilespmem:s30+$0x2E0]  }
0x452: {  	v11 =	vld [tilespmem:s30+$0xFFFFFC70];
	[tilespmem:s28+$0xFFFFFFE0] =	vst v7;
	vm2 =	veq.s32 v4, v9  }
0x453: {  	v4 =	vld [tilespmem:s30+$0xFFFFFCF0];
	v7 =	vsel vm2, v2, v3  }
0x454: {  	v9 =	vld [tilespmem:s30+$0xFFFFFD70];
	[tilespmem:s28+$0x60] =	vst v7;
	vm2 =	veq.s32 v6, v10  }
0x455: {  	v6 =	vld [tilespmem:s30+$0xFFFFFDF0];
	v7 =	vsel vm2, v2, v3  }
0x456: {  	v10 =	vld [tilespmem:s30+$0xFFFFFE70];
	[tilespmem:s28+$0xE0] =	vst v7;
	vm2 =	veq.s32 v5, v8  }
0x457: {  	v5 =	vld [tilespmem:s30+$0xFFFFFEF0];
	v7 =	vsel vm2, v2, v3  }
0x458: {  	vm2 =	veq.s32 v11, v4;
	v11 =	vld [tilespmem:s30+$0xFFFFFF70];
	[tilespmem:s28+$0x160] =	vst v7  }
0x459: {  	v4 =	vsel vm2, v2, v3;
	v7 =	vld [tilespmem:s30+$0xFFFFFFF0]  }
0x45a: {  	[tilespmem:s28+$0xFFFFFE70] =	vst v4;
	vm2 =	veq.s32 v9, v6;
	v4 =	vld [tilespmem:s30+$0x70]  }
.Ltmp3:
0x45b: {  	v8 =	vsel vm2, v2, v3;
	v6 =	vld [tilespmem:s30+$0xF0];
	(pc) =	sbr.rel @p0 .LBB2_8-.Ltmp3, $4  }
0x45c: {  	[tilespmem:s28+$0xFFFFFEF0] =	vst v8;
	vm2 =	veq.s32 v10, v5;
	v5 =	vld [tilespmem:s30+$0x170]  }
0x45d: {  	v9 =	vsel vm2, v2, v3;
	v8 =	vld [tilespmem:s30+$0x1F0]  }
0x45e: {  	[tilespmem:s28+$0xFFFFFF70] =	vst v9;
	vm2 =	veq.s32 v11, v7;
	v7 =	vld [tilespmem:s30+$0x270]  }
0x45f: {  	v10 =	vsel vm2, v2, v3;
	v9 =	vld [tilespmem:s30+$0x2F0];
	s30 =	sadd.s32 $0x800, s30  }
0x460: {  	_ =	sdelay $0x1  }
0x461: {  	vm2 =	veq.s32 v4, v6  }
0x462: {  	[tilespmem:s28+$0xFFFFFFF0] =	vst v10;
	v4 =	vsel vm2, v2, v3;
	vm2 =	veq.s32 v5, v8  }
0x463: {  	[tilespmem:s28+$0x70] =	vst v4;
	v4 =	vsel vm2, v2, v3;
	vm2 =	veq.s32 v7, v9  }
0x464: {  	[tilespmem:s28+$0xF0] =	vst v4;
	v4 =	vsel vm2, v2, v3  }
0x465: {  	[tilespmem:s28+$0x170] =	vst v4  }
0x466: {  	[hbm4b:s12+s3] =	stream.linear.scatter [tilespmem:s23], [sflag:$0x4], $0x5000, $0x38;
	[tilespmem:$0x1E080] =	vst v63  }
0x467: {  	_ = 	snop  }
0x468: {  	[tilespmem:s19], [sflag:$0x2] =	stream.linear.gather [hbm4b:s13+s3], $0x5000, $0x38;
	[tilespmem:$0x1E080] =	vst v63  }
0x469: {  	_ =	swait.ge [sflag:s20], $0xA000  }
0x46a: {  	[sflag:s20] =	ssyncset.done $0x0  }
0x46b: {  	[sflag:s20] =	ssyncadd.s32 $0xFFFF6000  }
0x46c: {  	_ =	swait.ge [sflag:s24], $0x5000  }
0x46d: {  	[sflag:s24] =	ssyncset.done $0x0  }
0x46e: {  	s30 =	simm.s32 $0x400;
	[sflag:s24] =	ssyncadd.s32 $0xFFFFB000  }
0x46f: {  	v4 =	vld [tilespmem:s30+$0x300]  }
0x470: {  	v5 =	vld [tilespmem:s30+$0x380]  }
0x471: {  	v6 =	vld [tilespmem:s30+$0xFFFFFC80]  }
0x472: {  	v7 =	vld [tilespmem:s30+$0xFFFFFD00]  }
0x473: {  	v8 =	vld [tilespmem:s30+$0xFFFFFD80]  }
0x474: {  	v9 =	vld [tilespmem:s30+$0xFFFFFE00]  }
0x475: {  	v10 =	vld [tilespmem:s30+$0xFFFFFE80];
	vm2 =	veq.s32 v4, v5  }
0x476: {  	s28 =	simm.s32 $0x14200;
	v11 =	vld [tilespmem:s30+$0xFFFFFF80];
	v5 =	vsel vm2, v2, v3  }
0x477: {  	v13 =	vld [tilespmem:s30+$0x0];
	[tilespmem:s28+$0x180] =	vst v5  }
0x478: {  	v5 =	vld [tilespmem:s30+$0x310]  }
0x479: {  	v12 =	vld [tilespmem:s30+$0x390]  }
0x47a: {  	v14 =	vld [tilespmem:s30+$0x80]  }
0x47b: {  	v15 =	vld [tilespmem:s30+$0x100]  }
0x47c: {  	v16 =	vld [tilespmem:s30+$0x180]  }
0x47d: {  	v17 =	vld [tilespmem:s30+$0x200]  }
0x47e: {  	v4 =	vld [tilespmem:s30+$0xFFFFFF00];
	vm2 =	veq.s32 v5, v12  }
0x47f: {  	v5 =	vld [tilespmem:s30+$0x280];
	v12 =	vsel vm2, v2, v3  }
0x480: {  	vm2 =	veq.s32 v7, v8;
	v7 =	vld [tilespmem:s30+$0xFFFFFC00];
	[tilespmem:s28+$0x190] =	vst v12  }
0x481: {  	v8 =	vsel vm2, v2, v3;
	v12 =	vld [tilespmem:s30+$0x320]  }
0x482: {  	vm2 =	veq.s32 v9, v10;
	[tilespmem:s28+$0xFFFFFE80] =	vst v8;
	v8 =	vld [tilespmem:s30+$0x3A0]  }
0x483: {  	v9 =	vsel vm2, v2, v3;
	vm2 =	veq.s32 v4, v11;
	v10 =	vld [tilespmem:s30+$0xFFFFFD10]  }
0x484: {  	[tilespmem:s28+$0xFFFFFF00] =	vst v9;
	v4 =	vld [tilespmem:s30+$0xFFFFFD90];
	v9 =	vsel vm2, v2, v3  }
0x485: {  	[tilespmem:s28+$0xFFFFFF80] =	vst v9;
	v9 =	vld [tilespmem:s30+$0xFFFFFE90]  }
0x486: {  	vm2 =	veq.s32 v7, v6;
	v6 =	vld [tilespmem:s30+$0xFFFFFE10]  }
0x487: {  	v21 =	vld [tilespmem:s30+$0xFFFFFF90];
	v7 =	vsel vm2, v2, v3;
	vm2 =	veq.s32 v12, v8  }
0x488: {  	[tilespmem:s28+$0xFFFFFE00] =	vst v7;
	v7 =	vld [tilespmem:s30+$0xFFFFFF10];
	v11 =	vsel vm2, v2, v3  }
0x489: {  	v8 =	vld [tilespmem:s30+$0xFFFFFC10];
	[tilespmem:s28+$0x1A0] =	vst v11  }
0x48a: {  	vm2 =	veq.s32 v13, v14;
	v11 =	vld [tilespmem:s30+$0x330]  }
0x48b: {  	v13 =	vsel vm2, v2, v3;
	v20 =	vld [tilespmem:s30+$0x3B0]  }
0x48c: {  	v63 =	vld [tilespmem:s30+$0xFFFFFC90];
	vm2 =	veq.s32 v15, v16;
	[tilespmem:s28+$0x0] =	vst v13  }
0x48d: {  	v15 =	vsel vm2, v2, v3;
	v22 =	vld [tilespmem:s30+$0x10]  }
0x48e: {  	vm2 =	veq.s32 v17, v5;
	[tilespmem:s28+$0x80] =	vst v15;
	v5 =	vld [tilespmem:s30+$0x90]  }
0x48f: {  	v23 =	vsel vm2, v2, v3;
	v24 =	vld [tilespmem:s30+$0x110]  }
0x490: {  	[tilespmem:s28+$0x100] =	vst v23;
	v25 =	vld [tilespmem:s30+$0x190];
	vm2 =	veq.s32 v11, v20  }
0x491: {  	v11 =	vld [tilespmem:s30+$0x210];
	v14 =	vsel vm2, v2, v3  }
0x492: {  	vm2 =	veq.s32 v8, v63;
	v8 =	vld [tilespmem:s30+$0x290];
	[tilespmem:s28+$0x1B0] =	vst v14  }
0x493: {  	v12 =	vsel vm2, v2, v3;
	v14 =	vld [tilespmem:s30+$0x340]  }
0x494: {  	vm2 =	veq.s32 v10, v4;
	[tilespmem:s28+$0xFFFFFE10] =	vst v12;
	v4 =	vld [tilespmem:s30+$0x3C0]  }
0x495: {  	v10 =	vsel vm2, v2, v3;
	v12 =	vld [tilespmem:s30+$0xFFFFFC20]  }
0x496: {  	vm2 =	veq.s32 v6, v9;
	[tilespmem:s28+$0xFFFFFE90] =	vst v10;
	v6 =	vld [tilespmem:s30+$0xFFFFFCA0]  }
0x497: {  	v9 =	vsel vm2, v2, v3;
	vm2 =	veq.s32 v7, v21;
	v10 =	vld [tilespmem:s30+$0xFFFFFD20]  }
0x498: {  	[tilespmem:s28+$0xFFFFFF10] =	vst v9;
	v7 =	vld [tilespmem:s30+$0xFFFFFDA0];
	v9 =	vsel vm2, v2, v3  }
0x499: {  	v26 =	vld [tilespmem:s30+$0xFFFFFE20];
	[tilespmem:s28+$0xFFFFFF90] =	vst v9;
	vm2 =	veq.s32 v14, v4  }
0x49a: {  	v27 =	vld [tilespmem:s30+$0xFFFFFF20];
	v9 =	vsel vm2, v2, v3  }
0x49b: {  	v4 =	vld [tilespmem:s30+$0xFFFFFEA0];
	[tilespmem:s28+$0x1C0] =	vst v9  }
0x49c: {  	vm2 =	veq.s32 v22, v5;
	v5 =	vld [tilespmem:s30+$0x350]  }
0x49d: {  	v9 =	vsel vm2, v2, v3;
	v28 =	vld [tilespmem:s30+$0x3D0]  }
0x49e: {  	vm2 =	veq.s32 v24, v25;
	[tilespmem:s28+$0x10] =	vst v9;
	v9 =	vld [tilespmem:s30+$0xFFFFFFA0]  }
0x49f: {  	v15 =	vsel vm2, v2, v3;
	v29 =	vld [tilespmem:s30+$0x20]  }
0x4a0: {  	vm2 =	veq.s32 v11, v8;
	[tilespmem:s28+$0x90] =	vst v15;
	v8 =	vld [tilespmem:s30+$0xA0]  }
0x4a1: {  	v11 =	vsel vm2, v2, v3;
	v15 =	vld [tilespmem:s30+$0x120]  }
0x4a2: {  	[tilespmem:s28+$0x110] =	vst v11;
	v11 =	vld [tilespmem:s30+$0x1A0];
	vm2 =	veq.s32 v5, v28  }
0x4a3: {  	v30 =	vld [tilespmem:s30+$0x220];
	v5 =	vsel vm2, v2, v3  }
0x4a4: {  	vm2 =	veq.s32 v12, v6;
	v6 =	vld [tilespmem:s30+$0x2A0];
	[tilespmem:s28+$0x1D0] =	vst v5  }
0x4a5: {  	v5 =	vsel vm2, v2, v3;
	v31 =	vld [tilespmem:s30+$0x360]  }
0x4a6: {  	vm2 =	veq.s32 v10, v7;
	[tilespmem:s28+$0xFFFFFE20] =	vst v5;
	v5 =	vld [tilespmem:s30+$0x3E0]  }
0x4a7: {  	v7 =	vsel vm2, v2, v3;
	v10 =	vld [tilespmem:s30+$0xFFFFFC30]  }
0x4a8: {  	vm2 =	veq.s32 v26, v4;
	[tilespmem:s28+$0xFFFFFEA0] =	vst v7;
	v7 =	vld [tilespmem:s30+$0xFFFFFCB0]  }
0x4a9: {  	v4 =	vsel vm2, v2, v3;
	v32 =	vld [tilespmem:s30+$0xFFFFFD30]  }
0x4aa: {  	vm2 =	veq.s32 v27, v9;
	[tilespmem:s28+$0xFFFFFF20] =	vst v4;
	v9 =	vld [tilespmem:s30+$0xFFFFFDB0]  }
0x4ab: {  	v4 =	vsel vm2, v2, v3;
	v33 =	vld [tilespmem:s30+$0xFFFFFE30];
	vm2 =	veq.s32 v31, v5  }
0x4ac: {  	[tilespmem:s28+$0xFFFFFFA0] =	vst v4;
	v34 =	vld [tilespmem:s30+$0xFFFFFEB0];
	v4 =	vsel vm2, v2, v3  }
0x4ad: {  	v18 =	vld [tilespmem:s30+$0xFFFFFF30];
	[tilespmem:s28+$0x1E0] =	vst v4  }
0x4ae: {  	vm2 =	veq.s32 v29, v8;
	v4 =	vld [tilespmem:s30+$0x370]  }
0x4af: {  	v8 =	vsel vm2, v2, v3;
	v5 =	vld [tilespmem:s30+$0x3F0]  }
0x4b0: {  	vm2 =	veq.s32 v15, v11;
	[tilespmem:s28+$0x20] =	vst v8;
	v8 =	vld [tilespmem:s30+$0xFFFFFFB0]  }
0x4b1: {  	v11 =	vsel vm2, v2, v3;
	v35 =	vld [tilespmem:s30+$0x30]  }
0x4b2: {  	vm2 =	veq.s32 v30, v6;
	[tilespmem:s28+$0xA0] =	vst v11;
	v6 =	vld [tilespmem:s30+$0xB0]  }
0x4b3: {  	v11 =	vsel vm2, v2, v3;
	v36 =	vld [tilespmem:s30+$0x130]  }
0x4b4: {  	vm2 =	veq.s32 v10, v7;
	[tilespmem:s28+$0x120] =	vst v11;
	v7 =	vld [tilespmem:s30+$0x1B0]  }
0x4b5: {  	v10 =	vsel vm2, v2, v3;
	v11 =	vld [tilespmem:s30+$0x230]  }
0x4b6: {  	vm2 =	veq.s32 v32, v9;
	[tilespmem:s28+$0xFFFFFE30] =	vst v10;
	v9 =	vld [tilespmem:s30+$0x2B0]  }
0x4b7: {  	v10 =	vsel vm2, v2, v3;
	v37 =	vld [tilespmem:s30+$0xFFFFFC40]  }
0x4b8: {  	vm2 =	veq.s32 v33, v34;
	[tilespmem:s28+$0xFFFFFEB0] =	vst v10;
	v10 =	vld [tilespmem:s30+$0xFFFFFCC0]  }
0x4b9: {  	v12 =	vsel vm2, v2, v3;
	v38 =	vld [tilespmem:s30+$0xFFFFFD40]  }
0x4ba: {  	[tilespmem:s28+$0xFFFFFF30] =	vst v12;
	vm2 =	veq.s32 v18, v8;
	v8 =	vld [tilespmem:s30+$0xFFFFFDC0]  }
0x4bb: {  	v39 =	vsel vm2, v2, v3;
	v40 =	vld [tilespmem:s30+$0xFFFFFE40]  }
0x4bc: {  	vm2 =	veq.s32 v35, v6;
	v6 =	vld [tilespmem:s30+$0xFFFFFEC0];
	[tilespmem:s28+$0xFFFFFFB0] =	vst v39  }
0x4bd: {  	v41 =	vsel vm2, v2, v3;
	v42 =	vld [tilespmem:s30+$0xFFFFFF40]  }
0x4be: {  	vm2 =	veq.s32 v36, v7;
	[tilespmem:s28+$0x30] =	vst v41;
	v7 =	vld [tilespmem:s30+$0xFFFFFFC0]  }
0x4bf: {  	v43 =	vsel vm2, v2, v3;
	v44 =	vld [tilespmem:s30+$0x40]  }
0x4c0: {  	vm2 =	veq.s32 v11, v9;
	[tilespmem:s28+$0xB0] =	vst v43;
	v9 =	vld [tilespmem:s30+$0xC0]  }
0x4c1: {  	v11 =	vsel vm2, v2, v3;
	v12 =	vld [tilespmem:s30+$0x140]  }
0x4c2: {  	vm2 =	veq.s32 v37, v10;
	[tilespmem:s28+$0x130] =	vst v11;
	v10 =	vld [tilespmem:s30+$0x1C0]  }
0x4c3: {  	v11 =	vsel vm2, v2, v3;
	v45 =	vld [tilespmem:s30+$0x240]  }
0x4c4: {  	vm2 =	veq.s32 v38, v8;
	[tilespmem:s28+$0xFFFFFE40] =	vst v11;
	v8 =	vld [tilespmem:s30+$0x2C0]  }
0x4c5: {  	v11 =	vsel vm2, v2, v3;
	v46 =	vld [tilespmem:s30+$0xFFFFFC50]  }
0x4c6: {  	vm2 =	veq.s32 v40, v6;
	[tilespmem:s28+$0xFFFFFEC0] =	vst v11;
	v6 =	vld [tilespmem:s30+$0xFFFFFCD0]  }
0x4c7: {  	v11 =	vsel vm2, v2, v3;
	v47 =	vld [tilespmem:s30+$0xFFFFFD50]  }
0x4c8: {  	[tilespmem:s28+$0xFFFFFF40] =	vst v11;
	vm2 =	veq.s32 v42, v7;
	v7 =	vld [tilespmem:s30+$0xFFFFFDD0]  }
0x4c9: {  	v11 =	vsel vm2, v2, v3;
	v48 =	vld [tilespmem:s30+$0xFFFFFE50]  }
0x4ca: {  	vm2 =	veq.s32 v44, v9;
	v9 =	vld [tilespmem:s30+$0xFFFFFED0];
	[tilespmem:s28+$0xFFFFFFC0] =	vst v11  }
0x4cb: {  	v11 =	vsel vm2, v2, v3;
	v49 =	vld [tilespmem:s30+$0xFFFFFF50]  }
0x4cc: {  	vm2 =	veq.s32 v12, v10;
	[tilespmem:s28+$0x40] =	vst v11;
	v10 =	vld [tilespmem:s30+$0xFFFFFFD0]  }
0x4cd: {  	v11 =	vsel vm2, v2, v3;
	v50 =	vld [tilespmem:s30+$0x50]  }
0x4ce: {  	vm2 =	veq.s32 v45, v8;
	[tilespmem:s28+$0xC0] =	vst v11;
	v8 =	vld [tilespmem:s30+$0xD0]  }
0x4cf: {  	v11 =	vsel vm2, v2, v3;
	v51 =	vld [tilespmem:s30+$0x150]  }
0x4d0: {  	vm2 =	veq.s32 v46, v6;
	[tilespmem:s28+$0x140] =	vst v11;
	v6 =	vld [tilespmem:s30+$0x1D0]  }
0x4d1: {  	v11 =	vsel vm2, v2, v3;
	v52 =	vld [tilespmem:s30+$0x250]  }
0x4d2: {  	vm2 =	veq.s32 v47, v7;
	[tilespmem:s28+$0xFFFFFE50] =	vst v11;
	v7 =	vld [tilespmem:s30+$0x2D0]  }
0x4d3: {  	v11 =	vsel vm2, v2, v3;
	v53 =	vld [tilespmem:s30+$0xFFFFFC60]  }
0x4d4: {  	vm2 =	veq.s32 v48, v9;
	[tilespmem:s28+$0xFFFFFED0] =	vst v11;
	v9 =	vld [tilespmem:s30+$0xFFFFFCE0]  }
0x4d5: {  	v11 =	vsel vm2, v2, v3;
	v54 =	vld [tilespmem:s30+$0xFFFFFD60]  }
0x4d6: {  	[tilespmem:s28+$0xFFFFFF50] =	vst v11;
	vm2 =	veq.s32 v49, v10;
	v10 =	vld [tilespmem:s30+$0xFFFFFDE0]  }
0x4d7: {  	v11 =	vsel vm2, v2, v3;
	v55 =	vld [tilespmem:s30+$0xFFFFFE60]  }
0x4d8: {  	vm2 =	veq.s32 v50, v8;
	v8 =	vld [tilespmem:s30+$0xFFFFFEE0];
	[tilespmem:s28+$0xFFFFFFD0] =	vst v11  }
0x4d9: {  	v11 =	vsel vm2, v2, v3;
	v56 =	vld [tilespmem:s30+$0xFFFFFF60]  }
0x4da: {  	vm2 =	veq.s32 v51, v6;
	[tilespmem:s28+$0x50] =	vst v11;
	v6 =	vld [tilespmem:s30+$0xFFFFFFE0]  }
0x4db: {  	v11 =	vsel vm2, v2, v3;
	v57 =	vld [tilespmem:s30+$0x60]  }
0x4dc: {  	vm2 =	veq.s32 v52, v7;
	[tilespmem:s28+$0xD0] =	vst v11;
	v7 =	vld [tilespmem:s30+$0xE0]  }
0x4dd: {  	v11 =	vsel vm2, v2, v3;
	v58 =	vld [tilespmem:s30+$0x160]  }
0x4de: {  	vm2 =	veq.s32 v53, v9;
	[tilespmem:s28+$0x150] =	vst v11;
	v9 =	vld [tilespmem:s30+$0x1E0]  }
0x4df: {  	v11 =	vsel vm2, v2, v3;
	v59 =	vld [tilespmem:s30+$0x260]  }
0x4e0: {  	vm2 =	veq.s32 v54, v10;
	[tilespmem:s28+$0xFFFFFE60] =	vst v11;
	v10 =	vld [tilespmem:s30+$0x2E0]  }
0x4e1: {  	v11 =	vsel vm2, v2, v3;
	v60 =	vld [tilespmem:s30+$0xFFFFFC70]  }
0x4e2: {  	vm2 =	veq.s32 v55, v8;
	[tilespmem:s28+$0xFFFFFEE0] =	vst v11;
	v8 =	vld [tilespmem:s30+$0xFFFFFCF0]  }
0x4e3: {  	v11 =	vsel vm2, v2, v3;
	v61 =	vld [tilespmem:s30+$0xFFFFFD70]  }
0x4e4: {  	[tilespmem:s28+$0xFFFFFF60] =	vst v11;
	vm2 =	veq.s32 v56, v6;
	v11 =	vld [tilespmem:s30+$0xFFFFFDF0]  }
0x4e5: {  	v6 =	vsel vm2, v2, v3;
	v62 =	vld [tilespmem:s30+$0xFFFFFE70]  }
0x4e6: {  	vm2 =	veq.s32 v57, v7;
	v7 =	vld [tilespmem:s30+$0xFFFFFEF0];
	[tilespmem:s28+$0xFFFFFFE0] =	vst v6  }
0x4e7: {  	vm3 =	veq.s32 v4, v5;
	v4 =	vsel vm2, v2, v3;
	v63 =	vld [tilespmem:s30+$0xFFFFFF70]  }
0x4e8: {  	v5 =	vsel vm3, v2, v3;
	vm2 =	veq.s32 v58, v9;
	[tilespmem:s28+$0x60] =	vst v4;
	v9 =	vld [tilespmem:s30+$0xFFFFFFF0]  }
0x4e9: {  	[tilespmem:s28+$0x1F0] =	vst v5;
	vm3 =	veq.s32 v59, v10;
	v5 =	vsel vm2, v2, v3;
	v4 =	vld [tilespmem:s30+$0x70]  }
0x4ea: {  	[tilespmem:s28+$0xE0] =	vst v5;
	vm2 =	veq.s32 v60, v8;
	v5 =	vsel vm3, v2, v3;
	v6 =	vld [tilespmem:s30+$0xF0]  }
0x4eb: {  	[tilespmem:s28+$0x160] =	vst v5;
	v8 =	vsel vm2, v2, v3;
	vm2 =	veq.s32 v61, v11;
	v5 =	vld [tilespmem:s30+$0x170]  }
0x4ec: {  	[tilespmem:s28+$0xFFFFFE70] =	vst v8;
	v10 =	vsel vm2, v2, v3;
	vm2 =	veq.s32 v62, v7;
	v8 =	vld [tilespmem:s30+$0x1F0]  }
0x4ed: {  	v7 =	vld [tilespmem:s30+$0x270];
	[tilespmem:s28+$0xFFFFFEF0] =	vst v10;
	v10 =	vsel vm2, v2, v3;
	vm2 =	veq.s32 v63, v9  }
0x4ee: {  	s29 =	simm.s32 $0x0;
	[tilespmem:s28+$0xFFFFFF70] =	vst v10;
	v9 =	vld [tilespmem:s30+$0x2F0];
	s30 =	simm.s32 $0xC00;
	v10 =	vsel vm2, v2, v3  }
.LBB2_10:
0x4ef: {  	v11 =	vld [tilespmem:s30+$0x300];
	[tilespmem:s28+$0xFFFFFFF0] =	vst v10;
	vm2 =	veq.s32 v4, v6  }
0x4f0: {  	v4 =	vld [tilespmem:s30+$0x380];
	v6 =	vsel vm2, v2, v3  }
0x4f1: {  	v10 =	vld [tilespmem:s30+$0xFFFFFC80];
	[tilespmem:s28+$0x70] =	vst v6;
	vm2 =	veq.s32 v5, v8  }
0x4f2: {  	v5 =	vld [tilespmem:s30+$0xFFFFFD00];
	v6 =	vsel vm2, v2, v3  }
0x4f3: {  	v8 =	vld [tilespmem:s30+$0xFFFFFD80];
	[tilespmem:s28+$0xF0] =	vst v6;
	vm2 =	veq.s32 v7, v9  }
0x4f4: {  	v6 =	vld [tilespmem:s30+$0xFFFFFE00];
	v7 =	vsel vm2, v2, v3  }
0x4f5: {  	v9 =	vld [tilespmem:s30+$0xFFFFFE80];
	vm2 =	veq.s32 v11, v4;
	[tilespmem:s28+$0x170] =	vst v7  }
0x4f6: {  	s28 =	sadd.s32 $0x400, s28;
	v4 =	vld [tilespmem:s30+$0xFFFFFF00];
	v7 =	vsel vm2, v2, v3  }
0x4f7: {  	s29 =	sadd.s32 $0x8, s29;
	v11 =	vld [tilespmem:s30+$0xFFFFFF80];
	[tilespmem:s28+$0x180] =	vst v7  }
0x4f8: {  	p0 =	slt.u32 s29, $0x98;
	vm2 =	veq.s32 v5, v8;
	v5 =	vld [tilespmem:s30+$0x310]  }
0x4f9: {  	v7 =	vsel vm2, v2, v3;
	v8 =	vld [tilespmem:s30+$0x390]  }
0x4fa: {  	[tilespmem:s28+$0xFFFFFE80] =	vst v7;
	vm2 =	veq.s32 v6, v9;
	v6 =	vld [tilespmem:s30+$0x0]  }
0x4fb: {  	v7 =	vsel vm2, v2, v3;
	v9 =	vld [tilespmem:s30+$0x80]  }
0x4fc: {  	[tilespmem:s28+$0xFFFFFF00] =	vst v7;
	vm2 =	veq.s32 v4, v11;
	v4 =	vld [tilespmem:s30+$0x100]  }
0x4fd: {  	v7 =	vsel vm2, v2, v3;
	v11 =	vld [tilespmem:s30+$0x180]  }
0x4fe: {  	[tilespmem:s28+$0xFFFFFF80] =	vst v7;
	v7 =	vld [tilespmem:s30+$0x200];
	vm2 =	veq.s32 v5, v8  }
0x4ff: {  	v5 =	vld [tilespmem:s30+$0x280];
	v8 =	vsel vm2, v2, v3  }
0x500: {  	v12 =	vld [tilespmem:s30+$0xFFFFFC00];
	vm2 =	veq.s32 v6, v9;
	[tilespmem:s28+$0x190] =	vst v8  }
0x501: {  	v6 =	vsel vm2, v2, v3;
	v8 =	vld [tilespmem:s30+$0x320]  }
0x502: {  	[tilespmem:s28+$0x0] =	vst v6;
	vm2 =	veq.s32 v4, v11;
	v4 =	vld [tilespmem:s30+$0x3A0]  }
0x503: {  	v6 =	vld [tilespmem:s30+$0xFFFFFD10];
	v9 =	vsel vm2, v2, v3  }
0x504: {  	v11 =	vld [tilespmem:s30+$0xFFFFFD90];
	[tilespmem:s28+$0x80] =	vst v9;
	vm2 =	veq.s32 v7, v5  }
0x505: {  	vm3 =	veq.s32 v12, v10;
	v5 =	vld [tilespmem:s30+$0xFFFFFE10];
	v7 =	vsel vm2, v2, v3  }
0x506: {  	v9 =	vsel vm3, v2, v3;
	v10 =	vld [tilespmem:s30+$0xFFFFFE90];
	[tilespmem:s28+$0x100] =	vst v7  }
0x507: {  	[tilespmem:s28+$0xFFFFFE00] =	vst v9;
	v7 =	vld [tilespmem:s30+$0xFFFFFF10];
	vm2 =	veq.s32 v8, v4  }
0x508: {  	v4 =	vld [tilespmem:s30+$0xFFFFFC10];
	v8 =	vsel vm2, v2, v3  }
0x509: {  	v9 =	vld [tilespmem:s30+$0xFFFFFC90];
	vm2 =	veq.s32 v6, v11;
	[tilespmem:s28+$0x1A0] =	vst v8  }
0x50a: {  	v6 =	vsel vm2, v2, v3;
	v8 =	vld [tilespmem:s30+$0x330]  }
0x50b: {  	[tilespmem:s28+$0xFFFFFE90] =	vst v6;
	vm2 =	veq.s32 v5, v10;
	v5 =	vld [tilespmem:s30+$0x3B0]  }
0x50c: {  	v6 =	vsel vm2, v2, v3;
	v10 =	vld [tilespmem:s30+$0xFFFFFF90]  }
0x50d: {  	[tilespmem:s28+$0xFFFFFF10] =	vst v6;
	v6 =	vld [tilespmem:s30+$0x10]  }
0x50e: {  	vm2 =	veq.s32 v4, v9;
	v4 =	vld [tilespmem:s30+$0x90]  }
0x50f: {  	v9 =	vsel vm2, v2, v3;
	v11 =	vld [tilespmem:s30+$0x110]  }
0x510: {  	[tilespmem:s28+$0xFFFFFE10] =	vst v9;
	v9 =	vld [tilespmem:s30+$0x190];
	vm2 =	veq.s32 v8, v5  }
0x511: {  	vm3 =	veq.s32 v7, v10;
	v5 =	vld [tilespmem:s30+$0x210];
	v7 =	vsel vm2, v2, v3  }
0x512: {  	v8 =	vsel vm3, v2, v3;
	v10 =	vld [tilespmem:s30+$0x290];
	[tilespmem:s28+$0x1B0] =	vst v7  }
0x513: {  	[tilespmem:s28+$0xFFFFFF90] =	vst v8;
	vm2 =	veq.s32 v6, v4;
	v4 =	vld [tilespmem:s30+$0x340]  }
0x514: {  	v6 =	vsel vm2, v2, v3;
	v7 =	vld [tilespmem:s30+$0x3C0]  }
0x515: {  	v8 =	vld [tilespmem:s30+$0xFFFFFC20];
	[tilespmem:s28+$0x10] =	vst v6;
	vm2 =	veq.s32 v11, v9  }
0x516: {  	v6 =	vld [tilespmem:s30+$0xFFFFFCA0];
	v9 =	vsel vm2, v2, v3  }
0x517: {  	v11 =	vld [tilespmem:s30+$0xFFFFFD20];
	[tilespmem:s28+$0x90] =	vst v9;
	vm2 =	veq.s32 v5, v10  }
0x518: {  	v5 =	vld [tilespmem:s30+$0xFFFFFDA0];
	v9 =	vsel vm2, v2, v3  }
0x519: {  	v10 =	vld [tilespmem:s30+$0xFFFFFE20];
	[tilespmem:s28+$0x110] =	vst v9;
	vm2 =	veq.s32 v4, v7  }
0x51a: {  	v4 =	vld [tilespmem:s30+$0xFFFFFEA0];
	v7 =	vsel vm2, v2, v3  }
0x51b: {  	vm2 =	veq.s32 v8, v6;
	v6 =	vld [tilespmem:s30+$0xFFFFFF20];
	[tilespmem:s28+$0x1C0] =	vst v7  }
0x51c: {  	v7 =	vsel vm2, v2, v3;
	v8 =	vld [tilespmem:s30+$0x350]  }
0x51d: {  	[tilespmem:s28+$0xFFFFFE20] =	vst v7;
	vm2 =	veq.s32 v11, v5;
	v5 =	vld [tilespmem:s30+$0x3D0]  }
0x51e: {  	v7 =	vsel vm2, v2, v3;
	v9 =	vld [tilespmem:s30+$0xFFFFFFA0]  }
0x51f: {  	[tilespmem:s28+$0xFFFFFEA0] =	vst v7;
	vm2 =	veq.s32 v10, v4;
	v4 =	vld [tilespmem:s30+$0x20]  }
0x520: {  	v7 =	vsel vm2, v2, v3;
	v10 =	vld [tilespmem:s30+$0xA0]  }
0x521: {  	[tilespmem:s28+$0xFFFFFF20] =	vst v7;
	v7 =	vld [tilespmem:s30+$0x120]  }
0x522: {  	v11 =	vld [tilespmem:s30+$0x1A0];
	vm2 =	veq.s32 v8, v5  }
0x523: {  	vm3 =	veq.s32 v6, v9;
	v5 =	vld [tilespmem:s30+$0x220];
	v6 =	vsel vm2, v2, v3  }
0x524: {  	v8 =	vsel vm3, v2, v3;
	v9 =	vld [tilespmem:s30+$0x2A0];
	[tilespmem:s28+$0x1D0] =	vst v6  }
0x525: {  	[tilespmem:s28+$0xFFFFFFA0] =	vst v8;
	vm2 =	veq.s32 v4, v10;
	v4 =	vld [tilespmem:s30+$0x360]  }
0x526: {  	v6 =	vsel vm2, v2, v3;
	v8 =	vld [tilespmem:s30+$0x3E0]  }
0x527: {  	v10 =	vld [tilespmem:s30+$0xFFFFFC30];
	[tilespmem:s28+$0x20] =	vst v6;
	vm2 =	veq.s32 v7, v11  }
0x528: {  	v6 =	vld [tilespmem:s30+$0xFFFFFCB0];
	v7 =	vsel vm2, v2, v3  }
0x529: {  	v11 =	vld [tilespmem:s30+$0xFFFFFD30];
	[tilespmem:s28+$0xA0] =	vst v7;
	vm2 =	veq.s32 v5, v9  }
0x52a: {  	v5 =	vld [tilespmem:s30+$0xFFFFFDB0];
	v7 =	vsel vm2, v2, v3  }
0x52b: {  	v9 =	vld [tilespmem:s30+$0xFFFFFE30];
	[tilespmem:s28+$0x120] =	vst v7;
	vm2 =	veq.s32 v4, v8  }
0x52c: {  	v4 =	vld [tilespmem:s30+$0xFFFFFEB0];
	v7 =	vsel vm2, v2, v3  }
0x52d: {  	vm2 =	veq.s32 v10, v6;
	v6 =	vld [tilespmem:s30+$0xFFFFFF30];
	[tilespmem:s28+$0x1E0] =	vst v7  }
0x52e: {  	v7 =	vsel vm2, v2, v3;
	v8 =	vld [tilespmem:s30+$0x370]  }
0x52f: {  	[tilespmem:s28+$0xFFFFFE30] =	vst v7;
	vm2 =	veq.s32 v11, v5;
	v5 =	vld [tilespmem:s30+$0x3F0]  }
0x530: {  	v7 =	vsel vm2, v2, v3;
	v10 =	vld [tilespmem:s30+$0xFFFFFFB0]  }
0x531: {  	[tilespmem:s28+$0xFFFFFEB0] =	vst v7;
	vm2 =	veq.s32 v9, v4;
	v4 =	vld [tilespmem:s30+$0x30]  }
0x532: {  	v7 =	vsel vm2, v2, v3;
	v9 =	vld [tilespmem:s30+$0xB0]  }
0x533: {  	[tilespmem:s28+$0xFFFFFF30] =	vst v7;
	v7 =	vld [tilespmem:s30+$0x130]  }
0x534: {  	v11 =	vld [tilespmem:s30+$0x1B0];
	vm2 =	veq.s32 v8, v5  }
0x535: {  	vm3 =	veq.s32 v6, v10;
	v5 =	vld [tilespmem:s30+$0x230];
	v6 =	vsel vm2, v2, v3  }
0x536: {  	v8 =	vsel vm3, v2, v3;
	v10 =	vld [tilespmem:s30+$0x2B0];
	[tilespmem:s28+$0x1F0] =	vst v6  }
0x537: {  	v6 =	vld [tilespmem:s30+$0xFFFFFC40];
	[tilespmem:s28+$0xFFFFFFB0] =	vst v8;
	vm2 =	veq.s32 v4, v9  }
0x538: {  	v4 =	vld [tilespmem:s30+$0xFFFFFCC0];
	v8 =	vsel vm2, v2, v3  }
0x539: {  	v9 =	vld [tilespmem:s30+$0xFFFFFD40];
	[tilespmem:s28+$0x30] =	vst v8;
	vm2 =	veq.s32 v7, v11  }
0x53a: {  	v7 =	vld [tilespmem:s30+$0xFFFFFDC0];
	v8 =	vsel vm2, v2, v3  }
0x53b: {  	v11 =	vld [tilespmem:s30+$0xFFFFFE40];
	[tilespmem:s28+$0xB0] =	vst v8;
	vm2 =	veq.s32 v5, v10  }
0x53c: {  	v5 =	vld [tilespmem:s30+$0xFFFFFEC0];
	v8 =	vsel vm2, v2, v3  }
0x53d: {  	vm2 =	veq.s32 v6, v4;
	v4 =	vld [tilespmem:s30+$0xFFFFFF40];
	[tilespmem:s28+$0x130] =	vst v8  }
0x53e: {  	v6 =	vsel vm2, v2, v3;
	v8 =	vld [tilespmem:s30+$0xFFFFFFC0]  }
0x53f: {  	[tilespmem:s28+$0xFFFFFE40] =	vst v6;
	vm2 =	veq.s32 v9, v7;
	v6 =	vld [tilespmem:s30+$0x40]  }
0x540: {  	v7 =	vsel vm2, v2, v3;
	v9 =	vld [tilespmem:s30+$0xC0]  }
0x541: {  	[tilespmem:s28+$0xFFFFFEC0] =	vst v7;
	vm2 =	veq.s32 v11, v5;
	v5 =	vld [tilespmem:s30+$0x140]  }
0x542: {  	v7 =	vsel vm2, v2, v3;
	v10 =	vld [tilespmem:s30+$0x1C0]  }
0x543: {  	[tilespmem:s28+$0xFFFFFF40] =	vst v7;
	vm2 =	veq.s32 v4, v8;
	v4 =	vld [tilespmem:s30+$0x240]  }
0x544: {  	v7 =	vsel vm2, v2, v3;
	v8 =	vld [tilespmem:s30+$0x2C0]  }
0x545: {  	v11 =	vld [tilespmem:s30+$0xFFFFFC50];
	[tilespmem:s28+$0xFFFFFFC0] =	vst v7;
	vm2 =	veq.s32 v6, v9  }
0x546: {  	v6 =	vld [tilespmem:s30+$0xFFFFFCD0];
	v7 =	vsel vm2, v2, v3  }
0x547: {  	v9 =	vld [tilespmem:s30+$0xFFFFFD50];
	[tilespmem:s28+$0x40] =	vst v7;
	vm2 =	veq.s32 v5, v10  }
0x548: {  	v5 =	vld [tilespmem:s30+$0xFFFFFDD0];
	v7 =	vsel vm2, v2, v3  }
0x549: {  	v10 =	vld [tilespmem:s30+$0xFFFFFE50];
	[tilespmem:s28+$0xC0] =	vst v7;
	vm2 =	veq.s32 v4, v8  }
0x54a: {  	v4 =	vld [tilespmem:s30+$0xFFFFFED0];
	v7 =	vsel vm2, v2, v3  }
0x54b: {  	vm2 =	veq.s32 v11, v6;
	v6 =	vld [tilespmem:s30+$0xFFFFFF50];
	[tilespmem:s28+$0x140] =	vst v7  }
0x54c: {  	v7 =	vsel vm2, v2, v3;
	v8 =	vld [tilespmem:s30+$0xFFFFFFD0]  }
0x54d: {  	[tilespmem:s28+$0xFFFFFE50] =	vst v7;
	vm2 =	veq.s32 v9, v5;
	v5 =	vld [tilespmem:s30+$0x50]  }
0x54e: {  	v7 =	vsel vm2, v2, v3;
	v9 =	vld [tilespmem:s30+$0xD0]  }
0x54f: {  	[tilespmem:s28+$0xFFFFFED0] =	vst v7;
	vm2 =	veq.s32 v10, v4;
	v4 =	vld [tilespmem:s30+$0x150]  }
0x550: {  	v7 =	vsel vm2, v2, v3;
	v10 =	vld [tilespmem:s30+$0x1D0]  }
0x551: {  	[tilespmem:s28+$0xFFFFFF50] =	vst v7;
	vm2 =	veq.s32 v6, v8;
	v6 =	vld [tilespmem:s30+$0x250]  }
0x552: {  	v7 =	vsel vm2, v2, v3;
	v8 =	vld [tilespmem:s30+$0x2D0]  }
0x553: {  	v11 =	vld [tilespmem:s30+$0xFFFFFC60];
	[tilespmem:s28+$0xFFFFFFD0] =	vst v7;
	vm2 =	veq.s32 v5, v9  }
0x554: {  	v5 =	vld [tilespmem:s30+$0xFFFFFCE0];
	v7 =	vsel vm2, v2, v3  }
0x555: {  	v9 =	vld [tilespmem:s30+$0xFFFFFD60];
	[tilespmem:s28+$0x50] =	vst v7;
	vm2 =	veq.s32 v4, v10  }
0x556: {  	v4 =	vld [tilespmem:s30+$0xFFFFFDE0];
	v7 =	vsel vm2, v2, v3  }
0x557: {  	v10 =	vld [tilespmem:s30+$0xFFFFFE60];
	[tilespmem:s28+$0xD0] =	vst v7;
	vm2 =	veq.s32 v6, v8  }
0x558: {  	v6 =	vld [tilespmem:s30+$0xFFFFFEE0];
	v7 =	vsel vm2, v2, v3  }
0x559: {  	vm2 =	veq.s32 v11, v5;
	v5 =	vld [tilespmem:s30+$0xFFFFFF60];
	[tilespmem:s28+$0x150] =	vst v7  }
0x55a: {  	v7 =	vsel vm2, v2, v3;
	v8 =	vld [tilespmem:s30+$0xFFFFFFE0]  }
0x55b: {  	[tilespmem:s28+$0xFFFFFE60] =	vst v7;
	vm2 =	veq.s32 v9, v4;
	v4 =	vld [tilespmem:s30+$0x60]  }
0x55c: {  	v7 =	vsel vm2, v2, v3;
	v9 =	vld [tilespmem:s30+$0xE0]  }
0x55d: {  	[tilespmem:s28+$0xFFFFFEE0] =	vst v7;
	vm2 =	veq.s32 v10, v6;
	v6 =	vld [tilespmem:s30+$0x160]  }
0x55e: {  	v7 =	vsel vm2, v2, v3;
	v10 =	vld [tilespmem:s30+$0x1E0]  }
0x55f: {  	[tilespmem:s28+$0xFFFFFF60] =	vst v7;
	vm2 =	veq.s32 v5, v8;
	v5 =	vld [tilespmem:s30+$0x260]  }
0x560: {  	v7 =	vsel vm2, v2, v3;
	v8 =	vld [tilespmem:s30+$0x2E0]  }
0x561: {  	v11 =	vld [tilespmem:s30+$0xFFFFFC70];
	[tilespmem:s28+$0xFFFFFFE0] =	vst v7;
	vm2 =	veq.s32 v4, v9  }
0x562: {  	v4 =	vld [tilespmem:s30+$0xFFFFFCF0];
	v7 =	vsel vm2, v2, v3  }
0x563: {  	v9 =	vld [tilespmem:s30+$0xFFFFFD70];
	[tilespmem:s28+$0x60] =	vst v7;
	vm2 =	veq.s32 v6, v10  }
0x564: {  	v6 =	vld [tilespmem:s30+$0xFFFFFDF0];
	v7 =	vsel vm2, v2, v3  }
0x565: {  	v10 =	vld [tilespmem:s30+$0xFFFFFE70];
	[tilespmem:s28+$0xE0] =	vst v7;
	vm2 =	veq.s32 v5, v8  }
0x566: {  	v5 =	vld [tilespmem:s30+$0xFFFFFEF0];
	v7 =	vsel vm2, v2, v3  }
0x567: {  	vm2 =	veq.s32 v11, v4;
	v11 =	vld [tilespmem:s30+$0xFFFFFF70];
	[tilespmem:s28+$0x160] =	vst v7  }
0x568: {  	v4 =	vsel vm2, v2, v3;
	v7 =	vld [tilespmem:s30+$0xFFFFFFF0]  }
0x569: {  	[tilespmem:s28+$0xFFFFFE70] =	vst v4;
	vm2 =	veq.s32 v9, v6;
	v4 =	vld [tilespmem:s30+$0x70]  }
.Ltmp4:
0x56a: {  	v8 =	vsel vm2, v2, v3;
	v6 =	vld [tilespmem:s30+$0xF0];
	(pc) =	sbr.rel @p0 .LBB2_10-.Ltmp4, $4  }
0x56b: {  	[tilespmem:s28+$0xFFFFFEF0] =	vst v8;
	vm2 =	veq.s32 v10, v5;
	v5 =	vld [tilespmem:s30+$0x170]  }
0x56c: {  	v9 =	vsel vm2, v2, v3;
	v8 =	vld [tilespmem:s30+$0x1F0]  }
0x56d: {  	[tilespmem:s28+$0xFFFFFF70] =	vst v9;
	vm2 =	veq.s32 v11, v7;
	v7 =	vld [tilespmem:s30+$0x270]  }
0x56e: {  	v10 =	vsel vm2, v2, v3;
	v9 =	vld [tilespmem:s30+$0x2F0];
	s30 =	sadd.s32 $0x800, s30  }
0x56f: {  	_ =	sdelay $0x1  }
0x570: {  	vm2 =	veq.s32 v4, v6  }
0x571: {  	[tilespmem:s28+$0xFFFFFFF0] =	vst v10;
	v4 =	vsel vm2, v2, v3;
	vm2 =	veq.s32 v5, v8  }
0x572: {  	[tilespmem:s28+$0x70] =	vst v4;
	v4 =	vsel vm2, v2, v3;
	vm2 =	veq.s32 v7, v9  }
0x573: {  	[tilespmem:s28+$0xF0] =	vst v4;
	v4 =	vsel vm2, v2, v3  }
0x574: {  	[tilespmem:s28+$0x170] =	vst v4  }
0x575: {  	[hbm4b:s14+s3] =	stream.linear.scatter [tilespmem:s21], [sflag:$0x3], $0x5000, $0x38;
	[tilespmem:$0x1E080] =	vst v63  }
0x576: {  	_ =	swait.ge [sflag:s22], $0x5000  }
0x577: {  	[sflag:s22] =	ssyncset.done $0x0  }
0x578: {  	[sflag:s22] =	ssyncadd.s32 $0xFFFFB000  }
0x579: {  	_ =	swait.ge [sflag:s25], $0x5000  }
0x57a: {  	[sflag:s25] =	ssyncset.done $0x0  }
0x57b: {  	s30 =	simm.s32 $0xA400;
	[sflag:s25] =	ssyncadd.s32 $0xFFFFB000  }
0x57c: {  	v4 =	vld [tilespmem:s30+$0x300]  }
0x57d: {  	v5 =	vld [tilespmem:s30+$0x380]  }
0x57e: {  	v6 =	vld [tilespmem:s30+$0xFFFFFC80]  }
0x57f: {  	v7 =	vld [tilespmem:s30+$0xFFFFFD00]  }
0x580: {  	v8 =	vld [tilespmem:s30+$0xFFFFFD80]  }
0x581: {  	v9 =	vld [tilespmem:s30+$0xFFFFFE00]  }
0x582: {  	v10 =	vld [tilespmem:s30+$0xFFFFFE80];
	vm2 =	veq.s32 v4, v5  }
0x583: {  	s28 =	simm.s32 $0x19200;
	v11 =	vld [tilespmem:s30+$0xFFFFFF80];
	v5 =	vsel vm2, v2, v3  }
0x584: {  	v13 =	vld [tilespmem:s30+$0x0];
	[tilespmem:s28+$0x180] =	vst v5  }
0x585: {  	v5 =	vld [tilespmem:s30+$0x310]  }
0x586: {  	v12 =	vld [tilespmem:s30+$0x390]  }
0x587: {  	v14 =	vld [tilespmem:s30+$0x80]  }
0x588: {  	v15 =	vld [tilespmem:s30+$0x100]  }
0x589: {  	v16 =	vld [tilespmem:s30+$0x180]  }
0x58a: {  	v17 =	vld [tilespmem:s30+$0x200]  }
0x58b: {  	v4 =	vld [tilespmem:s30+$0xFFFFFF00];
	vm2 =	veq.s32 v5, v12  }
0x58c: {  	v5 =	vld [tilespmem:s30+$0x280];
	v12 =	vsel vm2, v2, v3  }
0x58d: {  	vm2 =	veq.s32 v7, v8;
	v7 =	vld [tilespmem:s30+$0xFFFFFC00];
	[tilespmem:s28+$0x190] =	vst v12  }
0x58e: {  	v8 =	vsel vm2, v2, v3;
	v12 =	vld [tilespmem:s30+$0x320]  }
0x58f: {  	vm2 =	veq.s32 v9, v10;
	[tilespmem:s28+$0xFFFFFE80] =	vst v8;
	v8 =	vld [tilespmem:s30+$0x3A0]  }
0x590: {  	v9 =	vsel vm2, v2, v3;
	vm2 =	veq.s32 v4, v11;
	v10 =	vld [tilespmem:s30+$0xFFFFFD10]  }
0x591: {  	[tilespmem:s28+$0xFFFFFF00] =	vst v9;
	v4 =	vld [tilespmem:s30+$0xFFFFFD90];
	v9 =	vsel vm2, v2, v3  }
0x592: {  	[tilespmem:s28+$0xFFFFFF80] =	vst v9;
	v9 =	vld [tilespmem:s30+$0xFFFFFE90]  }
0x593: {  	vm2 =	veq.s32 v7, v6;
	v6 =	vld [tilespmem:s30+$0xFFFFFE10]  }
0x594: {  	v21 =	vld [tilespmem:s30+$0xFFFFFF90];
	v7 =	vsel vm2, v2, v3;
	vm2 =	veq.s32 v12, v8  }
0x595: {  	[tilespmem:s28+$0xFFFFFE00] =	vst v7;
	v7 =	vld [tilespmem:s30+$0xFFFFFF10];
	v11 =	vsel vm2, v2, v3  }
0x596: {  	v8 =	vld [tilespmem:s30+$0xFFFFFC10];
	[tilespmem:s28+$0x1A0] =	vst v11  }
0x597: {  	vm2 =	veq.s32 v13, v14;
	v11 =	vld [tilespmem:s30+$0x330]  }
0x598: {  	v13 =	vsel vm2, v2, v3;
	v20 =	vld [tilespmem:s30+$0x3B0]  }
0x599: {  	v63 =	vld [tilespmem:s30+$0xFFFFFC90];
	vm2 =	veq.s32 v15, v16;
	[tilespmem:s28+$0x0] =	vst v13  }
0x59a: {  	v15 =	vsel vm2, v2, v3;
	v22 =	vld [tilespmem:s30+$0x10]  }
0x59b: {  	vm2 =	veq.s32 v17, v5;
	[tilespmem:s28+$0x80] =	vst v15;
	v5 =	vld [tilespmem:s30+$0x90]  }
0x59c: {  	v23 =	vsel vm2, v2, v3;
	v24 =	vld [tilespmem:s30+$0x110]  }
0x59d: {  	[tilespmem:s28+$0x100] =	vst v23;
	v25 =	vld [tilespmem:s30+$0x190];
	vm2 =	veq.s32 v11, v20  }
0x59e: {  	v11 =	vld [tilespmem:s30+$0x210];
	v14 =	vsel vm2, v2, v3  }
0x59f: {  	vm2 =	veq.s32 v8, v63;
	v8 =	vld [tilespmem:s30+$0x290];
	[tilespmem:s28+$0x1B0] =	vst v14  }
0x5a0: {  	v12 =	vsel vm2, v2, v3;
	v14 =	vld [tilespmem:s30+$0x340]  }
0x5a1: {  	vm2 =	veq.s32 v10, v4;
	[tilespmem:s28+$0xFFFFFE10] =	vst v12;
	v4 =	vld [tilespmem:s30+$0x3C0]  }
0x5a2: {  	v10 =	vsel vm2, v2, v3;
	v12 =	vld [tilespmem:s30+$0xFFFFFC20]  }
0x5a3: {  	vm2 =	veq.s32 v6, v9;
	[tilespmem:s28+$0xFFFFFE90] =	vst v10;
	v6 =	vld [tilespmem:s30+$0xFFFFFCA0]  }
0x5a4: {  	v9 =	vsel vm2, v2, v3;
	vm2 =	veq.s32 v7, v21;
	v10 =	vld [tilespmem:s30+$0xFFFFFD20]  }
0x5a5: {  	[tilespmem:s28+$0xFFFFFF10] =	vst v9;
	v7 =	vld [tilespmem:s30+$0xFFFFFDA0];
	v9 =	vsel vm2, v2, v3  }
0x5a6: {  	v26 =	vld [tilespmem:s30+$0xFFFFFE20];
	[tilespmem:s28+$0xFFFFFF90] =	vst v9;
	vm2 =	veq.s32 v14, v4  }
0x5a7: {  	v27 =	vld [tilespmem:s30+$0xFFFFFF20];
	v9 =	vsel vm2, v2, v3  }
0x5a8: {  	v4 =	vld [tilespmem:s30+$0xFFFFFEA0];
	[tilespmem:s28+$0x1C0] =	vst v9  }
0x5a9: {  	vm2 =	veq.s32 v22, v5;
	v5 =	vld [tilespmem:s30+$0x350]  }
0x5aa: {  	v9 =	vsel vm2, v2, v3;
	v28 =	vld [tilespmem:s30+$0x3D0]  }
0x5ab: {  	vm2 =	veq.s32 v24, v25;
	[tilespmem:s28+$0x10] =	vst v9;
	v9 =	vld [tilespmem:s30+$0xFFFFFFA0]  }
0x5ac: {  	v15 =	vsel vm2, v2, v3;
	v29 =	vld [tilespmem:s30+$0x20]  }
0x5ad: {  	vm2 =	veq.s32 v11, v8;
	[tilespmem:s28+$0x90] =	vst v15;
	v8 =	vld [tilespmem:s30+$0xA0]  }
0x5ae: {  	v11 =	vsel vm2, v2, v3;
	v15 =	vld [tilespmem:s30+$0x120]  }
0x5af: {  	[tilespmem:s28+$0x110] =	vst v11;
	v11 =	vld [tilespmem:s30+$0x1A0];
	vm2 =	veq.s32 v5, v28  }
0x5b0: {  	v30 =	vld [tilespmem:s30+$0x220];
	v5 =	vsel vm2, v2, v3  }
0x5b1: {  	vm2 =	veq.s32 v12, v6;
	v6 =	vld [tilespmem:s30+$0x2A0];
	[tilespmem:s28+$0x1D0] =	vst v5  }
0x5b2: {  	v5 =	vsel vm2, v2, v3;
	v31 =	vld [tilespmem:s30+$0x360]  }
0x5b3: {  	vm2 =	veq.s32 v10, v7;
	[tilespmem:s28+$0xFFFFFE20] =	vst v5;
	v5 =	vld [tilespmem:s30+$0x3E0]  }
0x5b4: {  	v7 =	vsel vm2, v2, v3;
	v10 =	vld [tilespmem:s30+$0xFFFFFC30]  }
0x5b5: {  	vm2 =	veq.s32 v26, v4;
	[tilespmem:s28+$0xFFFFFEA0] =	vst v7;
	v7 =	vld [tilespmem:s30+$0xFFFFFCB0]  }
0x5b6: {  	v4 =	vsel vm2, v2, v3;
	v32 =	vld [tilespmem:s30+$0xFFFFFD30]  }
0x5b7: {  	vm2 =	veq.s32 v27, v9;
	[tilespmem:s28+$0xFFFFFF20] =	vst v4;
	v9 =	vld [tilespmem:s30+$0xFFFFFDB0]  }
0x5b8: {  	v4 =	vsel vm2, v2, v3;
	v33 =	vld [tilespmem:s30+$0xFFFFFE30];
	vm2 =	veq.s32 v31, v5  }
0x5b9: {  	[tilespmem:s28+$0xFFFFFFA0] =	vst v4;
	v34 =	vld [tilespmem:s30+$0xFFFFFEB0];
	v4 =	vsel vm2, v2, v3  }
0x5ba: {  	v18 =	vld [tilespmem:s30+$0xFFFFFF30];
	[tilespmem:s28+$0x1E0] =	vst v4  }
0x5bb: {  	vm2 =	veq.s32 v29, v8;
	v4 =	vld [tilespmem:s30+$0x370]  }
0x5bc: {  	v8 =	vsel vm2, v2, v3;
	v5 =	vld [tilespmem:s30+$0x3F0]  }
0x5bd: {  	vm2 =	veq.s32 v15, v11;
	[tilespmem:s28+$0x20] =	vst v8;
	v8 =	vld [tilespmem:s30+$0xFFFFFFB0]  }
0x5be: {  	v11 =	vsel vm2, v2, v3;
	v35 =	vld [tilespmem:s30+$0x30]  }
0x5bf: {  	vm2 =	veq.s32 v30, v6;
	[tilespmem:s28+$0xA0] =	vst v11;
	v6 =	vld [tilespmem:s30+$0xB0]  }
0x5c0: {  	v11 =	vsel vm2, v2, v3;
	v36 =	vld [tilespmem:s30+$0x130]  }
0x5c1: {  	vm2 =	veq.s32 v10, v7;
	[tilespmem:s28+$0x120] =	vst v11;
	v7 =	vld [tilespmem:s30+$0x1B0]  }
0x5c2: {  	v10 =	vsel vm2, v2, v3;
	v11 =	vld [tilespmem:s30+$0x230]  }
0x5c3: {  	vm2 =	veq.s32 v32, v9;
	[tilespmem:s28+$0xFFFFFE30] =	vst v10;
	v9 =	vld [tilespmem:s30+$0x2B0]  }
0x5c4: {  	v10 =	vsel vm2, v2, v3;
	v37 =	vld [tilespmem:s30+$0xFFFFFC40]  }
0x5c5: {  	vm2 =	veq.s32 v33, v34;
	[tilespmem:s28+$0xFFFFFEB0] =	vst v10;
	v10 =	vld [tilespmem:s30+$0xFFFFFCC0]  }
0x5c6: {  	v12 =	vsel vm2, v2, v3;
	v38 =	vld [tilespmem:s30+$0xFFFFFD40]  }
0x5c7: {  	[tilespmem:s28+$0xFFFFFF30] =	vst v12;
	vm2 =	veq.s32 v18, v8;
	v8 =	vld [tilespmem:s30+$0xFFFFFDC0]  }
0x5c8: {  	v39 =	vsel vm2, v2, v3;
	v40 =	vld [tilespmem:s30+$0xFFFFFE40]  }
0x5c9: {  	vm2 =	veq.s32 v35, v6;
	v6 =	vld [tilespmem:s30+$0xFFFFFEC0];
	[tilespmem:s28+$0xFFFFFFB0] =	vst v39  }
0x5ca: {  	v41 =	vsel vm2, v2, v3;
	v42 =	vld [tilespmem:s30+$0xFFFFFF40]  }
0x5cb: {  	vm2 =	veq.s32 v36, v7;
	[tilespmem:s28+$0x30] =	vst v41;
	v7 =	vld [tilespmem:s30+$0xFFFFFFC0]  }
0x5cc: {  	v43 =	vsel vm2, v2, v3;
	v44 =	vld [tilespmem:s30+$0x40]  }
0x5cd: {  	vm2 =	veq.s32 v11, v9;
	[tilespmem:s28+$0xB0] =	vst v43;
	v9 =	vld [tilespmem:s30+$0xC0]  }
0x5ce: {  	v11 =	vsel vm2, v2, v3;
	v12 =	vld [tilespmem:s30+$0x140]  }
0x5cf: {  	vm2 =	veq.s32 v37, v10;
	[tilespmem:s28+$0x130] =	vst v11;
	v10 =	vld [tilespmem:s30+$0x1C0]  }
0x5d0: {  	v11 =	vsel vm2, v2, v3;
	v45 =	vld [tilespmem:s30+$0x240]  }
0x5d1: {  	vm2 =	veq.s32 v38, v8;
	[tilespmem:s28+$0xFFFFFE40] =	vst v11;
	v8 =	vld [tilespmem:s30+$0x2C0]  }
0x5d2: {  	v11 =	vsel vm2, v2, v3;
	v46 =	vld [tilespmem:s30+$0xFFFFFC50]  }
0x5d3: {  	vm2 =	veq.s32 v40, v6;
	[tilespmem:s28+$0xFFFFFEC0] =	vst v11;
	v6 =	vld [tilespmem:s30+$0xFFFFFCD0]  }
0x5d4: {  	v11 =	vsel vm2, v2, v3;
	v47 =	vld [tilespmem:s30+$0xFFFFFD50]  }
0x5d5: {  	[tilespmem:s28+$0xFFFFFF40] =	vst v11;
	vm2 =	veq.s32 v42, v7;
	v7 =	vld [tilespmem:s30+$0xFFFFFDD0]  }
0x5d6: {  	v11 =	vsel vm2, v2, v3;
	v48 =	vld [tilespmem:s30+$0xFFFFFE50]  }
0x5d7: {  	vm2 =	veq.s32 v44, v9;
	v9 =	vld [tilespmem:s30+$0xFFFFFED0];
	[tilespmem:s28+$0xFFFFFFC0] =	vst v11  }
0x5d8: {  	v11 =	vsel vm2, v2, v3;
	v49 =	vld [tilespmem:s30+$0xFFFFFF50]  }
0x5d9: {  	vm2 =	veq.s32 v12, v10;
	[tilespmem:s28+$0x40] =	vst v11;
	v10 =	vld [tilespmem:s30+$0xFFFFFFD0]  }
0x5da: {  	v11 =	vsel vm2, v2, v3;
	v50 =	vld [tilespmem:s30+$0x50]  }
0x5db: {  	vm2 =	veq.s32 v45, v8;
	[tilespmem:s28+$0xC0] =	vst v11;
	v8 =	vld [tilespmem:s30+$0xD0]  }
0x5dc: {  	v11 =	vsel vm2, v2, v3;
	v51 =	vld [tilespmem:s30+$0x150]  }
0x5dd: {  	vm2 =	veq.s32 v46, v6;
	[tilespmem:s28+$0x140] =	vst v11;
	v6 =	vld [tilespmem:s30+$0x1D0]  }
0x5de: {  	v11 =	vsel vm2, v2, v3;
	v52 =	vld [tilespmem:s30+$0x250]  }
0x5df: {  	vm2 =	veq.s32 v47, v7;
	[tilespmem:s28+$0xFFFFFE50] =	vst v11;
	v7 =	vld [tilespmem:s30+$0x2D0]  }
0x5e0: {  	v11 =	vsel vm2, v2, v3;
	v53 =	vld [tilespmem:s30+$0xFFFFFC60]  }
0x5e1: {  	vm2 =	veq.s32 v48, v9;
	[tilespmem:s28+$0xFFFFFED0] =	vst v11;
	v9 =	vld [tilespmem:s30+$0xFFFFFCE0]  }
0x5e2: {  	v11 =	vsel vm2, v2, v3;
	v54 =	vld [tilespmem:s30+$0xFFFFFD60]  }
0x5e3: {  	[tilespmem:s28+$0xFFFFFF50] =	vst v11;
	vm2 =	veq.s32 v49, v10;
	v10 =	vld [tilespmem:s30+$0xFFFFFDE0]  }
0x5e4: {  	v11 =	vsel vm2, v2, v3;
	v55 =	vld [tilespmem:s30+$0xFFFFFE60]  }
0x5e5: {  	vm2 =	veq.s32 v50, v8;
	v8 =	vld [tilespmem:s30+$0xFFFFFEE0];
	[tilespmem:s28+$0xFFFFFFD0] =	vst v11  }
0x5e6: {  	v11 =	vsel vm2, v2, v3;
	v56 =	vld [tilespmem:s30+$0xFFFFFF60]  }
0x5e7: {  	vm2 =	veq.s32 v51, v6;
	[tilespmem:s28+$0x50] =	vst v11;
	v6 =	vld [tilespmem:s30+$0xFFFFFFE0]  }
0x5e8: {  	v11 =	vsel vm2, v2, v3;
	v57 =	vld [tilespmem:s30+$0x60]  }
0x5e9: {  	vm2 =	veq.s32 v52, v7;
	[tilespmem:s28+$0xD0] =	vst v11;
	v7 =	vld [tilespmem:s30+$0xE0]  }
0x5ea: {  	v11 =	vsel vm2, v2, v3;
	v58 =	vld [tilespmem:s30+$0x160]  }
0x5eb: {  	vm2 =	veq.s32 v53, v9;
	[tilespmem:s28+$0x150] =	vst v11;
	v9 =	vld [tilespmem:s30+$0x1E0]  }
0x5ec: {  	v11 =	vsel vm2, v2, v3;
	v59 =	vld [tilespmem:s30+$0x260]  }
0x5ed: {  	vm2 =	veq.s32 v54, v10;
	[tilespmem:s28+$0xFFFFFE60] =	vst v11;
	v10 =	vld [tilespmem:s30+$0x2E0]  }
0x5ee: {  	v11 =	vsel vm2, v2, v3;
	v60 =	vld [tilespmem:s30+$0xFFFFFC70]  }
0x5ef: {  	vm2 =	veq.s32 v55, v8;
	[tilespmem:s28+$0xFFFFFEE0] =	vst v11;
	v8 =	vld [tilespmem:s30+$0xFFFFFCF0]  }
0x5f0: {  	v11 =	vsel vm2, v2, v3;
	v61 =	vld [tilespmem:s30+$0xFFFFFD70]  }
0x5f1: {  	[tilespmem:s28+$0xFFFFFF60] =	vst v11;
	vm2 =	veq.s32 v56, v6;
	v11 =	vld [tilespmem:s30+$0xFFFFFDF0]  }
0x5f2: {  	v6 =	vsel vm2, v2, v3;
	v62 =	vld [tilespmem:s30+$0xFFFFFE70]  }
0x5f3: {  	vm2 =	veq.s32 v57, v7;
	v7 =	vld [tilespmem:s30+$0xFFFFFEF0];
	[tilespmem:s28+$0xFFFFFFE0] =	vst v6  }
0x5f4: {  	vm3 =	veq.s32 v4, v5;
	v4 =	vsel vm2, v2, v3;
	v63 =	vld [tilespmem:s30+$0xFFFFFF70]  }
0x5f5: {  	v5 =	vsel vm3, v2, v3;
	vm2 =	veq.s32 v58, v9;
	[tilespmem:s28+$0x60] =	vst v4;
	v9 =	vld [tilespmem:s30+$0xFFFFFFF0]  }
0x5f6: {  	[tilespmem:s28+$0x1F0] =	vst v5;
	vm3 =	veq.s32 v59, v10;
	v5 =	vsel vm2, v2, v3;
	v4 =	vld [tilespmem:s30+$0x70]  }
0x5f7: {  	[tilespmem:s28+$0xE0] =	vst v5;
	vm2 =	veq.s32 v60, v8;
	v5 =	vsel vm3, v2, v3;
	v6 =	vld [tilespmem:s30+$0xF0]  }
0x5f8: {  	[tilespmem:s28+$0x160] =	vst v5;
	v8 =	vsel vm2, v2, v3;
	vm2 =	veq.s32 v61, v11;
	v5 =	vld [tilespmem:s30+$0x170]  }
0x5f9: {  	[tilespmem:s28+$0xFFFFFE70] =	vst v8;
	v10 =	vsel vm2, v2, v3;
	vm2 =	veq.s32 v62, v7;
	v8 =	vld [tilespmem:s30+$0x1F0]  }
0x5fa: {  	v7 =	vld [tilespmem:s30+$0x270];
	[tilespmem:s28+$0xFFFFFEF0] =	vst v10;
	v10 =	vsel vm2, v2, v3;
	vm2 =	veq.s32 v63, v9  }
0x5fb: {  	s29 =	simm.s32 $0x0;
	[tilespmem:s28+$0xFFFFFF70] =	vst v10;
	v9 =	vld [tilespmem:s30+$0x2F0];
	s30 =	simm.s32 $0xAC00;
	v10 =	vsel vm2, v2, v3  }
.LBB2_12:
0x5fc: {  	v11 =	vld [tilespmem:s30+$0x300];
	[tilespmem:s28+$0xFFFFFFF0] =	vst v10;
	vm2 =	veq.s32 v4, v6  }
0x5fd: {  	v4 =	vld [tilespmem:s30+$0x380];
	v6 =	vsel vm2, v2, v3  }
0x5fe: {  	v10 =	vld [tilespmem:s30+$0xFFFFFC80];
	[tilespmem:s28+$0x70] =	vst v6;
	vm2 =	veq.s32 v5, v8  }
0x5ff: {  	v5 =	vld [tilespmem:s30+$0xFFFFFD00];
	v6 =	vsel vm2, v2, v3  }
0x600: {  	v8 =	vld [tilespmem:s30+$0xFFFFFD80];
	[tilespmem:s28+$0xF0] =	vst v6;
	vm2 =	veq.s32 v7, v9  }
0x601: {  	v6 =	vld [tilespmem:s30+$0xFFFFFE00];
	v7 =	vsel vm2, v2, v3  }
0x602: {  	v9 =	vld [tilespmem:s30+$0xFFFFFE80];
	vm2 =	veq.s32 v11, v4;
	[tilespmem:s28+$0x170] =	vst v7  }
0x603: {  	s28 =	sadd.s32 $0x400, s28;
	v4 =	vld [tilespmem:s30+$0xFFFFFF00];
	v7 =	vsel vm2, v2, v3  }
0x604: {  	s29 =	sadd.s32 $0x8, s29;
	v11 =	vld [tilespmem:s30+$0xFFFFFF80];
	[tilespmem:s28+$0x180] =	vst v7  }
0x605: {  	p0 =	slt.u32 s29, $0x48;
	vm2 =	veq.s32 v5, v8;
	v5 =	vld [tilespmem:s30+$0x310]  }
0x606: {  	v7 =	vsel vm2, v2, v3;
	v8 =	vld [tilespmem:s30+$0x390]  }
0x607: {  	[tilespmem:s28+$0xFFFFFE80] =	vst v7;
	vm2 =	veq.s32 v6, v9;
	v6 =	vld [tilespmem:s30+$0x0]  }
0x608: {  	v7 =	vsel vm2, v2, v3;
	v9 =	vld [tilespmem:s30+$0x80]  }
0x609: {  	[tilespmem:s28+$0xFFFFFF00] =	vst v7;
	vm2 =	veq.s32 v4, v11;
	v4 =	vld [tilespmem:s30+$0x100]  }
0x60a: {  	v7 =	vsel vm2, v2, v3;
	v11 =	vld [tilespmem:s30+$0x180]  }
0x60b: {  	[tilespmem:s28+$0xFFFFFF80] =	vst v7;
	v7 =	vld [tilespmem:s30+$0x200];
	vm2 =	veq.s32 v5, v8  }
0x60c: {  	v5 =	vld [tilespmem:s30+$0x280];
	v8 =	vsel vm2, v2, v3  }
0x60d: {  	v12 =	vld [tilespmem:s30+$0xFFFFFC00];
	vm2 =	veq.s32 v6, v9;
	[tilespmem:s28+$0x190] =	vst v8  }
0x60e: {  	v6 =	vsel vm2, v2, v3;
	v8 =	vld [tilespmem:s30+$0x320]  }
0x60f: {  	[tilespmem:s28+$0x0] =	vst v6;
	vm2 =	veq.s32 v4, v11;
	v4 =	vld [tilespmem:s30+$0x3A0]  }
0x610: {  	v6 =	vld [tilespmem:s30+$0xFFFFFD10];
	v9 =	vsel vm2, v2, v3  }
0x611: {  	v11 =	vld [tilespmem:s30+$0xFFFFFD90];
	[tilespmem:s28+$0x80] =	vst v9;
	vm2 =	veq.s32 v7, v5  }
0x612: {  	vm3 =	veq.s32 v12, v10;
	v5 =	vld [tilespmem:s30+$0xFFFFFE10];
	v7 =	vsel vm2, v2, v3  }
0x613: {  	v9 =	vsel vm3, v2, v3;
	v10 =	vld [tilespmem:s30+$0xFFFFFE90];
	[tilespmem:s28+$0x100] =	vst v7  }
0x614: {  	[tilespmem:s28+$0xFFFFFE00] =	vst v9;
	v7 =	vld [tilespmem:s30+$0xFFFFFF10];
	vm2 =	veq.s32 v8, v4  }
0x615: {  	v4 =	vld [tilespmem:s30+$0xFFFFFC10];
	v8 =	vsel vm2, v2, v3  }
0x616: {  	v9 =	vld [tilespmem:s30+$0xFFFFFC90];
	vm2 =	veq.s32 v6, v11;
	[tilespmem:s28+$0x1A0] =	vst v8  }
0x617: {  	v6 =	vsel vm2, v2, v3;
	v8 =	vld [tilespmem:s30+$0x330]  }
0x618: {  	[tilespmem:s28+$0xFFFFFE90] =	vst v6;
	vm2 =	veq.s32 v5, v10;
	v5 =	vld [tilespmem:s30+$0x3B0]  }
0x619: {  	v6 =	vsel vm2, v2, v3;
	v10 =	vld [tilespmem:s30+$0xFFFFFF90]  }
0x61a: {  	[tilespmem:s28+$0xFFFFFF10] =	vst v6;
	v6 =	vld [tilespmem:s30+$0x10]  }
0x61b: {  	vm2 =	veq.s32 v4, v9;
	v4 =	vld [tilespmem:s30+$0x90]  }
0x61c: {  	v9 =	vsel vm2, v2, v3;
	v11 =	vld [tilespmem:s30+$0x110]  }
0x61d: {  	[tilespmem:s28+$0xFFFFFE10] =	vst v9;
	v9 =	vld [tilespmem:s30+$0x190];
	vm2 =	veq.s32 v8, v5  }
0x61e: {  	vm3 =	veq.s32 v7, v10;
	v5 =	vld [tilespmem:s30+$0x210];
	v7 =	vsel vm2, v2, v3  }
0x61f: {  	v8 =	vsel vm3, v2, v3;
	v10 =	vld [tilespmem:s30+$0x290];
	[tilespmem:s28+$0x1B0] =	vst v7  }
0x620: {  	[tilespmem:s28+$0xFFFFFF90] =	vst v8;
	vm2 =	veq.s32 v6, v4;
	v4 =	vld [tilespmem:s30+$0x340]  }
0x621: {  	v6 =	vsel vm2, v2, v3;
	v7 =	vld [tilespmem:s30+$0x3C0]  }
0x622: {  	v8 =	vld [tilespmem:s30+$0xFFFFFC20];
	[tilespmem:s28+$0x10] =	vst v6;
	vm2 =	veq.s32 v11, v9  }
0x623: {  	v6 =	vld [tilespmem:s30+$0xFFFFFCA0];
	v9 =	vsel vm2, v2, v3  }
0x624: {  	v11 =	vld [tilespmem:s30+$0xFFFFFD20];
	[tilespmem:s28+$0x90] =	vst v9;
	vm2 =	veq.s32 v5, v10  }
0x625: {  	v5 =	vld [tilespmem:s30+$0xFFFFFDA0];
	v9 =	vsel vm2, v2, v3  }
0x626: {  	v10 =	vld [tilespmem:s30+$0xFFFFFE20];
	[tilespmem:s28+$0x110] =	vst v9;
	vm2 =	veq.s32 v4, v7  }
0x627: {  	v4 =	vld [tilespmem:s30+$0xFFFFFEA0];
	v7 =	vsel vm2, v2, v3  }
0x628: {  	vm2 =	veq.s32 v8, v6;
	v6 =	vld [tilespmem:s30+$0xFFFFFF20];
	[tilespmem:s28+$0x1C0] =	vst v7  }
0x629: {  	v7 =	vsel vm2, v2, v3;
	v8 =	vld [tilespmem:s30+$0x350]  }
0x62a: {  	[tilespmem:s28+$0xFFFFFE20] =	vst v7;
	vm2 =	veq.s32 v11, v5;
	v5 =	vld [tilespmem:s30+$0x3D0]  }
0x62b: {  	v7 =	vsel vm2, v2, v3;
	v9 =	vld [tilespmem:s30+$0xFFFFFFA0]  }
0x62c: {  	[tilespmem:s28+$0xFFFFFEA0] =	vst v7;
	vm2 =	veq.s32 v10, v4;
	v4 =	vld [tilespmem:s30+$0x20]  }
0x62d: {  	v7 =	vsel vm2, v2, v3;
	v10 =	vld [tilespmem:s30+$0xA0]  }
0x62e: {  	[tilespmem:s28+$0xFFFFFF20] =	vst v7;
	v7 =	vld [tilespmem:s30+$0x120]  }
0x62f: {  	v11 =	vld [tilespmem:s30+$0x1A0];
	vm2 =	veq.s32 v8, v5  }
0x630: {  	vm3 =	veq.s32 v6, v9;
	v5 =	vld [tilespmem:s30+$0x220];
	v6 =	vsel vm2, v2, v3  }
0x631: {  	v8 =	vsel vm3, v2, v3;
	v9 =	vld [tilespmem:s30+$0x2A0];
	[tilespmem:s28+$0x1D0] =	vst v6  }
0x632: {  	[tilespmem:s28+$0xFFFFFFA0] =	vst v8;
	vm2 =	veq.s32 v4, v10;
	v4 =	vld [tilespmem:s30+$0x360]  }
0x633: {  	v6 =	vsel vm2, v2, v3;
	v8 =	vld [tilespmem:s30+$0x3E0]  }
0x634: {  	v10 =	vld [tilespmem:s30+$0xFFFFFC30];
	[tilespmem:s28+$0x20] =	vst v6;
	vm2 =	veq.s32 v7, v11  }
0x635: {  	v6 =	vld [tilespmem:s30+$0xFFFFFCB0];
	v7 =	vsel vm2, v2, v3  }
0x636: {  	v11 =	vld [tilespmem:s30+$0xFFFFFD30];
	[tilespmem:s28+$0xA0] =	vst v7;
	vm2 =	veq.s32 v5, v9  }
0x637: {  	v5 =	vld [tilespmem:s30+$0xFFFFFDB0];
	v7 =	vsel vm2, v2, v3  }
0x638: {  	v9 =	vld [tilespmem:s30+$0xFFFFFE30];
	[tilespmem:s28+$0x120] =	vst v7;
	vm2 =	veq.s32 v4, v8  }
0x639: {  	v4 =	vld [tilespmem:s30+$0xFFFFFEB0];
	v7 =	vsel vm2, v2, v3  }
0x63a: {  	vm2 =	veq.s32 v10, v6;
	v6 =	vld [tilespmem:s30+$0xFFFFFF30];
	[tilespmem:s28+$0x1E0] =	vst v7  }
0x63b: {  	v7 =	vsel vm2, v2, v3;
	v8 =	vld [tilespmem:s30+$0x370]  }
0x63c: {  	[tilespmem:s28+$0xFFFFFE30] =	vst v7;
	vm2 =	veq.s32 v11, v5;
	v5 =	vld [tilespmem:s30+$0x3F0]  }
0x63d: {  	v7 =	vsel vm2, v2, v3;
	v10 =	vld [tilespmem:s30+$0xFFFFFFB0]  }
0x63e: {  	[tilespmem:s28+$0xFFFFFEB0] =	vst v7;
	vm2 =	veq.s32 v9, v4;
	v4 =	vld [tilespmem:s30+$0x30]  }
0x63f: {  	v7 =	vsel vm2, v2, v3;
	v9 =	vld [tilespmem:s30+$0xB0]  }
0x640: {  	[tilespmem:s28+$0xFFFFFF30] =	vst v7;
	v7 =	vld [tilespmem:s30+$0x130]  }
0x641: {  	v11 =	vld [tilespmem:s30+$0x1B0];
	vm2 =	veq.s32 v8, v5  }
0x642: {  	vm3 =	veq.s32 v6, v10;
	v5 =	vld [tilespmem:s30+$0x230];
	v6 =	vsel vm2, v2, v3  }
0x643: {  	v8 =	vsel vm3, v2, v3;
	v10 =	vld [tilespmem:s30+$0x2B0];
	[tilespmem:s28+$0x1F0] =	vst v6  }
0x644: {  	v6 =	vld [tilespmem:s30+$0xFFFFFC40];
	[tilespmem:s28+$0xFFFFFFB0] =	vst v8;
	vm2 =	veq.s32 v4, v9  }
0x645: {  	v4 =	vld [tilespmem:s30+$0xFFFFFCC0];
	v8 =	vsel vm2, v2, v3  }
0x646: {  	v9 =	vld [tilespmem:s30+$0xFFFFFD40];
	[tilespmem:s28+$0x30] =	vst v8;
	vm2 =	veq.s32 v7, v11  }
0x647: {  	v7 =	vld [tilespmem:s30+$0xFFFFFDC0];
	v8 =	vsel vm2, v2, v3  }
0x648: {  	v11 =	vld [tilespmem:s30+$0xFFFFFE40];
	[tilespmem:s28+$0xB0] =	vst v8;
	vm2 =	veq.s32 v5, v10  }
0x649: {  	v5 =	vld [tilespmem:s30+$0xFFFFFEC0];
	v8 =	vsel vm2, v2, v3  }
0x64a: {  	vm2 =	veq.s32 v6, v4;
	v4 =	vld [tilespmem:s30+$0xFFFFFF40];
	[tilespmem:s28+$0x130] =	vst v8  }
0x64b: {  	v6 =	vsel vm2, v2, v3;
	v8 =	vld [tilespmem:s30+$0xFFFFFFC0]  }
0x64c: {  	[tilespmem:s28+$0xFFFFFE40] =	vst v6;
	vm2 =	veq.s32 v9, v7;
	v6 =	vld [tilespmem:s30+$0x40]  }
0x64d: {  	v7 =	vsel vm2, v2, v3;
	v9 =	vld [tilespmem:s30+$0xC0]  }
0x64e: {  	[tilespmem:s28+$0xFFFFFEC0] =	vst v7;
	vm2 =	veq.s32 v11, v5;
	v5 =	vld [tilespmem:s30+$0x140]  }
0x64f: {  	v7 =	vsel vm2, v2, v3;
	v10 =	vld [tilespmem:s30+$0x1C0]  }
0x650: {  	[tilespmem:s28+$0xFFFFFF40] =	vst v7;
	vm2 =	veq.s32 v4, v8;
	v4 =	vld [tilespmem:s30+$0x240]  }
0x651: {  	v7 =	vsel vm2, v2, v3;
	v8 =	vld [tilespmem:s30+$0x2C0]  }
0x652: {  	v11 =	vld [tilespmem:s30+$0xFFFFFC50];
	[tilespmem:s28+$0xFFFFFFC0] =	vst v7;
	vm2 =	veq.s32 v6, v9  }
0x653: {  	v6 =	vld [tilespmem:s30+$0xFFFFFCD0];
	v7 =	vsel vm2, v2, v3  }
0x654: {  	v9 =	vld [tilespmem:s30+$0xFFFFFD50];
	[tilespmem:s28+$0x40] =	vst v7;
	vm2 =	veq.s32 v5, v10  }
0x655: {  	v5 =	vld [tilespmem:s30+$0xFFFFFDD0];
	v7 =	vsel vm2, v2, v3  }
0x656: {  	v10 =	vld [tilespmem:s30+$0xFFFFFE50];
	[tilespmem:s28+$0xC0] =	vst v7;
	vm2 =	veq.s32 v4, v8  }
0x657: {  	v4 =	vld [tilespmem:s30+$0xFFFFFED0];
	v7 =	vsel vm2, v2, v3  }
0x658: {  	vm2 =	veq.s32 v11, v6;
	v6 =	vld [tilespmem:s30+$0xFFFFFF50];
	[tilespmem:s28+$0x140] =	vst v7  }
0x659: {  	v7 =	vsel vm2, v2, v3;
	v8 =	vld [tilespmem:s30+$0xFFFFFFD0]  }
0x65a: {  	[tilespmem:s28+$0xFFFFFE50] =	vst v7;
	vm2 =	veq.s32 v9, v5;
	v5 =	vld [tilespmem:s30+$0x50]  }
0x65b: {  	v7 =	vsel vm2, v2, v3;
	v9 =	vld [tilespmem:s30+$0xD0]  }
0x65c: {  	[tilespmem:s28+$0xFFFFFED0] =	vst v7;
	vm2 =	veq.s32 v10, v4;
	v4 =	vld [tilespmem:s30+$0x150]  }
0x65d: {  	v7 =	vsel vm2, v2, v3;
	v10 =	vld [tilespmem:s30+$0x1D0]  }
0x65e: {  	[tilespmem:s28+$0xFFFFFF50] =	vst v7;
	vm2 =	veq.s32 v6, v8;
	v6 =	vld [tilespmem:s30+$0x250]  }
0x65f: {  	v7 =	vsel vm2, v2, v3;
	v8 =	vld [tilespmem:s30+$0x2D0]  }
0x660: {  	v11 =	vld [tilespmem:s30+$0xFFFFFC60];
	[tilespmem:s28+$0xFFFFFFD0] =	vst v7;
	vm2 =	veq.s32 v5, v9  }
0x661: {  	v5 =	vld [tilespmem:s30+$0xFFFFFCE0];
	v7 =	vsel vm2, v2, v3  }
0x662: {  	v9 =	vld [tilespmem:s30+$0xFFFFFD60];
	[tilespmem:s28+$0x50] =	vst v7;
	vm2 =	veq.s32 v4, v10  }
0x663: {  	v4 =	vld [tilespmem:s30+$0xFFFFFDE0];
	v7 =	vsel vm2, v2, v3  }
0x664: {  	v10 =	vld [tilespmem:s30+$0xFFFFFE60];
	[tilespmem:s28+$0xD0] =	vst v7;
	vm2 =	veq.s32 v6, v8  }
0x665: {  	v6 =	vld [tilespmem:s30+$0xFFFFFEE0];
	v7 =	vsel vm2, v2, v3  }
0x666: {  	vm2 =	veq.s32 v11, v5;
	v5 =	vld [tilespmem:s30+$0xFFFFFF60];
	[tilespmem:s28+$0x150] =	vst v7  }
0x667: {  	v7 =	vsel vm2, v2, v3;
	v8 =	vld [tilespmem:s30+$0xFFFFFFE0]  }
0x668: {  	[tilespmem:s28+$0xFFFFFE60] =	vst v7;
	vm2 =	veq.s32 v9, v4;
	v4 =	vld [tilespmem:s30+$0x60]  }
0x669: {  	v7 =	vsel vm2, v2, v3;
	v9 =	vld [tilespmem:s30+$0xE0]  }
0x66a: {  	[tilespmem:s28+$0xFFFFFEE0] =	vst v7;
	vm2 =	veq.s32 v10, v6;
	v6 =	vld [tilespmem:s30+$0x160]  }
0x66b: {  	v7 =	vsel vm2, v2, v3;
	v10 =	vld [tilespmem:s30+$0x1E0]  }
0x66c: {  	[tilespmem:s28+$0xFFFFFF60] =	vst v7;
	vm2 =	veq.s32 v5, v8;
	v5 =	vld [tilespmem:s30+$0x260]  }
0x66d: {  	v7 =	vsel vm2, v2, v3;
	v8 =	vld [tilespmem:s30+$0x2E0]  }
0x66e: {  	v11 =	vld [tilespmem:s30+$0xFFFFFC70];
	[tilespmem:s28+$0xFFFFFFE0] =	vst v7;
	vm2 =	veq.s32 v4, v9  }
0x66f: {  	v4 =	vld [tilespmem:s30+$0xFFFFFCF0];
	v7 =	vsel vm2, v2, v3  }
0x670: {  	v9 =	vld [tilespmem:s30+$0xFFFFFD70];
	[tilespmem:s28+$0x60] =	vst v7;
	vm2 =	veq.s32 v6, v10  }
0x671: {  	v6 =	vld [tilespmem:s30+$0xFFFFFDF0];
	v7 =	vsel vm2, v2, v3  }
0x672: {  	v10 =	vld [tilespmem:s30+$0xFFFFFE70];
	[tilespmem:s28+$0xE0] =	vst v7;
	vm2 =	veq.s32 v5, v8  }
0x673: {  	v5 =	vld [tilespmem:s30+$0xFFFFFEF0];
	v7 =	vsel vm2, v2, v3  }
0x674: {  	vm2 =	veq.s32 v11, v4;
	v11 =	vld [tilespmem:s30+$0xFFFFFF70];
	[tilespmem:s28+$0x160] =	vst v7  }
0x675: {  	v4 =	vsel vm2, v2, v3;
	v7 =	vld [tilespmem:s30+$0xFFFFFFF0]  }
0x676: {  	[tilespmem:s28+$0xFFFFFE70] =	vst v4;
	vm2 =	veq.s32 v9, v6;
	v4 =	vld [tilespmem:s30+$0x70]  }
.Ltmp5:
0x677: {  	v8 =	vsel vm2, v2, v3;
	v6 =	vld [tilespmem:s30+$0xF0];
	(pc) =	sbr.rel @p0 .LBB2_12-.Ltmp5, $4  }
0x678: {  	[tilespmem:s28+$0xFFFFFEF0] =	vst v8;
	vm2 =	veq.s32 v10, v5;
	v5 =	vld [tilespmem:s30+$0x170]  }
0x679: {  	v9 =	vsel vm2, v2, v3;
	v8 =	vld [tilespmem:s30+$0x1F0]  }
0x67a: {  	[tilespmem:s28+$0xFFFFFF70] =	vst v9;
	vm2 =	veq.s32 v11, v7;
	v7 =	vld [tilespmem:s30+$0x270]  }
0x67b: {  	v10 =	vsel vm2, v2, v3;
	v9 =	vld [tilespmem:s30+$0x2F0];
	s30 =	sadd.s32 $0x800, s30  }
0x67c: {  	_ =	sdelay $0x1  }
0x67d: {  	vm2 =	veq.s32 v4, v6  }
0x67e: {  	[tilespmem:s28+$0xFFFFFFF0] =	vst v10;
	v4 =	vsel vm2, v2, v3;
	vm2 =	veq.s32 v5, v8  }
0x67f: {  	[tilespmem:s28+$0x70] =	vst v4;
	v63 =	vsel vm2, v2, v3;
	vm2 =	veq.s32 v7, v9  }
0x680: {  	[tilespmem:s28+$0xF0] =	vst v63;
	v2 =	vsel vm2, v2, v3  }
0x681: {  	s26 =	sadd.s32 $0x1, s26;
	[tilespmem:s28+$0x170] =	vst v2  }
0x682: {  	[hbm4b:s15+s3] =	stream.linear.scatter [tilespmem:s23], [sflag:$0x4], $0x2800, $0x38;
	[tilespmem:$0x1E080] =	vst v63  }
0x683: {  	p0 =	sne.s32 s26, s16;
	_ =	swait.ge [sflag:s24], $0x5000  }
.Ltmp6:
0x684: {  	[sflag:s24] =	ssyncset.done $0x0;
	(pc) =	sbr.rel @p0 .LBB2_1-.Ltmp6, $4  }
0x685: {  	[sflag:s24] =	ssyncadd.s32 $0xFFFFB000  }
0x686: {  	_ =	swait.ge [sflag:s25], $0x2800  }
0x687: {  	[sflag:s25] =	ssyncset.done $0x0  }
0x688: {  	[sflag:s25] =	ssyncadd.s32 $0xFFFFD800  }
0x689: {  	_ =	sfence.sel $0x180000  }
0x68a: {  	[bflag:$0x0] =	sbarrier.arrive $0xFFFF  }
0x68b: {  	p0 =	sne.s32 s0, $0x0;
	_ =	strace $0x90000047  }
0x68c: {  	s0 =	sadd.s32 @!p0 $0x100000, s1;
	[bflag:$0x2] =	sbarrier.arrive $0xFFFF  }
0x68d: {  	[sflag:s0] =	ssyncadd.tile.s32 @!p0 $0x1;
	_ =	shalt  }
.Lfunc_end2:
_tile_overlayer_lowered:
.L_overlay_start_2:
0x68e: {  	(tag) =	ssettag $0x2  }
0x68f: {  	s0 =	rddreg [dreg:$0x0];
	s2 =	stileid.u32  }
0x690: {  	s1 =	rddreg [dreg:$0x1];
	p0 =	sne.s32 s2, $0x0  }
0x691: {  	s3 =	rddreg [dreg:$0x2];
	[bflag:$0x3] =	sbarrier.arrive $0xFFFF;
	s2 =	simm.s32 @!p0 $0x1C05  }
0x692: {  	[timem:s3], [sflag:s2] =	dma.local @!p0 [hbm:s0], s1  }
0x693: {  	s0 =	simm.s32 @!p0 $0x5  }
0x694: {  	_ =	swait.ge @!p0 [sflag:s0], s1  }
0x695: {  	s1 =	ssub.s32 @!p0 $0x0, s1;
	[sflag:s0] =	ssyncset.done @!p0 $0x0  }
0x696: {  	[sflag:s0] =	ssyncadd.s32 @!p0 s1  }
0x697: {  	[bflag:$0x3] =	sbarrier.arrive $0xFFFF  }
0x698: {  	_ =	shalt  }

</sc_bundles>
